<compile_context>
chip_gen: v7x
topology: tpu7x:2x2x1
jax: 0.10.2.dev20260603
libtpu: 0.0.44.dev20260713+nightly
codegen_flags: <defaults>
</compile_context>

<pallas_src>
import functools

import jax
import jax.numpy as jnp
import numpy as np
from jax import lax
from jax.experimental import pallas as pl
from jax.experimental.pallas import tpu as pltpu
from jax.experimental.pallas import tpu_sc as plsc

N = 10000
E = 160000
D = 256
DE = 16
TP_OUT = 384
TW = TP_OUT + D
SCAL = 128
NC = 2
NS = 16
NW = NC * NS
LANES = 16

N_PAD = 10240
WIN = N_PAD // NW
SEG = 640
NSEG = E // SEG
CH = 48
ACC_W = WIN * D
PQW = 256
TIW = 384



def _pack_pairs(v):
    r = v.astype(jnp.bfloat16).astype(jnp.float32)
    bits = jax.lax.bitcast_convert_type(r, jnp.uint32)
    cols = []
    for rg in range(v.shape[1] // 128):
        a = bits[:, 128 * rg:128 * rg + 64]
        b = bits[:, 128 * rg + 64:128 * rg + 128]
        cols.append(jax.lax.shift_right_logical(a, jnp.uint32(16))
                    | (b & jnp.uint32(0xFFFF0000)))
    packed = jnp.concatenate(cols, axis=1)
    return jax.lax.bitcast_convert_type(packed, jnp.int32)


def _pq_body(x_ref, w_ref, p_ref, q_ref):
    v = jnp.dot(x_ref[...], w_ref[...], preferred_element_type=jnp.float32)
    nb = v.shape[0]
    zpad = jnp.zeros((nb, PQW - TP_OUT // 2), jnp.int32)
    p_ref[...] = jnp.concatenate([_pack_pairs(v[:, :TP_OUT]), zpad], axis=1)
    q_ref[...] = jnp.concatenate([_pack_pairs(v[:, TP_OUT:]), zpad], axis=1)


def _edge_body(ea_ref, we_ref, w1_ref, b1_ref, w2_ref, b2_ref, w3_ref,
               b3_ref, t_ref):
    ea = ea_ref[...]
    rr = jnp.dot(ea, we_ref[...], preferred_element_type=jnp.float32)
    h = jax.nn.silu(jnp.dot(ea, w1_ref[...],
                            preferred_element_type=jnp.float32) + b1_ref[...])
    h = jax.nn.silu(jnp.dot(h, w2_ref[...],
                            preferred_element_type=jnp.float32) + b2_ref[...])
    ww = (jnp.dot(h, w3_ref[...], preferred_element_type=jnp.float32)
          + b3_ref[...])
    nb = ea.shape[0]
    zpad = jnp.zeros((nb, TIW - TW // 2), jnp.int32)
    t_ref[...] = jnp.concatenate(
        [_pack_pairs(rr), _pack_pairs(ww), zpad], axis=1)


def _post_body(a_ref, w_ref, b_ref, o_ref):
    o_ref[...] = jnp.dot(a_ref[...], w_ref[...],
                         preferred_element_type=jnp.float32) + b_ref[...]



def _sc_body(ei_h, p_h, q_h, t_h, acc_h,
             eiv, sel_eid, sel_src, sel_dst, gidx_v,
             buf_p, buf_q, buf_t, acc, sem, sem2):
    c = lax.axis_index("c")
    s = lax.axis_index("s")
    w = c * NS + s
    lo = w * WIN

    pltpu.async_copy(ei_h.at[:, pl.ds(0, SEG)], eiv.at[0], sem2)

    zvec = jnp.zeros((LANES,), jnp.float32)

    def zero_body(i, _):
        acc[pl.ds(i * LANES, LANES)] = zvec
        return 0

    lax.fori_loop(0, (ACC_W + D) // LANES, zero_body, 0)

    def process_chunks(nch):

        def chunk_body(ci, _):
            for h in range(CH // LANES):
                sv = sel_src[pl.ds(ci * CH + h * LANES, LANES)]
                gidx_v[pl.ds(h * LANES, LANES)] = jnp.minimum(
                    sv, jnp.int32(N_PAD - 1))
            cp_p = pltpu.async_copy(p_h.at[gidx_v], buf_p, sem)
            cp_q = pltpu.async_copy(
                q_h.at[sel_dst.at[pl.ds(ci * CH, CH)]], buf_q, sem)
            cp_t = pltpu.async_copy(
                t_h.at[sel_eid.at[pl.ds(ci * CH, CH)]], buf_t, sem)
            cp_p.wait()
            cp_q.wait()
            cp_t.wait()

            def unpk(ref, j, col):
                v = plsc.bitcast(ref[j, pl.ds(col, LANES)], jnp.bfloat16)
                return plsc.unpack(v, format=plsc.PackFormat.INTERLEAVED,
                                   preferred_element_type=jnp.float32)

            def edge_body(j, _):
                rv = sel_src[pl.ds(ci * CH + j, LANES)]
                base = (rv[0] - lo) * D
                for g in range(4):
                    p0, p1 = unpk(buf_p, j, 16 * g)
                    q0, q1 = unpk(buf_q, j, 16 * g)
                    t0, t1 = unpk(buf_t, j, 16 * g)
                    w0, w1 = unpk(buf_t, j, TP_OUT // 2 + 16 * g)
                    u0 = p0 + q0 + t0
                    u1 = p1 + q1 + t1
                    y0 = u0 / (1.0 + jnp.exp(-u0)) * w0
                    y1 = u1 / (1.0 + jnp.exp(-u1)) * w1
                    plsc.addupdate(acc.at[pl.ds(base + 16 * g, LANES)], y0)
                    plsc.addupdate(
                        acc.at[pl.ds(base + 16 * g + 64, LANES)], y1)
                for g in range(4):
                    pg0, pg1 = unpk(buf_p, j, SCAL // 2 + 16 * g)
                    qg0, qg1 = unpk(buf_q, j, SCAL // 2 + 16 * g)
                    tg0, tg1 = unpk(buf_t, j, SCAL // 2 + 16 * g)
                    pd0, pd1 = unpk(buf_p, j, SCAL + 16 * g)
                    qd0, qd1 = unpk(buf_q, j, SCAL + 16 * g)
                    td0, td1 = unpk(buf_t, j, SCAL + 16 * g)
                    w0, w1 = unpk(buf_t, j, (TP_OUT + SCAL) // 2 + 16 * g)
                    ug0 = pg0 + qg0 + tg0
                    ug1 = pg1 + qg1 + tg1
                    ud0 = pd0 + qd0 + td0
                    ud1 = pd1 + qd1 + td1
                    y0 = ud0 * w0 / (1.0 + jnp.exp(-ug0))
                    y1 = ud1 * w1 / (1.0 + jnp.exp(-ug1))
                    plsc.addupdate(
                        acc.at[pl.ds(base + SCAL + 16 * g, LANES)], y0)
                    plsc.addupdate(
                        acc.at[pl.ds(base + SCAL + 16 * g + 64, LANES)], y1)
                return 0

            lax.fori_loop(0, CH, edge_body, 0)
            return 0

        lax.fori_loop(0, nch, chunk_body, 0)

    def seg_body(g, cnt):
        ebase = g * SEG
        b = lax.rem(g, 2)
        pltpu.make_async_copy(ei_h.at[:, pl.ds(ebase, SEG)],
                              eiv.at[b], sem2).wait()

        @pl.when(g + 1 < NSEG)
        def _prefetch():
            pltpu.async_copy(ei_h.at[:, pl.ds(ebase + SEG, SEG)],
                             eiv.at[lax.rem(g + 1, 2)], sem2)

        NV = 4

        def sel_body(i, cc):
            svs = [eiv[b, 0, pl.ds((NV * i + k) * LANES, LANES)]
                   for k in range(NV)]
            ms = [(sv >= lo) & (sv < lo + WIN) for sv in svs]
            incs = [m.astype(jnp.int32) for m in ms]
            ns = [jnp.sum(inc) for inc in incs]
            tot = ns[0] + ns[1] + ns[2] + ns[3]

            @pl.when(tot > 0)
            def _store():
                off = cc
                for k in range(NV):
                    dv = eiv[b, 1, pl.ds((NV * i + k) * LANES, LANES)]
                    eid = (ebase + (NV * i + k) * LANES
                           + lax.iota(jnp.int32, LANES))
                    pos = off + plsc.cumsum(incs[k]) - 1
                    plsc.store_scatter(sel_eid, [pos], eid, mask=ms[k])
                    plsc.store_scatter(sel_src, [pos], svs[k], mask=ms[k])
                    plsc.store_scatter(sel_dst, [pos], dv, mask=ms[k])
                    off = off + ns[k]

            return cc + tot

        cnt = lax.fori_loop(0, SEG // (NV * LANES), sel_body, cnt)

        nfull = cnt // CH
        process_chunks(nfull)

        rem = cnt - nfull * CH

        @pl.when(nfull > 0)
        def _move():
            for h in range(CH // LANES):
                ev = sel_eid[pl.ds(nfull * CH + h * LANES, LANES)]
                sv = sel_src[pl.ds(nfull * CH + h * LANES, LANES)]
                dv = sel_dst[pl.ds(nfull * CH + h * LANES, LANES)]
                sel_eid[pl.ds(h * LANES, LANES)] = ev
                sel_src[pl.ds(h * LANES, LANES)] = sv
                sel_dst[pl.ds(h * LANES, LANES)] = dv

        return rem

    cnt = lax.fori_loop(0, NSEG, seg_body, jnp.int32(0))

    zpad = jnp.zeros((LANES,), jnp.int32)
    tpad = jnp.full((LANES,), lo + WIN, jnp.int32)
    for h in range(CH // LANES):
        sel_eid[pl.ds(cnt + h * LANES, LANES)] = zpad
        sel_src[pl.ds(cnt + h * LANES, LANES)] = tpad
        sel_dst[pl.ds(cnt + h * LANES, LANES)] = zpad
    process_chunks((cnt + CH - 1) // CH)

    pltpu.sync_copy(acc.at[pl.ds(0, ACC_W)], acc_h.at[pl.ds(w * ACC_W, ACC_W)])


def _make_sc_kernel():
    return functools.partial(
        pl.kernel,
        mesh=plsc.VectorSubcoreMesh(core_axis_name="c", subcore_axis_name="s"),
        out_type=jax.ShapeDtypeStruct((N_PAD * D,), jnp.float32),
        scratch_types=[
            pltpu.VMEM((2, 2, SEG), jnp.int32),
            pltpu.VMEM((SEG + 2 * CH,), jnp.int32),
            pltpu.VMEM((SEG + 2 * CH,), jnp.int32),
            pltpu.VMEM((SEG + 2 * CH,), jnp.int32),
            pltpu.VMEM((CH,), jnp.int32),
            pltpu.VMEM((CH, PQW), jnp.int32),
            pltpu.VMEM((CH, PQW), jnp.int32),
            pltpu.VMEM((CH, TIW), jnp.int32),
            pltpu.VMEM((ACC_W + D,), jnp.float32),
            pltpu.SemaphoreType.DMA,
            pltpu.SemaphoreType.DMA,
        ],
        compiler_params=pltpu.CompilerParams(needs_layout_passes=False),
    )(_sc_body)



def kernel(x, edge_attr, W_tp, W1, b1, W2, b2, W3, b3, W_post, b_post,
           edge_index):
    x_pad = jnp.pad(x, ((0, N_PAD - N), (0, 0)))
    w_sd = jnp.concatenate([W_tp[:D], W_tp[D:2 * D]], axis=1)
    w_e = W_tp[2 * D:]

    p, q = pl.pallas_call(
        _pq_body,
        grid=(N_PAD // 512,),
        in_specs=[
            pl.BlockSpec((512, D), lambda i: (i, 0)),
            pl.BlockSpec((D, 2 * TP_OUT), lambda i: (0, 0)),
        ],
        out_specs=[
            pl.BlockSpec((512, PQW), lambda i: (i, 0)),
            pl.BlockSpec((512, PQW), lambda i: (i, 0)),
        ],
        out_shape=[
            jax.ShapeDtypeStruct((N_PAD, PQW), jnp.int32),
            jax.ShapeDtypeStruct((N_PAD, PQW), jnp.int32),
        ],
    )(x_pad, w_sd)

    eb = 2000
    t_edges = pl.pallas_call(
        _edge_body,
        grid=(E // eb,),
        in_specs=[
            pl.BlockSpec((eb, DE), lambda i: (i, 0)),
            pl.BlockSpec((DE, TP_OUT), lambda i: (0, 0)),
            pl.BlockSpec((DE, 64), lambda i: (0, 0)),
            pl.BlockSpec((1, 64), lambda i: (0, 0)),
            pl.BlockSpec((64, 64), lambda i: (0, 0)),
            pl.BlockSpec((1, 64), lambda i: (0, 0)),
            pl.BlockSpec((64, D), lambda i: (0, 0)),
            pl.BlockSpec((1, D), lambda i: (0, 0)),
        ],
        out_specs=pl.BlockSpec((eb, TIW), lambda i: (i, 0)),
        out_shape=jax.ShapeDtypeStruct((E, TIW), jnp.int32),
    )(edge_attr, w_e, W1, b1.reshape(1, 64), W2, b2.reshape(1, 64),
      W3, b3.reshape(1, D))

    acc = _make_sc_kernel()(edge_index, p, q, t_edges)
    acc = acc.reshape(N_PAD, D)

    out_pad = pl.pallas_call(
        _post_body,
        grid=(N_PAD // 512,),
        in_specs=[
            pl.BlockSpec((512, D), lambda i: (i, 0)),
            pl.BlockSpec((D, D), lambda i: (0, 0)),
            pl.BlockSpec((1, D), lambda i: (0, 0)),
        ],
        out_specs=pl.BlockSpec((512, D), lambda i: (i, 0)),
        out_shape=jax.ShapeDtypeStruct((N_PAD, D), jnp.float32),
    )(acc, W_post, b_post.reshape(1, D))

    return out_pad[:N]

# --- scband reference (transcript-rebuilt; emitter-appended) ---
"""Pipeline reference for scband-net-71356586656067 (READ-ONLY COPY).

The authoritative reference and input builder live on the scoring server;
editing this copy changes nothing except your own understanding.
"""

import jax, jax.numpy as jnp
import numpy as np

N = 10000
E = 160000
D = 256
DE = 16
H = 64
SC = 128   # scalar channels
G = 128    # gate channels
GD = 128   # gated channels
TP_IN = 2 * D + DE      # 528: [node_i | node_j | edge] concat
TP_OUT = SC + G + GD    # 384: scalars + gates + gated (e3nn Gate layout)


def setup_inputs(seed: int = 0) -> dict:
    key = jax.random.key(seed)
    ks = jax.random.split(key, 12)
    x = jax.random.normal(ks[0], (N, D), dtype=jnp.float32)
    edge_index = jax.random.randint(ks[1], (2, E), 0, N, dtype=jnp.int32)
    edge_attr = jax.random.normal(ks[2], (E, DE), dtype=jnp.float32)
    W_tp = jax.random.normal(ks[3], (TP_IN, TP_OUT), dtype=jnp.float32) / np.sqrt(TP_IN)
    W1 = jax.random.normal(ks[4], (DE, H), dtype=jnp.float32) / np.sqrt(DE)
    b1 = jnp.zeros((H,), dtype=jnp.float32)
    W2 = jax.random.normal(ks[5], (H, H), dtype=jnp.float32) / np.sqrt(H)
    b2 = jnp.zeros((H,), dtype=jnp.float32)
    W3 = jax.random.normal(ks[6], (H, D), dtype=jnp.float32) / np.sqrt(H)
    b3 = jnp.zeros((D,), dtype=jnp.float32)
    W_post = jax.random.normal(ks[7], (D, D), dtype=jnp.float32) / np.sqrt(D)
    b_post = jnp.zeros((D,), dtype=jnp.float32)
    return {
        "x": x, "edge_attr": edge_attr,
        "W_tp": W_tp, "W1": W1, "b1": b1, "W2": W2, "b2": b2,
        "W3": W3, "b3": b3, "W_post": W_post, "b_post": b_post,
        "edge_index": edge_index,
    }


def reference(x, edge_attr, W_tp, W1, b1, W2, b2, W3, b3, W_post, b_post, edge_index):
    src = edge_index[0]
    dst = edge_index[1]
    # gather endpoint node features, concat with edge features (EdgeUpdateBlock.fea_in)
    fea_in = jnp.concatenate([jnp.take(x, src, axis=0), jnp.take(x, dst, axis=0), edge_attr], axis=-1)
    # tensor-product-like dense mixing (SeparateWeightTensorProduct surrogate)
    z = fea_in @ W_tp
    # e3nn Gate nonlinearity: silu on scalars, sigmoid gates applied to gated irreps
    scalars = jax.nn.silu(z[:, :SC])
    gates = jax.nn.sigmoid(z[:, SC:SC + G])
    gated = z[:, SC + G:] * gates
    z = jnp.concatenate([scalars, gated], axis=-1)  # [E, D]
    # radial MLP producing per-edge elementwise weights (EquiConv.fc + cfconv)
    w = jax.nn.silu(edge_attr @ W1 + b1)
    w = jax.nn.silu(w @ W2 + b2)
    w = w @ W3 + b3
    z = z * w
    # post linear (lin_post)
    z = z @ W_post + b_post
    # scatter-add aggregation back to nodes
    out = jnp.zeros((N, D), dtype=x.dtype).at[src].add(z)
    return out

if __name__ == "__main__":
    import jax
    _d = setup_inputs()
    print(jax.jit(kernel)(*tuple(_d.values())))

</pallas_src>

<mosaic_0001>
#map = affine_map<(d0, d1) -> (0, 0)>
#map1 = affine_map<(d0, d1) -> (0)>
module attributes {stable_mosaic.version = 14 : i64} {
  func.func @_sc_body(%arg0: i32, %arg1: i32, %arg2: memref<2x160000xi32, #tpu.memory_space<hbm>>, %arg3: memref<10240x256xi32, #tpu.memory_space<hbm>>, %arg4: memref<10240x256xi32, #tpu.memory_space<hbm>>, %arg5: memref<160000x384xi32, #tpu.memory_space<hbm>>, %arg6: memref<2621440xf32, #tpu.memory_space<hbm>>, %arg7: memref<2x2x640xi32, #tpu.memory_space<vmem>>, %arg8: memref<736xi32, #tpu.memory_space<vmem>>, %arg9: memref<736xi32, #tpu.memory_space<vmem>>, %arg10: memref<736xi32, #tpu.memory_space<vmem>>, %arg11: memref<48xi32, #tpu.memory_space<vmem>>, %arg12: memref<48x256xi32, #tpu.memory_space<vmem>>, %arg13: memref<48x256xi32, #tpu.memory_space<vmem>>, %arg14: memref<48x384xi32, #tpu.memory_space<vmem>>, %arg15: memref<82176xf32, #tpu.memory_space<vmem>>, %arg16: memref<!tpu.dma_semaphore, #tpu.memory_space<semaphore_mem>>, %arg17: memref<!tpu.dma_semaphore, #tpu.memory_space<semaphore_mem>>) attributes {dimension_semantics = [#tpu.dimension_semantics<core_parallel>, #tpu.dimension_semantics<subcore_parallel>], iteration_bounds = array<i64: 2, 16>, scalar_prefetch = 0 : i64, scratch_operands = 11 : i64, tpu.core_type = #tpu.core_type<sc_vector_subcore>, window_params = [{transform_indices = #map}, {transform_indices = #map}, {transform_indices = #map}, {transform_indices = #map}, {transform_indices = #map1}]} {
    %mul3A = arith.constant 16 : i32
    %mul3A_0 = arith.muli %arg0, %mul3A : i32
    %add3A = arith.addi %mul3A_0, %arg1 : i32
    %mul3A_1 = arith.constant 320 : i32
    %mul3A_2 = arith.muli %add3A, %mul3A_1 : i32
    %dma_start3A = arith.constant 0 : i32
    %dma_start3A_3 = arith.constant 0 : i32
    %dma_start3A_4 = arith.constant 0 : i32
    %dma_start3A_5 = tpu.memref_slice %arg7[%dma_start3A, %dma_start3A_3, %dma_start3A_4] : memref<2x2x640xi32, #tpu.memory_space<vmem>> -> memref<1x2x640xi32, #tpu.memory_space<vmem>>
    %dma_start3A_6 = tpu.memref_squeeze %dma_start3A_5 : memref<1x2x640xi32, #tpu.memory_space<vmem>> -> memref<2x640xi32, #tpu.memory_space<vmem>>
    %dma_start3A_7 = arith.constant 0 : i32
    %dma_start3A_8 = arith.constant 0 : i32
    %dma_start3A_9 = tpu.memref_slice %arg2[%dma_start3A_7, %dma_start3A_8] : memref<2x160000xi32, #tpu.memory_space<hbm>> -> memref<2x640xi32, #tpu.memory_space<hbm>>
    %dma_start3A_10 = arith.constant 0 : i32
    %dma_start3A_11 = arith.constant 0 : i32
    %dma_start3A_12 = tpu.memref_slice %arg7[%dma_start3A, %dma_start3A_10, %dma_start3A_11] : memref<2x2x640xi32, #tpu.memory_space<vmem>> -> memref<1x2x640xi32, #tpu.memory_space<vmem>>
    %dma_start3A_13 = tpu.memref_squeeze %dma_start3A_12 : memref<1x2x640xi32, #tpu.memory_space<vmem>> -> memref<2x640xi32, #tpu.memory_space<vmem>>
    %dma_start3A_14 = arith.constant 0 : i32
    %dma_start3A_15 = arith.constant 0 : i32
    %dma_start3A_16 = tpu.memref_slice %arg2[%dma_start3A_14, %dma_start3A_15] : memref<2x160000xi32, #tpu.memory_space<hbm>> -> memref<2x640xi32, #tpu.memory_space<hbm>>
    tpu.enqueue_dma source(%dma_start3A_16 : memref<2x640xi32, #tpu.memory_space<hbm>>) target(%dma_start3A_13 : memref<2x640xi32, #tpu.memory_space<vmem>>) target_semaphore(%arg17 : memref<!tpu.dma_semaphore, #tpu.memory_space<semaphore_mem>>)
    %broadcast_in_dim3A = arith.constant 0.000000e+00 : f32
    %broadcast_in_dim3A_17 = vector.broadcast %broadcast_in_dim3A : f32 to vector<16xf32>
    %scan3A = arith.constant 0 : i32
    %scan3A_18 = arith.constant 0 : i32
    %scan3A_19 = arith.constant 5136 : i32
    %scan3A_20 = arith.addi %scan3A_18, %scan3A_19 : i32
    %scan3A_21 = arith.constant 1 : i32
    %scan3A_22 = scf.for %scan3A_104 = %scan3A_18 to %scan3A_20 step %scan3A_21 iter_args(%scan3A_105 = %scan3A) -> (i32)  : i32 {
      %mul3A_106 = arith.constant 16 : i32
      %mul3A_107 = arith.muli %scan3A_104, %mul3A_106 : i32
      %swap3A_108 = arith.index_cast %mul3A_107 : i32 to index
      %swap3A_109 = tpu.vector_load %arg15[%swap3A_108] {strides = array<i32>} : memref<82176xf32, #tpu.memory_space<vmem>>, vector<16xf32>,
      tpu.vector_store %arg15[%swap3A_108], %broadcast_in_dim3A_17 {strides = array<i32>} : memref<82176xf32, #tpu.memory_space<vmem>>, vector<16xf32>,
      %scan3A_110 = arith.constant 0 : i32
      scf.yield %scan3A_110 : i32
    }
    %scan3A_23 = arith.constant 5136 : i32
    %scan3A_24 = arith.constant 0 : i32
    %scan3A_25 = arith.constant 0 : i32
    %scan3A_26 = arith.constant 250 : i32
    %scan3A_27 = arith.addi %scan3A_25, %scan3A_26 : i32
    %scan3A_28 = arith.constant 1 : i32
    %scan3A_29 = scf.for %scan3A_104 = %scan3A_25 to %scan3A_27 step %scan3A_28 iter_args(%scan3A_105 = %scan3A_24) -> (i32)  : i32 {
      %mul3A_106 = arith.constant 640 : i32
      %mul3A_107 = arith.muli %scan3A_104, %mul3A_106 : i32
      %rem3A_108 = arith.constant 2 : i32
      %rem3A_109 = arith.remsi %scan3A_104, %rem3A_108 : i32
      %dma_wait3A = arith.constant 0 : i32
      %dma_wait3A_110 = arith.constant 0 : i32
      %dma_wait3A_111 = tpu.memref_slice %arg7[%rem3A_109, %dma_wait3A, %dma_wait3A_110] : memref<2x2x640xi32, #tpu.memory_space<vmem>> -> memref<1x2x640xi32, #tpu.memory_space<vmem>>
      %dma_wait3A_112 = tpu.memref_squeeze %dma_wait3A_111 : memref<1x2x640xi32, #tpu.memory_space<vmem>> -> memref<2x640xi32, #tpu.memory_space<vmem>>
      %dma_wait3A_113 = arith.constant 0 : i32
      %dma_wait3A_114 = tpu.memref_slice %arg2[%dma_wait3A_113, %mul3A_107] : memref<2x160000xi32, #tpu.memory_space<hbm>> -> memref<2x640xi32, #tpu.memory_space<hbm>>
      %dma_wait3A_115 = arith.constant 0 : i32
      %dma_wait3A_116 = arith.constant 0 : i32
      %dma_wait3A_117 = tpu.memref_slice %arg7[%rem3A_109, %dma_wait3A_115, %dma_wait3A_116] : memref<2x2x640xi32, #tpu.memory_space<vmem>> -> memref<1x2x640xi32, #tpu.memory_space<vmem>>
      %dma_wait3A_118 = tpu.memref_squeeze %dma_wait3A_117 : memref<1x2x640xi32, #tpu.memory_space<vmem>> -> memref<2x640xi32, #tpu.memory_space<vmem>>
      %dma_wait3A_119 = arith.constant 0 : i32
      %dma_wait3A_120 = tpu.memref_slice %arg2[%dma_wait3A_119, %mul3A_107] : memref<2x160000xi32, #tpu.memory_space<hbm>> -> memref<2x640xi32, #tpu.memory_space<hbm>>
      tpu.wait_dma2 semaphore(%arg17 : memref<!tpu.dma_semaphore, #tpu.memory_space<semaphore_mem>>) src(%dma_wait3A_120 : memref<2x640xi32, #tpu.memory_space<hbm>>) dst(%dma_wait3A_118 : memref<2x640xi32, #tpu.memory_space<vmem>>)
      %add3A_121 = arith.constant 1 : i32
      %add3A_122 = arith.addi %scan3A_104, %add3A_121 : i32
      %lt3A = arith.constant 250 : i32
      %lt3A_123 = arith.cmpi slt, %add3A_122, %lt3A : i32
      %convert_element_type3A = arith.extui %lt3A_123 : i1 to i32
      %cond3A = arith.constant 0 : i32
      %cond3A_124 = arith.cmpi ne, %convert_element_type3A, %cond3A : i32
      scf.if %cond3A_124 {
        %add3A_174 = arith.constant 640 : i32
        %add3A_175 = arith.addi %mul3A_107, %add3A_174 : i32
        %add3A_176 = arith.constant 1 : i32
        %add3A_177 = arith.addi %scan3A_104, %add3A_176 : i32
        %rem3A_178 = arith.constant 2 : i32
        %rem3A_179 = arith.remsi %add3A_177, %rem3A_178 : i32
        %dma_start3A_180 = arith.constant 0 : i32
        %dma_start3A_181 = arith.constant 0 : i32
        %dma_start3A_182 = tpu.memref_slice %arg7[%rem3A_179, %dma_start3A_180, %dma_start3A_181] : memref<2x2x640xi32, #tpu.memory_space<vmem>> -> memref<1x2x640xi32, #tpu.memory_space<vmem>>
        %dma_start3A_183 = tpu.memref_squeeze %dma_start3A_182 : memref<1x2x640xi32, #tpu.memory_space<vmem>> -> memref<2x640xi32, #tpu.memory_space<vmem>>
        %dma_start3A_184 = arith.constant 0 : i32
        %dma_start3A_185 = tpu.memref_slice %arg2[%dma_start3A_184, %add3A_175] : memref<2x160000xi32, #tpu.memory_space<hbm>> -> memref<2x640xi32, #tpu.memory_space<hbm>>
        %dma_start3A_186 = arith.constant 0 : i32
        %dma_start3A_187 = arith.constant 0 : i32
        %dma_start3A_188 = tpu.memref_slice %arg7[%rem3A_179, %dma_start3A_186, %dma_start3A_187] : memref<2x2x640xi32, #tpu.memory_space<vmem>> -> memref<1x2x640xi32, #tpu.memory_space<vmem>>
        %dma_start3A_189 = tpu.memref_squeeze %dma_start3A_188 : memref<1x2x640xi32, #tpu.memory_space<vmem>> -> memref<2x640xi32, #tpu.memory_space<vmem>>
        %dma_start3A_190 = arith.constant 0 : i32
        %dma_start3A_191 = tpu.memref_slice %arg2[%dma_start3A_190, %add3A_175] : memref<2x160000xi32, #tpu.memory_space<hbm>> -> memref<2x640xi32, #tpu.memory_space<hbm>>
        tpu.enqueue_dma source(%dma_start3A_191 : memref<2x640xi32, #tpu.memory_space<hbm>>) target(%dma_start3A_189 : memref<2x640xi32, #tpu.memory_space<vmem>>) target_semaphore(%arg17 : memref<!tpu.dma_semaphore, #tpu.memory_space<semaphore_mem>>)
      } else {
      }
      %scan3A_125 = arith.constant 0 : i32
      %scan3A_126 = arith.constant 10 : i32
      %scan3A_127 = arith.addi %scan3A_125, %scan3A_126 : i32
      %scan3A_128 = arith.constant 1 : i32
      %scan3A_129 = scf.for %scan3A_174 = %scan3A_125 to %scan3A_127 step %scan3A_128 iter_args(%scan3A_175 = %scan3A_105) -> (i32)  : i32 {
        %mul3A_176 = arith.constant 4 : i32
        %mul3A_177 = arith.muli %mul3A_176, %scan3A_174 : i32
        %add3A_178 = arith.constant 0 : i32
        %add3A_179 = arith.addi %mul3A_177, %add3A_178 : i32
        %mul3A_180 = arith.constant 16 : i32
        %mul3A_181 = arith.muli %add3A_179, %mul3A_180 : i32
        %get3A = arith.constant 0 : i32
        %get3A_182 = arith.index_cast %rem3A_109 : i32 to index
        %get3A_183 = arith.index_cast %get3A : i32 to index
        %get3A_184 = arith.index_cast %mul3A_181 : i32 to index
        %get3A_185 = tpu.vector_load %arg7[%get3A_182, %get3A_183, %get3A_184] {strides = array<i32>} : memref<2x2x640xi32, #tpu.memory_space<vmem>>, vector<16xi32>,
        %mul3A_186 = arith.constant 4 : i32
        %mul3A_187 = arith.muli %mul3A_186, %scan3A_174 : i32
        %add3A_188 = arith.constant 1 : i32
        %add3A_189 = arith.addi %mul3A_187, %add3A_188 : i32
        %mul3A_190 = arith.constant 16 : i32
        %mul3A_191 = arith.muli %add3A_189, %mul3A_190 : i32
        %get3A_192 = arith.constant 0 : i32
        %get3A_193 = arith.index_cast %rem3A_109 : i32 to index
        %get3A_194 = arith.index_cast %get3A_192 : i32 to index
        %get3A_195 = arith.index_cast %mul3A_191 : i32 to index
        %get3A_196 = tpu.vector_load %arg7[%get3A_193, %get3A_194, %get3A_195] {strides = array<i32>} : memref<2x2x640xi32, #tpu.memory_space<vmem>>, vector<16xi32>,
        %mul3A_197 = arith.constant 4 : i32
        %mul3A_198 = arith.muli %mul3A_197, %scan3A_174 : i32
        %add3A_199 = arith.constant 2 : i32
        %add3A_200 = arith.addi %mul3A_198, %add3A_199 : i32
        %mul3A_201 = arith.constant 16 : i32
        %mul3A_202 = arith.muli %add3A_200, %mul3A_201 : i32
        %get3A_203 = arith.constant 0 : i32
        %get3A_204 = arith.index_cast %rem3A_109 : i32 to index
        %get3A_205 = arith.index_cast %get3A_203 : i32 to index
        %get3A_206 = arith.index_cast %mul3A_202 : i32 to index
        %get3A_207 = tpu.vector_load %arg7[%get3A_204, %get3A_205, %get3A_206] {strides = array<i32>} : memref<2x2x640xi32, #tpu.memory_space<vmem>>, vector<16xi32>,
        %mul3A_208 = arith.constant 4 : i32
        %mul3A_209 = arith.muli %mul3A_208, %scan3A_174 : i32
        %add3A_210 = arith.constant 3 : i32
        %add3A_211 = arith.addi %mul3A_209, %add3A_210 : i32
        %mul3A_212 = arith.constant 16 : i32
        %mul3A_213 = arith.muli %add3A_211, %mul3A_212 : i32
        %get3A_214 = arith.constant 0 : i32
        %get3A_215 = arith.index_cast %rem3A_109 : i32 to index
        %get3A_216 = arith.index_cast %get3A_214 : i32 to index
        %get3A_217 = arith.index_cast %mul3A_213 : i32 to index
        %get3A_218 = tpu.vector_load %arg7[%get3A_215, %get3A_216, %get3A_217] {strides = array<i32>} : memref<2x2x640xi32, #tpu.memory_space<vmem>>, vector<16xi32>,
        %ge3A = vector.broadcast %mul3A_2 : i32 to vector<16xi32>
        %ge3A_219 = arith.cmpi sge, %get3A_185, %ge3A : vector<16xi32>
        %add3A_220 = arith.constant 320 : i32
        %add3A_221 = arith.addi %mul3A_2, %add3A_220 : i32
        %lt3A_222 = vector.broadcast %add3A_221 : i32 to vector<16xi32>
        %lt3A_223 = arith.cmpi slt, %get3A_185, %lt3A_222 : vector<16xi32>
        %and3A_224 = arith.andi %ge3A_219, %lt3A_223 : vector<16xi1>
        %ge3A_225 = vector.broadcast %mul3A_2 : i32 to vector<16xi32>
        %ge3A_226 = arith.cmpi sge, %get3A_196, %ge3A_225 : vector<16xi32>
        %add3A_227 = arith.constant 320 : i32
        %add3A_228 = arith.addi %mul3A_2, %add3A_227 : i32
        %lt3A_229 = vector.broadcast %add3A_228 : i32 to vector<16xi32>
        %lt3A_230 = arith.cmpi slt, %get3A_196, %lt3A_229 : vector<16xi32>
        %and3A_231 = arith.andi %ge3A_226, %lt3A_230 : vector<16xi1>
        %ge3A_232 = vector.broadcast %mul3A_2 : i32 to vector<16xi32>
        %ge3A_233 = arith.cmpi sge, %get3A_207, %ge3A_232 : vector<16xi32>
        %add3A_234 = arith.constant 320 : i32
        %add3A_235 = arith.addi %mul3A_2, %add3A_234 : i32
        %lt3A_236 = vector.broadcast %add3A_235 : i32 to vector<16xi32>
        %lt3A_237 = arith.cmpi slt, %get3A_207, %lt3A_236 : vector<16xi32>
        %and3A_238 = arith.andi %ge3A_233, %lt3A_237 : vector<16xi1>
        %ge3A_239 = vector.broadcast %mul3A_2 : i32 to vector<16xi32>
        %ge3A_240 = arith.cmpi sge, %get3A_218, %ge3A_239 : vector<16xi32>
        %add3A_241 = arith.constant 320 : i32
        %add3A_242 = arith.addi %mul3A_2, %add3A_241 : i32
        %lt3A_243 = vector.broadcast %add3A_242 : i32 to vector<16xi32>
        %lt3A_244 = arith.cmpi slt, %get3A_218, %lt3A_243 : vector<16xi32>
        %and3A_245 = arith.andi %ge3A_240, %lt3A_244 : vector<16xi1>
        %convert_element_type3A_246 = arith.extui %and3A_224 : vector<16xi1> to vector<16xi32>
        %convert_element_type3A_247 = arith.extui %and3A_231 : vector<16xi1> to vector<16xi32>
        %convert_element_type3A_248 = arith.extui %and3A_238 : vector<16xi1> to vector<16xi32>
        %convert_element_type3A_249 = arith.extui %and3A_245 : vector<16xi1> to vector<16xi32>
        %reduce_sum3A = arith.constant true
        %reduce_sum3A_250 = vector.broadcast %reduce_sum3A : i1 to vector<16xi1>
        %reduce_sum3A_251 = tpu.scan <sum>, %convert_element_type3A_246 masked %reduce_sum3A_250 : vector<16xi32>, vector<16xi1> -> vector<16xi32>
        %reduce_sum3A_252 = vector.extract %reduce_sum3A_251[15] : i32 from vector<16xi32>
        %reduce_sum3A_253 = arith.constant true
        %reduce_sum3A_254 = vector.broadcast %reduce_sum3A_253 : i1 to vector<16xi1>
        %reduce_sum3A_255 = tpu.scan <sum>, %convert_element_type3A_247 masked %reduce_sum3A_254 : vector<16xi32>, vector<16xi1> -> vector<16xi32>
        %reduce_sum3A_256 = vector.extract %reduce_sum3A_255[15] : i32 from vector<16xi32>
        %reduce_sum3A_257 = arith.constant true
        %reduce_sum3A_258 = vector.broadcast %reduce_sum3A_257 : i1 to vector<16xi1>
        %reduce_sum3A_259 = tpu.scan <sum>, %convert_element_type3A_248 masked %reduce_sum3A_258 : vector<16xi32>, vector<16xi1> -> vector<16xi32>
        %reduce_sum3A_260 = vector.extract %reduce_sum3A_259[15] : i32 from vector<16xi32>
        %reduce_sum3A_261 = arith.constant true
        %reduce_sum3A_262 = vector.broadcast %reduce_sum3A_261 : i1 to vector<16xi1>
        %reduce_sum3A_263 = tpu.scan <sum>, %convert_element_type3A_249 masked %reduce_sum3A_262 : vector<16xi32>, vector<16xi1> -> vector<16xi32>
        %reduce_sum3A_264 = vector.extract %reduce_sum3A_263[15] : i32 from vector<16xi32>
        %add3A_265 = arith.addi %reduce_sum3A_252, %reduce_sum3A_256 : i32
        %add3A_266 = arith.addi %add3A_265, %reduce_sum3A_260 : i32
        %add3A_267 = arith.addi %add3A_266, %reduce_sum3A_264 : i32
        %gt3A_268 = arith.constant 0 : i32
        %gt3A_269 = arith.cmpi sgt, %add3A_267, %gt3A_268 : i32
        %convert_element_type3A_270 = arith.extui %gt3A_269 : i1 to i32
        %cond3A_271 = arith.constant 0 : i32
        %cond3A_272 = arith.cmpi ne, %convert_element_type3A_270, %cond3A_271 : i32
        scf.if %cond3A_272 {
          %mul3A_274 = arith.constant 4 : i32
          %mul3A_275 = arith.muli %mul3A_274, %scan3A_174 : i32
          %add3A_276 = arith.constant 0 : i32
          %add3A_277 = arith.addi %mul3A_275, %add3A_276 : i32
          %mul3A_278 = arith.constant 16 : i32
          %mul3A_279 = arith.muli %add3A_277, %mul3A_278 : i32
          %get3A_280 = arith.constant 1 : i32
          %get3A_281 = arith.index_cast %rem3A_109 : i32 to index
          %get3A_282 = arith.index_cast %get3A_280 : i32 to index
          %get3A_283 = arith.index_cast %mul3A_279 : i32 to index
          %get3A_284 = tpu.vector_load %arg7[%get3A_281, %get3A_282, %get3A_283] {strides = array<i32>} : memref<2x2x640xi32, #tpu.memory_space<vmem>>, vector<16xi32>,
          %mul3A_285 = arith.constant 4 : i32
          %mul3A_286 = arith.muli %mul3A_285, %scan3A_174 : i32
          %add3A_287 = arith.constant 0 : i32
          %add3A_288 = arith.addi %mul3A_286, %add3A_287 : i32
          %mul3A_289 = arith.constant 16 : i32
          %mul3A_290 = arith.muli %add3A_288, %mul3A_289 : i32
          %add3A_291 = arith.addi %mul3A_107, %mul3A_290 : i32
          %iota3A = tpu.iota {dimensions = array<i32: 0>} : vector<16xi32>
          %add3A_292 = vector.broadcast %add3A_291 : i32 to vector<16xi32>
          %add3A_293 = arith.addi %add3A_292, %iota3A : vector<16xi32>
          %broadcast_in_dim3A_294 = arith.constant true
          %broadcast_in_dim3A_295 = vector.broadcast %broadcast_in_dim3A_294 : i1 to vector<16xi1>
          %masked_cumsum3A = tpu.scan <sum>, %convert_element_type3A_246 masked %broadcast_in_dim3A_295 : vector<16xi32>, vector<16xi1> -> vector<16xi32>
          %add3A_296 = vector.broadcast %scan3A_175 : i32 to vector<16xi32>
          %add3A_297 = arith.addi %add3A_296, %masked_cumsum3A : vector<16xi32>
          %sub3A_298 = arith.constant 1 : i32
          %sub3A_299 = vector.broadcast %sub3A_298 : i32 to vector<16xi32>
          %sub3A_300 = arith.subi %add3A_297, %sub3A_299 : vector<16xi32>
          tpu.vector_store_idx %arg8[%sub3A_300], %add3A_293 masked %and3A_224 : memref<736xi32, #tpu.memory_space<vmem>>[vector<16xi32>], vector<16xi32>, vector<16xi1>
          tpu.vector_store_idx %arg9[%sub3A_300], %get3A_185 masked %and3A_224 : memref<736xi32, #tpu.memory_space<vmem>>[vector<16xi32>], vector<16xi32>, vector<16xi1>
          tpu.vector_store_idx %arg10[%sub3A_300], %get3A_284 masked %and3A_224 : memref<736xi32, #tpu.memory_space<vmem>>[vector<16xi32>], vector<16xi32>, vector<16xi1>
          %add3A_301 = arith.addi %scan3A_175, %reduce_sum3A_252 : i32
          %mul3A_302 = arith.constant 4 : i32
          %mul3A_303 = arith.muli %mul3A_302, %scan3A_174 : i32
          %add3A_304 = arith.constant 1 : i32
          %add3A_305 = arith.addi %mul3A_303, %add3A_304 : i32
          %mul3A_306 = arith.constant 16 : i32
          %mul3A_307 = arith.muli %add3A_305, %mul3A_306 : i32
          %get3A_308 = arith.constant 1 : i32
          %get3A_309 = arith.index_cast %rem3A_109 : i32 to index
          %get3A_310 = arith.index_cast %get3A_308 : i32 to index
          %get3A_311 = arith.index_cast %mul3A_307 : i32 to index
          %get3A_312 = tpu.vector_load %arg7[%get3A_309, %get3A_310, %get3A_311] {strides = array<i32>} : memref<2x2x640xi32, #tpu.memory_space<vmem>>, vector<16xi32>,
          %mul3A_313 = arith.constant 4 : i32
          %mul3A_314 = arith.muli %mul3A_313, %scan3A_174 : i32
          %add3A_315 = arith.constant 1 : i32
          %add3A_316 = arith.addi %mul3A_314, %add3A_315 : i32
          %mul3A_317 = arith.constant 16 : i32
          %mul3A_318 = arith.muli %add3A_316, %mul3A_317 : i32
          %add3A_319 = arith.addi %mul3A_107, %mul3A_318 : i32
          %iota3A_320 = tpu.iota {dimensions = array<i32: 0>} : vector<16xi32>
          %add3A_321 = vector.broadcast %add3A_319 : i32 to vector<16xi32>
          %add3A_322 = arith.addi %add3A_321, %iota3A_320 : vector<16xi32>
          %broadcast_in_dim3A_323 = arith.constant true
          %broadcast_in_dim3A_324 = vector.broadcast %broadcast_in_dim3A_323 : i1 to vector<16xi1>
          %masked_cumsum3A_325 = tpu.scan <sum>, %convert_element_type3A_247 masked %broadcast_in_dim3A_324 : vector<16xi32>, vector<16xi1> -> vector<16xi32>
          %add3A_326 = vector.broadcast %add3A_301 : i32 to vector<16xi32>
          %add3A_327 = arith.addi %add3A_326, %masked_cumsum3A_325 : vector<16xi32>
          %sub3A_328 = arith.constant 1 : i32
          %sub3A_329 = vector.broadcast %sub3A_328 : i32 to vector<16xi32>
          %sub3A_330 = arith.subi %add3A_327, %sub3A_329 : vector<16xi32>
          tpu.vector_store_idx %arg8[%sub3A_330], %add3A_322 masked %and3A_231 : memref<736xi32, #tpu.memory_space<vmem>>[vector<16xi32>], vector<16xi32>, vector<16xi1>
          tpu.vector_store_idx %arg9[%sub3A_330], %get3A_196 masked %and3A_231 : memref<736xi32, #tpu.memory_space<vmem>>[vector<16xi32>], vector<16xi32>, vector<16xi1>
          tpu.vector_store_idx %arg10[%sub3A_330], %get3A_312 masked %and3A_231 : memref<736xi32, #tpu.memory_space<vmem>>[vector<16xi32>], vector<16xi32>, vector<16xi1>
          %add3A_331 = arith.addi %add3A_301, %reduce_sum3A_256 : i32
          %mul3A_332 = arith.constant 4 : i32
          %mul3A_333 = arith.muli %mul3A_332, %scan3A_174 : i32
          %add3A_334 = arith.constant 2 : i32
          %add3A_335 = arith.addi %mul3A_333, %add3A_334 : i32
          %mul3A_336 = arith.constant 16 : i32
          %mul3A_337 = arith.muli %add3A_335, %mul3A_336 : i32
          %get3A_338 = arith.constant 1 : i32
          %get3A_339 = arith.index_cast %rem3A_109 : i32 to index
          %get3A_340 = arith.index_cast %get3A_338 : i32 to index
          %get3A_341 = arith.index_cast %mul3A_337 : i32 to index
          %get3A_342 = tpu.vector_load %arg7[%get3A_339, %get3A_340, %get3A_341] {strides = array<i32>} : memref<2x2x640xi32, #tpu.memory_space<vmem>>, vector<16xi32>,
          %mul3A_343 = arith.constant 4 : i32
          %mul3A_344 = arith.muli %mul3A_343, %scan3A_174 : i32
          %add3A_345 = arith.constant 2 : i32
          %add3A_346 = arith.addi %mul3A_344, %add3A_345 : i32
          %mul3A_347 = arith.constant 16 : i32
          %mul3A_348 = arith.muli %add3A_346, %mul3A_347 : i32
          %add3A_349 = arith.addi %mul3A_107, %mul3A_348 : i32
          %iota3A_350 = tpu.iota {dimensions = array<i32: 0>} : vector<16xi32>
          %add3A_351 = vector.broadcast %add3A_349 : i32 to vector<16xi32>
          %add3A_352 = arith.addi %add3A_351, %iota3A_350 : vector<16xi32>
          %broadcast_in_dim3A_353 = arith.constant true
          %broadcast_in_dim3A_354 = vector.broadcast %broadcast_in_dim3A_353 : i1 to vector<16xi1>
          %masked_cumsum3A_355 = tpu.scan <sum>, %convert_element_type3A_248 masked %broadcast_in_dim3A_354 : vector<16xi32>, vector<16xi1> -> vector<16xi32>
          %add3A_356 = vector.broadcast %add3A_331 : i32 to vector<16xi32>
          %add3A_357 = arith.addi %add3A_356, %masked_cumsum3A_355 : vector<16xi32>
          %sub3A_358 = arith.constant 1 : i32
          %sub3A_359 = vector.broadcast %sub3A_358 : i32 to vector<16xi32>
          %sub3A_360 = arith.subi %add3A_357, %sub3A_359 : vector<16xi32>
          tpu.vector_store_idx %arg8[%sub3A_360], %add3A_352 masked %and3A_238 : memref<736xi32, #tpu.memory_space<vmem>>[vector<16xi32>], vector<16xi32>, vector<16xi1>
          tpu.vector_store_idx %arg9[%sub3A_360], %get3A_207 masked %and3A_238 : memref<736xi32, #tpu.memory_space<vmem>>[vector<16xi32>], vector<16xi32>, vector<16xi1>
          tpu.vector_store_idx %arg10[%sub3A_360], %get3A_342 masked %and3A_238 : memref<736xi32, #tpu.memory_space<vmem>>[vector<16xi32>], vector<16xi32>, vector<16xi1>
          %add3A_361 = arith.addi %add3A_331, %reduce_sum3A_260 : i32
          %mul3A_362 = arith.constant 4 : i32
          %mul3A_363 = arith.muli %mul3A_362, %scan3A_174 : i32
          %add3A_364 = arith.constant 3 : i32
          %add3A_365 = arith.addi %mul3A_363, %add3A_364 : i32
          %mul3A_366 = arith.constant 16 : i32
          %mul3A_367 = arith.muli %add3A_365, %mul3A_366 : i32
          %get3A_368 = arith.constant 1 : i32
          %get3A_369 = arith.index_cast %rem3A_109 : i32 to index
          %get3A_370 = arith.index_cast %get3A_368 : i32 to index
          %get3A_371 = arith.index_cast %mul3A_367 : i32 to index
          %get3A_372 = tpu.vector_load %arg7[%get3A_369, %get3A_370, %get3A_371] {strides = array<i32>} : memref<2x2x640xi32, #tpu.memory_space<vmem>>, vector<16xi32>,
          %mul3A_373 = arith.constant 4 : i32
          %mul3A_374 = arith.muli %mul3A_373, %scan3A_174 : i32
          %add3A_375 = arith.constant 3 : i32
          %add3A_376 = arith.addi %mul3A_374, %add3A_375 : i32
          %mul3A_377 = arith.constant 16 : i32
          %mul3A_378 = arith.muli %add3A_376, %mul3A_377 : i32
          %add3A_379 = arith.addi %mul3A_107, %mul3A_378 : i32
          %iota3A_380 = tpu.iota {dimensions = array<i32: 0>} : vector<16xi32>
          %add3A_381 = vector.broadcast %add3A_379 : i32 to vector<16xi32>
          %add3A_382 = arith.addi %add3A_381, %iota3A_380 : vector<16xi32>
          %broadcast_in_dim3A_383 = arith.constant true
          %broadcast_in_dim3A_384 = vector.broadcast %broadcast_in_dim3A_383 : i1 to vector<16xi1>
          %masked_cumsum3A_385 = tpu.scan <sum>, %convert_element_type3A_249 masked %broadcast_in_dim3A_384 : vector<16xi32>, vector<16xi1> -> vector<16xi32>
          %add3A_386 = vector.broadcast %add3A_361 : i32 to vector<16xi32>
          %add3A_387 = arith.addi %add3A_386, %masked_cumsum3A_385 : vector<16xi32>
          %sub3A_388 = arith.constant 1 : i32
          %sub3A_389 = vector.broadcast %sub3A_388 : i32 to vector<16xi32>
          %sub3A_390 = arith.subi %add3A_387, %sub3A_389 : vector<16xi32>
          tpu.vector_store_idx %arg8[%sub3A_390], %add3A_382 masked %and3A_245 : memref<736xi32, #tpu.memory_space<vmem>>[vector<16xi32>], vector<16xi32>, vector<16xi1>
          tpu.vector_store_idx %arg9[%sub3A_390], %get3A_218 masked %and3A_245 : memref<736xi32, #tpu.memory_space<vmem>>[vector<16xi32>], vector<16xi32>, vector<16xi1>
          tpu.vector_store_idx %arg10[%sub3A_390], %get3A_372 masked %and3A_245 : memref<736xi32, #tpu.memory_space<vmem>>[vector<16xi32>], vector<16xi32>, vector<16xi1>
          %add3A_391 = arith.addi %add3A_361, %reduce_sum3A_264 : i32
        } else {
        }
        %add3A_273 = arith.addi %scan3A_175, %add3A_267 : i32
        scf.yield %add3A_273 : i32
      }
      %scan3A_130 = arith.constant 10 : i32
      %jit3A_131 = arith.constant 48 : i32
      %div3A_132 = arith.divsi %scan3A_129, %jit3A_131 : i32
      %sign3A_133 = arith.constant 0 : i32
      %sign3A_134 = arith.cmpi sgt, %scan3A_129, %sign3A_133 : i32
      %sign3A_135 = arith.extui %sign3A_134 : i1 to i32
      %sign3A_136 = arith.constant 0 : i32
      %sign3A_137 = arith.cmpi slt, %scan3A_129, %sign3A_136 : i32
      %sign3A_138 = arith.extui %sign3A_137 : i1 to i32
      %sign3A_139 = arith.subi %sign3A_135, %sign3A_138 : i32
      %sign3A_140 = arith.constant 0 : i32
      %sign3A_141 = arith.cmpi sgt, %jit3A_131, %sign3A_140 : i32
      %sign3A_142 = arith.extui %sign3A_141 : i1 to i32
      %sign3A_143 = arith.constant 0 : i32
      %sign3A_144 = arith.cmpi slt, %jit3A_131, %sign3A_143 : i32
      %sign3A_145 = arith.extui %sign3A_144 : i1 to i32
      %sign3A_146 = arith.subi %sign3A_142, %sign3A_145 : i32
      %ne3A_147 = arith.cmpi ne, %sign3A_139, %sign3A_146 : i32
      %rem3A_148 = arith.remsi %scan3A_129, %jit3A_131 : i32
      %ne3A_149 = arith.constant 0 : i32
      %ne3A_150 = arith.cmpi ne, %rem3A_148, %ne3A_149 : i32
      %and3A_151 = arith.andi %ne3A_147, %ne3A_150 : i1
      %sub3A_152 = arith.constant 1 : i32
      %sub3A_153 = arith.subi %div3A_132, %sub3A_152 : i32
      %select_n3A_154 = arith.select %and3A_151, %sub3A_153, %div3A_132 : i32
      %while3A_155 = arith.constant 0 : i32
      %while3A_156 = arith.constant 0 : i32
      %while3A_157 = arith.subi %select_n3A_154, %while3A_155 : i32
      %while3A_158 = arith.addi %while3A_155, %while3A_157 : i32
      %while3A_159 = arith.constant 1 : i32
      %while3A_160 = arith.divsi %while3A_157, %while3A_159 : i32
      %while3A_161 = arith.muli %while3A_160, %while3A_159 : i32
      %while3A_162 = arith.addi %while3A_155, %while3A_161 : i32
      %while3A_163 = arith.constant 1 : i32
      %while3A_164 = scf.for %while3A_174 = %while3A_155 to %while3A_162 step %while3A_163 iter_args(%while3A_175 = %while3A_156) -> (i32)  : i32 {
        %mul3A_176 = arith.constant 48 : i32
        %mul3A_177 = arith.muli %while3A_174, %mul3A_176 : i32
        %add3A_178 = arith.constant 0 : i32
        %add3A_179 = arith.addi %mul3A_177, %add3A_178 : i32
        %get3A = arith.index_cast %add3A_179 : i32 to index
        %get3A_180 = tpu.vector_load %arg9[%get3A] {strides = array<i32>} : memref<736xi32, #tpu.memory_space<vmem>>, vector<16xi32>,
        %min3A = arith.constant 10239 : i32
        %min3A_181 = vector.broadcast %min3A : i32 to vector<16xi32>
        %min3A_182 = arith.minsi %get3A_180, %min3A_181 : vector<16xi32>
        %swap3A_183 = arith.constant 0 : index
        %swap3A_184 = tpu.vector_load %arg11[%swap3A_183] {strides = array<i32>} : memref<48xi32, #tpu.memory_space<vmem>>, vector<16xi32>,
        tpu.vector_store %arg11[%swap3A_183], %min3A_182 {strides = array<i32>} : memref<48xi32, #tpu.memory_space<vmem>>, vector<16xi32>,
        %mul3A_185 = arith.constant 48 : i32
        %mul3A_186 = arith.muli %while3A_174, %mul3A_185 : i32
        %add3A_187 = arith.constant 16 : i32
        %add3A_188 = arith.addi %mul3A_186, %add3A_187 : i32
        %get3A_189 = arith.index_cast %add3A_188 : i32 to index
        %get3A_190 = tpu.vector_load %arg9[%get3A_189] {strides = array<i32>} : memref<736xi32, #tpu.memory_space<vmem>>, vector<16xi32>,
        %min3A_191 = arith.constant 10239 : i32
        %min3A_192 = vector.broadcast %min3A_191 : i32 to vector<16xi32>
        %min3A_193 = arith.minsi %get3A_190, %min3A_192 : vector<16xi32>
        %swap3A_194 = arith.constant 16 : index
        %swap3A_195 = tpu.vector_load %arg11[%swap3A_194] {strides = array<i32>} : memref<48xi32, #tpu.memory_space<vmem>>, vector<16xi32>,
        tpu.vector_store %arg11[%swap3A_194], %min3A_193 {strides = array<i32>} : memref<48xi32, #tpu.memory_space<vmem>>, vector<16xi32>,
        %mul3A_196 = arith.constant 48 : i32
        %mul3A_197 = arith.muli %while3A_174, %mul3A_196 : i32
        %add3A_198 = arith.constant 32 : i32
        %add3A_199 = arith.addi %mul3A_197, %add3A_198 : i32
        %get3A_200 = arith.index_cast %add3A_199 : i32 to index
        %get3A_201 = tpu.vector_load %arg9[%get3A_200] {strides = array<i32>} : memref<736xi32, #tpu.memory_space<vmem>>, vector<16xi32>,
        %min3A_202 = arith.constant 10239 : i32
        %min3A_203 = vector.broadcast %min3A_202 : i32 to vector<16xi32>
        %min3A_204 = arith.minsi %get3A_201, %min3A_203 : vector<16xi32>
        %swap3A_205 = arith.constant 32 : index
        %swap3A_206 = tpu.vector_load %arg11[%swap3A_205] {strides = array<i32>} : memref<48xi32, #tpu.memory_space<vmem>>, vector<16xi32>,
        tpu.vector_store %arg11[%swap3A_205], %min3A_204 {strides = array<i32>} : memref<48xi32, #tpu.memory_space<vmem>>, vector<16xi32>,
        %dma_start3A_207 = arith.constant 0 : i32
        %dma_start3A_208 = arith.constant 0 : i32
        %dma_start3A_209 = tpu.memref_slice %arg3[%dma_start3A_207, %dma_start3A_208] : memref<10240x256xi32, #tpu.memory_space<hbm>> -> memref<10240x256xi32, #tpu.memory_space<hbm>>
        tpu.enqueue_indirect_dma source(%dma_start3A_209 : memref<10240x256xi32, #tpu.memory_space<hbm>>) target(%arg12 : memref<48x256xi32, #tpu.memory_space<vmem>>) offsets(%arg11 : memref<48xi32, #tpu.memory_space<vmem>>) semaphore(%arg16 : memref<!tpu.dma_semaphore, #tpu.memory_space<semaphore_mem>>)
        %mul3A_210 = arith.constant 48 : i32
        %mul3A_211 = arith.muli %while3A_174, %mul3A_210 : i32
        %dma_start3A_212 = tpu.memref_slice %arg10[%mul3A_211] : memref<736xi32, #tpu.memory_space<vmem>> -> memref<48xi32, #tpu.memory_space<vmem>>
        %dma_start3A_213 = arith.constant 0 : i32
        %dma_start3A_214 = arith.constant 0 : i32
        %dma_start3A_215 = tpu.memref_slice %arg4[%dma_start3A_213, %dma_start3A_214] : memref<10240x256xi32, #tpu.memory_space<hbm>> -> memref<10240x256xi32, #tpu.memory_space<hbm>>
        tpu.enqueue_indirect_dma source(%dma_start3A_215 : memref<10240x256xi32, #tpu.memory_space<hbm>>) target(%arg13 : memref<48x256xi32, #tpu.memory_space<vmem>>) offsets(%dma_start3A_212 : memref<48xi32, #tpu.memory_space<vmem>>) semaphore(%arg16 : memref<!tpu.dma_semaphore, #tpu.memory_space<semaphore_mem>>)
        %mul3A_216 = arith.constant 48 : i32
        %mul3A_217 = arith.muli %while3A_174, %mul3A_216 : i32
        %dma_start3A_218 = tpu.memref_slice %arg8[%mul3A_217] : memref<736xi32, #tpu.memory_space<vmem>> -> memref<48xi32, #tpu.memory_space<vmem>>
        %dma_start3A_219 = arith.constant 0 : i32
        %dma_start3A_220 = arith.constant 0 : i32
        %dma_start3A_221 = tpu.memref_slice %arg5[%dma_start3A_219, %dma_start3A_220] : memref<160000x384xi32, #tpu.memory_space<hbm>> -> memref<160000x384xi32, #tpu.memory_space<hbm>>
        tpu.enqueue_indirect_dma source(%dma_start3A_221 : memref<160000x384xi32, #tpu.memory_space<hbm>>) target(%arg14 : memref<48x384xi32, #tpu.memory_space<vmem>>) offsets(%dma_start3A_218 : memref<48xi32, #tpu.memory_space<vmem>>) semaphore(%arg16 : memref<!tpu.dma_semaphore, #tpu.memory_space<semaphore_mem>>)
        %dma_wait3A_222 = arith.constant 0 : i32
        %dma_wait3A_223 = arith.constant 0 : i32
        %dma_wait3A_224 = tpu.memref_slice %arg3[%dma_wait3A_222, %dma_wait3A_223] : memref<10240x256xi32, #tpu.memory_space<hbm>> -> memref<10240x256xi32, #tpu.memory_space<hbm>>
        tpu.wait_indirect_dma semaphore(%arg16 : memref<!tpu.dma_semaphore, #tpu.memory_space<semaphore_mem>>) src(%dma_wait3A_224 : memref<10240x256xi32, #tpu.memory_space<hbm>>) dst(%arg12 : memref<48x256xi32, #tpu.memory_space<vmem>>)
        %dma_wait3A_225 = tpu.memref_slice %arg10[%mul3A_211] : memref<736xi32, #tpu.memory_space<vmem>> -> memref<48xi32, #tpu.memory_space<vmem>>
        %dma_wait3A_226 = arith.constant 0 : i32
        %dma_wait3A_227 = arith.constant 0 : i32
        %dma_wait3A_228 = tpu.memref_slice %arg4[%dma_wait3A_226, %dma_wait3A_227] : memref<10240x256xi32, #tpu.memory_space<hbm>> -> memref<10240x256xi32, #tpu.memory_space<hbm>>
        tpu.wait_indirect_dma semaphore(%arg16 : memref<!tpu.dma_semaphore, #tpu.memory_space<semaphore_mem>>) src(%dma_wait3A_228 : memref<10240x256xi32, #tpu.memory_space<hbm>>) dst(%arg13 : memref<48x256xi32, #tpu.memory_space<vmem>>)
        %dma_wait3A_229 = tpu.memref_slice %arg8[%mul3A_217] : memref<736xi32, #tpu.memory_space<vmem>> -> memref<48xi32, #tpu.memory_space<vmem>>
        %dma_wait3A_230 = arith.constant 0 : i32
        %dma_wait3A_231 = arith.constant 0 : i32
        %dma_wait3A_232 = tpu.memref_slice %arg5[%dma_wait3A_230, %dma_wait3A_231] : memref<160000x384xi32, #tpu.memory_space<hbm>> -> memref<160000x384xi32, #tpu.memory_space<hbm>>
        tpu.wait_indirect_dma semaphore(%arg16 : memref<!tpu.dma_semaphore, #tpu.memory_space<semaphore_mem>>) src(%dma_wait3A_232 : memref<160000x384xi32, #tpu.memory_space<hbm>>) dst(%arg14 : memref<48x384xi32, #tpu.memory_space<vmem>>)
        %scan3A_233 = arith.constant 0 : i32
        %scan3A_234 = arith.constant 0 : i32
        %scan3A_235 = arith.constant 48 : i32
        %scan3A_236 = arith.addi %scan3A_234, %scan3A_235 : i32
        %scan3A_237 = arith.constant 1 : i32
        %scan3A_238 = scf.for %scan3A_241 = %scan3A_234 to %scan3A_236 step %scan3A_237 iter_args(%scan3A_242 = %scan3A_233) -> (i32)  : i32 {
          %mul3A_243 = arith.constant 48 : i32
          %mul3A_244 = arith.muli %while3A_174, %mul3A_243 : i32
          %add3A_245 = arith.addi %mul3A_244, %scan3A_241 : i32
          %get3A_246 = arith.index_cast %add3A_245 : i32 to index
          %get3A_247 = tpu.vector_load %arg9[%get3A_246] {strides = array<i32>} : memref<736xi32, #tpu.memory_space<vmem>>, vector<16xi32>,
          %slice3A = vector.extract_strided_slice %get3A_247 {offsets = [0], sizes = [1], strides = [1]} : vector<16xi32> to vector<1xi32>
          %squeeze3A = vector.extract %slice3A[0] : i32 from vector<1xi32>
          %sub3A_248 = arith.subi %squeeze3A, %mul3A_2 : i32
          %mul3A_249 = arith.constant 256 : i32
          %mul3A_250 = arith.muli %sub3A_248, %mul3A_249 : i32
          %get3A_251 = arith.index_cast %scan3A_241 : i32 to index
          %get3A_252 = arith.constant 0 : index
          %get3A_253 = tpu.vector_load %arg12[%get3A_251, %get3A_252] {strides = array<i32>} : memref<48x256xi32, #tpu.memory_space<vmem>>, vector<16xi32>,
          %bitcast3A = vector.bitcast %get3A_253 : vector<16xi32> to vector<32xbf16>
          %unpack3A = tpu.unpack_subelements %bitcast3A, 0 {pack_format = #tpu.pack_format<interleaved>} : vector<32xbf16> -> vector<16xf32>
          %unpack3A_254 = tpu.unpack_subelements %bitcast3A, 1 {pack_format = #tpu.pack_format<interleaved>} : vector<32xbf16> -> vector<16xf32>
          %get3A_255 = arith.index_cast %scan3A_241 : i32 to index
          %get3A_256 = arith.constant 0 : index
          %get3A_257 = tpu.vector_load %arg13[%get3A_255, %get3A_256] {strides = array<i32>} : memref<48x256xi32, #tpu.memory_space<vmem>>, vector<16xi32>,
          %bitcast3A_258 = vector.bitcast %get3A_257 : vector<16xi32> to vector<32xbf16>
          %unpack3A_259 = tpu.unpack_subelements %bitcast3A_258, 0 {pack_format = #tpu.pack_format<interleaved>} : vector<32xbf16> -> vector<16xf32>
          %unpack3A_260 = tpu.unpack_subelements %bitcast3A_258, 1 {pack_format = #tpu.pack_format<interleaved>} : vector<32xbf16> -> vector<16xf32>
          %get3A_261 = arith.index_cast %scan3A_241 : i32 to index
          %get3A_262 = arith.constant 0 : index
          %get3A_263 = tpu.vector_load %arg14[%get3A_261, %get3A_262] {strides = array<i32>} : memref<48x384xi32, #tpu.memory_space<vmem>>, vector<16xi32>,
          %bitcast3A_264 = vector.bitcast %get3A_263 : vector<16xi32> to vector<32xbf16>
          %unpack3A_265 = tpu.unpack_subelements %bitcast3A_264, 0 {pack_format = #tpu.pack_format<interleaved>} : vector<32xbf16> -> vector<16xf32>
          %unpack3A_266 = tpu.unpack_subelements %bitcast3A_264, 1 {pack_format = #tpu.pack_format<interleaved>} : vector<32xbf16> -> vector<16xf32>
          %get3A_267 = arith.index_cast %scan3A_241 : i32 to index
          %get3A_268 = arith.constant 192 : index
          %get3A_269 = tpu.vector_load %arg14[%get3A_267, %get3A_268] {strides = array<i32>} : memref<48x384xi32, #tpu.memory_space<vmem>>, vector<16xi32>,
          %bitcast3A_270 = vector.bitcast %get3A_269 : vector<16xi32> to vector<32xbf16>
          %unpack3A_271 = tpu.unpack_subelements %bitcast3A_270, 0 {pack_format = #tpu.pack_format<interleaved>} : vector<32xbf16> -> vector<16xf32>
          %unpack3A_272 = tpu.unpack_subelements %bitcast3A_270, 1 {pack_format = #tpu.pack_format<interleaved>} : vector<32xbf16> -> vector<16xf32>
          %add3A_273 = arith.addf %unpack3A, %unpack3A_259 : vector<16xf32>
          %add3A_274 = arith.addf %add3A_273, %unpack3A_265 : vector<16xf32>
          %add3A_275 = arith.addf %unpack3A_254, %unpack3A_260 : vector<16xf32>
          %add3A_276 = arith.addf %add3A_275, %unpack3A_266 : vector<16xf32>
          %neg3A = arith.constant 0.000000e+00 : f32
          %neg3A_277 = vector.broadcast %neg3A : f32 to vector<16xf32>
          %neg3A_278 = arith.subf %neg3A_277, %add3A_274 : vector<16xf32>
          %exp3A = math.exp %neg3A_278 : vector<16xf32>
          %add3A_279 = arith.constant 1.000000e+00 : f32
          %add3A_280 = vector.broadcast %add3A_279 : f32 to vector<16xf32>
          %add3A_281 = arith.addf %add3A_280, %exp3A : vector<16xf32>
          %div3A_282 = arith.divf %add3A_274, %add3A_281 : vector<16xf32>
          %mul3A_283 = arith.mulf %div3A_282, %unpack3A_271 : vector<16xf32>
          %neg3A_284 = arith.constant 0.000000e+00 : f32
          %neg3A_285 = vector.broadcast %neg3A_284 : f32 to vector<16xf32>
          %neg3A_286 = arith.subf %neg3A_285, %add3A_276 : vector<16xf32>
          %exp3A_287 = math.exp %neg3A_286 : vector<16xf32>
          %add3A_288 = arith.constant 1.000000e+00 : f32
          %add3A_289 = vector.broadcast %add3A_288 : f32 to vector<16xf32>
          %add3A_290 = arith.addf %add3A_289, %exp3A_287 : vector<16xf32>
          %div3A_291 = arith.divf %add3A_276, %add3A_290 : vector<16xf32>
          %mul3A_292 = arith.mulf %div3A_291, %unpack3A_272 : vector<16xf32>
          %add3A_293 = arith.constant 0 : i32
          %add3A_294 = arith.addi %mul3A_250, %add3A_293 : i32
          %swap3A_295 = arith.index_cast %add3A_294 : i32 to index
          %swap3A_296 = tpu.vector_load %arg15[%swap3A_295] {strides = array<i32>} : memref<82176xf32, #tpu.memory_space<vmem>>, vector<16xf32>,
          tpu.vector_store %arg15[%swap3A_295], %mul3A_283 {add = true, strides = array<i32>} : memref<82176xf32, #tpu.memory_space<vmem>>, vector<16xf32>,
          %add3A_297 = arith.constant 0 : i32
          %add3A_298 = arith.addi %mul3A_250, %add3A_297 : i32
          %add3A_299 = arith.constant 64 : i32
          %add3A_300 = arith.addi %add3A_298, %add3A_299 : i32
          %swap3A_301 = arith.index_cast %add3A_300 : i32 to index
          %swap3A_302 = tpu.vector_load %arg15[%swap3A_301] {strides = array<i32>} : memref<82176xf32, #tpu.memory_space<vmem>>, vector<16xf32>,
          tpu.vector_store %arg15[%swap3A_301], %mul3A_292 {add = true, strides = array<i32>} : memref<82176xf32, #tpu.memory_space<vmem>>, vector<16xf32>,
          %get3A_303 = arith.index_cast %scan3A_241 : i32 to index
          %get3A_304 = arith.constant 16 : index
          %get3A_305 = tpu.vector_load %arg12[%get3A_303, %get3A_304] {strides = array<i32>} : memref<48x256xi32, #tpu.memory_space<vmem>>, vector<16xi32>,
          %bitcast3A_306 = vector.bitcast %get3A_305 : vector<16xi32> to vector<32xbf16>
          %unpack3A_307 = tpu.unpack_subelements %bitcast3A_306, 0 {pack_format = #tpu.pack_format<interleaved>} : vector<32xbf16> -> vector<16xf32>
          %unpack3A_308 = tpu.unpack_subelements %bitcast3A_306, 1 {pack_format = #tpu.pack_format<interleaved>} : vector<32xbf16> -> vector<16xf32>
          %get3A_309 = arith.index_cast %scan3A_241 : i32 to index
          %get3A_310 = arith.constant 16 : index
          %get3A_311 = tpu.vector_load %arg13[%get3A_309, %get3A_310] {strides = array<i32>} : memref<48x256xi32, #tpu.memory_space<vmem>>, vector<16xi32>,
          %bitcast3A_312 = vector.bitcast %get3A_311 : vector<16xi32> to vector<32xbf16>
          %unpack3A_313 = tpu.unpack_subelements %bitcast3A_312, 0 {pack_format = #tpu.pack_format<interleaved>} : vector<32xbf16> -> vector<16xf32>
          %unpack3A_314 = tpu.unpack_subelements %bitcast3A_312, 1 {pack_format = #tpu.pack_format<interleaved>} : vector<32xbf16> -> vector<16xf32>
          %get3A_315 = arith.index_cast %scan3A_241 : i32 to index
          %get3A_316 = arith.constant 16 : index
          %get3A_317 = tpu.vector_load %arg14[%get3A_315, %get3A_316] {strides = array<i32>} : memref<48x384xi32, #tpu.memory_space<vmem>>, vector<16xi32>,
          %bitcast3A_318 = vector.bitcast %get3A_317 : vector<16xi32> to vector<32xbf16>
          %unpack3A_319 = tpu.unpack_subelements %bitcast3A_318, 0 {pack_format = #tpu.pack_format<interleaved>} : vector<32xbf16> -> vector<16xf32>
          %unpack3A_320 = tpu.unpack_subelements %bitcast3A_318, 1 {pack_format = #tpu.pack_format<interleaved>} : vector<32xbf16> -> vector<16xf32>
          %get3A_321 = arith.index_cast %scan3A_241 : i32 to index
          %get3A_322 = arith.constant 208 : index
          %get3A_323 = tpu.vector_load %arg14[%get3A_321, %get3A_322] {strides = array<i32>} : memref<48x384xi32, #tpu.memory_space<vmem>>, vector<16xi32>,
          %bitcast3A_324 = vector.bitcast %get3A_323 : vector<16xi32> to vector<32xbf16>
          %unpack3A_325 = tpu.unpack_subelements %bitcast3A_324, 0 {pack_format = #tpu.pack_format<interleaved>} : vector<32xbf16> -> vector<16xf32>
          %unpack3A_326 = tpu.unpack_subelements %bitcast3A_324, 1 {pack_format = #tpu.pack_format<interleaved>} : vector<32xbf16> -> vector<16xf32>
          %add3A_327 = arith.addf %unpack3A_307, %unpack3A_313 : vector<16xf32>
          %add3A_328 = arith.addf %add3A_327, %unpack3A_319 : vector<16xf32>
          %add3A_329 = arith.addf %unpack3A_308, %unpack3A_314 : vector<16xf32>
          %add3A_330 = arith.addf %add3A_329, %unpack3A_320 : vector<16xf32>
          %neg3A_331 = arith.constant 0.000000e+00 : f32
          %neg3A_332 = vector.broadcast %neg3A_331 : f32 to vector<16xf32>
          %neg3A_333 = arith.subf %neg3A_332, %add3A_328 : vector<16xf32>
          %exp3A_334 = math.exp %neg3A_333 : vector<16xf32>
          %add3A_335 = arith.constant 1.000000e+00 : f32
          %add3A_336 = vector.broadcast %add3A_335 : f32 to vector<16xf32>
          %add3A_337 = arith.addf %add3A_336, %exp3A_334 : vector<16xf32>
          %div3A_338 = arith.divf %add3A_328, %add3A_337 : vector<16xf32>
          %mul3A_339 = arith.mulf %div3A_338, %unpack3A_325 : vector<16xf32>
          %neg3A_340 = arith.constant 0.000000e+00 : f32
          %neg3A_341 = vector.broadcast %neg3A_340 : f32 to vector<16xf32>
          %neg3A_342 = arith.subf %neg3A_341, %add3A_330 : vector<16xf32>
          %exp3A_343 = math.exp %neg3A_342 : vector<16xf32>
          %add3A_344 = arith.constant 1.000000e+00 : f32
          %add3A_345 = vector.broadcast %add3A_344 : f32 to vector<16xf32>
          %add3A_346 = arith.addf %add3A_345, %exp3A_343 : vector<16xf32>
          %div3A_347 = arith.divf %add3A_330, %add3A_346 : vector<16xf32>
          %mul3A_348 = arith.mulf %div3A_347, %unpack3A_326 : vector<16xf32>
          %add3A_349 = arith.constant 16 : i32
          %add3A_350 = arith.addi %mul3A_250, %add3A_349 : i32
          %swap3A_351 = arith.index_cast %add3A_350 : i32 to index
          %swap3A_352 = tpu.vector_load %arg15[%swap3A_351] {strides = array<i32>} : memref<82176xf32, #tpu.memory_space<vmem>>, vector<16xf32>,
          tpu.vector_store %arg15[%swap3A_351], %mul3A_339 {add = true, strides = array<i32>} : memref<82176xf32, #tpu.memory_space<vmem>>, vector<16xf32>,
          %add3A_353 = arith.constant 16 : i32
          %add3A_354 = arith.addi %mul3A_250, %add3A_353 : i32
          %add3A_355 = arith.constant 64 : i32
          %add3A_356 = arith.addi %add3A_354, %add3A_355 : i32
          %swap3A_357 = arith.index_cast %add3A_356 : i32 to index
          %swap3A_358 = tpu.vector_load %arg15[%swap3A_357] {strides = array<i32>} : memref<82176xf32, #tpu.memory_space<vmem>>, vector<16xf32>,
          tpu.vector_store %arg15[%swap3A_357], %mul3A_348 {add = true, strides = array<i32>} : memref<82176xf32, #tpu.memory_space<vmem>>, vector<16xf32>,
          %get3A_359 = arith.index_cast %scan3A_241 : i32 to index
          %get3A_360 = arith.constant 32 : index
          %get3A_361 = tpu.vector_load %arg12[%get3A_359, %get3A_360] {strides = array<i32>} : memref<48x256xi32, #tpu.memory_space<vmem>>, vector<16xi32>,
          %bitcast3A_362 = vector.bitcast %get3A_361 : vector<16xi32> to vector<32xbf16>
          %unpack3A_363 = tpu.unpack_subelements %bitcast3A_362, 0 {pack_format = #tpu.pack_format<interleaved>} : vector<32xbf16> -> vector<16xf32>
          %unpack3A_364 = tpu.unpack_subelements %bitcast3A_362, 1 {pack_format = #tpu.pack_format<interleaved>} : vector<32xbf16> -> vector<16xf32>
          %get3A_365 = arith.index_cast %scan3A_241 : i32 to index
          %get3A_366 = arith.constant 32 : index
          %get3A_367 = tpu.vector_load %arg13[%get3A_365, %get3A_366] {strides = array<i32>} : memref<48x256xi32, #tpu.memory_space<vmem>>, vector<16xi32>,
          %bitcast3A_368 = vector.bitcast %get3A_367 : vector<16xi32> to vector<32xbf16>
          %unpack3A_369 = tpu.unpack_subelements %bitcast3A_368, 0 {pack_format = #tpu.pack_format<interleaved>} : vector<32xbf16> -> vector<16xf32>
          %unpack3A_370 = tpu.unpack_subelements %bitcast3A_368, 1 {pack_format = #tpu.pack_format<interleaved>} : vector<32xbf16> -> vector<16xf32>
          %get3A_371 = arith.index_cast %scan3A_241 : i32 to index
          %get3A_372 = arith.constant 32 : index
          %get3A_373 = tpu.vector_load %arg14[%get3A_371, %get3A_372] {strides = array<i32>} : memref<48x384xi32, #tpu.memory_space<vmem>>, vector<16xi32>,
          %bitcast3A_374 = vector.bitcast %get3A_373 : vector<16xi32> to vector<32xbf16>
          %unpack3A_375 = tpu.unpack_subelements %bitcast3A_374, 0 {pack_format = #tpu.pack_format<interleaved>} : vector<32xbf16> -> vector<16xf32>
          %unpack3A_376 = tpu.unpack_subelements %bitcast3A_374, 1 {pack_format = #tpu.pack_format<interleaved>} : vector<32xbf16> -> vector<16xf32>
          %get3A_377 = arith.index_cast %scan3A_241 : i32 to index
          %get3A_378 = arith.constant 224 : index
          %get3A_379 = tpu.vector_load %arg14[%get3A_377, %get3A_378] {strides = array<i32>} : memref<48x384xi32, #tpu.memory_space<vmem>>, vector<16xi32>,
          %bitcast3A_380 = vector.bitcast %get3A_379 : vector<16xi32> to vector<32xbf16>
          %unpack3A_381 = tpu.unpack_subelements %bitcast3A_380, 0 {pack_format = #tpu.pack_format<interleaved>} : vector<32xbf16> -> vector<16xf32>
          %unpack3A_382 = tpu.unpack_subelements %bitcast3A_380, 1 {pack_format = #tpu.pack_format<interleaved>} : vector<32xbf16> -> vector<16xf32>
          %add3A_383 = arith.addf %unpack3A_363, %unpack3A_369 : vector<16xf32>
          %add3A_384 = arith.addf %add3A_383, %unpack3A_375 : vector<16xf32>
          %add3A_385 = arith.addf %unpack3A_364, %unpack3A_370 : vector<16xf32>
          %add3A_386 = arith.addf %add3A_385, %unpack3A_376 : vector<16xf32>
          %neg3A_387 = arith.constant 0.000000e+00 : f32
          %neg3A_388 = vector.broadcast %neg3A_387 : f32 to vector<16xf32>
          %neg3A_389 = arith.subf %neg3A_388, %add3A_384 : vector<16xf32>
          %exp3A_390 = math.exp %neg3A_389 : vector<16xf32>
          %add3A_391 = arith.constant 1.000000e+00 : f32
          %add3A_392 = vector.broadcast %add3A_391 : f32 to vector<16xf32>
          %add3A_393 = arith.addf %add3A_392, %exp3A_390 : vector<16xf32>
          %div3A_394 = arith.divf %add3A_384, %add3A_393 : vector<16xf32>
          %mul3A_395 = arith.mulf %div3A_394, %unpack3A_381 : vector<16xf32>
          %neg3A_396 = arith.constant 0.000000e+00 : f32
          %neg3A_397 = vector.broadcast %neg3A_396 : f32 to vector<16xf32>
          %neg3A_398 = arith.subf %neg3A_397, %add3A_386 : vector<16xf32>
          %exp3A_399 = math.exp %neg3A_398 : vector<16xf32>
          %add3A_400 = arith.constant 1.000000e+00 : f32
          %add3A_401 = vector.broadcast %add3A_400 : f32 to vector<16xf32>
          %add3A_402 = arith.addf %add3A_401, %exp3A_399 : vector<16xf32>
          %div3A_403 = arith.divf %add3A_386, %add3A_402 : vector<16xf32>
          %mul3A_404 = arith.mulf %div3A_403, %unpack3A_382 : vector<16xf32>
          %add3A_405 = arith.constant 32 : i32
          %add3A_406 = arith.addi %mul3A_250, %add3A_405 : i32
          %swap3A_407 = arith.index_cast %add3A_406 : i32 to index
          %swap3A_408 = tpu.vector_load %arg15[%swap3A_407] {strides = array<i32>} : memref<82176xf32, #tpu.memory_space<vmem>>, vector<16xf32>,
          tpu.vector_store %arg15[%swap3A_407], %mul3A_395 {add = true, strides = array<i32>} : memref<82176xf32, #tpu.memory_space<vmem>>, vector<16xf32>,
          %add3A_409 = arith.constant 32 : i32
          %add3A_410 = arith.addi %mul3A_250, %add3A_409 : i32
          %add3A_411 = arith.constant 64 : i32
          %add3A_412 = arith.addi %add3A_410, %add3A_411 : i32
          %swap3A_413 = arith.index_cast %add3A_412 : i32 to index
          %swap3A_414 = tpu.vector_load %arg15[%swap3A_413] {strides = array<i32>} : memref<82176xf32, #tpu.memory_space<vmem>>, vector<16xf32>,
          tpu.vector_store %arg15[%swap3A_413], %mul3A_404 {add = true, strides = array<i32>} : memref<82176xf32, #tpu.memory_space<vmem>>, vector<16xf32>,
          %get3A_415 = arith.index_cast %scan3A_241 : i32 to index
          %get3A_416 = arith.constant 48 : index
          %get3A_417 = tpu.vector_load %arg12[%get3A_415, %get3A_416] {strides = array<i32>} : memref<48x256xi32, #tpu.memory_space<vmem>>, vector<16xi32>,
          %bitcast3A_418 = vector.bitcast %get3A_417 : vector<16xi32> to vector<32xbf16>
          %unpack3A_419 = tpu.unpack_subelements %bitcast3A_418, 0 {pack_format = #tpu.pack_format<interleaved>} : vector<32xbf16> -> vector<16xf32>
          %unpack3A_420 = tpu.unpack_subelements %bitcast3A_418, 1 {pack_format = #tpu.pack_format<interleaved>} : vector<32xbf16> -> vector<16xf32>
          %get3A_421 = arith.index_cast %scan3A_241 : i32 to index
          %get3A_422 = arith.constant 48 : index
          %get3A_423 = tpu.vector_load %arg13[%get3A_421, %get3A_422] {strides = array<i32>} : memref<48x256xi32, #tpu.memory_space<vmem>>, vector<16xi32>,
          %bitcast3A_424 = vector.bitcast %get3A_423 : vector<16xi32> to vector<32xbf16>
          %unpack3A_425 = tpu.unpack_subelements %bitcast3A_424, 0 {pack_format = #tpu.pack_format<interleaved>} : vector<32xbf16> -> vector<16xf32>
          %unpack3A_426 = tpu.unpack_subelements %bitcast3A_424, 1 {pack_format = #tpu.pack_format<interleaved>} : vector<32xbf16> -> vector<16xf32>
          %get3A_427 = arith.index_cast %scan3A_241 : i32 to index
          %get3A_428 = arith.constant 48 : index
          %get3A_429 = tpu.vector_load %arg14[%get3A_427, %get3A_428] {strides = array<i32>} : memref<48x384xi32, #tpu.memory_space<vmem>>, vector<16xi32>,
          %bitcast3A_430 = vector.bitcast %get3A_429 : vector<16xi32> to vector<32xbf16>
          %unpack3A_431 = tpu.unpack_subelements %bitcast3A_430, 0 {pack_format = #tpu.pack_format<interleaved>} : vector<32xbf16> -> vector<16xf32>
          %unpack3A_432 = tpu.unpack_subelements %bitcast3A_430, 1 {pack_format = #tpu.pack_format<interleaved>} : vector<32xbf16> -> vector<16xf32>
          %get3A_433 = arith.index_cast %scan3A_241 : i32 to index
          %get3A_434 = arith.constant 240 : index
          %get3A_435 = tpu.vector_load %arg14[%get3A_433, %get3A_434] {strides = array<i32>} : memref<48x384xi32, #tpu.memory_space<vmem>>, vector<16xi32>,
          %bitcast3A_436 = vector.bitcast %get3A_435 : vector<16xi32> to vector<32xbf16>
          %unpack3A_437 = tpu.unpack_subelements %bitcast3A_436, 0 {pack_format = #tpu.pack_format<interleaved>} : vector<32xbf16> -> vector<16xf32>
          %unpack3A_438 = tpu.unpack_subelements %bitcast3A_436, 1 {pack_format = #tpu.pack_format<interleaved>} : vector<32xbf16> -> vector<16xf32>
          %add3A_439 = arith.addf %unpack3A_419, %unpack3A_425 : vector<16xf32>
          %add3A_440 = arith.addf %add3A_439, %unpack3A_431 : vector<16xf32>
          %add3A_441 = arith.addf %unpack3A_420, %unpack3A_426 : vector<16xf32>
          %add3A_442 = arith.addf %add3A_441, %unpack3A_432 : vector<16xf32>
          %neg3A_443 = arith.constant 0.000000e+00 : f32
          %neg3A_444 = vector.broadcast %neg3A_443 : f32 to vector<16xf32>
          %neg3A_445 = arith.subf %neg3A_444, %add3A_440 : vector<16xf32>
          %exp3A_446 = math.exp %neg3A_445 : vector<16xf32>
          %add3A_447 = arith.constant 1.000000e+00 : f32
          %add3A_448 = vector.broadcast %add3A_447 : f32 to vector<16xf32>
          %add3A_449 = arith.addf %add3A_448, %exp3A_446 : vector<16xf32>
          %div3A_450 = arith.divf %add3A_440, %add3A_449 : vector<16xf32>
          %mul3A_451 = arith.mulf %div3A_450, %unpack3A_437 : vector<16xf32>
          %neg3A_452 = arith.constant 0.000000e+00 : f32
          %neg3A_453 = vector.broadcast %neg3A_452 : f32 to vector<16xf32>
          %neg3A_454 = arith.subf %neg3A_453, %add3A_442 : vector<16xf32>
          %exp3A_455 = math.exp %neg3A_454 : vector<16xf32>
          %add3A_456 = arith.constant 1.000000e+00 : f32
          %add3A_457 = vector.broadcast %add3A_456 : f32 to vector<16xf32>
          %add3A_458 = arith.addf %add3A_457, %exp3A_455 : vector<16xf32>
          %div3A_459 = arith.divf %add3A_442, %add3A_458 : vector<16xf32>
          %mul3A_460 = arith.mulf %div3A_459, %unpack3A_438 : vector<16xf32>
          %add3A_461 = arith.constant 48 : i32
          %add3A_462 = arith.addi %mul3A_250, %add3A_461 : i32
          %swap3A_463 = arith.index_cast %add3A_462 : i32 to index
          %swap3A_464 = tpu.vector_load %arg15[%swap3A_463] {strides = array<i32>} : memref<82176xf32, #tpu.memory_space<vmem>>, vector<16xf32>,
          tpu.vector_store %arg15[%swap3A_463], %mul3A_451 {add = true, strides = array<i32>} : memref<82176xf32, #tpu.memory_space<vmem>>, vector<16xf32>,
          %add3A_465 = arith.constant 48 : i32
          %add3A_466 = arith.addi %mul3A_250, %add3A_465 : i32
          %add3A_467 = arith.constant 64 : i32
          %add3A_468 = arith.addi %add3A_466, %add3A_467 : i32
          %swap3A_469 = arith.index_cast %add3A_468 : i32 to index
          %swap3A_470 = tpu.vector_load %arg15[%swap3A_469] {strides = array<i32>} : memref<82176xf32, #tpu.memory_space<vmem>>, vector<16xf32>,
          tpu.vector_store %arg15[%swap3A_469], %mul3A_460 {add = true, strides = array<i32>} : memref<82176xf32, #tpu.memory_space<vmem>>, vector<16xf32>,
          %get3A_471 = arith.index_cast %scan3A_241 : i32 to index
          %get3A_472 = arith.constant 64 : index
          %get3A_473 = tpu.vector_load %arg12[%get3A_471, %get3A_472] {strides = array<i32>} : memref<48x256xi32, #tpu.memory_space<vmem>>, vector<16xi32>,
          %bitcast3A_474 = vector.bitcast %get3A_473 : vector<16xi32> to vector<32xbf16>
          %unpack3A_475 = tpu.unpack_subelements %bitcast3A_474, 0 {pack_format = #tpu.pack_format<interleaved>} : vector<32xbf16> -> vector<16xf32>
          %unpack3A_476 = tpu.unpack_subelements %bitcast3A_474, 1 {pack_format = #tpu.pack_format<interleaved>} : vector<32xbf16> -> vector<16xf32>
          %get3A_477 = arith.index_cast %scan3A_241 : i32 to index
          %get3A_478 = arith.constant 64 : index
          %get3A_479 = tpu.vector_load %arg13[%get3A_477, %get3A_478] {strides = array<i32>} : memref<48x256xi32, #tpu.memory_space<vmem>>, vector<16xi32>,
          %bitcast3A_480 = vector.bitcast %get3A_479 : vector<16xi32> to vector<32xbf16>
          %unpack3A_481 = tpu.unpack_subelements %bitcast3A_480, 0 {pack_format = #tpu.pack_format<interleaved>} : vector<32xbf16> -> vector<16xf32>
          %unpack3A_482 = tpu.unpack_subelements %bitcast3A_480, 1 {pack_format = #tpu.pack_format<interleaved>} : vector<32xbf16> -> vector<16xf32>
          %get3A_483 = arith.index_cast %scan3A_241 : i32 to index
          %get3A_484 = arith.constant 64 : index
          %get3A_485 = tpu.vector_load %arg14[%get3A_483, %get3A_484] {strides = array<i32>} : memref<48x384xi32, #tpu.memory_space<vmem>>, vector<16xi32>,
          %bitcast3A_486 = vector.bitcast %get3A_485 : vector<16xi32> to vector<32xbf16>
          %unpack3A_487 = tpu.unpack_subelements %bitcast3A_486, 0 {pack_format = #tpu.pack_format<interleaved>} : vector<32xbf16> -> vector<16xf32>
          %unpack3A_488 = tpu.unpack_subelements %bitcast3A_486, 1 {pack_format = #tpu.pack_format<interleaved>} : vector<32xbf16> -> vector<16xf32>
          %get3A_489 = arith.index_cast %scan3A_241 : i32 to index
          %get3A_490 = arith.constant 128 : index
          %get3A_491 = tpu.vector_load %arg12[%get3A_489, %get3A_490] {strides = array<i32>} : memref<48x256xi32, #tpu.memory_space<vmem>>, vector<16xi32>,
          %bitcast3A_492 = vector.bitcast %get3A_491 : vector<16xi32> to vector<32xbf16>
          %unpack3A_493 = tpu.unpack_subelements %bitcast3A_492, 0 {pack_format = #tpu.pack_format<interleaved>} : vector<32xbf16> -> vector<16xf32>
          %unpack3A_494 = tpu.unpack_subelements %bitcast3A_492, 1 {pack_format = #tpu.pack_format<interleaved>} : vector<32xbf16> -> vector<16xf32>
          %get3A_495 = arith.index_cast %scan3A_241 : i32 to index
          %get3A_496 = arith.constant 128 : index
          %get3A_497 = tpu.vector_load %arg13[%get3A_495, %get3A_496] {strides = array<i32>} : memref<48x256xi32, #tpu.memory_space<vmem>>, vector<16xi32>,
          %bitcast3A_498 = vector.bitcast %get3A_497 : vector<16xi32> to vector<32xbf16>
          %unpack3A_499 = tpu.unpack_subelements %bitcast3A_498, 0 {pack_format = #tpu.pack_format<interleaved>} : vector<32xbf16> -> vector<16xf32>
          %unpack3A_500 = tpu.unpack_subelements %bitcast3A_498, 1 {pack_format = #tpu.pack_format<interleaved>} : vector<32xbf16> -> vector<16xf32>
          %get3A_501 = arith.index_cast %scan3A_241 : i32 to index
          %get3A_502 = arith.constant 128 : index
          %get3A_503 = tpu.vector_load %arg14[%get3A_501, %get3A_502] {strides = array<i32>} : memref<48x384xi32, #tpu.memory_space<vmem>>, vector<16xi32>,
          %bitcast3A_504 = vector.bitcast %get3A_503 : vector<16xi32> to vector<32xbf16>
          %unpack3A_505 = tpu.unpack_subelements %bitcast3A_504, 0 {pack_format = #tpu.pack_format<interleaved>} : vector<32xbf16> -> vector<16xf32>
          %unpack3A_506 = tpu.unpack_subelements %bitcast3A_504, 1 {pack_format = #tpu.pack_format<interleaved>} : vector<32xbf16> -> vector<16xf32>
          %get3A_507 = arith.index_cast %scan3A_241 : i32 to index
          %get3A_508 = arith.constant 256 : index
          %get3A_509 = tpu.vector_load %arg14[%get3A_507, %get3A_508] {strides = array<i32>} : memref<48x384xi32, #tpu.memory_space<vmem>>, vector<16xi32>,
          %bitcast3A_510 = vector.bitcast %get3A_509 : vector<16xi32> to vector<32xbf16>
          %unpack3A_511 = tpu.unpack_subelements %bitcast3A_510, 0 {pack_format = #tpu.pack_format<interleaved>} : vector<32xbf16> -> vector<16xf32>
          %unpack3A_512 = tpu.unpack_subelements %bitcast3A_510, 1 {pack_format = #tpu.pack_format<interleaved>} : vector<32xbf16> -> vector<16xf32>
          %add3A_513 = arith.addf %unpack3A_475, %unpack3A_481 : vector<16xf32>
          %add3A_514 = arith.addf %add3A_513, %unpack3A_487 : vector<16xf32>
          %add3A_515 = arith.addf %unpack3A_476, %unpack3A_482 : vector<16xf32>
          %add3A_516 = arith.addf %add3A_515, %unpack3A_488 : vector<16xf32>
          %add3A_517 = arith.addf %unpack3A_493, %unpack3A_499 : vector<16xf32>
          %add3A_518 = arith.addf %add3A_517, %unpack3A_505 : vector<16xf32>
          %add3A_519 = arith.addf %unpack3A_494, %unpack3A_500 : vector<16xf32>
          %add3A_520 = arith.addf %add3A_519, %unpack3A_506 : vector<16xf32>
          %mul3A_521 = arith.mulf %add3A_518, %unpack3A_511 : vector<16xf32>
          %neg3A_522 = arith.constant 0.000000e+00 : f32
          %neg3A_523 = vector.broadcast %neg3A_522 : f32 to vector<16xf32>
          %neg3A_524 = arith.subf %neg3A_523, %add3A_514 : vector<16xf32>
          %exp3A_525 = math.exp %neg3A_524 : vector<16xf32>
          %add3A_526 = arith.constant 1.000000e+00 : f32
          %add3A_527 = vector.broadcast %add3A_526 : f32 to vector<16xf32>
          %add3A_528 = arith.addf %add3A_527, %exp3A_525 : vector<16xf32>
          %div3A_529 = arith.divf %mul3A_521, %add3A_528 : vector<16xf32>
          %mul3A_530 = arith.mulf %add3A_520, %unpack3A_512 : vector<16xf32>
          %neg3A_531 = arith.constant 0.000000e+00 : f32
          %neg3A_532 = vector.broadcast %neg3A_531 : f32 to vector<16xf32>
          %neg3A_533 = arith.subf %neg3A_532, %add3A_516 : vector<16xf32>
          %exp3A_534 = math.exp %neg3A_533 : vector<16xf32>
          %add3A_535 = arith.constant 1.000000e+00 : f32
          %add3A_536 = vector.broadcast %add3A_535 : f32 to vector<16xf32>
          %add3A_537 = arith.addf %add3A_536, %exp3A_534 : vector<16xf32>
          %div3A_538 = arith.divf %mul3A_530, %add3A_537 : vector<16xf32>
          %add3A_539 = arith.constant 128 : i32
          %add3A_540 = arith.addi %mul3A_250, %add3A_539 : i32
          %add3A_541 = arith.constant 0 : i32
          %add3A_542 = arith.addi %add3A_540, %add3A_541 : i32
          %swap3A_543 = arith.index_cast %add3A_542 : i32 to index
          %swap3A_544 = tpu.vector_load %arg15[%swap3A_543] {strides = array<i32>} : memref<82176xf32, #tpu.memory_space<vmem>>, vector<16xf32>,
          tpu.vector_store %arg15[%swap3A_543], %div3A_529 {add = true, strides = array<i32>} : memref<82176xf32, #tpu.memory_space<vmem>>, vector<16xf32>,
          %add3A_545 = arith.constant 128 : i32
          %add3A_546 = arith.addi %mul3A_250, %add3A_545 : i32
          %add3A_547 = arith.constant 0 : i32
          %add3A_548 = arith.addi %add3A_546, %add3A_547 : i32
          %add3A_549 = arith.constant 64 : i32
          %add3A_550 = arith.addi %add3A_548, %add3A_549 : i32
          %swap3A_551 = arith.index_cast %add3A_550 : i32 to index
          %swap3A_552 = tpu.vector_load %arg15[%swap3A_551] {strides = array<i32>} : memref<82176xf32, #tpu.memory_space<vmem>>, vector<16xf32>,
          tpu.vector_store %arg15[%swap3A_551], %div3A_538 {add = true, strides = array<i32>} : memref<82176xf32, #tpu.memory_space<vmem>>, vector<16xf32>,
          %get3A_553 = arith.index_cast %scan3A_241 : i32 to index
          %get3A_554 = arith.constant 80 : index
          %get3A_555 = tpu.vector_load %arg12[%get3A_553, %get3A_554] {strides = array<i32>} : memref<48x256xi32, #tpu.memory_space<vmem>>, vector<16xi32>,
          %bitcast3A_556 = vector.bitcast %get3A_555 : vector<16xi32> to vector<32xbf16>
          %unpack3A_557 = tpu.unpack_subelements %bitcast3A_556, 0 {pack_format = #tpu.pack_format<interleaved>} : vector<32xbf16> -> vector<16xf32>
          %unpack3A_558 = tpu.unpack_subelements %bitcast3A_556, 1 {pack_format = #tpu.pack_format<interleaved>} : vector<32xbf16> -> vector<16xf32>
          %get3A_559 = arith.index_cast %scan3A_241 : i32 to index
          %get3A_560 = arith.constant 80 : index
          %get3A_561 = tpu.vector_load %arg13[%get3A_559, %get3A_560] {strides = array<i32>} : memref<48x256xi32, #tpu.memory_space<vmem>>, vector<16xi32>,
          %bitcast3A_562 = vector.bitcast %get3A_561 : vector<16xi32> to vector<32xbf16>
          %unpack3A_563 = tpu.unpack_subelements %bitcast3A_562, 0 {pack_format = #tpu.pack_format<interleaved>} : vector<32xbf16> -> vector<16xf32>
          %unpack3A_564 = tpu.unpack_subelements %bitcast3A_562, 1 {pack_format = #tpu.pack_format<interleaved>} : vector<32xbf16> -> vector<16xf32>
          %get3A_565 = arith.index_cast %scan3A_241 : i32 to index
          %get3A_566 = arith.constant 80 : index
          %get3A_567 = tpu.vector_load %arg14[%get3A_565, %get3A_566] {strides = array<i32>} : memref<48x384xi32, #tpu.memory_space<vmem>>, vector<16xi32>,
          %bitcast3A_568 = vector.bitcast %get3A_567 : vector<16xi32> to vector<32xbf16>
          %unpack3A_569 = tpu.unpack_subelements %bitcast3A_568, 0 {pack_format = #tpu.pack_format<interleaved>} : vector<32xbf16> -> vector<16xf32>
          %unpack3A_570 = tpu.unpack_subelements %bitcast3A_568, 1 {pack_format = #tpu.pack_format<interleaved>} : vector<32xbf16> -> vector<16xf32>
          %get3A_571 = arith.index_cast %scan3A_241 : i32 to index
          %get3A_572 = arith.constant 144 : index
          %get3A_573 = tpu.vector_load %arg12[%get3A_571, %get3A_572] {strides = array<i32>} : memref<48x256xi32, #tpu.memory_space<vmem>>, vector<16xi32>,
          %bitcast3A_574 = vector.bitcast %get3A_573 : vector<16xi32> to vector<32xbf16>
          %unpack3A_575 = tpu.unpack_subelements %bitcast3A_574, 0 {pack_format = #tpu.pack_format<interleaved>} : vector<32xbf16> -> vector<16xf32>
          %unpack3A_576 = tpu.unpack_subelements %bitcast3A_574, 1 {pack_format = #tpu.pack_format<interleaved>} : vector<32xbf16> -> vector<16xf32>
          %get3A_577 = arith.index_cast %scan3A_241 : i32 to index
          %get3A_578 = arith.constant 144 : index
          %get3A_579 = tpu.vector_load %arg13[%get3A_577, %get3A_578] {strides = array<i32>} : memref<48x256xi32, #tpu.memory_space<vmem>>, vector<16xi32>,
          %bitcast3A_580 = vector.bitcast %get3A_579 : vector<16xi32> to vector<32xbf16>
          %unpack3A_581 = tpu.unpack_subelements %bitcast3A_580, 0 {pack_format = #tpu.pack_format<interleaved>} : vector<32xbf16> -> vector<16xf32>
          %unpack3A_582 = tpu.unpack_subelements %bitcast3A_580, 1 {pack_format = #tpu.pack_format<interleaved>} : vector<32xbf16> -> vector<16xf32>
          %get3A_583 = arith.index_cast %scan3A_241 : i32 to index
          %get3A_584 = arith.constant 144 : index
          %get3A_585 = tpu.vector_load %arg14[%get3A_583, %get3A_584] {strides = array<i32>} : memref<48x384xi32, #tpu.memory_space<vmem>>, vector<16xi32>,
          %bitcast3A_586 = vector.bitcast %get3A_585 : vector<16xi32> to vector<32xbf16>
          %unpack3A_587 = tpu.unpack_subelements %bitcast3A_586, 0 {pack_format = #tpu.pack_format<interleaved>} : vector<32xbf16> -> vector<16xf32>
          %unpack3A_588 = tpu.unpack_subelements %bitcast3A_586, 1 {pack_format = #tpu.pack_format<interleaved>} : vector<32xbf16> -> vector<16xf32>
          %get3A_589 = arith.index_cast %scan3A_241 : i32 to index
          %get3A_590 = arith.constant 272 : index
          %get3A_591 = tpu.vector_load %arg14[%get3A_589, %get3A_590] {strides = array<i32>} : memref<48x384xi32, #tpu.memory_space<vmem>>, vector<16xi32>,
          %bitcast3A_592 = vector.bitcast %get3A_591 : vector<16xi32> to vector<32xbf16>
          %unpack3A_593 = tpu.unpack_subelements %bitcast3A_592, 0 {pack_format = #tpu.pack_format<interleaved>} : vector<32xbf16> -> vector<16xf32>
          %unpack3A_594 = tpu.unpack_subelements %bitcast3A_592, 1 {pack_format = #tpu.pack_format<interleaved>} : vector<32xbf16> -> vector<16xf32>
          %add3A_595 = arith.addf %unpack3A_557, %unpack3A_563 : vector<16xf32>
          %add3A_596 = arith.addf %add3A_595, %unpack3A_569 : vector<16xf32>
          %add3A_597 = arith.addf %unpack3A_558, %unpack3A_564 : vector<16xf32>
          %add3A_598 = arith.addf %add3A_597, %unpack3A_570 : vector<16xf32>
          %add3A_599 = arith.addf %unpack3A_575, %unpack3A_581 : vector<16xf32>
          %add3A_600 = arith.addf %add3A_599, %unpack3A_587 : vector<16xf32>
          %add3A_601 = arith.addf %unpack3A_576, %unpack3A_582 : vector<16xf32>
          %add3A_602 = arith.addf %add3A_601, %unpack3A_588 : vector<16xf32>
          %mul3A_603 = arith.mulf %add3A_600, %unpack3A_593 : vector<16xf32>
          %neg3A_604 = arith.constant 0.000000e+00 : f32
          %neg3A_605 = vector.broadcast %neg3A_604 : f32 to vector<16xf32>
          %neg3A_606 = arith.subf %neg3A_605, %add3A_596 : vector<16xf32>
          %exp3A_607 = math.exp %neg3A_606 : vector<16xf32>
          %add3A_608 = arith.constant 1.000000e+00 : f32
          %add3A_609 = vector.broadcast %add3A_608 : f32 to vector<16xf32>
          %add3A_610 = arith.addf %add3A_609, %exp3A_607 : vector<16xf32>
          %div3A_611 = arith.divf %mul3A_603, %add3A_610 : vector<16xf32>
          %mul3A_612 = arith.mulf %add3A_602, %unpack3A_594 : vector<16xf32>
          %neg3A_613 = arith.constant 0.000000e+00 : f32
          %neg3A_614 = vector.broadcast %neg3A_613 : f32 to vector<16xf32>
          %neg3A_615 = arith.subf %neg3A_614, %add3A_598 : vector<16xf32>
          %exp3A_616 = math.exp %neg3A_615 : vector<16xf32>
          %add3A_617 = arith.constant 1.000000e+00 : f32
          %add3A_618 = vector.broadcast %add3A_617 : f32 to vector<16xf32>
          %add3A_619 = arith.addf %add3A_618, %exp3A_616 : vector<16xf32>
          %div3A_620 = arith.divf %mul3A_612, %add3A_619 : vector<16xf32>
          %add3A_621 = arith.constant 128 : i32
          %add3A_622 = arith.addi %mul3A_250, %add3A_621 : i32
          %add3A_623 = arith.constant 16 : i32
          %add3A_624 = arith.addi %add3A_622, %add3A_623 : i32
          %swap3A_625 = arith.index_cast %add3A_624 : i32 to index
          %swap3A_626 = tpu.vector_load %arg15[%swap3A_625] {strides = array<i32>} : memref<82176xf32, #tpu.memory_space<vmem>>, vector<16xf32>,
          tpu.vector_store %arg15[%swap3A_625], %div3A_611 {add = true, strides = array<i32>} : memref<82176xf32, #tpu.memory_space<vmem>>, vector<16xf32>,
          %add3A_627 = arith.constant 128 : i32
          %add3A_628 = arith.addi %mul3A_250, %add3A_627 : i32
          %add3A_629 = arith.constant 16 : i32
          %add3A_630 = arith.addi %add3A_628, %add3A_629 : i32
          %add3A_631 = arith.constant 64 : i32
          %add3A_632 = arith.addi %add3A_630, %add3A_631 : i32
          %swap3A_633 = arith.index_cast %add3A_632 : i32 to index
          %swap3A_634 = tpu.vector_load %arg15[%swap3A_633] {strides = array<i32>} : memref<82176xf32, #tpu.memory_space<vmem>>, vector<16xf32>,
          tpu.vector_store %arg15[%swap3A_633], %div3A_620 {add = true, strides = array<i32>} : memref<82176xf32, #tpu.memory_space<vmem>>, vector<16xf32>,
          %get3A_635 = arith.index_cast %scan3A_241 : i32 to index
          %get3A_636 = arith.constant 96 : index
          %get3A_637 = tpu.vector_load %arg12[%get3A_635, %get3A_636] {strides = array<i32>} : memref<48x256xi32, #tpu.memory_space<vmem>>, vector<16xi32>,
          %bitcast3A_638 = vector.bitcast %get3A_637 : vector<16xi32> to vector<32xbf16>
          %unpack3A_639 = tpu.unpack_subelements %bitcast3A_638, 0 {pack_format = #tpu.pack_format<interleaved>} : vector<32xbf16> -> vector<16xf32>
          %unpack3A_640 = tpu.unpack_subelements %bitcast3A_638, 1 {pack_format = #tpu.pack_format<interleaved>} : vector<32xbf16> -> vector<16xf32>
          %get3A_641 = arith.index_cast %scan3A_241 : i32 to index
          %get3A_642 = arith.constant 96 : index
          %get3A_643 = tpu.vector_load %arg13[%get3A_641, %get3A_642] {strides = array<i32>} : memref<48x256xi32, #tpu.memory_space<vmem>>, vector<16xi32>,
          %bitcast3A_644 = vector.bitcast %get3A_643 : vector<16xi32> to vector<32xbf16>
          %unpack3A_645 = tpu.unpack_subelements %bitcast3A_644, 0 {pack_format = #tpu.pack_format<interleaved>} : vector<32xbf16> -> vector<16xf32>
          %unpack3A_646 = tpu.unpack_subelements %bitcast3A_644, 1 {pack_format = #tpu.pack_format<interleaved>} : vector<32xbf16> -> vector<16xf32>
          %get3A_647 = arith.index_cast %scan3A_241 : i32 to index
          %get3A_648 = arith.constant 96 : index
          %get3A_649 = tpu.vector_load %arg14[%get3A_647, %get3A_648] {strides = array<i32>} : memref<48x384xi32, #tpu.memory_space<vmem>>, vector<16xi32>,
          %bitcast3A_650 = vector.bitcast %get3A_649 : vector<16xi32> to vector<32xbf16>
          %unpack3A_651 = tpu.unpack_subelements %bitcast3A_650, 0 {pack_format = #tpu.pack_format<interleaved>} : vector<32xbf16> -> vector<16xf32>
          %unpack3A_652 = tpu.unpack_subelements %bitcast3A_650, 1 {pack_format = #tpu.pack_format<interleaved>} : vector<32xbf16> -> vector<16xf32>
          %get3A_653 = arith.index_cast %scan3A_241 : i32 to index
          %get3A_654 = arith.constant 160 : index
          %get3A_655 = tpu.vector_load %arg12[%get3A_653, %get3A_654] {strides = array<i32>} : memref<48x256xi32, #tpu.memory_space<vmem>>, vector<16xi32>,
          %bitcast3A_656 = vector.bitcast %get3A_655 : vector<16xi32> to vector<32xbf16>
          %unpack3A_657 = tpu.unpack_subelements %bitcast3A_656, 0 {pack_format = #tpu.pack_format<interleaved>} : vector<32xbf16> -> vector<16xf32>
          %unpack3A_658 = tpu.unpack_subelements %bitcast3A_656, 1 {pack_format = #tpu.pack_format<interleaved>} : vector<32xbf16> -> vector<16xf32>
          %get3A_659 = arith.index_cast %scan3A_241 : i32 to index
          %get3A_660 = arith.constant 160 : index
          %get3A_661 = tpu.vector_load %arg13[%get3A_659, %get3A_660] {strides = array<i32>} : memref<48x256xi32, #tpu.memory_space<vmem>>, vector<16xi32>,
          %bitcast3A_662 = vector.bitcast %get3A_661 : vector<16xi32> to vector<32xbf16>
          %unpack3A_663 = tpu.unpack_subelements %bitcast3A_662, 0 {pack_format = #tpu.pack_format<interleaved>} : vector<32xbf16> -> vector<16xf32>
          %unpack3A_664 = tpu.unpack_subelements %bitcast3A_662, 1 {pack_format = #tpu.pack_format<interleaved>} : vector<32xbf16> -> vector<16xf32>
          %get3A_665 = arith.index_cast %scan3A_241 : i32 to index
          %get3A_666 = arith.constant 160 : index
          %get3A_667 = tpu.vector_load %arg14[%get3A_665, %get3A_666] {strides = array<i32>} : memref<48x384xi32, #tpu.memory_space<vmem>>, vector<16xi32>,
          %bitcast3A_668 = vector.bitcast %get3A_667 : vector<16xi32> to vector<32xbf16>
          %unpack3A_669 = tpu.unpack_subelements %bitcast3A_668, 0 {pack_format = #tpu.pack_format<interleaved>} : vector<32xbf16> -> vector<16xf32>
          %unpack3A_670 = tpu.unpack_subelements %bitcast3A_668, 1 {pack_format = #tpu.pack_format<interleaved>} : vector<32xbf16> -> vector<16xf32>
          %get3A_671 = arith.index_cast %scan3A_241 : i32 to index
          %get3A_672 = arith.constant 288 : index
          %get3A_673 = tpu.vector_load %arg14[%get3A_671, %get3A_672] {strides = array<i32>} : memref<48x384xi32, #tpu.memory_space<vmem>>, vector<16xi32>,
          %bitcast3A_674 = vector.bitcast %get3A_673 : vector<16xi32> to vector<32xbf16>
          %unpack3A_675 = tpu.unpack_subelements %bitcast3A_674, 0 {pack_format = #tpu.pack_format<interleaved>} : vector<32xbf16> -> vector<16xf32>
          %unpack3A_676 = tpu.unpack_subelements %bitcast3A_674, 1 {pack_format = #tpu.pack_format<interleaved>} : vector<32xbf16> -> vector<16xf32>
          %add3A_677 = arith.addf %unpack3A_639, %unpack3A_645 : vector<16xf32>
          %add3A_678 = arith.addf %add3A_677, %unpack3A_651 : vector<16xf32>
          %add3A_679 = arith.addf %unpack3A_640, %unpack3A_646 : vector<16xf32>
          %add3A_680 = arith.addf %add3A_679, %unpack3A_652 : vector<16xf32>
          %add3A_681 = arith.addf %unpack3A_657, %unpack3A_663 : vector<16xf32>
          %add3A_682 = arith.addf %add3A_681, %unpack3A_669 : vector<16xf32>
          %add3A_683 = arith.addf %unpack3A_658, %unpack3A_664 : vector<16xf32>
          %add3A_684 = arith.addf %add3A_683, %unpack3A_670 : vector<16xf32>
          %mul3A_685 = arith.mulf %add3A_682, %unpack3A_675 : vector<16xf32>
          %neg3A_686 = arith.constant 0.000000e+00 : f32
          %neg3A_687 = vector.broadcast %neg3A_686 : f32 to vector<16xf32>
          %neg3A_688 = arith.subf %neg3A_687, %add3A_678 : vector<16xf32>
          %exp3A_689 = math.exp %neg3A_688 : vector<16xf32>
          %add3A_690 = arith.constant 1.000000e+00 : f32
          %add3A_691 = vector.broadcast %add3A_690 : f32 to vector<16xf32>
          %add3A_692 = arith.addf %add3A_691, %exp3A_689 : vector<16xf32>
          %div3A_693 = arith.divf %mul3A_685, %add3A_692 : vector<16xf32>
          %mul3A_694 = arith.mulf %add3A_684, %unpack3A_676 : vector<16xf32>
          %neg3A_695 = arith.constant 0.000000e+00 : f32
          %neg3A_696 = vector.broadcast %neg3A_695 : f32 to vector<16xf32>
          %neg3A_697 = arith.subf %neg3A_696, %add3A_680 : vector<16xf32>
          %exp3A_698 = math.exp %neg3A_697 : vector<16xf32>
          %add3A_699 = arith.constant 1.000000e+00 : f32
          %add3A_700 = vector.broadcast %add3A_699 : f32 to vector<16xf32>
          %add3A_701 = arith.addf %add3A_700, %exp3A_698 : vector<16xf32>
          %div3A_702 = arith.divf %mul3A_694, %add3A_701 : vector<16xf32>
          %add3A_703 = arith.constant 128 : i32
          %add3A_704 = arith.addi %mul3A_250, %add3A_703 : i32
          %add3A_705 = arith.constant 32 : i32
          %add3A_706 = arith.addi %add3A_704, %add3A_705 : i32
          %swap3A_707 = arith.index_cast %add3A_706 : i32 to index
          %swap3A_708 = tpu.vector_load %arg15[%swap3A_707] {strides = array<i32>} : memref<82176xf32, #tpu.memory_space<vmem>>, vector<16xf32>,
          tpu.vector_store %arg15[%swap3A_707], %div3A_693 {add = true, strides = array<i32>} : memref<82176xf32, #tpu.memory_space<vmem>>, vector<16xf32>,
          %add3A_709 = arith.constant 128 : i32
          %add3A_710 = arith.addi %mul3A_250, %add3A_709 : i32
          %add3A_711 = arith.constant 32 : i32
          %add3A_712 = arith.addi %add3A_710, %add3A_711 : i32
          %add3A_713 = arith.constant 64 : i32
          %add3A_714 = arith.addi %add3A_712, %add3A_713 : i32
          %swap3A_715 = arith.index_cast %add3A_714 : i32 to index
          %swap3A_716 = tpu.vector_load %arg15[%swap3A_715] {strides = array<i32>} : memref<82176xf32, #tpu.memory_space<vmem>>, vector<16xf32>,
          tpu.vector_store %arg15[%swap3A_715], %div3A_702 {add = true, strides = array<i32>} : memref<82176xf32, #tpu.memory_space<vmem>>, vector<16xf32>,
          %get3A_717 = arith.index_cast %scan3A_241 : i32 to index
          %get3A_718 = arith.constant 112 : index
          %get3A_719 = tpu.vector_load %arg12[%get3A_717, %get3A_718] {strides = array<i32>} : memref<48x256xi32, #tpu.memory_space<vmem>>, vector<16xi32>,
          %bitcast3A_720 = vector.bitcast %get3A_719 : vector<16xi32> to vector<32xbf16>
          %unpack3A_721 = tpu.unpack_subelements %bitcast3A_720, 0 {pack_format = #tpu.pack_format<interleaved>} : vector<32xbf16> -> vector<16xf32>
          %unpack3A_722 = tpu.unpack_subelements %bitcast3A_720, 1 {pack_format = #tpu.pack_format<interleaved>} : vector<32xbf16> -> vector<16xf32>
          %get3A_723 = arith.index_cast %scan3A_241 : i32 to index
          %get3A_724 = arith.constant 112 : index
          %get3A_725 = tpu.vector_load %arg13[%get3A_723, %get3A_724] {strides = array<i32>} : memref<48x256xi32, #tpu.memory_space<vmem>>, vector<16xi32>,
          %bitcast3A_726 = vector.bitcast %get3A_725 : vector<16xi32> to vector<32xbf16>
          %unpack3A_727 = tpu.unpack_subelements %bitcast3A_726, 0 {pack_format = #tpu.pack_format<interleaved>} : vector<32xbf16> -> vector<16xf32>
          %unpack3A_728 = tpu.unpack_subelements %bitcast3A_726, 1 {pack_format = #tpu.pack_format<interleaved>} : vector<32xbf16> -> vector<16xf32>
          %get3A_729 = arith.index_cast %scan3A_241 : i32 to index
          %get3A_730 = arith.constant 112 : index
          %get3A_731 = tpu.vector_load %arg14[%get3A_729, %get3A_730] {strides = array<i32>} : memref<48x384xi32, #tpu.memory_space<vmem>>, vector<16xi32>,
          %bitcast3A_732 = vector.bitcast %get3A_731 : vector<16xi32> to vector<32xbf16>
          %unpack3A_733 = tpu.unpack_subelements %bitcast3A_732, 0 {pack_format = #tpu.pack_format<interleaved>} : vector<32xbf16> -> vector<16xf32>
          %unpack3A_734 = tpu.unpack_subelements %bitcast3A_732, 1 {pack_format = #tpu.pack_format<interleaved>} : vector<32xbf16> -> vector<16xf32>
          %get3A_735 = arith.index_cast %scan3A_241 : i32 to index
          %get3A_736 = arith.constant 176 : index
          %get3A_737 = tpu.vector_load %arg12[%get3A_735, %get3A_736] {strides = array<i32>} : memref<48x256xi32, #tpu.memory_space<vmem>>, vector<16xi32>,
          %bitcast3A_738 = vector.bitcast %get3A_737 : vector<16xi32> to vector<32xbf16>
          %unpack3A_739 = tpu.unpack_subelements %bitcast3A_738, 0 {pack_format = #tpu.pack_format<interleaved>} : vector<32xbf16> -> vector<16xf32>
          %unpack3A_740 = tpu.unpack_subelements %bitcast3A_738, 1 {pack_format = #tpu.pack_format<interleaved>} : vector<32xbf16> -> vector<16xf32>
          %get3A_741 = arith.index_cast %scan3A_241 : i32 to index
          %get3A_742 = arith.constant 176 : index
          %get3A_743 = tpu.vector_load %arg13[%get3A_741, %get3A_742] {strides = array<i32>} : memref<48x256xi32, #tpu.memory_space<vmem>>, vector<16xi32>,
          %bitcast3A_744 = vector.bitcast %get3A_743 : vector<16xi32> to vector<32xbf16>
          %unpack3A_745 = tpu.unpack_subelements %bitcast3A_744, 0 {pack_format = #tpu.pack_format<interleaved>} : vector<32xbf16> -> vector<16xf32>
          %unpack3A_746 = tpu.unpack_subelements %bitcast3A_744, 1 {pack_format = #tpu.pack_format<interleaved>} : vector<32xbf16> -> vector<16xf32>
          %get3A_747 = arith.index_cast %scan3A_241 : i32 to index
          %get3A_748 = arith.constant 176 : index
          %get3A_749 = tpu.vector_load %arg14[%get3A_747, %get3A_748] {strides = array<i32>} : memref<48x384xi32, #tpu.memory_space<vmem>>, vector<16xi32>,
          %bitcast3A_750 = vector.bitcast %get3A_749 : vector<16xi32> to vector<32xbf16>
          %unpack3A_751 = tpu.unpack_subelements %bitcast3A_750, 0 {pack_format = #tpu.pack_format<interleaved>} : vector<32xbf16> -> vector<16xf32>
          %unpack3A_752 = tpu.unpack_subelements %bitcast3A_750, 1 {pack_format = #tpu.pack_format<interleaved>} : vector<32xbf16> -> vector<16xf32>
          %get3A_753 = arith.index_cast %scan3A_241 : i32 to index
          %get3A_754 = arith.constant 304 : index
          %get3A_755 = tpu.vector_load %arg14[%get3A_753, %get3A_754] {strides = array<i32>} : memref<48x384xi32, #tpu.memory_space<vmem>>, vector<16xi32>,
          %bitcast3A_756 = vector.bitcast %get3A_755 : vector<16xi32> to vector<32xbf16>
          %unpack3A_757 = tpu.unpack_subelements %bitcast3A_756, 0 {pack_format = #tpu.pack_format<interleaved>} : vector<32xbf16> -> vector<16xf32>
          %unpack3A_758 = tpu.unpack_subelements %bitcast3A_756, 1 {pack_format = #tpu.pack_format<interleaved>} : vector<32xbf16> -> vector<16xf32>
          %add3A_759 = arith.addf %unpack3A_721, %unpack3A_727 : vector<16xf32>
          %add3A_760 = arith.addf %add3A_759, %unpack3A_733 : vector<16xf32>
          %add3A_761 = arith.addf %unpack3A_722, %unpack3A_728 : vector<16xf32>
          %add3A_762 = arith.addf %add3A_761, %unpack3A_734 : vector<16xf32>
          %add3A_763 = arith.addf %unpack3A_739, %unpack3A_745 : vector<16xf32>
          %add3A_764 = arith.addf %add3A_763, %unpack3A_751 : vector<16xf32>
          %add3A_765 = arith.addf %unpack3A_740, %unpack3A_746 : vector<16xf32>
          %add3A_766 = arith.addf %add3A_765, %unpack3A_752 : vector<16xf32>
          %mul3A_767 = arith.mulf %add3A_764, %unpack3A_757 : vector<16xf32>
          %neg3A_768 = arith.constant 0.000000e+00 : f32
          %neg3A_769 = vector.broadcast %neg3A_768 : f32 to vector<16xf32>
          %neg3A_770 = arith.subf %neg3A_769, %add3A_760 : vector<16xf32>
          %exp3A_771 = math.exp %neg3A_770 : vector<16xf32>
          %add3A_772 = arith.constant 1.000000e+00 : f32
          %add3A_773 = vector.broadcast %add3A_772 : f32 to vector<16xf32>
          %add3A_774 = arith.addf %add3A_773, %exp3A_771 : vector<16xf32>
          %div3A_775 = arith.divf %mul3A_767, %add3A_774 : vector<16xf32>
          %mul3A_776 = arith.mulf %add3A_766, %unpack3A_758 : vector<16xf32>
          %neg3A_777 = arith.constant 0.000000e+00 : f32
          %neg3A_778 = vector.broadcast %neg3A_777 : f32 to vector<16xf32>
          %neg3A_779 = arith.subf %neg3A_778, %add3A_762 : vector<16xf32>
          %exp3A_780 = math.exp %neg3A_779 : vector<16xf32>
          %add3A_781 = arith.constant 1.000000e+00 : f32
          %add3A_782 = vector.broadcast %add3A_781 : f32 to vector<16xf32>
          %add3A_783 = arith.addf %add3A_782, %exp3A_780 : vector<16xf32>
          %div3A_784 = arith.divf %mul3A_776, %add3A_783 : vector<16xf32>
          %add3A_785 = arith.constant 128 : i32
          %add3A_786 = arith.addi %mul3A_250, %add3A_785 : i32
          %add3A_787 = arith.constant 48 : i32
          %add3A_788 = arith.addi %add3A_786, %add3A_787 : i32
          %swap3A_789 = arith.index_cast %add3A_788 : i32 to index
          %swap3A_790 = tpu.vector_load %arg15[%swap3A_789] {strides = array<i32>} : memref<82176xf32, #tpu.memory_space<vmem>>, vector<16xf32>,
          tpu.vector_store %arg15[%swap3A_789], %div3A_775 {add = true, strides = array<i32>} : memref<82176xf32, #tpu.memory_space<vmem>>, vector<16xf32>,
          %add3A_791 = arith.constant 128 : i32
          %add3A_792 = arith.addi %mul3A_250, %add3A_791 : i32
          %add3A_793 = arith.constant 48 : i32
          %add3A_794 = arith.addi %add3A_792, %add3A_793 : i32
          %add3A_795 = arith.constant 64 : i32
          %add3A_796 = arith.addi %add3A_794, %add3A_795 : i32
          %swap3A_797 = arith.index_cast %add3A_796 : i32 to index
          %swap3A_798 = tpu.vector_load %arg15[%swap3A_797] {strides = array<i32>} : memref<82176xf32, #tpu.memory_space<vmem>>, vector<16xf32>,
          tpu.vector_store %arg15[%swap3A_797], %div3A_784 {add = true, strides = array<i32>} : memref<82176xf32, #tpu.memory_space<vmem>>, vector<16xf32>,
          %scan3A_799 = arith.constant 0 : i32
          scf.yield %scan3A_799 : i32
        }
        %scan3A_239 = arith.constant 48 : i32
        %while3A_240 = arith.constant 0 : i32
        scf.yield %while3A_240 : i32
      }
      %while3A_165 = arith.constant 1 : i32
      %while3A_166 = scf.for %while3A_174 = %while3A_162 to %while3A_158 step %while3A_165 iter_args(%while3A_175 = %while3A_164) -> (i32)  : i32 {
        %mul3A_176 = arith.constant 48 : i32
        %mul3A_177 = arith.muli %while3A_174, %mul3A_176 : i32
        %add3A_178 = arith.constant 0 : i32
        %add3A_179 = arith.addi %mul3A_177, %add3A_178 : i32
        %get3A = arith.index_cast %add3A_179 : i32 to index
        %get3A_180 = tpu.vector_load %arg9[%get3A] {strides = array<i32>} : memref<736xi32, #tpu.memory_space<vmem>>, vector<16xi32>,
        %min3A = arith.constant 10239 : i32
        %min3A_181 = vector.broadcast %min3A : i32 to vector<16xi32>
        %min3A_182 = arith.minsi %get3A_180, %min3A_181 : vector<16xi32>
        %swap3A_183 = arith.constant 0 : index
        %swap3A_184 = tpu.vector_load %arg11[%swap3A_183] {strides = array<i32>} : memref<48xi32, #tpu.memory_space<vmem>>, vector<16xi32>,
        tpu.vector_store %arg11[%swap3A_183], %min3A_182 {strides = array<i32>} : memref<48xi32, #tpu.memory_space<vmem>>, vector<16xi32>,
        %mul3A_185 = arith.constant 48 : i32
        %mul3A_186 = arith.muli %while3A_174, %mul3A_185 : i32
        %add3A_187 = arith.constant 16 : i32
        %add3A_188 = arith.addi %mul3A_186, %add3A_187 : i32
        %get3A_189 = arith.index_cast %add3A_188 : i32 to index
        %get3A_190 = tpu.vector_load %arg9[%get3A_189] {strides = array<i32>} : memref<736xi32, #tpu.memory_space<vmem>>, vector<16xi32>,
        %min3A_191 = arith.constant 10239 : i32
        %min3A_192 = vector.broadcast %min3A_191 : i32 to vector<16xi32>
        %min3A_193 = arith.minsi %get3A_190, %min3A_192 : vector<16xi32>
        %swap3A_194 = arith.constant 16 : index
        %swap3A_195 = tpu.vector_load %arg11[%swap3A_194] {strides = array<i32>} : memref<48xi32, #tpu.memory_space<vmem>>, vector<16xi32>,
        tpu.vector_store %arg11[%swap3A_194], %min3A_193 {strides = array<i32>} : memref<48xi32, #tpu.memory_space<vmem>>, vector<16xi32>,
        %mul3A_196 = arith.constant 48 : i32
        %mul3A_197 = arith.muli %while3A_174, %mul3A_196 : i32
        %add3A_198 = arith.constant 32 : i32
        %add3A_199 = arith.addi %mul3A_197, %add3A_198 : i32
        %get3A_200 = arith.index_cast %add3A_199 : i32 to index
        %get3A_201 = tpu.vector_load %arg9[%get3A_200] {strides = array<i32>} : memref<736xi32, #tpu.memory_space<vmem>>, vector<16xi32>,
        %min3A_202 = arith.constant 10239 : i32
        %min3A_203 = vector.broadcast %min3A_202 : i32 to vector<16xi32>
        %min3A_204 = arith.minsi %get3A_201, %min3A_203 : vector<16xi32>
        %swap3A_205 = arith.constant 32 : index
        %swap3A_206 = tpu.vector_load %arg11[%swap3A_205] {strides = array<i32>} : memref<48xi32, #tpu.memory_space<vmem>>, vector<16xi32>,
        tpu.vector_store %arg11[%swap3A_205], %min3A_204 {strides = array<i32>} : memref<48xi32, #tpu.memory_space<vmem>>, vector<16xi32>,
        %dma_start3A_207 = arith.constant 0 : i32
        %dma_start3A_208 = arith.constant 0 : i32
        %dma_start3A_209 = tpu.memref_slice %arg3[%dma_start3A_207, %dma_start3A_208] : memref<10240x256xi32, #tpu.memory_space<hbm>> -> memref<10240x256xi32, #tpu.memory_space<hbm>>
        tpu.enqueue_indirect_dma source(%dma_start3A_209 : memref<10240x256xi32, #tpu.memory_space<hbm>>) target(%arg12 : memref<48x256xi32, #tpu.memory_space<vmem>>) offsets(%arg11 : memref<48xi32, #tpu.memory_space<vmem>>) semaphore(%arg16 : memref<!tpu.dma_semaphore, #tpu.memory_space<semaphore_mem>>)
        %mul3A_210 = arith.constant 48 : i32
        %mul3A_211 = arith.muli %while3A_174, %mul3A_210 : i32
        %dma_start3A_212 = tpu.memref_slice %arg10[%mul3A_211] : memref<736xi32, #tpu.memory_space<vmem>> -> memref<48xi32, #tpu.memory_space<vmem>>
        %dma_start3A_213 = arith.constant 0 : i32
        %dma_start3A_214 = arith.constant 0 : i32
        %dma_start3A_215 = tpu.memref_slice %arg4[%dma_start3A_213, %dma_start3A_214] : memref<10240x256xi32, #tpu.memory_space<hbm>> -> memref<10240x256xi32, #tpu.memory_space<hbm>>
        tpu.enqueue_indirect_dma source(%dma_start3A_215 : memref<10240x256xi32, #tpu.memory_space<hbm>>) target(%arg13 : memref<48x256xi32, #tpu.memory_space<vmem>>) offsets(%dma_start3A_212 : memref<48xi32, #tpu.memory_space<vmem>>) semaphore(%arg16 : memref<!tpu.dma_semaphore, #tpu.memory_space<semaphore_mem>>)
        %mul3A_216 = arith.constant 48 : i32
        %mul3A_217 = arith.muli %while3A_174, %mul3A_216 : i32
        %dma_start3A_218 = tpu.memref_slice %arg8[%mul3A_217] : memref<736xi32, #tpu.memory_space<vmem>> -> memref<48xi32, #tpu.memory_space<vmem>>
        %dma_start3A_219 = arith.constant 0 : i32
        %dma_start3A_220 = arith.constant 0 : i32
        %dma_start3A_221 = tpu.memref_slice %arg5[%dma_start3A_219, %dma_start3A_220] : memref<160000x384xi32, #tpu.memory_space<hbm>> -> memref<160000x384xi32, #tpu.memory_space<hbm>>
        tpu.enqueue_indirect_dma source(%dma_start3A_221 : memref<160000x384xi32, #tpu.memory_space<hbm>>) target(%arg14 : memref<48x384xi32, #tpu.memory_space<vmem>>) offsets(%dma_start3A_218 : memref<48xi32, #tpu.memory_space<vmem>>) semaphore(%arg16 : memref<!tpu.dma_semaphore, #tpu.memory_space<semaphore_mem>>)
        %dma_wait3A_222 = arith.constant 0 : i32
        %dma_wait3A_223 = arith.constant 0 : i32
        %dma_wait3A_224 = tpu.memref_slice %arg3[%dma_wait3A_222, %dma_wait3A_223] : memref<10240x256xi32, #tpu.memory_space<hbm>> -> memref<10240x256xi32, #tpu.memory_space<hbm>>
        tpu.wait_indirect_dma semaphore(%arg16 : memref<!tpu.dma_semaphore, #tpu.memory_space<semaphore_mem>>) src(%dma_wait3A_224 : memref<10240x256xi32, #tpu.memory_space<hbm>>) dst(%arg12 : memref<48x256xi32, #tpu.memory_space<vmem>>)
        %dma_wait3A_225 = tpu.memref_slice %arg10[%mul3A_211] : memref<736xi32, #tpu.memory_space<vmem>> -> memref<48xi32, #tpu.memory_space<vmem>>
        %dma_wait3A_226 = arith.constant 0 : i32
        %dma_wait3A_227 = arith.constant 0 : i32
        %dma_wait3A_228 = tpu.memref_slice %arg4[%dma_wait3A_226, %dma_wait3A_227] : memref<10240x256xi32, #tpu.memory_space<hbm>> -> memref<10240x256xi32, #tpu.memory_space<hbm>>
        tpu.wait_indirect_dma semaphore(%arg16 : memref<!tpu.dma_semaphore, #tpu.memory_space<semaphore_mem>>) src(%dma_wait3A_228 : memref<10240x256xi32, #tpu.memory_space<hbm>>) dst(%arg13 : memref<48x256xi32, #tpu.memory_space<vmem>>)
        %dma_wait3A_229 = tpu.memref_slice %arg8[%mul3A_217] : memref<736xi32, #tpu.memory_space<vmem>> -> memref<48xi32, #tpu.memory_space<vmem>>
        %dma_wait3A_230 = arith.constant 0 : i32
        %dma_wait3A_231 = arith.constant 0 : i32
        %dma_wait3A_232 = tpu.memref_slice %arg5[%dma_wait3A_230, %dma_wait3A_231] : memref<160000x384xi32, #tpu.memory_space<hbm>> -> memref<160000x384xi32, #tpu.memory_space<hbm>>
        tpu.wait_indirect_dma semaphore(%arg16 : memref<!tpu.dma_semaphore, #tpu.memory_space<semaphore_mem>>) src(%dma_wait3A_232 : memref<160000x384xi32, #tpu.memory_space<hbm>>) dst(%arg14 : memref<48x384xi32, #tpu.memory_space<vmem>>)
        %scan3A_233 = arith.constant 0 : i32
        %scan3A_234 = arith.constant 0 : i32
        %scan3A_235 = arith.constant 48 : i32
        %scan3A_236 = arith.addi %scan3A_234, %scan3A_235 : i32
        %scan3A_237 = arith.constant 1 : i32
        %scan3A_238 = scf.for %scan3A_241 = %scan3A_234 to %scan3A_236 step %scan3A_237 iter_args(%scan3A_242 = %scan3A_233) -> (i32)  : i32 {
          %mul3A_243 = arith.constant 48 : i32
          %mul3A_244 = arith.muli %while3A_174, %mul3A_243 : i32
          %add3A_245 = arith.addi %mul3A_244, %scan3A_241 : i32
          %get3A_246 = arith.index_cast %add3A_245 : i32 to index
          %get3A_247 = tpu.vector_load %arg9[%get3A_246] {strides = array<i32>} : memref<736xi32, #tpu.memory_space<vmem>>, vector<16xi32>,
          %slice3A = vector.extract_strided_slice %get3A_247 {offsets = [0], sizes = [1], strides = [1]} : vector<16xi32> to vector<1xi32>
          %squeeze3A = vector.extract %slice3A[0] : i32 from vector<1xi32>
          %sub3A_248 = arith.subi %squeeze3A, %mul3A_2 : i32
          %mul3A_249 = arith.constant 256 : i32
          %mul3A_250 = arith.muli %sub3A_248, %mul3A_249 : i32
          %get3A_251 = arith.index_cast %scan3A_241 : i32 to index
          %get3A_252 = arith.constant 0 : index
          %get3A_253 = tpu.vector_load %arg12[%get3A_251, %get3A_252] {strides = array<i32>} : memref<48x256xi32, #tpu.memory_space<vmem>>, vector<16xi32>,
          %bitcast3A = vector.bitcast %get3A_253 : vector<16xi32> to vector<32xbf16>
          %unpack3A = tpu.unpack_subelements %bitcast3A, 0 {pack_format = #tpu.pack_format<interleaved>} : vector<32xbf16> -> vector<16xf32>
          %unpack3A_254 = tpu.unpack_subelements %bitcast3A, 1 {pack_format = #tpu.pack_format<interleaved>} : vector<32xbf16> -> vector<16xf32>
          %get3A_255 = arith.index_cast %scan3A_241 : i32 to index
          %get3A_256 = arith.constant 0 : index
          %get3A_257 = tpu.vector_load %arg13[%get3A_255, %get3A_256] {strides = array<i32>} : memref<48x256xi32, #tpu.memory_space<vmem>>, vector<16xi32>,
          %bitcast3A_258 = vector.bitcast %get3A_257 : vector<16xi32> to vector<32xbf16>
          %unpack3A_259 = tpu.unpack_subelements %bitcast3A_258, 0 {pack_format = #tpu.pack_format<interleaved>} : vector<32xbf16> -> vector<16xf32>
          %unpack3A_260 = tpu.unpack_subelements %bitcast3A_258, 1 {pack_format = #tpu.pack_format<interleaved>} : vector<32xbf16> -> vector<16xf32>
          %get3A_261 = arith.index_cast %scan3A_241 : i32 to index
          %get3A_262 = arith.constant 0 : index
          %get3A_263 = tpu.vector_load %arg14[%get3A_261, %get3A_262] {strides = array<i32>} : memref<48x384xi32, #tpu.memory_space<vmem>>, vector<16xi32>,
          %bitcast3A_264 = vector.bitcast %get3A_263 : vector<16xi32> to vector<32xbf16>
          %unpack3A_265 = tpu.unpack_subelements %bitcast3A_264, 0 {pack_format = #tpu.pack_format<interleaved>} : vector<32xbf16> -> vector<16xf32>
          %unpack3A_266 = tpu.unpack_subelements %bitcast3A_264, 1 {pack_format = #tpu.pack_format<interleaved>} : vector<32xbf16> -> vector<16xf32>
          %get3A_267 = arith.index_cast %scan3A_241 : i32 to index
          %get3A_268 = arith.constant 192 : index
          %get3A_269 = tpu.vector_load %arg14[%get3A_267, %get3A_268] {strides = array<i32>} : memref<48x384xi32, #tpu.memory_space<vmem>>, vector<16xi32>,
          %bitcast3A_270 = vector.bitcast %get3A_269 : vector<16xi32> to vector<32xbf16>
          %unpack3A_271 = tpu.unpack_subelements %bitcast3A_270, 0 {pack_format = #tpu.pack_format<interleaved>} : vector<32xbf16> -> vector<16xf32>
          %unpack3A_272 = tpu.unpack_subelements %bitcast3A_270, 1 {pack_format = #tpu.pack_format<interleaved>} : vector<32xbf16> -> vector<16xf32>
          %add3A_273 = arith.addf %unpack3A, %unpack3A_259 : vector<16xf32>
          %add3A_274 = arith.addf %add3A_273, %unpack3A_265 : vector<16xf32>
          %add3A_275 = arith.addf %unpack3A_254, %unpack3A_260 : vector<16xf32>
          %add3A_276 = arith.addf %add3A_275, %unpack3A_266 : vector<16xf32>
          %neg3A = arith.constant 0.000000e+00 : f32
          %neg3A_277 = vector.broadcast %neg3A : f32 to vector<16xf32>
          %neg3A_278 = arith.subf %neg3A_277, %add3A_274 : vector<16xf32>
          %exp3A = math.exp %neg3A_278 : vector<16xf32>
          %add3A_279 = arith.constant 1.000000e+00 : f32
          %add3A_280 = vector.broadcast %add3A_279 : f32 to vector<16xf32>
          %add3A_281 = arith.addf %add3A_280, %exp3A : vector<16xf32>
          %div3A_282 = arith.divf %add3A_274, %add3A_281 : vector<16xf32>
          %mul3A_283 = arith.mulf %div3A_282, %unpack3A_271 : vector<16xf32>
          %neg3A_284 = arith.constant 0.000000e+00 : f32
          %neg3A_285 = vector.broadcast %neg3A_284 : f32 to vector<16xf32>
          %neg3A_286 = arith.subf %neg3A_285, %add3A_276 : vector<16xf32>
          %exp3A_287 = math.exp %neg3A_286 : vector<16xf32>
          %add3A_288 = arith.constant 1.000000e+00 : f32
          %add3A_289 = vector.broadcast %add3A_288 : f32 to vector<16xf32>
          %add3A_290 = arith.addf %add3A_289, %exp3A_287 : vector<16xf32>
          %div3A_291 = arith.divf %add3A_276, %add3A_290 : vector<16xf32>
          %mul3A_292 = arith.mulf %div3A_291, %unpack3A_272 : vector<16xf32>
          %add3A_293 = arith.constant 0 : i32
          %add3A_294 = arith.addi %mul3A_250, %add3A_293 : i32
          %swap3A_295 = arith.index_cast %add3A_294 : i32 to index
          %swap3A_296 = tpu.vector_load %arg15[%swap3A_295] {strides = array<i32>} : memref<82176xf32, #tpu.memory_space<vmem>>, vector<16xf32>,
          tpu.vector_store %arg15[%swap3A_295], %mul3A_283 {add = true, strides = array<i32>} : memref<82176xf32, #tpu.memory_space<vmem>>, vector<16xf32>,
          %add3A_297 = arith.constant 0 : i32
          %add3A_298 = arith.addi %mul3A_250, %add3A_297 : i32
          %add3A_299 = arith.constant 64 : i32
          %add3A_300 = arith.addi %add3A_298, %add3A_299 : i32
          %swap3A_301 = arith.index_cast %add3A_300 : i32 to index
          %swap3A_302 = tpu.vector_load %arg15[%swap3A_301] {strides = array<i32>} : memref<82176xf32, #tpu.memory_space<vmem>>, vector<16xf32>,
          tpu.vector_store %arg15[%swap3A_301], %mul3A_292 {add = true, strides = array<i32>} : memref<82176xf32, #tpu.memory_space<vmem>>, vector<16xf32>,
          %get3A_303 = arith.index_cast %scan3A_241 : i32 to index
          %get3A_304 = arith.constant 16 : index
          %get3A_305 = tpu.vector_load %arg12[%get3A_303, %get3A_304] {strides = array<i32>} : memref<48x256xi32, #tpu.memory_space<vmem>>, vector<16xi32>,
          %bitcast3A_306 = vector.bitcast %get3A_305 : vector<16xi32> to vector<32xbf16>
          %unpack3A_307 = tpu.unpack_subelements %bitcast3A_306, 0 {pack_format = #tpu.pack_format<interleaved>} : vector<32xbf16> -> vector<16xf32>
          %unpack3A_308 = tpu.unpack_subelements %bitcast3A_306, 1 {pack_format = #tpu.pack_format<interleaved>} : vector<32xbf16> -> vector<16xf32>
          %get3A_309 = arith.index_cast %scan3A_241 : i32 to index
          %get3A_310 = arith.constant 16 : index
          %get3A_311 = tpu.vector_load %arg13[%get3A_309, %get3A_310] {strides = array<i32>} : memref<48x256xi32, #tpu.memory_space<vmem>>, vector<16xi32>,
          %bitcast3A_312 = vector.bitcast %get3A_311 : vector<16xi32> to vector<32xbf16>
          %unpack3A_313 = tpu.unpack_subelements %bitcast3A_312, 0 {pack_format = #tpu.pack_format<interleaved>} : vector<32xbf16> -> vector<16xf32>
          %unpack3A_314 = tpu.unpack_subelements %bitcast3A_312, 1 {pack_format = #tpu.pack_format<interleaved>} : vector<32xbf16> -> vector<16xf32>
          %get3A_315 = arith.index_cast %scan3A_241 : i32 to index
          %get3A_316 = arith.constant 16 : index
          %get3A_317 = tpu.vector_load %arg14[%get3A_315, %get3A_316] {strides = array<i32>} : memref<48x384xi32, #tpu.memory_space<vmem>>, vector<16xi32>,
          %bitcast3A_318 = vector.bitcast %get3A_317 : vector<16xi32> to vector<32xbf16>
          %unpack3A_319 = tpu.unpack_subelements %bitcast3A_318, 0 {pack_format = #tpu.pack_format<interleaved>} : vector<32xbf16> -> vector<16xf32>
          %unpack3A_320 = tpu.unpack_subelements %bitcast3A_318, 1 {pack_format = #tpu.pack_format<interleaved>} : vector<32xbf16> -> vector<16xf32>
          %get3A_321 = arith.index_cast %scan3A_241 : i32 to index
          %get3A_322 = arith.constant 208 : index
          %get3A_323 = tpu.vector_load %arg14[%get3A_321, %get3A_322] {strides = array<i32>} : memref<48x384xi32, #tpu.memory_space<vmem>>, vector<16xi32>,
          %bitcast3A_324 = vector.bitcast %get3A_323 : vector<16xi32> to vector<32xbf16>
          %unpack3A_325 = tpu.unpack_subelements %bitcast3A_324, 0 {pack_format = #tpu.pack_format<interleaved>} : vector<32xbf16> -> vector<16xf32>
          %unpack3A_326 = tpu.unpack_subelements %bitcast3A_324, 1 {pack_format = #tpu.pack_format<interleaved>} : vector<32xbf16> -> vector<16xf32>
          %add3A_327 = arith.addf %unpack3A_307, %unpack3A_313 : vector<16xf32>
          %add3A_328 = arith.addf %add3A_327, %unpack3A_319 : vector<16xf32>
          %add3A_329 = arith.addf %unpack3A_308, %unpack3A_314 : vector<16xf32>
          %add3A_330 = arith.addf %add3A_329, %unpack3A_320 : vector<16xf32>
          %neg3A_331 = arith.constant 0.000000e+00 : f32
          %neg3A_332 = vector.broadcast %neg3A_331 : f32 to vector<16xf32>
          %neg3A_333 = arith.subf %neg3A_332, %add3A_328 : vector<16xf32>
          %exp3A_334 = math.exp %neg3A_333 : vector<16xf32>
          %add3A_335 = arith.constant 1.000000e+00 : f32
          %add3A_336 = vector.broadcast %add3A_335 : f32 to vector<16xf32>
          %add3A_337 = arith.addf %add3A_336, %exp3A_334 : vector<16xf32>
          %div3A_338 = arith.divf %add3A_328, %add3A_337 : vector<16xf32>
          %mul3A_339 = arith.mulf %div3A_338, %unpack3A_325 : vector<16xf32>
          %neg3A_340 = arith.constant 0.000000e+00 : f32
          %neg3A_341 = vector.broadcast %neg3A_340 : f32 to vector<16xf32>
          %neg3A_342 = arith.subf %neg3A_341, %add3A_330 : vector<16xf32>
          %exp3A_343 = math.exp %neg3A_342 : vector<16xf32>
          %add3A_344 = arith.constant 1.000000e+00 : f32
          %add3A_345 = vector.broadcast %add3A_344 : f32 to vector<16xf32>
          %add3A_346 = arith.addf %add3A_345, %exp3A_343 : vector<16xf32>
          %div3A_347 = arith.divf %add3A_330, %add3A_346 : vector<16xf32>
          %mul3A_348 = arith.mulf %div3A_347, %unpack3A_326 : vector<16xf32>
          %add3A_349 = arith.constant 16 : i32
          %add3A_350 = arith.addi %mul3A_250, %add3A_349 : i32
          %swap3A_351 = arith.index_cast %add3A_350 : i32 to index
          %swap3A_352 = tpu.vector_load %arg15[%swap3A_351] {strides = array<i32>} : memref<82176xf32, #tpu.memory_space<vmem>>, vector<16xf32>,
          tpu.vector_store %arg15[%swap3A_351], %mul3A_339 {add = true, strides = array<i32>} : memref<82176xf32, #tpu.memory_space<vmem>>, vector<16xf32>,
          %add3A_353 = arith.constant 16 : i32
          %add3A_354 = arith.addi %mul3A_250, %add3A_353 : i32
          %add3A_355 = arith.constant 64 : i32
          %add3A_356 = arith.addi %add3A_354, %add3A_355 : i32
          %swap3A_357 = arith.index_cast %add3A_356 : i32 to index
          %swap3A_358 = tpu.vector_load %arg15[%swap3A_357] {strides = array<i32>} : memref<82176xf32, #tpu.memory_space<vmem>>, vector<16xf32>,
          tpu.vector_store %arg15[%swap3A_357], %mul3A_348 {add = true, strides = array<i32>} : memref<82176xf32, #tpu.memory_space<vmem>>, vector<16xf32>,
          %get3A_359 = arith.index_cast %scan3A_241 : i32 to index
          %get3A_360 = arith.constant 32 : index
          %get3A_361 = tpu.vector_load %arg12[%get3A_359, %get3A_360] {strides = array<i32>} : memref<48x256xi32, #tpu.memory_space<vmem>>, vector<16xi32>,
          %bitcast3A_362 = vector.bitcast %get3A_361 : vector<16xi32> to vector<32xbf16>
          %unpack3A_363 = tpu.unpack_subelements %bitcast3A_362, 0 {pack_format = #tpu.pack_format<interleaved>} : vector<32xbf16> -> vector<16xf32>
          %unpack3A_364 = tpu.unpack_subelements %bitcast3A_362, 1 {pack_format = #tpu.pack_format<interleaved>} : vector<32xbf16> -> vector<16xf32>
          %get3A_365 = arith.index_cast %scan3A_241 : i32 to index
          %get3A_366 = arith.constant 32 : index
          %get3A_367 = tpu.vector_load %arg13[%get3A_365, %get3A_366] {strides = array<i32>} : memref<48x256xi32, #tpu.memory_space<vmem>>, vector<16xi32>,
          %bitcast3A_368 = vector.bitcast %get3A_367 : vector<16xi32> to vector<32xbf16>
          %unpack3A_369 = tpu.unpack_subelements %bitcast3A_368, 0 {pack_format = #tpu.pack_format<interleaved>} : vector<32xbf16> -> vector<16xf32>
          %unpack3A_370 = tpu.unpack_subelements %bitcast3A_368, 1 {pack_format = #tpu.pack_format<interleaved>} : vector<32xbf16> -> vector<16xf32>
          %get3A_371 = arith.index_cast %scan3A_241 : i32 to index
          %get3A_372 = arith.constant 32 : index
          %get3A_373 = tpu.vector_load %arg14[%get3A_371, %get3A_372] {strides = array<i32>} : memref<48x384xi32, #tpu.memory_space<vmem>>, vector<16xi32>,
          %bitcast3A_374 = vector.bitcast %get3A_373 : vector<16xi32> to vector<32xbf16>
          %unpack3A_375 = tpu.unpack_subelements %bitcast3A_374, 0 {pack_format = #tpu.pack_format<interleaved>} : vector<32xbf16> -> vector<16xf32>
          %unpack3A_376 = tpu.unpack_subelements %bitcast3A_374, 1 {pack_format = #tpu.pack_format<interleaved>} : vector<32xbf16> -> vector<16xf32>
          %get3A_377 = arith.index_cast %scan3A_241 : i32 to index
          %get3A_378 = arith.constant 224 : index
          %get3A_379 = tpu.vector_load %arg14[%get3A_377, %get3A_378] {strides = array<i32>} : memref<48x384xi32, #tpu.memory_space<vmem>>, vector<16xi32>,
          %bitcast3A_380 = vector.bitcast %get3A_379 : vector<16xi32> to vector<32xbf16>
          %unpack3A_381 = tpu.unpack_subelements %bitcast3A_380, 0 {pack_format = #tpu.pack_format<interleaved>} : vector<32xbf16> -> vector<16xf32>
          %unpack3A_382 = tpu.unpack_subelements %bitcast3A_380, 1 {pack_format = #tpu.pack_format<interleaved>} : vector<32xbf16> -> vector<16xf32>
          %add3A_383 = arith.addf %unpack3A_363, %unpack3A_369 : vector<16xf32>
          %add3A_384 = arith.addf %add3A_383, %unpack3A_375 : vector<16xf32>
          %add3A_385 = arith.addf %unpack3A_364, %unpack3A_370 : vector<16xf32>
          %add3A_386 = arith.addf %add3A_385, %unpack3A_376 : vector<16xf32>
          %neg3A_387 = arith.constant 0.000000e+00 : f32
          %neg3A_388 = vector.broadcast %neg3A_387 : f32 to vector<16xf32>
          %neg3A_389 = arith.subf %neg3A_388, %add3A_384 : vector<16xf32>
          %exp3A_390 = math.exp %neg3A_389 : vector<16xf32>
          %add3A_391 = arith.constant 1.000000e+00 : f32
          %add3A_392 = vector.broadcast %add3A_391 : f32 to vector<16xf32>
          %add3A_393 = arith.addf %add3A_392, %exp3A_390 : vector<16xf32>
          %div3A_394 = arith.divf %add3A_384, %add3A_393 : vector<16xf32>
          %mul3A_395 = arith.mulf %div3A_394, %unpack3A_381 : vector<16xf32>
          %neg3A_396 = arith.constant 0.000000e+00 : f32
          %neg3A_397 = vector.broadcast %neg3A_396 : f32 to vector<16xf32>
          %neg3A_398 = arith.subf %neg3A_397, %add3A_386 : vector<16xf32>
          %exp3A_399 = math.exp %neg3A_398 : vector<16xf32>
          %add3A_400 = arith.constant 1.000000e+00 : f32
          %add3A_401 = vector.broadcast %add3A_400 : f32 to vector<16xf32>
          %add3A_402 = arith.addf %add3A_401, %exp3A_399 : vector<16xf32>
          %div3A_403 = arith.divf %add3A_386, %add3A_402 : vector<16xf32>
          %mul3A_404 = arith.mulf %div3A_403, %unpack3A_382 : vector<16xf32>
          %add3A_405 = arith.constant 32 : i32
          %add3A_406 = arith.addi %mul3A_250, %add3A_405 : i32
          %swap3A_407 = arith.index_cast %add3A_406 : i32 to index
          %swap3A_408 = tpu.vector_load %arg15[%swap3A_407] {strides = array<i32>} : memref<82176xf32, #tpu.memory_space<vmem>>, vector<16xf32>,
          tpu.vector_store %arg15[%swap3A_407], %mul3A_395 {add = true, strides = array<i32>} : memref<82176xf32, #tpu.memory_space<vmem>>, vector<16xf32>,
          %add3A_409 = arith.constant 32 : i32
          %add3A_410 = arith.addi %mul3A_250, %add3A_409 : i32
          %add3A_411 = arith.constant 64 : i32
          %add3A_412 = arith.addi %add3A_410, %add3A_411 : i32
          %swap3A_413 = arith.index_cast %add3A_412 : i32 to index
          %swap3A_414 = tpu.vector_load %arg15[%swap3A_413] {strides = array<i32>} : memref<82176xf32, #tpu.memory_space<vmem>>, vector<16xf32>,
          tpu.vector_store %arg15[%swap3A_413], %mul3A_404 {add = true, strides = array<i32>} : memref<82176xf32, #tpu.memory_space<vmem>>, vector<16xf32>,
          %get3A_415 = arith.index_cast %scan3A_241 : i32 to index
          %get3A_416 = arith.constant 48 : index
          %get3A_417 = tpu.vector_load %arg12[%get3A_415, %get3A_416] {strides = array<i32>} : memref<48x256xi32, #tpu.memory_space<vmem>>, vector<16xi32>,
          %bitcast3A_418 = vector.bitcast %get3A_417 : vector<16xi32> to vector<32xbf16>
          %unpack3A_419 = tpu.unpack_subelements %bitcast3A_418, 0 {pack_format = #tpu.pack_format<interleaved>} : vector<32xbf16> -> vector<16xf32>
          %unpack3A_420 = tpu.unpack_subelements %bitcast3A_418, 1 {pack_format = #tpu.pack_format<interleaved>} : vector<32xbf16> -> vector<16xf32>
          %get3A_421 = arith.index_cast %scan3A_241 : i32 to index
          %get3A_422 = arith.constant 48 : index
          %get3A_423 = tpu.vector_load %arg13[%get3A_421, %get3A_422] {strides = array<i32>} : memref<48x256xi32, #tpu.memory_space<vmem>>, vector<16xi32>,
          %bitcast3A_424 = vector.bitcast %get3A_423 : vector<16xi32> to vector<32xbf16>
          %unpack3A_425 = tpu.unpack_subelements %bitcast3A_424, 0 {pack_format = #tpu.pack_format<interleaved>} : vector<32xbf16> -> vector<16xf32>
          %unpack3A_426 = tpu.unpack_subelements %bitcast3A_424, 1 {pack_format = #tpu.pack_format<interleaved>} : vector<32xbf16> -> vector<16xf32>
          %get3A_427 = arith.index_cast %scan3A_241 : i32 to index
          %get3A_428 = arith.constant 48 : index
          %get3A_429 = tpu.vector_load %arg14[%get3A_427, %get3A_428] {strides = array<i32>} : memref<48x384xi32, #tpu.memory_space<vmem>>, vector<16xi32>,
          %bitcast3A_430 = vector.bitcast %get3A_429 : vector<16xi32> to vector<32xbf16>
          %unpack3A_431 = tpu.unpack_subelements %bitcast3A_430, 0 {pack_format = #tpu.pack_format<interleaved>} : vector<32xbf16> -> vector<16xf32>
          %unpack3A_432 = tpu.unpack_subelements %bitcast3A_430, 1 {pack_format = #tpu.pack_format<interleaved>} : vector<32xbf16> -> vector<16xf32>
          %get3A_433 = arith.index_cast %scan3A_241 : i32 to index
          %get3A_434 = arith.constant 240 : index
          %get3A_435 = tpu.vector_load %arg14[%get3A_433, %get3A_434] {strides = array<i32>} : memref<48x384xi32, #tpu.memory_space<vmem>>, vector<16xi32>,
          %bitcast3A_436 = vector.bitcast %get3A_435 : vector<16xi32> to vector<32xbf16>
          %unpack3A_437 = tpu.unpack_subelements %bitcast3A_436, 0 {pack_format = #tpu.pack_format<interleaved>} : vector<32xbf16> -> vector<16xf32>
          %unpack3A_438 = tpu.unpack_subelements %bitcast3A_436, 1 {pack_format = #tpu.pack_format<interleaved>} : vector<32xbf16> -> vector<16xf32>
          %add3A_439 = arith.addf %unpack3A_419, %unpack3A_425 : vector<16xf32>
          %add3A_440 = arith.addf %add3A_439, %unpack3A_431 : vector<16xf32>
          %add3A_441 = arith.addf %unpack3A_420, %unpack3A_426 : vector<16xf32>
          %add3A_442 = arith.addf %add3A_441, %unpack3A_432 : vector<16xf32>
          %neg3A_443 = arith.constant 0.000000e+00 : f32
          %neg3A_444 = vector.broadcast %neg3A_443 : f32 to vector<16xf32>
          %neg3A_445 = arith.subf %neg3A_444, %add3A_440 : vector<16xf32>
          %exp3A_446 = math.exp %neg3A_445 : vector<16xf32>
          %add3A_447 = arith.constant 1.000000e+00 : f32
          %add3A_448 = vector.broadcast %add3A_447 : f32 to vector<16xf32>
          %add3A_449 = arith.addf %add3A_448, %exp3A_446 : vector<16xf32>
          %div3A_450 = arith.divf %add3A_440, %add3A_449 : vector<16xf32>
          %mul3A_451 = arith.mulf %div3A_450, %unpack3A_437 : vector<16xf32>
          %neg3A_452 = arith.constant 0.000000e+00 : f32
          %neg3A_453 = vector.broadcast %neg3A_452 : f32 to vector<16xf32>
          %neg3A_454 = arith.subf %neg3A_453, %add3A_442 : vector<16xf32>
          %exp3A_455 = math.exp %neg3A_454 : vector<16xf32>
          %add3A_456 = arith.constant 1.000000e+00 : f32
          %add3A_457 = vector.broadcast %add3A_456 : f32 to vector<16xf32>
          %add3A_458 = arith.addf %add3A_457, %exp3A_455 : vector<16xf32>
          %div3A_459 = arith.divf %add3A_442, %add3A_458 : vector<16xf32>
          %mul3A_460 = arith.mulf %div3A_459, %unpack3A_438 : vector<16xf32>
          %add3A_461 = arith.constant 48 : i32
          %add3A_462 = arith.addi %mul3A_250, %add3A_461 : i32
          %swap3A_463 = arith.index_cast %add3A_462 : i32 to index
          %swap3A_464 = tpu.vector_load %arg15[%swap3A_463] {strides = array<i32>} : memref<82176xf32, #tpu.memory_space<vmem>>, vector<16xf32>,
          tpu.vector_store %arg15[%swap3A_463], %mul3A_451 {add = true, strides = array<i32>} : memref<82176xf32, #tpu.memory_space<vmem>>, vector<16xf32>,
          %add3A_465 = arith.constant 48 : i32
          %add3A_466 = arith.addi %mul3A_250, %add3A_465 : i32
          %add3A_467 = arith.constant 64 : i32
          %add3A_468 = arith.addi %add3A_466, %add3A_467 : i32
          %swap3A_469 = arith.index_cast %add3A_468 : i32 to index
          %swap3A_470 = tpu.vector_load %arg15[%swap3A_469] {strides = array<i32>} : memref<82176xf32, #tpu.memory_space<vmem>>, vector<16xf32>,
          tpu.vector_store %arg15[%swap3A_469], %mul3A_460 {add = true, strides = array<i32>} : memref<82176xf32, #tpu.memory_space<vmem>>, vector<16xf32>,
          %get3A_471 = arith.index_cast %scan3A_241 : i32 to index
          %get3A_472 = arith.constant 64 : index
          %get3A_473 = tpu.vector_load %arg12[%get3A_471, %get3A_472] {strides = array<i32>} : memref<48x256xi32, #tpu.memory_space<vmem>>, vector<16xi32>,
          %bitcast3A_474 = vector.bitcast %get3A_473 : vector<16xi32> to vector<32xbf16>
          %unpack3A_475 = tpu.unpack_subelements %bitcast3A_474, 0 {pack_format = #tpu.pack_format<interleaved>} : vector<32xbf16> -> vector<16xf32>
          %unpack3A_476 = tpu.unpack_subelements %bitcast3A_474, 1 {pack_format = #tpu.pack_format<interleaved>} : vector<32xbf16> -> vector<16xf32>
          %get3A_477 = arith.index_cast %scan3A_241 : i32 to index
          %get3A_478 = arith.constant 64 : index
          %get3A_479 = tpu.vector_load %arg13[%get3A_477, %get3A_478] {strides = array<i32>} : memref<48x256xi32, #tpu.memory_space<vmem>>, vector<16xi32>,
          %bitcast3A_480 = vector.bitcast %get3A_479 : vector<16xi32> to vector<32xbf16>
          %unpack3A_481 = tpu.unpack_subelements %bitcast3A_480, 0 {pack_format = #tpu.pack_format<interleaved>} : vector<32xbf16> -> vector<16xf32>
          %unpack3A_482 = tpu.unpack_subelements %bitcast3A_480, 1 {pack_format = #tpu.pack_format<interleaved>} : vector<32xbf16> -> vector<16xf32>
          %get3A_483 = arith.index_cast %scan3A_241 : i32 to index
          %get3A_484 = arith.constant 64 : index
          %get3A_485 = tpu.vector_load %arg14[%get3A_483, %get3A_484] {strides = array<i32>} : memref<48x384xi32, #tpu.memory_space<vmem>>, vector<16xi32>,
          %bitcast3A_486 = vector.bitcast %get3A_485 : vector<16xi32> to vector<32xbf16>
          %unpack3A_487 = tpu.unpack_subelements %bitcast3A_486, 0 {pack_format = #tpu.pack_format<interleaved>} : vector<32xbf16> -> vector<16xf32>
          %unpack3A_488 = tpu.unpack_subelements %bitcast3A_486, 1 {pack_format = #tpu.pack_format<interleaved>} : vector<32xbf16> -> vector<16xf32>
          %get3A_489 = arith.index_cast %scan3A_241 : i32 to index
          %get3A_490 = arith.constant 128 : index
          %get3A_491 = tpu.vector_load %arg12[%get3A_489, %get3A_490] {strides = array<i32>} : memref<48x256xi32, #tpu.memory_space<vmem>>, vector<16xi32>,
          %bitcast3A_492 = vector.bitcast %get3A_491 : vector<16xi32> to vector<32xbf16>
          %unpack3A_493 = tpu.unpack_subelements %bitcast3A_492, 0 {pack_format = #tpu.pack_format<interleaved>} : vector<32xbf16> -> vector<16xf32>
          %unpack3A_494 = tpu.unpack_subelements %bitcast3A_492, 1 {pack_format = #tpu.pack_format<interleaved>} : vector<32xbf16> -> vector<16xf32>
          %get3A_495 = arith.index_cast %scan3A_241 : i32 to index
          %get3A_496 = arith.constant 128 : index
          %get3A_497 = tpu.vector_load %arg13[%get3A_495, %get3A_496] {strides = array<i32>} : memref<48x256xi32, #tpu.memory_space<vmem>>, vector<16xi32>,
          %bitcast3A_498 = vector.bitcast %get3A_497 : vector<16xi32> to vector<32xbf16>
          %unpack3A_499 = tpu.unpack_subelements %bitcast3A_498, 0 {pack_format = #tpu.pack_format<interleaved>} : vector<32xbf16> -> vector<16xf32>
          %unpack3A_500 = tpu.unpack_subelements %bitcast3A_498, 1 {pack_format = #tpu.pack_format<interleaved>} : vector<32xbf16> -> vector<16xf32>
          %get3A_501 = arith.index_cast %scan3A_241 : i32 to index
          %get3A_502 = arith.constant 128 : index
          %get3A_503 = tpu.vector_load %arg14[%get3A_501, %get3A_502] {strides = array<i32>} : memref<48x384xi32, #tpu.memory_space<vmem>>, vector<16xi32>,
          %bitcast3A_504 = vector.bitcast %get3A_503 : vector<16xi32> to vector<32xbf16>
          %unpack3A_505 = tpu.unpack_subelements %bitcast3A_504, 0 {pack_format = #tpu.pack_format<interleaved>} : vector<32xbf16> -> vector<16xf32>
          %unpack3A_506 = tpu.unpack_subelements %bitcast3A_504, 1 {pack_format = #tpu.pack_format<interleaved>} : vector<32xbf16> -> vector<16xf32>
          %get3A_507 = arith.index_cast %scan3A_241 : i32 to index
          %get3A_508 = arith.constant 256 : index
          %get3A_509 = tpu.vector_load %arg14[%get3A_507, %get3A_508] {strides = array<i32>} : memref<48x384xi32, #tpu.memory_space<vmem>>, vector<16xi32>,
          %bitcast3A_510 = vector.bitcast %get3A_509 : vector<16xi32> to vector<32xbf16>
          %unpack3A_511 = tpu.unpack_subelements %bitcast3A_510, 0 {pack_format = #tpu.pack_format<interleaved>} : vector<32xbf16> -> vector<16xf32>
          %unpack3A_512 = tpu.unpack_subelements %bitcast3A_510, 1 {pack_format = #tpu.pack_format<interleaved>} : vector<32xbf16> -> vector<16xf32>
          %add3A_513 = arith.addf %unpack3A_475, %unpack3A_481 : vector<16xf32>
          %add3A_514 = arith.addf %add3A_513, %unpack3A_487 : vector<16xf32>
          %add3A_515 = arith.addf %unpack3A_476, %unpack3A_482 : vector<16xf32>
          %add3A_516 = arith.addf %add3A_515, %unpack3A_488 : vector<16xf32>
          %add3A_517 = arith.addf %unpack3A_493, %unpack3A_499 : vector<16xf32>
          %add3A_518 = arith.addf %add3A_517, %unpack3A_505 : vector<16xf32>
          %add3A_519 = arith.addf %unpack3A_494, %unpack3A_500 : vector<16xf32>
          %add3A_520 = arith.addf %add3A_519, %unpack3A_506 : vector<16xf32>
          %mul3A_521 = arith.mulf %add3A_518, %unpack3A_511 : vector<16xf32>
          %neg3A_522 = arith.constant 0.000000e+00 : f32
          %neg3A_523 = vector.broadcast %neg3A_522 : f32 to vector<16xf32>
          %neg3A_524 = arith.subf %neg3A_523, %add3A_514 : vector<16xf32>
          %exp3A_525 = math.exp %neg3A_524 : vector<16xf32>
          %add3A_526 = arith.constant 1.000000e+00 : f32
          %add3A_527 = vector.broadcast %add3A_526 : f32 to vector<16xf32>
          %add3A_528 = arith.addf %add3A_527, %exp3A_525 : vector<16xf32>
          %div3A_529 = arith.divf %mul3A_521, %add3A_528 : vector<16xf32>
          %mul3A_530 = arith.mulf %add3A_520, %unpack3A_512 : vector<16xf32>
          %neg3A_531 = arith.constant 0.000000e+00 : f32
          %neg3A_532 = vector.broadcast %neg3A_531 : f32 to vector<16xf32>
          %neg3A_533 = arith.subf %neg3A_532, %add3A_516 : vector<16xf32>
          %exp3A_534 = math.exp %neg3A_533 : vector<16xf32>
          %add3A_535 = arith.constant 1.000000e+00 : f32
          %add3A_536 = vector.broadcast %add3A_535 : f32 to vector<16xf32>
          %add3A_537 = arith.addf %add3A_536, %exp3A_534 : vector<16xf32>
          %div3A_538 = arith.divf %mul3A_530, %add3A_537 : vector<16xf32>
          %add3A_539 = arith.constant 128 : i32
          %add3A_540 = arith.addi %mul3A_250, %add3A_539 : i32
          %add3A_541 = arith.constant 0 : i32
          %add3A_542 = arith.addi %add3A_540, %add3A_541 : i32
          %swap3A_543 = arith.index_cast %add3A_542 : i32 to index
          %swap3A_544 = tpu.vector_load %arg15[%swap3A_543] {strides = array<i32>} : memref<82176xf32, #tpu.memory_space<vmem>>, vector<16xf32>,
          tpu.vector_store %arg15[%swap3A_543], %div3A_529 {add = true, strides = array<i32>} : memref<82176xf32, #tpu.memory_space<vmem>>, vector<16xf32>,
          %add3A_545 = arith.constant 128 : i32
          %add3A_546 = arith.addi %mul3A_250, %add3A_545 : i32
          %add3A_547 = arith.constant 0 : i32
          %add3A_548 = arith.addi %add3A_546, %add3A_547 : i32
          %add3A_549 = arith.constant 64 : i32
          %add3A_550 = arith.addi %add3A_548, %add3A_549 : i32
          %swap3A_551 = arith.index_cast %add3A_550 : i32 to index
          %swap3A_552 = tpu.vector_load %arg15[%swap3A_551] {strides = array<i32>} : memref<82176xf32, #tpu.memory_space<vmem>>, vector<16xf32>,
          tpu.vector_store %arg15[%swap3A_551], %div3A_538 {add = true, strides = array<i32>} : memref<82176xf32, #tpu.memory_space<vmem>>, vector<16xf32>,
          %get3A_553 = arith.index_cast %scan3A_241 : i32 to index
          %get3A_554 = arith.constant 80 : index
          %get3A_555 = tpu.vector_load %arg12[%get3A_553, %get3A_554] {strides = array<i32>} : memref<48x256xi32, #tpu.memory_space<vmem>>, vector<16xi32>,
          %bitcast3A_556 = vector.bitcast %get3A_555 : vector<16xi32> to vector<32xbf16>
          %unpack3A_557 = tpu.unpack_subelements %bitcast3A_556, 0 {pack_format = #tpu.pack_format<interleaved>} : vector<32xbf16> -> vector<16xf32>
          %unpack3A_558 = tpu.unpack_subelements %bitcast3A_556, 1 {pack_format = #tpu.pack_format<interleaved>} : vector<32xbf16> -> vector<16xf32>
          %get3A_559 = arith.index_cast %scan3A_241 : i32 to index
          %get3A_560 = arith.constant 80 : index
          %get3A_561 = tpu.vector_load %arg13[%get3A_559, %get3A_560] {strides = array<i32>} : memref<48x256xi32, #tpu.memory_space<vmem>>, vector<16xi32>,
          %bitcast3A_562 = vector.bitcast %get3A_561 : vector<16xi32> to vector<32xbf16>
          %unpack3A_563 = tpu.unpack_subelements %bitcast3A_562, 0 {pack_format = #tpu.pack_format<interleaved>} : vector<32xbf16> -> vector<16xf32>
          %unpack3A_564 = tpu.unpack_subelements %bitcast3A_562, 1 {pack_format = #tpu.pack_format<interleaved>} : vector<32xbf16> -> vector<16xf32>
          %get3A_565 = arith.index_cast %scan3A_241 : i32 to index
          %get3A_566 = arith.constant 80 : index
          %get3A_567 = tpu.vector_load %arg14[%get3A_565, %get3A_566] {strides = array<i32>} : memref<48x384xi32, #tpu.memory_space<vmem>>, vector<16xi32>,
          %bitcast3A_568 = vector.bitcast %get3A_567 : vector<16xi32> to vector<32xbf16>
          %unpack3A_569 = tpu.unpack_subelements %bitcast3A_568, 0 {pack_format = #tpu.pack_format<interleaved>} : vector<32xbf16> -> vector<16xf32>
          %unpack3A_570 = tpu.unpack_subelements %bitcast3A_568, 1 {pack_format = #tpu.pack_format<interleaved>} : vector<32xbf16> -> vector<16xf32>
          %get3A_571 = arith.index_cast %scan3A_241 : i32 to index
          %get3A_572 = arith.constant 144 : index
          %get3A_573 = tpu.vector_load %arg12[%get3A_571, %get3A_572] {strides = array<i32>} : memref<48x256xi32, #tpu.memory_space<vmem>>, vector<16xi32>,
          %bitcast3A_574 = vector.bitcast %get3A_573 : vector<16xi32> to vector<32xbf16>
          %unpack3A_575 = tpu.unpack_subelements %bitcast3A_574, 0 {pack_format = #tpu.pack_format<interleaved>} : vector<32xbf16> -> vector<16xf32>
          %unpack3A_576 = tpu.unpack_subelements %bitcast3A_574, 1 {pack_format = #tpu.pack_format<interleaved>} : vector<32xbf16> -> vector<16xf32>
          %get3A_577 = arith.index_cast %scan3A_241 : i32 to index
          %get3A_578 = arith.constant 144 : index
          %get3A_579 = tpu.vector_load %arg13[%get3A_577, %get3A_578] {strides = array<i32>} : memref<48x256xi32, #tpu.memory_space<vmem>>, vector<16xi32>,
          %bitcast3A_580 = vector.bitcast %get3A_579 : vector<16xi32> to vector<32xbf16>
          %unpack3A_581 = tpu.unpack_subelements %bitcast3A_580, 0 {pack_format = #tpu.pack_format<interleaved>} : vector<32xbf16> -> vector<16xf32>
          %unpack3A_582 = tpu.unpack_subelements %bitcast3A_580, 1 {pack_format = #tpu.pack_format<interleaved>} : vector<32xbf16> -> vector<16xf32>
          %get3A_583 = arith.index_cast %scan3A_241 : i32 to index
          %get3A_584 = arith.constant 144 : index
          %get3A_585 = tpu.vector_load %arg14[%get3A_583, %get3A_584] {strides = array<i32>} : memref<48x384xi32, #tpu.memory_space<vmem>>, vector<16xi32>,
          %bitcast3A_586 = vector.bitcast %get3A_585 : vector<16xi32> to vector<32xbf16>
          %unpack3A_587 = tpu.unpack_subelements %bitcast3A_586, 0 {pack_format = #tpu.pack_format<interleaved>} : vector<32xbf16> -> vector<16xf32>
          %unpack3A_588 = tpu.unpack_subelements %bitcast3A_586, 1 {pack_format = #tpu.pack_format<interleaved>} : vector<32xbf16> -> vector<16xf32>
          %get3A_589 = arith.index_cast %scan3A_241 : i32 to index
          %get3A_590 = arith.constant 272 : index
          %get3A_591 = tpu.vector_load %arg14[%get3A_589, %get3A_590] {strides = array<i32>} : memref<48x384xi32, #tpu.memory_space<vmem>>, vector<16xi32>,
          %bitcast3A_592 = vector.bitcast %get3A_591 : vector<16xi32> to vector<32xbf16>
          %unpack3A_593 = tpu.unpack_subelements %bitcast3A_592, 0 {pack_format = #tpu.pack_format<interleaved>} : vector<32xbf16> -> vector<16xf32>
          %unpack3A_594 = tpu.unpack_subelements %bitcast3A_592, 1 {pack_format = #tpu.pack_format<interleaved>} : vector<32xbf16> -> vector<16xf32>
          %add3A_595 = arith.addf %unpack3A_557, %unpack3A_563 : vector<16xf32>
          %add3A_596 = arith.addf %add3A_595, %unpack3A_569 : vector<16xf32>
          %add3A_597 = arith.addf %unpack3A_558, %unpack3A_564 : vector<16xf32>
          %add3A_598 = arith.addf %add3A_597, %unpack3A_570 : vector<16xf32>
          %add3A_599 = arith.addf %unpack3A_575, %unpack3A_581 : vector<16xf32>
          %add3A_600 = arith.addf %add3A_599, %unpack3A_587 : vector<16xf32>
          %add3A_601 = arith.addf %unpack3A_576, %unpack3A_582 : vector<16xf32>
          %add3A_602 = arith.addf %add3A_601, %unpack3A_588 : vector<16xf32>
          %mul3A_603 = arith.mulf %add3A_600, %unpack3A_593 : vector<16xf32>
          %neg3A_604 = arith.constant 0.000000e+00 : f32
          %neg3A_605 = vector.broadcast %neg3A_604 : f32 to vector<16xf32>
          %neg3A_606 = arith.subf %neg3A_605, %add3A_596 : vector<16xf32>
          %exp3A_607 = math.exp %neg3A_606 : vector<16xf32>
          %add3A_608 = arith.constant 1.000000e+00 : f32
          %add3A_609 = vector.broadcast %add3A_608 : f32 to vector<16xf32>
          %add3A_610 = arith.addf %add3A_609, %exp3A_607 : vector<16xf32>
          %div3A_611 = arith.divf %mul3A_603, %add3A_610 : vector<16xf32>
          %mul3A_612 = arith.mulf %add3A_602, %unpack3A_594 : vector<16xf32>
          %neg3A_613 = arith.constant 0.000000e+00 : f32
          %neg3A_614 = vector.broadcast %neg3A_613 : f32 to vector<16xf32>
          %neg3A_615 = arith.subf %neg3A_614, %add3A_598 : vector<16xf32>
          %exp3A_616 = math.exp %neg3A_615 : vector<16xf32>
          %add3A_617 = arith.constant 1.000000e+00 : f32
          %add3A_618 = vector.broadcast %add3A_617 : f32 to vector<16xf32>
          %add3A_619 = arith.addf %add3A_618, %exp3A_616 : vector<16xf32>
          %div3A_620 = arith.divf %mul3A_612, %add3A_619 : vector<16xf32>
          %add3A_621 = arith.constant 128 : i32
          %add3A_622 = arith.addi %mul3A_250, %add3A_621 : i32
          %add3A_623 = arith.constant 16 : i32
          %add3A_624 = arith.addi %add3A_622, %add3A_623 : i32
          %swap3A_625 = arith.index_cast %add3A_624 : i32 to index
          %swap3A_626 = tpu.vector_load %arg15[%swap3A_625] {strides = array<i32>} : memref<82176xf32, #tpu.memory_space<vmem>>, vector<16xf32>,
          tpu.vector_store %arg15[%swap3A_625], %div3A_611 {add = true, strides = array<i32>} : memref<82176xf32, #tpu.memory_space<vmem>>, vector<16xf32>,
          %add3A_627 = arith.constant 128 : i32
          %add3A_628 = arith.addi %mul3A_250, %add3A_627 : i32
          %add3A_629 = arith.constant 16 : i32
          %add3A_630 = arith.addi %add3A_628, %add3A_629 : i32
          %add3A_631 = arith.constant 64 : i32
          %add3A_632 = arith.addi %add3A_630, %add3A_631 : i32
          %swap3A_633 = arith.index_cast %add3A_632 : i32 to index
          %swap3A_634 = tpu.vector_load %arg15[%swap3A_633] {strides = array<i32>} : memref<82176xf32, #tpu.memory_space<vmem>>, vector<16xf32>,
          tpu.vector_store %arg15[%swap3A_633], %div3A_620 {add = true, strides = array<i32>} : memref<82176xf32, #tpu.memory_space<vmem>>, vector<16xf32>,
          %get3A_635 = arith.index_cast %scan3A_241 : i32 to index
          %get3A_636 = arith.constant 96 : index
          %get3A_637 = tpu.vector_load %arg12[%get3A_635, %get3A_636] {strides = array<i32>} : memref<48x256xi32, #tpu.memory_space<vmem>>, vector<16xi32>,
          %bitcast3A_638 = vector.bitcast %get3A_637 : vector<16xi32> to vector<32xbf16>
          %unpack3A_639 = tpu.unpack_subelements %bitcast3A_638, 0 {pack_format = #tpu.pack_format<interleaved>} : vector<32xbf16> -> vector<16xf32>
          %unpack3A_640 = tpu.unpack_subelements %bitcast3A_638, 1 {pack_format = #tpu.pack_format<interleaved>} : vector<32xbf16> -> vector<16xf32>
          %get3A_641 = arith.index_cast %scan3A_241 : i32 to index
          %get3A_642 = arith.constant 96 : index
          %get3A_643 = tpu.vector_load %arg13[%get3A_641, %get3A_642] {strides = array<i32>} : memref<48x256xi32, #tpu.memory_space<vmem>>, vector<16xi32>,
          %bitcast3A_644 = vector.bitcast %get3A_643 : vector<16xi32> to vector<32xbf16>
          %unpack3A_645 = tpu.unpack_subelements %bitcast3A_644, 0 {pack_format = #tpu.pack_format<interleaved>} : vector<32xbf16> -> vector<16xf32>
          %unpack3A_646 = tpu.unpack_subelements %bitcast3A_644, 1 {pack_format = #tpu.pack_format<interleaved>} : vector<32xbf16> -> vector<16xf32>
          %get3A_647 = arith.index_cast %scan3A_241 : i32 to index
          %get3A_648 = arith.constant 96 : index
          %get3A_649 = tpu.vector_load %arg14[%get3A_647, %get3A_648] {strides = array<i32>} : memref<48x384xi32, #tpu.memory_space<vmem>>, vector<16xi32>,
          %bitcast3A_650 = vector.bitcast %get3A_649 : vector<16xi32> to vector<32xbf16>
          %unpack3A_651 = tpu.unpack_subelements %bitcast3A_650, 0 {pack_format = #tpu.pack_format<interleaved>} : vector<32xbf16> -> vector<16xf32>
          %unpack3A_652 = tpu.unpack_subelements %bitcast3A_650, 1 {pack_format = #tpu.pack_format<interleaved>} : vector<32xbf16> -> vector<16xf32>
          %get3A_653 = arith.index_cast %scan3A_241 : i32 to index
          %get3A_654 = arith.constant 160 : index
          %get3A_655 = tpu.vector_load %arg12[%get3A_653, %get3A_654] {strides = array<i32>} : memref<48x256xi32, #tpu.memory_space<vmem>>, vector<16xi32>,
          %bitcast3A_656 = vector.bitcast %get3A_655 : vector<16xi32> to vector<32xbf16>
          %unpack3A_657 = tpu.unpack_subelements %bitcast3A_656, 0 {pack_format = #tpu.pack_format<interleaved>} : vector<32xbf16> -> vector<16xf32>
          %unpack3A_658 = tpu.unpack_subelements %bitcast3A_656, 1 {pack_format = #tpu.pack_format<interleaved>} : vector<32xbf16> -> vector<16xf32>
          %get3A_659 = arith.index_cast %scan3A_241 : i32 to index
          %get3A_660 = arith.constant 160 : index
          %get3A_661 = tpu.vector_load %arg13[%get3A_659, %get3A_660] {strides = array<i32>} : memref<48x256xi32, #tpu.memory_space<vmem>>, vector<16xi32>,
          %bitcast3A_662 = vector.bitcast %get3A_661 : vector<16xi32> to vector<32xbf16>
          %unpack3A_663 = tpu.unpack_subelements %bitcast3A_662, 0 {pack_format = #tpu.pack_format<interleaved>} : vector<32xbf16> -> vector<16xf32>
          %unpack3A_664 = tpu.unpack_subelements %bitcast3A_662, 1 {pack_format = #tpu.pack_format<interleaved>} : vector<32xbf16> -> vector<16xf32>
          %get3A_665 = arith.index_cast %scan3A_241 : i32 to index
          %get3A_666 = arith.constant 160 : index
          %get3A_667 = tpu.vector_load %arg14[%get3A_665, %get3A_666] {strides = array<i32>} : memref<48x384xi32, #tpu.memory_space<vmem>>, vector<16xi32>,
          %bitcast3A_668 = vector.bitcast %get3A_667 : vector<16xi32> to vector<32xbf16>
          %unpack3A_669 = tpu.unpack_subelements %bitcast3A_668, 0 {pack_format = #tpu.pack_format<interleaved>} : vector<32xbf16> -> vector<16xf32>
          %unpack3A_670 = tpu.unpack_subelements %bitcast3A_668, 1 {pack_format = #tpu.pack_format<interleaved>} : vector<32xbf16> -> vector<16xf32>
          %get3A_671 = arith.index_cast %scan3A_241 : i32 to index
          %get3A_672 = arith.constant 288 : index
          %get3A_673 = tpu.vector_load %arg14[%get3A_671, %get3A_672] {strides = array<i32>} : memref<48x384xi32, #tpu.memory_space<vmem>>, vector<16xi32>,
          %bitcast3A_674 = vector.bitcast %get3A_673 : vector<16xi32> to vector<32xbf16>
          %unpack3A_675 = tpu.unpack_subelements %bitcast3A_674, 0 {pack_format = #tpu.pack_format<interleaved>} : vector<32xbf16> -> vector<16xf32>
          %unpack3A_676 = tpu.unpack_subelements %bitcast3A_674, 1 {pack_format = #tpu.pack_format<interleaved>} : vector<32xbf16> -> vector<16xf32>
          %add3A_677 = arith.addf %unpack3A_639, %unpack3A_645 : vector<16xf32>
          %add3A_678 = arith.addf %add3A_677, %unpack3A_651 : vector<16xf32>
          %add3A_679 = arith.addf %unpack3A_640, %unpack3A_646 : vector<16xf32>
          %add3A_680 = arith.addf %add3A_679, %unpack3A_652 : vector<16xf32>
          %add3A_681 = arith.addf %unpack3A_657, %unpack3A_663 : vector<16xf32>
          %add3A_682 = arith.addf %add3A_681, %unpack3A_669 : vector<16xf32>
          %add3A_683 = arith.addf %unpack3A_658, %unpack3A_664 : vector<16xf32>
          %add3A_684 = arith.addf %add3A_683, %unpack3A_670 : vector<16xf32>
          %mul3A_685 = arith.mulf %add3A_682, %unpack3A_675 : vector<16xf32>
          %neg3A_686 = arith.constant 0.000000e+00 : f32
          %neg3A_687 = vector.broadcast %neg3A_686 : f32 to vector<16xf32>
          %neg3A_688 = arith.subf %neg3A_687, %add3A_678 : vector<16xf32>
          %exp3A_689 = math.exp %neg3A_688 : vector<16xf32>
          %add3A_690 = arith.constant 1.000000e+00 : f32
          %add3A_691 = vector.broadcast %add3A_690 : f32 to vector<16xf32>
          %add3A_692 = arith.addf %add3A_691, %exp3A_689 : vector<16xf32>
          %div3A_693 = arith.divf %mul3A_685, %add3A_692 : vector<16xf32>
          %mul3A_694 = arith.mulf %add3A_684, %unpack3A_676 : vector<16xf32>
          %neg3A_695 = arith.constant 0.000000e+00 : f32
          %neg3A_696 = vector.broadcast %neg3A_695 : f32 to vector<16xf32>
          %neg3A_697 = arith.subf %neg3A_696, %add3A_680 : vector<16xf32>
          %exp3A_698 = math.exp %neg3A_697 : vector<16xf32>
          %add3A_699 = arith.constant 1.000000e+00 : f32
          %add3A_700 = vector.broadcast %add3A_699 : f32 to vector<16xf32>
          %add3A_701 = arith.addf %add3A_700, %exp3A_698 : vector<16xf32>
          %div3A_702 = arith.divf %mul3A_694, %add3A_701 : vector<16xf32>
          %add3A_703 = arith.constant 128 : i32
          %add3A_704 = arith.addi %mul3A_250, %add3A_703 : i32
          %add3A_705 = arith.constant 32 : i32
          %add3A_706 = arith.addi %add3A_704, %add3A_705 : i32
          %swap3A_707 = arith.index_cast %add3A_706 : i32 to index
          %swap3A_708 = tpu.vector_load %arg15[%swap3A_707] {strides = array<i32>} : memref<82176xf32, #tpu.memory_space<vmem>>, vector<16xf32>,
          tpu.vector_store %arg15[%swap3A_707], %div3A_693 {add = true, strides = array<i32>} : memref<82176xf32, #tpu.memory_space<vmem>>, vector<16xf32>,
          %add3A_709 = arith.constant 128 : i32
          %add3A_710 = arith.addi %mul3A_250, %add3A_709 : i32
          %add3A_711 = arith.constant 32 : i32
          %add3A_712 = arith.addi %add3A_710, %add3A_711 : i32
          %add3A_713 = arith.constant 64 : i32
          %add3A_714 = arith.addi %add3A_712, %add3A_713 : i32
          %swap3A_715 = arith.index_cast %add3A_714 : i32 to index
          %swap3A_716 = tpu.vector_load %arg15[%swap3A_715] {strides = array<i32>} : memref<82176xf32, #tpu.memory_space<vmem>>, vector<16xf32>,
          tpu.vector_store %arg15[%swap3A_715], %div3A_702 {add = true, strides = array<i32>} : memref<82176xf32, #tpu.memory_space<vmem>>, vector<16xf32>,
          %get3A_717 = arith.index_cast %scan3A_241 : i32 to index
          %get3A_718 = arith.constant 112 : index
          %get3A_719 = tpu.vector_load %arg12[%get3A_717, %get3A_718] {strides = array<i32>} : memref<48x256xi32, #tpu.memory_space<vmem>>, vector<16xi32>,
          %bitcast3A_720 = vector.bitcast %get3A_719 : vector<16xi32> to vector<32xbf16>
          %unpack3A_721 = tpu.unpack_subelements %bitcast3A_720, 0 {pack_format = #tpu.pack_format<interleaved>} : vector<32xbf16> -> vector<16xf32>
          %unpack3A_722 = tpu.unpack_subelements %bitcast3A_720, 1 {pack_format = #tpu.pack_format<interleaved>} : vector<32xbf16> -> vector<16xf32>
          %get3A_723 = arith.index_cast %scan3A_241 : i32 to index
          %get3A_724 = arith.constant 112 : index
          %get3A_725 = tpu.vector_load %arg13[%get3A_723, %get3A_724] {strides = array<i32>} : memref<48x256xi32, #tpu.memory_space<vmem>>, vector<16xi32>,
          %bitcast3A_726 = vector.bitcast %get3A_725 : vector<16xi32> to vector<32xbf16>
          %unpack3A_727 = tpu.unpack_subelements %bitcast3A_726, 0 {pack_format = #tpu.pack_format<interleaved>} : vector<32xbf16> -> vector<16xf32>
          %unpack3A_728 = tpu.unpack_subelements %bitcast3A_726, 1 {pack_format = #tpu.pack_format<interleaved>} : vector<32xbf16> -> vector<16xf32>
          %get3A_729 = arith.index_cast %scan3A_241 : i32 to index
          %get3A_730 = arith.constant 112 : index
          %get3A_731 = tpu.vector_load %arg14[%get3A_729, %get3A_730] {strides = array<i32>} : memref<48x384xi32, #tpu.memory_space<vmem>>, vector<16xi32>,
          %bitcast3A_732 = vector.bitcast %get3A_731 : vector<16xi32> to vector<32xbf16>
          %unpack3A_733 = tpu.unpack_subelements %bitcast3A_732, 0 {pack_format = #tpu.pack_format<interleaved>} : vector<32xbf16> -> vector<16xf32>
          %unpack3A_734 = tpu.unpack_subelements %bitcast3A_732, 1 {pack_format = #tpu.pack_format<interleaved>} : vector<32xbf16> -> vector<16xf32>
          %get3A_735 = arith.index_cast %scan3A_241 : i32 to index
          %get3A_736 = arith.constant 176 : index
          %get3A_737 = tpu.vector_load %arg12[%get3A_735, %get3A_736] {strides = array<i32>} : memref<48x256xi32, #tpu.memory_space<vmem>>, vector<16xi32>,
          %bitcast3A_738 = vector.bitcast %get3A_737 : vector<16xi32> to vector<32xbf16>
          %unpack3A_739 = tpu.unpack_subelements %bitcast3A_738, 0 {pack_format = #tpu.pack_format<interleaved>} : vector<32xbf16> -> vector<16xf32>
          %unpack3A_740 = tpu.unpack_subelements %bitcast3A_738, 1 {pack_format = #tpu.pack_format<interleaved>} : vector<32xbf16> -> vector<16xf32>
          %get3A_741 = arith.index_cast %scan3A_241 : i32 to index
          %get3A_742 = arith.constant 176 : index
          %get3A_743 = tpu.vector_load %arg13[%get3A_741, %get3A_742] {strides = array<i32>} : memref<48x256xi32, #tpu.memory_space<vmem>>, vector<16xi32>,
          %bitcast3A_744 = vector.bitcast %get3A_743 : vector<16xi32> to vector<32xbf16>
          %unpack3A_745 = tpu.unpack_subelements %bitcast3A_744, 0 {pack_format = #tpu.pack_format<interleaved>} : vector<32xbf16> -> vector<16xf32>
          %unpack3A_746 = tpu.unpack_subelements %bitcast3A_744, 1 {pack_format = #tpu.pack_format<interleaved>} : vector<32xbf16> -> vector<16xf32>
          %get3A_747 = arith.index_cast %scan3A_241 : i32 to index
          %get3A_748 = arith.constant 176 : index
          %get3A_749 = tpu.vector_load %arg14[%get3A_747, %get3A_748] {strides = array<i32>} : memref<48x384xi32, #tpu.memory_space<vmem>>, vector<16xi32>,
          %bitcast3A_750 = vector.bitcast %get3A_749 : vector<16xi32> to vector<32xbf16>
          %unpack3A_751 = tpu.unpack_subelements %bitcast3A_750, 0 {pack_format = #tpu.pack_format<interleaved>} : vector<32xbf16> -> vector<16xf32>
          %unpack3A_752 = tpu.unpack_subelements %bitcast3A_750, 1 {pack_format = #tpu.pack_format<interleaved>} : vector<32xbf16> -> vector<16xf32>
          %get3A_753 = arith.index_cast %scan3A_241 : i32 to index
          %get3A_754 = arith.constant 304 : index
          %get3A_755 = tpu.vector_load %arg14[%get3A_753, %get3A_754] {strides = array<i32>} : memref<48x384xi32, #tpu.memory_space<vmem>>, vector<16xi32>,
          %bitcast3A_756 = vector.bitcast %get3A_755 : vector<16xi32> to vector<32xbf16>
          %unpack3A_757 = tpu.unpack_subelements %bitcast3A_756, 0 {pack_format = #tpu.pack_format<interleaved>} : vector<32xbf16> -> vector<16xf32>
          %unpack3A_758 = tpu.unpack_subelements %bitcast3A_756, 1 {pack_format = #tpu.pack_format<interleaved>} : vector<32xbf16> -> vector<16xf32>
          %add3A_759 = arith.addf %unpack3A_721, %unpack3A_727 : vector<16xf32>
          %add3A_760 = arith.addf %add3A_759, %unpack3A_733 : vector<16xf32>
          %add3A_761 = arith.addf %unpack3A_722, %unpack3A_728 : vector<16xf32>
          %add3A_762 = arith.addf %add3A_761, %unpack3A_734 : vector<16xf32>
          %add3A_763 = arith.addf %unpack3A_739, %unpack3A_745 : vector<16xf32>
          %add3A_764 = arith.addf %add3A_763, %unpack3A_751 : vector<16xf32>
          %add3A_765 = arith.addf %unpack3A_740, %unpack3A_746 : vector<16xf32>
          %add3A_766 = arith.addf %add3A_765, %unpack3A_752 : vector<16xf32>
          %mul3A_767 = arith.mulf %add3A_764, %unpack3A_757 : vector<16xf32>
          %neg3A_768 = arith.constant 0.000000e+00 : f32
          %neg3A_769 = vector.broadcast %neg3A_768 : f32 to vector<16xf32>
          %neg3A_770 = arith.subf %neg3A_769, %add3A_760 : vector<16xf32>
          %exp3A_771 = math.exp %neg3A_770 : vector<16xf32>
          %add3A_772 = arith.constant 1.000000e+00 : f32
          %add3A_773 = vector.broadcast %add3A_772 : f32 to vector<16xf32>
          %add3A_774 = arith.addf %add3A_773, %exp3A_771 : vector<16xf32>
          %div3A_775 = arith.divf %mul3A_767, %add3A_774 : vector<16xf32>
          %mul3A_776 = arith.mulf %add3A_766, %unpack3A_758 : vector<16xf32>
          %neg3A_777 = arith.constant 0.000000e+00 : f32
          %neg3A_778 = vector.broadcast %neg3A_777 : f32 to vector<16xf32>
          %neg3A_779 = arith.subf %neg3A_778, %add3A_762 : vector<16xf32>
          %exp3A_780 = math.exp %neg3A_779 : vector<16xf32>
          %add3A_781 = arith.constant 1.000000e+00 : f32
          %add3A_782 = vector.broadcast %add3A_781 : f32 to vector<16xf32>
          %add3A_783 = arith.addf %add3A_782, %exp3A_780 : vector<16xf32>
          %div3A_784 = arith.divf %mul3A_776, %add3A_783 : vector<16xf32>
          %add3A_785 = arith.constant 128 : i32
          %add3A_786 = arith.addi %mul3A_250, %add3A_785 : i32
          %add3A_787 = arith.constant 48 : i32
          %add3A_788 = arith.addi %add3A_786, %add3A_787 : i32
          %swap3A_789 = arith.index_cast %add3A_788 : i32 to index
          %swap3A_790 = tpu.vector_load %arg15[%swap3A_789] {strides = array<i32>} : memref<82176xf32, #tpu.memory_space<vmem>>, vector<16xf32>,
          tpu.vector_store %arg15[%swap3A_789], %div3A_775 {add = true, strides = array<i32>} : memref<82176xf32, #tpu.memory_space<vmem>>, vector<16xf32>,
          %add3A_791 = arith.constant 128 : i32
          %add3A_792 = arith.addi %mul3A_250, %add3A_791 : i32
          %add3A_793 = arith.constant 48 : i32
          %add3A_794 = arith.addi %add3A_792, %add3A_793 : i32
          %add3A_795 = arith.constant 64 : i32
          %add3A_796 = arith.addi %add3A_794, %add3A_795 : i32
          %swap3A_797 = arith.index_cast %add3A_796 : i32 to index
          %swap3A_798 = tpu.vector_load %arg15[%swap3A_797] {strides = array<i32>} : memref<82176xf32, #tpu.memory_space<vmem>>, vector<16xf32>,
          tpu.vector_store %arg15[%swap3A_797], %div3A_784 {add = true, strides = array<i32>} : memref<82176xf32, #tpu.memory_space<vmem>>, vector<16xf32>,
          %scan3A_799 = arith.constant 0 : i32
          scf.yield %scan3A_799 : i32
        }
        %scan3A_239 = arith.constant 48 : i32
        %while3A_240 = arith.constant 0 : i32
        scf.yield %while3A_240 : i32
      }
      %mul3A_167 = arith.constant 48 : i32
      %mul3A_168 = arith.muli %select_n3A_154, %mul3A_167 : i32
      %sub3A_169 = arith.subi %scan3A_129, %mul3A_168 : i32
      %gt3A = arith.constant 0 : i32
      %gt3A_170 = arith.cmpi sgt, %select_n3A_154, %gt3A : i32
      %convert_element_type3A_171 = arith.extui %gt3A_170 : i1 to i32
      %cond3A_172 = arith.constant 0 : i32
      %cond3A_173 = arith.cmpi ne, %convert_element_type3A_171, %cond3A_172 : i32
      scf.if %cond3A_173 {
        %mul3A_174 = arith.constant 48 : i32
        %mul3A_175 = arith.muli %select_n3A_154, %mul3A_174 : i32
        %add3A_176 = arith.constant 0 : i32
        %add3A_177 = arith.addi %mul3A_175, %add3A_176 : i32
        %get3A = arith.index_cast %add3A_177 : i32 to index
        %get3A_178 = tpu.vector_load %arg8[%get3A] {strides = array<i32>} : memref<736xi32, #tpu.memory_space<vmem>>, vector<16xi32>,
        %mul3A_179 = arith.constant 48 : i32
        %mul3A_180 = arith.muli %select_n3A_154, %mul3A_179 : i32
        %add3A_181 = arith.constant 0 : i32
        %add3A_182 = arith.addi %mul3A_180, %add3A_181 : i32
        %get3A_183 = arith.index_cast %add3A_182 : i32 to index
        %get3A_184 = tpu.vector_load %arg9[%get3A_183] {strides = array<i32>} : memref<736xi32, #tpu.memory_space<vmem>>, vector<16xi32>,
        %mul3A_185 = arith.constant 48 : i32
        %mul3A_186 = arith.muli %select_n3A_154, %mul3A_185 : i32
        %add3A_187 = arith.constant 0 : i32
        %add3A_188 = arith.addi %mul3A_186, %add3A_187 : i32
        %get3A_189 = arith.index_cast %add3A_188 : i32 to index
        %get3A_190 = tpu.vector_load %arg10[%get3A_189] {strides = array<i32>} : memref<736xi32, #tpu.memory_space<vmem>>, vector<16xi32>,
        %swap3A_191 = arith.constant 0 : index
        %swap3A_192 = tpu.vector_load %arg8[%swap3A_191] {strides = array<i32>} : memref<736xi32, #tpu.memory_space<vmem>>, vector<16xi32>,
        tpu.vector_store %arg8[%swap3A_191], %get3A_178 {strides = array<i32>} : memref<736xi32, #tpu.memory_space<vmem>>, vector<16xi32>,
        %swap3A_193 = arith.constant 0 : index
        %swap3A_194 = tpu.vector_load %arg9[%swap3A_193] {strides = array<i32>} : memref<736xi32, #tpu.memory_space<vmem>>, vector<16xi32>,
        tpu.vector_store %arg9[%swap3A_193], %get3A_184 {strides = array<i32>} : memref<736xi32, #tpu.memory_space<vmem>>, vector<16xi32>,
        %swap3A_195 = arith.constant 0 : index
        %swap3A_196 = tpu.vector_load %arg10[%swap3A_195] {strides = array<i32>} : memref<736xi32, #tpu.memory_space<vmem>>, vector<16xi32>,
        tpu.vector_store %arg10[%swap3A_195], %get3A_190 {strides = array<i32>} : memref<736xi32, #tpu.memory_space<vmem>>, vector<16xi32>,
        %mul3A_197 = arith.constant 48 : i32
        %mul3A_198 = arith.muli %select_n3A_154, %mul3A_197 : i32
        %add3A_199 = arith.constant 16 : i32
        %add3A_200 = arith.addi %mul3A_198, %add3A_199 : i32
        %get3A_201 = arith.index_cast %add3A_200 : i32 to index
        %get3A_202 = tpu.vector_load %arg8[%get3A_201] {strides = array<i32>} : memref<736xi32, #tpu.memory_space<vmem>>, vector<16xi32>,
        %mul3A_203 = arith.constant 48 : i32
        %mul3A_204 = arith.muli %select_n3A_154, %mul3A_203 : i32
        %add3A_205 = arith.constant 16 : i32
        %add3A_206 = arith.addi %mul3A_204, %add3A_205 : i32
        %get3A_207 = arith.index_cast %add3A_206 : i32 to index
        %get3A_208 = tpu.vector_load %arg9[%get3A_207] {strides = array<i32>} : memref<736xi32, #tpu.memory_space<vmem>>, vector<16xi32>,
        %mul3A_209 = arith.constant 48 : i32
        %mul3A_210 = arith.muli %select_n3A_154, %mul3A_209 : i32
        %add3A_211 = arith.constant 16 : i32
        %add3A_212 = arith.addi %mul3A_210, %add3A_211 : i32
        %get3A_213 = arith.index_cast %add3A_212 : i32 to index
        %get3A_214 = tpu.vector_load %arg10[%get3A_213] {strides = array<i32>} : memref<736xi32, #tpu.memory_space<vmem>>, vector<16xi32>,
        %swap3A_215 = arith.constant 16 : index
        %swap3A_216 = tpu.vector_load %arg8[%swap3A_215] {strides = array<i32>} : memref<736xi32, #tpu.memory_space<vmem>>, vector<16xi32>,
        tpu.vector_store %arg8[%swap3A_215], %get3A_202 {strides = array<i32>} : memref<736xi32, #tpu.memory_space<vmem>>, vector<16xi32>,
        %swap3A_217 = arith.constant 16 : index
        %swap3A_218 = tpu.vector_load %arg9[%swap3A_217] {strides = array<i32>} : memref<736xi32, #tpu.memory_space<vmem>>, vector<16xi32>,
        tpu.vector_store %arg9[%swap3A_217], %get3A_208 {strides = array<i32>} : memref<736xi32, #tpu.memory_space<vmem>>, vector<16xi32>,
        %swap3A_219 = arith.constant 16 : index
        %swap3A_220 = tpu.vector_load %arg10[%swap3A_219] {strides = array<i32>} : memref<736xi32, #tpu.memory_space<vmem>>, vector<16xi32>,
        tpu.vector_store %arg10[%swap3A_219], %get3A_214 {strides = array<i32>} : memref<736xi32, #tpu.memory_space<vmem>>, vector<16xi32>,
        %mul3A_221 = arith.constant 48 : i32
        %mul3A_222 = arith.muli %select_n3A_154, %mul3A_221 : i32
        %add3A_223 = arith.constant 32 : i32
        %add3A_224 = arith.addi %mul3A_222, %add3A_223 : i32
        %get3A_225 = arith.index_cast %add3A_224 : i32 to index
        %get3A_226 = tpu.vector_load %arg8[%get3A_225] {strides = array<i32>} : memref<736xi32, #tpu.memory_space<vmem>>, vector<16xi32>,
        %mul3A_227 = arith.constant 48 : i32
        %mul3A_228 = arith.muli %select_n3A_154, %mul3A_227 : i32
        %add3A_229 = arith.constant 32 : i32
        %add3A_230 = arith.addi %mul3A_228, %add3A_229 : i32
        %get3A_231 = arith.index_cast %add3A_230 : i32 to index
        %get3A_232 = tpu.vector_load %arg9[%get3A_231] {strides = array<i32>} : memref<736xi32, #tpu.memory_space<vmem>>, vector<16xi32>,
        %mul3A_233 = arith.constant 48 : i32
        %mul3A_234 = arith.muli %select_n3A_154, %mul3A_233 : i32
        %add3A_235 = arith.constant 32 : i32
        %add3A_236 = arith.addi %mul3A_234, %add3A_235 : i32
        %get3A_237 = arith.index_cast %add3A_236 : i32 to index
        %get3A_238 = tpu.vector_load %arg10[%get3A_237] {strides = array<i32>} : memref<736xi32, #tpu.memory_space<vmem>>, vector<16xi32>,
        %swap3A_239 = arith.constant 32 : index
        %swap3A_240 = tpu.vector_load %arg8[%swap3A_239] {strides = array<i32>} : memref<736xi32, #tpu.memory_space<vmem>>, vector<16xi32>,
        tpu.vector_store %arg8[%swap3A_239], %get3A_226 {strides = array<i32>} : memref<736xi32, #tpu.memory_space<vmem>>, vector<16xi32>,
        %swap3A_241 = arith.constant 32 : index
        %swap3A_242 = tpu.vector_load %arg9[%swap3A_241] {strides = array<i32>} : memref<736xi32, #tpu.memory_space<vmem>>, vector<16xi32>,
        tpu.vector_store %arg9[%swap3A_241], %get3A_232 {strides = array<i32>} : memref<736xi32, #tpu.memory_space<vmem>>, vector<16xi32>,
        %swap3A_243 = arith.constant 32 : index
        %swap3A_244 = tpu.vector_load %arg10[%swap3A_243] {strides = array<i32>} : memref<736xi32, #tpu.memory_space<vmem>>, vector<16xi32>,
        tpu.vector_store %arg10[%swap3A_243], %get3A_238 {strides = array<i32>} : memref<736xi32, #tpu.memory_space<vmem>>, vector<16xi32>,
      } else {
      }
      scf.yield %sub3A_169 : i32
    }
    %scan3A_30 = arith.constant 250 : i32
    %broadcast_in_dim3A_31 = arith.constant 0 : i32
    %broadcast_in_dim3A_32 = vector.broadcast %broadcast_in_dim3A_31 : i32 to vector<16xi32>
    %add3A_33 = arith.constant 320 : i32
    %add3A_34 = arith.addi %mul3A_2, %add3A_33 : i32
    %broadcast_in_dim3A_35 = vector.broadcast %add3A_34 : i32 to vector<16xi32>
    %add3A_36 = arith.constant 0 : i32
    %add3A_37 = arith.addi %scan3A_29, %add3A_36 : i32
    %swap3A = arith.index_cast %add3A_37 : i32 to index
    %swap3A_38 = tpu.vector_load %arg8[%swap3A] {strides = array<i32>} : memref<736xi32, #tpu.memory_space<vmem>>, vector<16xi32>,
    tpu.vector_store %arg8[%swap3A], %broadcast_in_dim3A_32 {strides = array<i32>} : memref<736xi32, #tpu.memory_space<vmem>>, vector<16xi32>,
    %add3A_39 = arith.constant 0 : i32
    %add3A_40 = arith.addi %scan3A_29, %add3A_39 : i32
    %swap3A_41 = arith.index_cast %add3A_40 : i32 to index
    %swap3A_42 = tpu.vector_load %arg9[%swap3A_41] {strides = array<i32>} : memref<736xi32, #tpu.memory_space<vmem>>, vector<16xi32>,
    tpu.vector_store %arg9[%swap3A_41], %broadcast_in_dim3A_35 {strides = array<i32>} : memref<736xi32, #tpu.memory_space<vmem>>, vector<16xi32>,
    %add3A_43 = arith.constant 0 : i32
    %add3A_44 = arith.addi %scan3A_29, %add3A_43 : i32
    %swap3A_45 = arith.index_cast %add3A_44 : i32 to index
    %swap3A_46 = tpu.vector_load %arg10[%swap3A_45] {strides = array<i32>} : memref<736xi32, #tpu.memory_space<vmem>>, vector<16xi32>,
    tpu.vector_store %arg10[%swap3A_45], %broadcast_in_dim3A_32 {strides = array<i32>} : memref<736xi32, #tpu.memory_space<vmem>>, vector<16xi32>,
    %add3A_47 = arith.constant 16 : i32
    %add3A_48 = arith.addi %scan3A_29, %add3A_47 : i32
    %swap3A_49 = arith.index_cast %add3A_48 : i32 to index
    %swap3A_50 = tpu.vector_load %arg8[%swap3A_49] {strides = array<i32>} : memref<736xi32, #tpu.memory_space<vmem>>, vector<16xi32>,
    tpu.vector_store %arg8[%swap3A_49], %broadcast_in_dim3A_32 {strides = array<i32>} : memref<736xi32, #tpu.memory_space<vmem>>, vector<16xi32>,
    %add3A_51 = arith.constant 16 : i32
    %add3A_52 = arith.addi %scan3A_29, %add3A_51 : i32
    %swap3A_53 = arith.index_cast %add3A_52 : i32 to index
    %swap3A_54 = tpu.vector_load %arg9[%swap3A_53] {strides = array<i32>} : memref<736xi32, #tpu.memory_space<vmem>>, vector<16xi32>,
    tpu.vector_store %arg9[%swap3A_53], %broadcast_in_dim3A_35 {strides = array<i32>} : memref<736xi32, #tpu.memory_space<vmem>>, vector<16xi32>,
    %add3A_55 = arith.constant 16 : i32
    %add3A_56 = arith.addi %scan3A_29, %add3A_55 : i32
    %swap3A_57 = arith.index_cast %add3A_56 : i32 to index
    %swap3A_58 = tpu.vector_load %arg10[%swap3A_57] {strides = array<i32>} : memref<736xi32, #tpu.memory_space<vmem>>, vector<16xi32>,
    tpu.vector_store %arg10[%swap3A_57], %broadcast_in_dim3A_32 {strides = array<i32>} : memref<736xi32, #tpu.memory_space<vmem>>, vector<16xi32>,
    %add3A_59 = arith.constant 32 : i32
    %add3A_60 = arith.addi %scan3A_29, %add3A_59 : i32
    %swap3A_61 = arith.index_cast %add3A_60 : i32 to index
    %swap3A_62 = tpu.vector_load %arg8[%swap3A_61] {strides = array<i32>} : memref<736xi32, #tpu.memory_space<vmem>>, vector<16xi32>,
    tpu.vector_store %arg8[%swap3A_61], %broadcast_in_dim3A_32 {strides = array<i32>} : memref<736xi32, #tpu.memory_space<vmem>>, vector<16xi32>,
    %add3A_63 = arith.constant 32 : i32
    %add3A_64 = arith.addi %scan3A_29, %add3A_63 : i32
    %swap3A_65 = arith.index_cast %add3A_64 : i32 to index
    %swap3A_66 = tpu.vector_load %arg9[%swap3A_65] {strides = array<i32>} : memref<736xi32, #tpu.memory_space<vmem>>, vector<16xi32>,
    tpu.vector_store %arg9[%swap3A_65], %broadcast_in_dim3A_35 {strides = array<i32>} : memref<736xi32, #tpu.memory_space<vmem>>, vector<16xi32>,
    %add3A_67 = arith.constant 32 : i32
    %add3A_68 = arith.addi %scan3A_29, %add3A_67 : i32
    %swap3A_69 = arith.index_cast %add3A_68 : i32 to index
    %swap3A_70 = tpu.vector_load %arg10[%swap3A_69] {strides = array<i32>} : memref<736xi32, #tpu.memory_space<vmem>>, vector<16xi32>,
    tpu.vector_store %arg10[%swap3A_69], %broadcast_in_dim3A_32 {strides = array<i32>} : memref<736xi32, #tpu.memory_space<vmem>>, vector<16xi32>,
    %add3A_71 = arith.constant 48 : i32
    %add3A_72 = arith.addi %scan3A_29, %add3A_71 : i32
    %sub3A = arith.constant 1 : i32
    %sub3A_73 = arith.subi %add3A_72, %sub3A : i32
    %jit3A = arith.constant 48 : i32
    %div3A = arith.divsi %sub3A_73, %jit3A : i32
    %sign3A = arith.constant 0 : i32
    %sign3A_74 = arith.cmpi sgt, %sub3A_73, %sign3A : i32
    %sign3A_75 = arith.extui %sign3A_74 : i1 to i32
    %sign3A_76 = arith.constant 0 : i32
    %sign3A_77 = arith.cmpi slt, %sub3A_73, %sign3A_76 : i32
    %sign3A_78 = arith.extui %sign3A_77 : i1 to i32
    %sign3A_79 = arith.subi %sign3A_75, %sign3A_78 : i32
    %sign3A_80 = arith.constant 0 : i32
    %sign3A_81 = arith.cmpi sgt, %jit3A, %sign3A_80 : i32
    %sign3A_82 = arith.extui %sign3A_81 : i1 to i32
    %sign3A_83 = arith.constant 0 : i32
    %sign3A_84 = arith.cmpi slt, %jit3A, %sign3A_83 : i32
    %sign3A_85 = arith.extui %sign3A_84 : i1 to i32
    %sign3A_86 = arith.subi %sign3A_82, %sign3A_85 : i32
    %ne3A = arith.cmpi ne, %sign3A_79, %sign3A_86 : i32
    %rem3A = arith.remsi %sub3A_73, %jit3A : i32
    %ne3A_87 = arith.constant 0 : i32
    %ne3A_88 = arith.cmpi ne, %rem3A, %ne3A_87 : i32
    %and3A = arith.andi %ne3A, %ne3A_88 : i1
    %sub3A_89 = arith.constant 1 : i32
    %sub3A_90 = arith.subi %div3A, %sub3A_89 : i32
    %select_n3A = arith.select %and3A, %sub3A_90, %div3A : i32
    %while3A = arith.constant 0 : i32
    %while3A_91 = arith.constant 0 : i32
    %while3A_92 = arith.subi %select_n3A, %while3A : i32
    %while3A_93 = arith.addi %while3A, %while3A_92 : i32
    %while3A_94 = arith.constant 1 : i32
    %while3A_95 = arith.divsi %while3A_92, %while3A_94 : i32
    %while3A_96 = arith.muli %while3A_95, %while3A_94 : i32
    %while3A_97 = arith.addi %while3A, %while3A_96 : i32
    %while3A_98 = arith.constant 1 : i32
    %while3A_99 = scf.for %while3A_104 = %while3A to %while3A_97 step %while3A_98 iter_args(%while3A_105 = %while3A_91) -> (i32)  : i32 {
      %mul3A_106 = arith.constant 48 : i32
      %mul3A_107 = arith.muli %while3A_104, %mul3A_106 : i32
      %add3A_108 = arith.constant 0 : i32
      %add3A_109 = arith.addi %mul3A_107, %add3A_108 : i32
      %get3A = arith.index_cast %add3A_109 : i32 to index
      %get3A_110 = tpu.vector_load %arg9[%get3A] {strides = array<i32>} : memref<736xi32, #tpu.memory_space<vmem>>, vector<16xi32>,
      %min3A = arith.constant 10239 : i32
      %min3A_111 = vector.broadcast %min3A : i32 to vector<16xi32>
      %min3A_112 = arith.minsi %get3A_110, %min3A_111 : vector<16xi32>
      %swap3A_113 = arith.constant 0 : index
      %swap3A_114 = tpu.vector_load %arg11[%swap3A_113] {strides = array<i32>} : memref<48xi32, #tpu.memory_space<vmem>>, vector<16xi32>,
      tpu.vector_store %arg11[%swap3A_113], %min3A_112 {strides = array<i32>} : memref<48xi32, #tpu.memory_space<vmem>>, vector<16xi32>,
      %mul3A_115 = arith.constant 48 : i32
      %mul3A_116 = arith.muli %while3A_104, %mul3A_115 : i32
      %add3A_117 = arith.constant 16 : i32
      %add3A_118 = arith.addi %mul3A_116, %add3A_117 : i32
      %get3A_119 = arith.index_cast %add3A_118 : i32 to index
      %get3A_120 = tpu.vector_load %arg9[%get3A_119] {strides = array<i32>} : memref<736xi32, #tpu.memory_space<vmem>>, vector<16xi32>,
      %min3A_121 = arith.constant 10239 : i32
      %min3A_122 = vector.broadcast %min3A_121 : i32 to vector<16xi32>
      %min3A_123 = arith.minsi %get3A_120, %min3A_122 : vector<16xi32>
      %swap3A_124 = arith.constant 16 : index
      %swap3A_125 = tpu.vector_load %arg11[%swap3A_124] {strides = array<i32>} : memref<48xi32, #tpu.memory_space<vmem>>, vector<16xi32>,
      tpu.vector_store %arg11[%swap3A_124], %min3A_123 {strides = array<i32>} : memref<48xi32, #tpu.memory_space<vmem>>, vector<16xi32>,
      %mul3A_126 = arith.constant 48 : i32
      %mul3A_127 = arith.muli %while3A_104, %mul3A_126 : i32
      %add3A_128 = arith.constant 32 : i32
      %add3A_129 = arith.addi %mul3A_127, %add3A_128 : i32
      %get3A_130 = arith.index_cast %add3A_129 : i32 to index
      %get3A_131 = tpu.vector_load %arg9[%get3A_130] {strides = array<i32>} : memref<736xi32, #tpu.memory_space<vmem>>, vector<16xi32>,
      %min3A_132 = arith.constant 10239 : i32
      %min3A_133 = vector.broadcast %min3A_132 : i32 to vector<16xi32>
      %min3A_134 = arith.minsi %get3A_131, %min3A_133 : vector<16xi32>
      %swap3A_135 = arith.constant 32 : index
      %swap3A_136 = tpu.vector_load %arg11[%swap3A_135] {strides = array<i32>} : memref<48xi32, #tpu.memory_space<vmem>>, vector<16xi32>,
      tpu.vector_store %arg11[%swap3A_135], %min3A_134 {strides = array<i32>} : memref<48xi32, #tpu.memory_space<vmem>>, vector<16xi32>,
      %dma_start3A_137 = arith.constant 0 : i32
      %dma_start3A_138 = arith.constant 0 : i32
      %dma_start3A_139 = tpu.memref_slice %arg3[%dma_start3A_137, %dma_start3A_138] : memref<10240x256xi32, #tpu.memory_space<hbm>> -> memref<10240x256xi32, #tpu.memory_space<hbm>>
      tpu.enqueue_indirect_dma source(%dma_start3A_139 : memref<10240x256xi32, #tpu.memory_space<hbm>>) target(%arg12 : memref<48x256xi32, #tpu.memory_space<vmem>>) offsets(%arg11 : memref<48xi32, #tpu.memory_space<vmem>>) semaphore(%arg16 : memref<!tpu.dma_semaphore, #tpu.memory_space<semaphore_mem>>)
      %mul3A_140 = arith.constant 48 : i32
      %mul3A_141 = arith.muli %while3A_104, %mul3A_140 : i32
      %dma_start3A_142 = tpu.memref_slice %arg10[%mul3A_141] : memref<736xi32, #tpu.memory_space<vmem>> -> memref<48xi32, #tpu.memory_space<vmem>>
      %dma_start3A_143 = arith.constant 0 : i32
      %dma_start3A_144 = arith.constant 0 : i32
      %dma_start3A_145 = tpu.memref_slice %arg4[%dma_start3A_143, %dma_start3A_144] : memref<10240x256xi32, #tpu.memory_space<hbm>> -> memref<10240x256xi32, #tpu.memory_space<hbm>>
      tpu.enqueue_indirect_dma source(%dma_start3A_145 : memref<10240x256xi32, #tpu.memory_space<hbm>>) target(%arg13 : memref<48x256xi32, #tpu.memory_space<vmem>>) offsets(%dma_start3A_142 : memref<48xi32, #tpu.memory_space<vmem>>) semaphore(%arg16 : memref<!tpu.dma_semaphore, #tpu.memory_space<semaphore_mem>>)
      %mul3A_146 = arith.constant 48 : i32
      %mul3A_147 = arith.muli %while3A_104, %mul3A_146 : i32
      %dma_start3A_148 = tpu.memref_slice %arg8[%mul3A_147] : memref<736xi32, #tpu.memory_space<vmem>> -> memref<48xi32, #tpu.memory_space<vmem>>
      %dma_start3A_149 = arith.constant 0 : i32
      %dma_start3A_150 = arith.constant 0 : i32
      %dma_start3A_151 = tpu.memref_slice %arg5[%dma_start3A_149, %dma_start3A_150] : memref<160000x384xi32, #tpu.memory_space<hbm>> -> memref<160000x384xi32, #tpu.memory_space<hbm>>
      tpu.enqueue_indirect_dma source(%dma_start3A_151 : memref<160000x384xi32, #tpu.memory_space<hbm>>) target(%arg14 : memref<48x384xi32, #tpu.memory_space<vmem>>) offsets(%dma_start3A_148 : memref<48xi32, #tpu.memory_space<vmem>>) semaphore(%arg16 : memref<!tpu.dma_semaphore, #tpu.memory_space<semaphore_mem>>)
      %dma_wait3A = arith.constant 0 : i32
      %dma_wait3A_152 = arith.constant 0 : i32
      %dma_wait3A_153 = tpu.memref_slice %arg3[%dma_wait3A, %dma_wait3A_152] : memref<10240x256xi32, #tpu.memory_space<hbm>> -> memref<10240x256xi32, #tpu.memory_space<hbm>>
      tpu.wait_indirect_dma semaphore(%arg16 : memref<!tpu.dma_semaphore, #tpu.memory_space<semaphore_mem>>) src(%dma_wait3A_153 : memref<10240x256xi32, #tpu.memory_space<hbm>>) dst(%arg12 : memref<48x256xi32, #tpu.memory_space<vmem>>)
      %dma_wait3A_154 = tpu.memref_slice %arg10[%mul3A_141] : memref<736xi32, #tpu.memory_space<vmem>> -> memref<48xi32, #tpu.memory_space<vmem>>
      %dma_wait3A_155 = arith.constant 0 : i32
      %dma_wait3A_156 = arith.constant 0 : i32
      %dma_wait3A_157 = tpu.memref_slice %arg4[%dma_wait3A_155, %dma_wait3A_156] : memref<10240x256xi32, #tpu.memory_space<hbm>> -> memref<10240x256xi32, #tpu.memory_space<hbm>>
      tpu.wait_indirect_dma semaphore(%arg16 : memref<!tpu.dma_semaphore, #tpu.memory_space<semaphore_mem>>) src(%dma_wait3A_157 : memref<10240x256xi32, #tpu.memory_space<hbm>>) dst(%arg13 : memref<48x256xi32, #tpu.memory_space<vmem>>)
      %dma_wait3A_158 = tpu.memref_slice %arg8[%mul3A_147] : memref<736xi32, #tpu.memory_space<vmem>> -> memref<48xi32, #tpu.memory_space<vmem>>
      %dma_wait3A_159 = arith.constant 0 : i32
      %dma_wait3A_160 = arith.constant 0 : i32
      %dma_wait3A_161 = tpu.memref_slice %arg5[%dma_wait3A_159, %dma_wait3A_160] : memref<160000x384xi32, #tpu.memory_space<hbm>> -> memref<160000x384xi32, #tpu.memory_space<hbm>>
      tpu.wait_indirect_dma semaphore(%arg16 : memref<!tpu.dma_semaphore, #tpu.memory_space<semaphore_mem>>) src(%dma_wait3A_161 : memref<160000x384xi32, #tpu.memory_space<hbm>>) dst(%arg14 : memref<48x384xi32, #tpu.memory_space<vmem>>)
      %scan3A_162 = arith.constant 0 : i32
      %scan3A_163 = arith.constant 0 : i32
      %scan3A_164 = arith.constant 48 : i32
      %scan3A_165 = arith.addi %scan3A_163, %scan3A_164 : i32
      %scan3A_166 = arith.constant 1 : i32
      %scan3A_167 = scf.for %scan3A_170 = %scan3A_163 to %scan3A_165 step %scan3A_166 iter_args(%scan3A_171 = %scan3A_162) -> (i32)  : i32 {
        %mul3A_172 = arith.constant 48 : i32
        %mul3A_173 = arith.muli %while3A_104, %mul3A_172 : i32
        %add3A_174 = arith.addi %mul3A_173, %scan3A_170 : i32
        %get3A_175 = arith.index_cast %add3A_174 : i32 to index
        %get3A_176 = tpu.vector_load %arg9[%get3A_175] {strides = array<i32>} : memref<736xi32, #tpu.memory_space<vmem>>, vector<16xi32>,
        %slice3A = vector.extract_strided_slice %get3A_176 {offsets = [0], sizes = [1], strides = [1]} : vector<16xi32> to vector<1xi32>
        %squeeze3A = vector.extract %slice3A[0] : i32 from vector<1xi32>
        %sub3A_177 = arith.subi %squeeze3A, %mul3A_2 : i32
        %mul3A_178 = arith.constant 256 : i32
        %mul3A_179 = arith.muli %sub3A_177, %mul3A_178 : i32
        %get3A_180 = arith.index_cast %scan3A_170 : i32 to index
        %get3A_181 = arith.constant 0 : index
        %get3A_182 = tpu.vector_load %arg12[%get3A_180, %get3A_181] {strides = array<i32>} : memref<48x256xi32, #tpu.memory_space<vmem>>, vector<16xi32>,
        %bitcast3A = vector.bitcast %get3A_182 : vector<16xi32> to vector<32xbf16>
        %unpack3A = tpu.unpack_subelements %bitcast3A, 0 {pack_format = #tpu.pack_format<interleaved>} : vector<32xbf16> -> vector<16xf32>
        %unpack3A_183 = tpu.unpack_subelements %bitcast3A, 1 {pack_format = #tpu.pack_format<interleaved>} : vector<32xbf16> -> vector<16xf32>
        %get3A_184 = arith.index_cast %scan3A_170 : i32 to index
        %get3A_185 = arith.constant 0 : index
        %get3A_186 = tpu.vector_load %arg13[%get3A_184, %get3A_185] {strides = array<i32>} : memref<48x256xi32, #tpu.memory_space<vmem>>, vector<16xi32>,
        %bitcast3A_187 = vector.bitcast %get3A_186 : vector<16xi32> to vector<32xbf16>
        %unpack3A_188 = tpu.unpack_subelements %bitcast3A_187, 0 {pack_format = #tpu.pack_format<interleaved>} : vector<32xbf16> -> vector<16xf32>
        %unpack3A_189 = tpu.unpack_subelements %bitcast3A_187, 1 {pack_format = #tpu.pack_format<interleaved>} : vector<32xbf16> -> vector<16xf32>
        %get3A_190 = arith.index_cast %scan3A_170 : i32 to index
        %get3A_191 = arith.constant 0 : index
        %get3A_192 = tpu.vector_load %arg14[%get3A_190, %get3A_191] {strides = array<i32>} : memref<48x384xi32, #tpu.memory_space<vmem>>, vector<16xi32>,
        %bitcast3A_193 = vector.bitcast %get3A_192 : vector<16xi32> to vector<32xbf16>
        %unpack3A_194 = tpu.unpack_subelements %bitcast3A_193, 0 {pack_format = #tpu.pack_format<interleaved>} : vector<32xbf16> -> vector<16xf32>
        %unpack3A_195 = tpu.unpack_subelements %bitcast3A_193, 1 {pack_format = #tpu.pack_format<interleaved>} : vector<32xbf16> -> vector<16xf32>
        %get3A_196 = arith.index_cast %scan3A_170 : i32 to index
        %get3A_197 = arith.constant 192 : index
        %get3A_198 = tpu.vector_load %arg14[%get3A_196, %get3A_197] {strides = array<i32>} : memref<48x384xi32, #tpu.memory_space<vmem>>, vector<16xi32>,
        %bitcast3A_199 = vector.bitcast %get3A_198 : vector<16xi32> to vector<32xbf16>
        %unpack3A_200 = tpu.unpack_subelements %bitcast3A_199, 0 {pack_format = #tpu.pack_format<interleaved>} : vector<32xbf16> -> vector<16xf32>
        %unpack3A_201 = tpu.unpack_subelements %bitcast3A_199, 1 {pack_format = #tpu.pack_format<interleaved>} : vector<32xbf16> -> vector<16xf32>
        %add3A_202 = arith.addf %unpack3A, %unpack3A_188 : vector<16xf32>
        %add3A_203 = arith.addf %add3A_202, %unpack3A_194 : vector<16xf32>
        %add3A_204 = arith.addf %unpack3A_183, %unpack3A_189 : vector<16xf32>
        %add3A_205 = arith.addf %add3A_204, %unpack3A_195 : vector<16xf32>
        %neg3A = arith.constant 0.000000e+00 : f32
        %neg3A_206 = vector.broadcast %neg3A : f32 to vector<16xf32>
        %neg3A_207 = arith.subf %neg3A_206, %add3A_203 : vector<16xf32>
        %exp3A = math.exp %neg3A_207 : vector<16xf32>
        %add3A_208 = arith.constant 1.000000e+00 : f32
        %add3A_209 = vector.broadcast %add3A_208 : f32 to vector<16xf32>
        %add3A_210 = arith.addf %add3A_209, %exp3A : vector<16xf32>
        %div3A_211 = arith.divf %add3A_203, %add3A_210 : vector<16xf32>
        %mul3A_212 = arith.mulf %div3A_211, %unpack3A_200 : vector<16xf32>
        %neg3A_213 = arith.constant 0.000000e+00 : f32
        %neg3A_214 = vector.broadcast %neg3A_213 : f32 to vector<16xf32>
        %neg3A_215 = arith.subf %neg3A_214, %add3A_205 : vector<16xf32>
        %exp3A_216 = math.exp %neg3A_215 : vector<16xf32>
        %add3A_217 = arith.constant 1.000000e+00 : f32
        %add3A_218 = vector.broadcast %add3A_217 : f32 to vector<16xf32>
        %add3A_219 = arith.addf %add3A_218, %exp3A_216 : vector<16xf32>
        %div3A_220 = arith.divf %add3A_205, %add3A_219 : vector<16xf32>
        %mul3A_221 = arith.mulf %div3A_220, %unpack3A_201 : vector<16xf32>
        %add3A_222 = arith.constant 0 : i32
        %add3A_223 = arith.addi %mul3A_179, %add3A_222 : i32
        %swap3A_224 = arith.index_cast %add3A_223 : i32 to index
        %swap3A_225 = tpu.vector_load %arg15[%swap3A_224] {strides = array<i32>} : memref<82176xf32, #tpu.memory_space<vmem>>, vector<16xf32>,
        tpu.vector_store %arg15[%swap3A_224], %mul3A_212 {add = true, strides = array<i32>} : memref<82176xf32, #tpu.memory_space<vmem>>, vector<16xf32>,
        %add3A_226 = arith.constant 0 : i32
        %add3A_227 = arith.addi %mul3A_179, %add3A_226 : i32
        %add3A_228 = arith.constant 64 : i32
        %add3A_229 = arith.addi %add3A_227, %add3A_228 : i32
        %swap3A_230 = arith.index_cast %add3A_229 : i32 to index
        %swap3A_231 = tpu.vector_load %arg15[%swap3A_230] {strides = array<i32>} : memref<82176xf32, #tpu.memory_space<vmem>>, vector<16xf32>,
        tpu.vector_store %arg15[%swap3A_230], %mul3A_221 {add = true, strides = array<i32>} : memref<82176xf32, #tpu.memory_space<vmem>>, vector<16xf32>,
        %get3A_232 = arith.index_cast %scan3A_170 : i32 to index
        %get3A_233 = arith.constant 16 : index
        %get3A_234 = tpu.vector_load %arg12[%get3A_232, %get3A_233] {strides = array<i32>} : memref<48x256xi32, #tpu.memory_space<vmem>>, vector<16xi32>,
        %bitcast3A_235 = vector.bitcast %get3A_234 : vector<16xi32> to vector<32xbf16>
        %unpack3A_236 = tpu.unpack_subelements %bitcast3A_235, 0 {pack_format = #tpu.pack_format<interleaved>} : vector<32xbf16> -> vector<16xf32>
        %unpack3A_237 = tpu.unpack_subelements %bitcast3A_235, 1 {pack_format = #tpu.pack_format<interleaved>} : vector<32xbf16> -> vector<16xf32>
        %get3A_238 = arith.index_cast %scan3A_170 : i32 to index
        %get3A_239 = arith.constant 16 : index
        %get3A_240 = tpu.vector_load %arg13[%get3A_238, %get3A_239] {strides = array<i32>} : memref<48x256xi32, #tpu.memory_space<vmem>>, vector<16xi32>,
        %bitcast3A_241 = vector.bitcast %get3A_240 : vector<16xi32> to vector<32xbf16>
        %unpack3A_242 = tpu.unpack_subelements %bitcast3A_241, 0 {pack_format = #tpu.pack_format<interleaved>} : vector<32xbf16> -> vector<16xf32>
        %unpack3A_243 = tpu.unpack_subelements %bitcast3A_241, 1 {pack_format = #tpu.pack_format<interleaved>} : vector<32xbf16> -> vector<16xf32>
        %get3A_244 = arith.index_cast %scan3A_170 : i32 to index
        %get3A_245 = arith.constant 16 : index
        %get3A_246 = tpu.vector_load %arg14[%get3A_244, %get3A_245] {strides = array<i32>} : memref<48x384xi32, #tpu.memory_space<vmem>>, vector<16xi32>,
        %bitcast3A_247 = vector.bitcast %get3A_246 : vector<16xi32> to vector<32xbf16>
        %unpack3A_248 = tpu.unpack_subelements %bitcast3A_247, 0 {pack_format = #tpu.pack_format<interleaved>} : vector<32xbf16> -> vector<16xf32>
        %unpack3A_249 = tpu.unpack_subelements %bitcast3A_247, 1 {pack_format = #tpu.pack_format<interleaved>} : vector<32xbf16> -> vector<16xf32>
        %get3A_250 = arith.index_cast %scan3A_170 : i32 to index
        %get3A_251 = arith.constant 208 : index
        %get3A_252 = tpu.vector_load %arg14[%get3A_250, %get3A_251] {strides = array<i32>} : memref<48x384xi32, #tpu.memory_space<vmem>>, vector<16xi32>,
        %bitcast3A_253 = vector.bitcast %get3A_252 : vector<16xi32> to vector<32xbf16>
        %unpack3A_254 = tpu.unpack_subelements %bitcast3A_253, 0 {pack_format = #tpu.pack_format<interleaved>} : vector<32xbf16> -> vector<16xf32>
        %unpack3A_255 = tpu.unpack_subelements %bitcast3A_253, 1 {pack_format = #tpu.pack_format<interleaved>} : vector<32xbf16> -> vector<16xf32>
        %add3A_256 = arith.addf %unpack3A_236, %unpack3A_242 : vector<16xf32>
        %add3A_257 = arith.addf %add3A_256, %unpack3A_248 : vector<16xf32>
        %add3A_258 = arith.addf %unpack3A_237, %unpack3A_243 : vector<16xf32>
        %add3A_259 = arith.addf %add3A_258, %unpack3A_249 : vector<16xf32>
        %neg3A_260 = arith.constant 0.000000e+00 : f32
        %neg3A_261 = vector.broadcast %neg3A_260 : f32 to vector<16xf32>
        %neg3A_262 = arith.subf %neg3A_261, %add3A_257 : vector<16xf32>
        %exp3A_263 = math.exp %neg3A_262 : vector<16xf32>
        %add3A_264 = arith.constant 1.000000e+00 : f32
        %add3A_265 = vector.broadcast %add3A_264 : f32 to vector<16xf32>
        %add3A_266 = arith.addf %add3A_265, %exp3A_263 : vector<16xf32>
        %div3A_267 = arith.divf %add3A_257, %add3A_266 : vector<16xf32>
        %mul3A_268 = arith.mulf %div3A_267, %unpack3A_254 : vector<16xf32>
        %neg3A_269 = arith.constant 0.000000e+00 : f32
        %neg3A_270 = vector.broadcast %neg3A_269 : f32 to vector<16xf32>
        %neg3A_271 = arith.subf %neg3A_270, %add3A_259 : vector<16xf32>
        %exp3A_272 = math.exp %neg3A_271 : vector<16xf32>
        %add3A_273 = arith.constant 1.000000e+00 : f32
        %add3A_274 = vector.broadcast %add3A_273 : f32 to vector<16xf32>
        %add3A_275 = arith.addf %add3A_274, %exp3A_272 : vector<16xf32>
        %div3A_276 = arith.divf %add3A_259, %add3A_275 : vector<16xf32>
        %mul3A_277 = arith.mulf %div3A_276, %unpack3A_255 : vector<16xf32>
        %add3A_278 = arith.constant 16 : i32
        %add3A_279 = arith.addi %mul3A_179, %add3A_278 : i32
        %swap3A_280 = arith.index_cast %add3A_279 : i32 to index
        %swap3A_281 = tpu.vector_load %arg15[%swap3A_280] {strides = array<i32>} : memref<82176xf32, #tpu.memory_space<vmem>>, vector<16xf32>,
        tpu.vector_store %arg15[%swap3A_280], %mul3A_268 {add = true, strides = array<i32>} : memref<82176xf32, #tpu.memory_space<vmem>>, vector<16xf32>,
        %add3A_282 = arith.constant 16 : i32
        %add3A_283 = arith.addi %mul3A_179, %add3A_282 : i32
        %add3A_284 = arith.constant 64 : i32
        %add3A_285 = arith.addi %add3A_283, %add3A_284 : i32
        %swap3A_286 = arith.index_cast %add3A_285 : i32 to index
        %swap3A_287 = tpu.vector_load %arg15[%swap3A_286] {strides = array<i32>} : memref<82176xf32, #tpu.memory_space<vmem>>, vector<16xf32>,
        tpu.vector_store %arg15[%swap3A_286], %mul3A_277 {add = true, strides = array<i32>} : memref<82176xf32, #tpu.memory_space<vmem>>, vector<16xf32>,
        %get3A_288 = arith.index_cast %scan3A_170 : i32 to index
        %get3A_289 = arith.constant 32 : index
        %get3A_290 = tpu.vector_load %arg12[%get3A_288, %get3A_289] {strides = array<i32>} : memref<48x256xi32, #tpu.memory_space<vmem>>, vector<16xi32>,
        %bitcast3A_291 = vector.bitcast %get3A_290 : vector<16xi32> to vector<32xbf16>
        %unpack3A_292 = tpu.unpack_subelements %bitcast3A_291, 0 {pack_format = #tpu.pack_format<interleaved>} : vector<32xbf16> -> vector<16xf32>
        %unpack3A_293 = tpu.unpack_subelements %bitcast3A_291, 1 {pack_format = #tpu.pack_format<interleaved>} : vector<32xbf16> -> vector<16xf32>
        %get3A_294 = arith.index_cast %scan3A_170 : i32 to index
        %get3A_295 = arith.constant 32 : index
        %get3A_296 = tpu.vector_load %arg13[%get3A_294, %get3A_295] {strides = array<i32>} : memref<48x256xi32, #tpu.memory_space<vmem>>, vector<16xi32>,
        %bitcast3A_297 = vector.bitcast %get3A_296 : vector<16xi32> to vector<32xbf16>
        %unpack3A_298 = tpu.unpack_subelements %bitcast3A_297, 0 {pack_format = #tpu.pack_format<interleaved>} : vector<32xbf16> -> vector<16xf32>
        %unpack3A_299 = tpu.unpack_subelements %bitcast3A_297, 1 {pack_format = #tpu.pack_format<interleaved>} : vector<32xbf16> -> vector<16xf32>
        %get3A_300 = arith.index_cast %scan3A_170 : i32 to index
        %get3A_301 = arith.constant 32 : index
        %get3A_302 = tpu.vector_load %arg14[%get3A_300, %get3A_301] {strides = array<i32>} : memref<48x384xi32, #tpu.memory_space<vmem>>, vector<16xi32>,
        %bitcast3A_303 = vector.bitcast %get3A_302 : vector<16xi32> to vector<32xbf16>
        %unpack3A_304 = tpu.unpack_subelements %bitcast3A_303, 0 {pack_format = #tpu.pack_format<interleaved>} : vector<32xbf16> -> vector<16xf32>
        %unpack3A_305 = tpu.unpack_subelements %bitcast3A_303, 1 {pack_format = #tpu.pack_format<interleaved>} : vector<32xbf16> -> vector<16xf32>
        %get3A_306 = arith.index_cast %scan3A_170 : i32 to index
        %get3A_307 = arith.constant 224 : index
        %get3A_308 = tpu.vector_load %arg14[%get3A_306, %get3A_307] {strides = array<i32>} : memref<48x384xi32, #tpu.memory_space<vmem>>, vector<16xi32>,
        %bitcast3A_309 = vector.bitcast %get3A_308 : vector<16xi32> to vector<32xbf16>
        %unpack3A_310 = tpu.unpack_subelements %bitcast3A_309, 0 {pack_format = #tpu.pack_format<interleaved>} : vector<32xbf16> -> vector<16xf32>
        %unpack3A_311 = tpu.unpack_subelements %bitcast3A_309, 1 {pack_format = #tpu.pack_format<interleaved>} : vector<32xbf16> -> vector<16xf32>
        %add3A_312 = arith.addf %unpack3A_292, %unpack3A_298 : vector<16xf32>
        %add3A_313 = arith.addf %add3A_312, %unpack3A_304 : vector<16xf32>
        %add3A_314 = arith.addf %unpack3A_293, %unpack3A_299 : vector<16xf32>
        %add3A_315 = arith.addf %add3A_314, %unpack3A_305 : vector<16xf32>
        %neg3A_316 = arith.constant 0.000000e+00 : f32
        %neg3A_317 = vector.broadcast %neg3A_316 : f32 to vector<16xf32>
        %neg3A_318 = arith.subf %neg3A_317, %add3A_313 : vector<16xf32>
        %exp3A_319 = math.exp %neg3A_318 : vector<16xf32>
        %add3A_320 = arith.constant 1.000000e+00 : f32
        %add3A_321 = vector.broadcast %add3A_320 : f32 to vector<16xf32>
        %add3A_322 = arith.addf %add3A_321, %exp3A_319 : vector<16xf32>
        %div3A_323 = arith.divf %add3A_313, %add3A_322 : vector<16xf32>
        %mul3A_324 = arith.mulf %div3A_323, %unpack3A_310 : vector<16xf32>
        %neg3A_325 = arith.constant 0.000000e+00 : f32
        %neg3A_326 = vector.broadcast %neg3A_325 : f32 to vector<16xf32>
        %neg3A_327 = arith.subf %neg3A_326, %add3A_315 : vector<16xf32>
        %exp3A_328 = math.exp %neg3A_327 : vector<16xf32>
        %add3A_329 = arith.constant 1.000000e+00 : f32
        %add3A_330 = vector.broadcast %add3A_329 : f32 to vector<16xf32>
        %add3A_331 = arith.addf %add3A_330, %exp3A_328 : vector<16xf32>
        %div3A_332 = arith.divf %add3A_315, %add3A_331 : vector<16xf32>
        %mul3A_333 = arith.mulf %div3A_332, %unpack3A_311 : vector<16xf32>
        %add3A_334 = arith.constant 32 : i32
        %add3A_335 = arith.addi %mul3A_179, %add3A_334 : i32
        %swap3A_336 = arith.index_cast %add3A_335 : i32 to index
        %swap3A_337 = tpu.vector_load %arg15[%swap3A_336] {strides = array<i32>} : memref<82176xf32, #tpu.memory_space<vmem>>, vector<16xf32>,
        tpu.vector_store %arg15[%swap3A_336], %mul3A_324 {add = true, strides = array<i32>} : memref<82176xf32, #tpu.memory_space<vmem>>, vector<16xf32>,
        %add3A_338 = arith.constant 32 : i32
        %add3A_339 = arith.addi %mul3A_179, %add3A_338 : i32
        %add3A_340 = arith.constant 64 : i32
        %add3A_341 = arith.addi %add3A_339, %add3A_340 : i32
        %swap3A_342 = arith.index_cast %add3A_341 : i32 to index
        %swap3A_343 = tpu.vector_load %arg15[%swap3A_342] {strides = array<i32>} : memref<82176xf32, #tpu.memory_space<vmem>>, vector<16xf32>,
        tpu.vector_store %arg15[%swap3A_342], %mul3A_333 {add = true, strides = array<i32>} : memref<82176xf32, #tpu.memory_space<vmem>>, vector<16xf32>,
        %get3A_344 = arith.index_cast %scan3A_170 : i32 to index
        %get3A_345 = arith.constant 48 : index
        %get3A_346 = tpu.vector_load %arg12[%get3A_344, %get3A_345] {strides = array<i32>} : memref<48x256xi32, #tpu.memory_space<vmem>>, vector<16xi32>,
        %bitcast3A_347 = vector.bitcast %get3A_346 : vector<16xi32> to vector<32xbf16>
        %unpack3A_348 = tpu.unpack_subelements %bitcast3A_347, 0 {pack_format = #tpu.pack_format<interleaved>} : vector<32xbf16> -> vector<16xf32>
        %unpack3A_349 = tpu.unpack_subelements %bitcast3A_347, 1 {pack_format = #tpu.pack_format<interleaved>} : vector<32xbf16> -> vector<16xf32>
        %get3A_350 = arith.index_cast %scan3A_170 : i32 to index
        %get3A_351 = arith.constant 48 : index
        %get3A_352 = tpu.vector_load %arg13[%get3A_350, %get3A_351] {strides = array<i32>} : memref<48x256xi32, #tpu.memory_space<vmem>>, vector<16xi32>,
        %bitcast3A_353 = vector.bitcast %get3A_352 : vector<16xi32> to vector<32xbf16>
        %unpack3A_354 = tpu.unpack_subelements %bitcast3A_353, 0 {pack_format = #tpu.pack_format<interleaved>} : vector<32xbf16> -> vector<16xf32>
        %unpack3A_355 = tpu.unpack_subelements %bitcast3A_353, 1 {pack_format = #tpu.pack_format<interleaved>} : vector<32xbf16> -> vector<16xf32>
        %get3A_356 = arith.index_cast %scan3A_170 : i32 to index
        %get3A_357 = arith.constant 48 : index
        %get3A_358 = tpu.vector_load %arg14[%get3A_356, %get3A_357] {strides = array<i32>} : memref<48x384xi32, #tpu.memory_space<vmem>>, vector<16xi32>,
        %bitcast3A_359 = vector.bitcast %get3A_358 : vector<16xi32> to vector<32xbf16>
        %unpack3A_360 = tpu.unpack_subelements %bitcast3A_359, 0 {pack_format = #tpu.pack_format<interleaved>} : vector<32xbf16> -> vector<16xf32>
        %unpack3A_361 = tpu.unpack_subelements %bitcast3A_359, 1 {pack_format = #tpu.pack_format<interleaved>} : vector<32xbf16> -> vector<16xf32>
        %get3A_362 = arith.index_cast %scan3A_170 : i32 to index
        %get3A_363 = arith.constant 240 : index
        %get3A_364 = tpu.vector_load %arg14[%get3A_362, %get3A_363] {strides = array<i32>} : memref<48x384xi32, #tpu.memory_space<vmem>>, vector<16xi32>,
        %bitcast3A_365 = vector.bitcast %get3A_364 : vector<16xi32> to vector<32xbf16>
        %unpack3A_366 = tpu.unpack_subelements %bitcast3A_365, 0 {pack_format = #tpu.pack_format<interleaved>} : vector<32xbf16> -> vector<16xf32>
        %unpack3A_367 = tpu.unpack_subelements %bitcast3A_365, 1 {pack_format = #tpu.pack_format<interleaved>} : vector<32xbf16> -> vector<16xf32>
        %add3A_368 = arith.addf %unpack3A_348, %unpack3A_354 : vector<16xf32>
        %add3A_369 = arith.addf %add3A_368, %unpack3A_360 : vector<16xf32>
        %add3A_370 = arith.addf %unpack3A_349, %unpack3A_355 : vector<16xf32>
        %add3A_371 = arith.addf %add3A_370, %unpack3A_361 : vector<16xf32>
        %neg3A_372 = arith.constant 0.000000e+00 : f32
        %neg3A_373 = vector.broadcast %neg3A_372 : f32 to vector<16xf32>
        %neg3A_374 = arith.subf %neg3A_373, %add3A_369 : vector<16xf32>
        %exp3A_375 = math.exp %neg3A_374 : vector<16xf32>
        %add3A_376 = arith.constant 1.000000e+00 : f32
        %add3A_377 = vector.broadcast %add3A_376 : f32 to vector<16xf32>
        %add3A_378 = arith.addf %add3A_377, %exp3A_375 : vector<16xf32>
        %div3A_379 = arith.divf %add3A_369, %add3A_378 : vector<16xf32>
        %mul3A_380 = arith.mulf %div3A_379, %unpack3A_366 : vector<16xf32>
        %neg3A_381 = arith.constant 0.000000e+00 : f32
        %neg3A_382 = vector.broadcast %neg3A_381 : f32 to vector<16xf32>
        %neg3A_383 = arith.subf %neg3A_382, %add3A_371 : vector<16xf32>
        %exp3A_384 = math.exp %neg3A_383 : vector<16xf32>
        %add3A_385 = arith.constant 1.000000e+00 : f32
        %add3A_386 = vector.broadcast %add3A_385 : f32 to vector<16xf32>
        %add3A_387 = arith.addf %add3A_386, %exp3A_384 : vector<16xf32>
        %div3A_388 = arith.divf %add3A_371, %add3A_387 : vector<16xf32>
        %mul3A_389 = arith.mulf %div3A_388, %unpack3A_367 : vector<16xf32>
        %add3A_390 = arith.constant 48 : i32
        %add3A_391 = arith.addi %mul3A_179, %add3A_390 : i32
        %swap3A_392 = arith.index_cast %add3A_391 : i32 to index
        %swap3A_393 = tpu.vector_load %arg15[%swap3A_392] {strides = array<i32>} : memref<82176xf32, #tpu.memory_space<vmem>>, vector<16xf32>,
        tpu.vector_store %arg15[%swap3A_392], %mul3A_380 {add = true, strides = array<i32>} : memref<82176xf32, #tpu.memory_space<vmem>>, vector<16xf32>,
        %add3A_394 = arith.constant 48 : i32
        %add3A_395 = arith.addi %mul3A_179, %add3A_394 : i32
        %add3A_396 = arith.constant 64 : i32
        %add3A_397 = arith.addi %add3A_395, %add3A_396 : i32
        %swap3A_398 = arith.index_cast %add3A_397 : i32 to index
        %swap3A_399 = tpu.vector_load %arg15[%swap3A_398] {strides = array<i32>} : memref<82176xf32, #tpu.memory_space<vmem>>, vector<16xf32>,
        tpu.vector_store %arg15[%swap3A_398], %mul3A_389 {add = true, strides = array<i32>} : memref<82176xf32, #tpu.memory_space<vmem>>, vector<16xf32>,
        %get3A_400 = arith.index_cast %scan3A_170 : i32 to index
        %get3A_401 = arith.constant 64 : index
        %get3A_402 = tpu.vector_load %arg12[%get3A_400, %get3A_401] {strides = array<i32>} : memref<48x256xi32, #tpu.memory_space<vmem>>, vector<16xi32>,
        %bitcast3A_403 = vector.bitcast %get3A_402 : vector<16xi32> to vector<32xbf16>
        %unpack3A_404 = tpu.unpack_subelements %bitcast3A_403, 0 {pack_format = #tpu.pack_format<interleaved>} : vector<32xbf16> -> vector<16xf32>
        %unpack3A_405 = tpu.unpack_subelements %bitcast3A_403, 1 {pack_format = #tpu.pack_format<interleaved>} : vector<32xbf16> -> vector<16xf32>
        %get3A_406 = arith.index_cast %scan3A_170 : i32 to index
        %get3A_407 = arith.constant 64 : index
        %get3A_408 = tpu.vector_load %arg13[%get3A_406, %get3A_407] {strides = array<i32>} : memref<48x256xi32, #tpu.memory_space<vmem>>, vector<16xi32>,
        %bitcast3A_409 = vector.bitcast %get3A_408 : vector<16xi32> to vector<32xbf16>
        %unpack3A_410 = tpu.unpack_subelements %bitcast3A_409, 0 {pack_format = #tpu.pack_format<interleaved>} : vector<32xbf16> -> vector<16xf32>
        %unpack3A_411 = tpu.unpack_subelements %bitcast3A_409, 1 {pack_format = #tpu.pack_format<interleaved>} : vector<32xbf16> -> vector<16xf32>
        %get3A_412 = arith.index_cast %scan3A_170 : i32 to index
        %get3A_413 = arith.constant 64 : index
        %get3A_414 = tpu.vector_load %arg14[%get3A_412, %get3A_413] {strides = array<i32>} : memref<48x384xi32, #tpu.memory_space<vmem>>, vector<16xi32>,
        %bitcast3A_415 = vector.bitcast %get3A_414 : vector<16xi32> to vector<32xbf16>
        %unpack3A_416 = tpu.unpack_subelements %bitcast3A_415, 0 {pack_format = #tpu.pack_format<interleaved>} : vector<32xbf16> -> vector<16xf32>
        %unpack3A_417 = tpu.unpack_subelements %bitcast3A_415, 1 {pack_format = #tpu.pack_format<interleaved>} : vector<32xbf16> -> vector<16xf32>
        %get3A_418 = arith.index_cast %scan3A_170 : i32 to index
        %get3A_419 = arith.constant 128 : index
        %get3A_420 = tpu.vector_load %arg12[%get3A_418, %get3A_419] {strides = array<i32>} : memref<48x256xi32, #tpu.memory_space<vmem>>, vector<16xi32>,
        %bitcast3A_421 = vector.bitcast %get3A_420 : vector<16xi32> to vector<32xbf16>
        %unpack3A_422 = tpu.unpack_subelements %bitcast3A_421, 0 {pack_format = #tpu.pack_format<interleaved>} : vector<32xbf16> -> vector<16xf32>
        %unpack3A_423 = tpu.unpack_subelements %bitcast3A_421, 1 {pack_format = #tpu.pack_format<interleaved>} : vector<32xbf16> -> vector<16xf32>
        %get3A_424 = arith.index_cast %scan3A_170 : i32 to index
        %get3A_425 = arith.constant 128 : index
        %get3A_426 = tpu.vector_load %arg13[%get3A_424, %get3A_425] {strides = array<i32>} : memref<48x256xi32, #tpu.memory_space<vmem>>, vector<16xi32>,
        %bitcast3A_427 = vector.bitcast %get3A_426 : vector<16xi32> to vector<32xbf16>
        %unpack3A_428 = tpu.unpack_subelements %bitcast3A_427, 0 {pack_format = #tpu.pack_format<interleaved>} : vector<32xbf16> -> vector<16xf32>
        %unpack3A_429 = tpu.unpack_subelements %bitcast3A_427, 1 {pack_format = #tpu.pack_format<interleaved>} : vector<32xbf16> -> vector<16xf32>
        %get3A_430 = arith.index_cast %scan3A_170 : i32 to index
        %get3A_431 = arith.constant 128 : index
        %get3A_432 = tpu.vector_load %arg14[%get3A_430, %get3A_431] {strides = array<i32>} : memref<48x384xi32, #tpu.memory_space<vmem>>, vector<16xi32>,
        %bitcast3A_433 = vector.bitcast %get3A_432 : vector<16xi32> to vector<32xbf16>
        %unpack3A_434 = tpu.unpack_subelements %bitcast3A_433, 0 {pack_format = #tpu.pack_format<interleaved>} : vector<32xbf16> -> vector<16xf32>
        %unpack3A_435 = tpu.unpack_subelements %bitcast3A_433, 1 {pack_format = #tpu.pack_format<interleaved>} : vector<32xbf16> -> vector<16xf32>
        %get3A_436 = arith.index_cast %scan3A_170 : i32 to index
        %get3A_437 = arith.constant 256 : index
        %get3A_438 = tpu.vector_load %arg14[%get3A_436, %get3A_437] {strides = array<i32>} : memref<48x384xi32, #tpu.memory_space<vmem>>, vector<16xi32>,
        %bitcast3A_439 = vector.bitcast %get3A_438 : vector<16xi32> to vector<32xbf16>
        %unpack3A_440 = tpu.unpack_subelements %bitcast3A_439, 0 {pack_format = #tpu.pack_format<interleaved>} : vector<32xbf16> -> vector<16xf32>
        %unpack3A_441 = tpu.unpack_subelements %bitcast3A_439, 1 {pack_format = #tpu.pack_format<interleaved>} : vector<32xbf16> -> vector<16xf32>
        %add3A_442 = arith.addf %unpack3A_404, %unpack3A_410 : vector<16xf32>
        %add3A_443 = arith.addf %add3A_442, %unpack3A_416 : vector<16xf32>
        %add3A_444 = arith.addf %unpack3A_405, %unpack3A_411 : vector<16xf32>
        %add3A_445 = arith.addf %add3A_444, %unpack3A_417 : vector<16xf32>
        %add3A_446 = arith.addf %unpack3A_422, %unpack3A_428 : vector<16xf32>
        %add3A_447 = arith.addf %add3A_446, %unpack3A_434 : vector<16xf32>
        %add3A_448 = arith.addf %unpack3A_423, %unpack3A_429 : vector<16xf32>
        %add3A_449 = arith.addf %add3A_448, %unpack3A_435 : vector<16xf32>
        %mul3A_450 = arith.mulf %add3A_447, %unpack3A_440 : vector<16xf32>
        %neg3A_451 = arith.constant 0.000000e+00 : f32
        %neg3A_452 = vector.broadcast %neg3A_451 : f32 to vector<16xf32>
        %neg3A_453 = arith.subf %neg3A_452, %add3A_443 : vector<16xf32>
        %exp3A_454 = math.exp %neg3A_453 : vector<16xf32>
        %add3A_455 = arith.constant 1.000000e+00 : f32
        %add3A_456 = vector.broadcast %add3A_455 : f32 to vector<16xf32>
        %add3A_457 = arith.addf %add3A_456, %exp3A_454 : vector<16xf32>
        %div3A_458 = arith.divf %mul3A_450, %add3A_457 : vector<16xf32>
        %mul3A_459 = arith.mulf %add3A_449, %unpack3A_441 : vector<16xf32>
        %neg3A_460 = arith.constant 0.000000e+00 : f32
        %neg3A_461 = vector.broadcast %neg3A_460 : f32 to vector<16xf32>
        %neg3A_462 = arith.subf %neg3A_461, %add3A_445 : vector<16xf32>
        %exp3A_463 = math.exp %neg3A_462 : vector<16xf32>
        %add3A_464 = arith.constant 1.000000e+00 : f32
        %add3A_465 = vector.broadcast %add3A_464 : f32 to vector<16xf32>
        %add3A_466 = arith.addf %add3A_465, %exp3A_463 : vector<16xf32>
        %div3A_467 = arith.divf %mul3A_459, %add3A_466 : vector<16xf32>
        %add3A_468 = arith.constant 128 : i32
        %add3A_469 = arith.addi %mul3A_179, %add3A_468 : i32
        %add3A_470 = arith.constant 0 : i32
        %add3A_471 = arith.addi %add3A_469, %add3A_470 : i32
        %swap3A_472 = arith.index_cast %add3A_471 : i32 to index
        %swap3A_473 = tpu.vector_load %arg15[%swap3A_472] {strides = array<i32>} : memref<82176xf32, #tpu.memory_space<vmem>>, vector<16xf32>,
        tpu.vector_store %arg15[%swap3A_472], %div3A_458 {add = true, strides = array<i32>} : memref<82176xf32, #tpu.memory_space<vmem>>, vector<16xf32>,
        %add3A_474 = arith.constant 128 : i32
        %add3A_475 = arith.addi %mul3A_179, %add3A_474 : i32
        %add3A_476 = arith.constant 0 : i32
        %add3A_477 = arith.addi %add3A_475, %add3A_476 : i32
        %add3A_478 = arith.constant 64 : i32
        %add3A_479 = arith.addi %add3A_477, %add3A_478 : i32
        %swap3A_480 = arith.index_cast %add3A_479 : i32 to index
        %swap3A_481 = tpu.vector_load %arg15[%swap3A_480] {strides = array<i32>} : memref<82176xf32, #tpu.memory_space<vmem>>, vector<16xf32>,
        tpu.vector_store %arg15[%swap3A_480], %div3A_467 {add = true, strides = array<i32>} : memref<82176xf32, #tpu.memory_space<vmem>>, vector<16xf32>,
        %get3A_482 = arith.index_cast %scan3A_170 : i32 to index
        %get3A_483 = arith.constant 80 : index
        %get3A_484 = tpu.vector_load %arg12[%get3A_482, %get3A_483] {strides = array<i32>} : memref<48x256xi32, #tpu.memory_space<vmem>>, vector<16xi32>,
        %bitcast3A_485 = vector.bitcast %get3A_484 : vector<16xi32> to vector<32xbf16>
        %unpack3A_486 = tpu.unpack_subelements %bitcast3A_485, 0 {pack_format = #tpu.pack_format<interleaved>} : vector<32xbf16> -> vector<16xf32>
        %unpack3A_487 = tpu.unpack_subelements %bitcast3A_485, 1 {pack_format = #tpu.pack_format<interleaved>} : vector<32xbf16> -> vector<16xf32>
        %get3A_488 = arith.index_cast %scan3A_170 : i32 to index
        %get3A_489 = arith.constant 80 : index
        %get3A_490 = tpu.vector_load %arg13[%get3A_488, %get3A_489] {strides = array<i32>} : memref<48x256xi32, #tpu.memory_space<vmem>>, vector<16xi32>,
        %bitcast3A_491 = vector.bitcast %get3A_490 : vector<16xi32> to vector<32xbf16>
        %unpack3A_492 = tpu.unpack_subelements %bitcast3A_491, 0 {pack_format = #tpu.pack_format<interleaved>} : vector<32xbf16> -> vector<16xf32>
        %unpack3A_493 = tpu.unpack_subelements %bitcast3A_491, 1 {pack_format = #tpu.pack_format<interleaved>} : vector<32xbf16> -> vector<16xf32>
        %get3A_494 = arith.index_cast %scan3A_170 : i32 to index
        %get3A_495 = arith.constant 80 : index
        %get3A_496 = tpu.vector_load %arg14[%get3A_494, %get3A_495] {strides = array<i32>} : memref<48x384xi32, #tpu.memory_space<vmem>>, vector<16xi32>,
        %bitcast3A_497 = vector.bitcast %get3A_496 : vector<16xi32> to vector<32xbf16>
        %unpack3A_498 = tpu.unpack_subelements %bitcast3A_497, 0 {pack_format = #tpu.pack_format<interleaved>} : vector<32xbf16> -> vector<16xf32>
        %unpack3A_499 = tpu.unpack_subelements %bitcast3A_497, 1 {pack_format = #tpu.pack_format<interleaved>} : vector<32xbf16> -> vector<16xf32>
        %get3A_500 = arith.index_cast %scan3A_170 : i32 to index
        %get3A_501 = arith.constant 144 : index
        %get3A_502 = tpu.vector_load %arg12[%get3A_500, %get3A_501] {strides = array<i32>} : memref<48x256xi32, #tpu.memory_space<vmem>>, vector<16xi32>,
        %bitcast3A_503 = vector.bitcast %get3A_502 : vector<16xi32> to vector<32xbf16>
        %unpack3A_504 = tpu.unpack_subelements %bitcast3A_503, 0 {pack_format = #tpu.pack_format<interleaved>} : vector<32xbf16> -> vector<16xf32>
        %unpack3A_505 = tpu.unpack_subelements %bitcast3A_503, 1 {pack_format = #tpu.pack_format<interleaved>} : vector<32xbf16> -> vector<16xf32>
        %get3A_506 = arith.index_cast %scan3A_170 : i32 to index
        %get3A_507 = arith.constant 144 : index
        %get3A_508 = tpu.vector_load %arg13[%get3A_506, %get3A_507] {strides = array<i32>} : memref<48x256xi32, #tpu.memory_space<vmem>>, vector<16xi32>,
        %bitcast3A_509 = vector.bitcast %get3A_508 : vector<16xi32> to vector<32xbf16>
        %unpack3A_510 = tpu.unpack_subelements %bitcast3A_509, 0 {pack_format = #tpu.pack_format<interleaved>} : vector<32xbf16> -> vector<16xf32>
        %unpack3A_511 = tpu.unpack_subelements %bitcast3A_509, 1 {pack_format = #tpu.pack_format<interleaved>} : vector<32xbf16> -> vector<16xf32>
        %get3A_512 = arith.index_cast %scan3A_170 : i32 to index
        %get3A_513 = arith.constant 144 : index
        %get3A_514 = tpu.vector_load %arg14[%get3A_512, %get3A_513] {strides = array<i32>} : memref<48x384xi32, #tpu.memory_space<vmem>>, vector<16xi32>,
        %bitcast3A_515 = vector.bitcast %get3A_514 : vector<16xi32> to vector<32xbf16>
        %unpack3A_516 = tpu.unpack_subelements %bitcast3A_515, 0 {pack_format = #tpu.pack_format<interleaved>} : vector<32xbf16> -> vector<16xf32>
        %unpack3A_517 = tpu.unpack_subelements %bitcast3A_515, 1 {pack_format = #tpu.pack_format<interleaved>} : vector<32xbf16> -> vector<16xf32>
        %get3A_518 = arith.index_cast %scan3A_170 : i32 to index
        %get3A_519 = arith.constant 272 : index
        %get3A_520 = tpu.vector_load %arg14[%get3A_518, %get3A_519] {strides = array<i32>} : memref<48x384xi32, #tpu.memory_space<vmem>>, vector<16xi32>,
        %bitcast3A_521 = vector.bitcast %get3A_520 : vector<16xi32> to vector<32xbf16>
        %unpack3A_522 = tpu.unpack_subelements %bitcast3A_521, 0 {pack_format = #tpu.pack_format<interleaved>} : vector<32xbf16> -> vector<16xf32>
        %unpack3A_523 = tpu.unpack_subelements %bitcast3A_521, 1 {pack_format = #tpu.pack_format<interleaved>} : vector<32xbf16> -> vector<16xf32>
        %add3A_524 = arith.addf %unpack3A_486, %unpack3A_492 : vector<16xf32>
        %add3A_525 = arith.addf %add3A_524, %unpack3A_498 : vector<16xf32>
        %add3A_526 = arith.addf %unpack3A_487, %unpack3A_493 : vector<16xf32>
        %add3A_527 = arith.addf %add3A_526, %unpack3A_499 : vector<16xf32>
        %add3A_528 = arith.addf %unpack3A_504, %unpack3A_510 : vector<16xf32>
        %add3A_529 = arith.addf %add3A_528, %unpack3A_516 : vector<16xf32>
        %add3A_530 = arith.addf %unpack3A_505, %unpack3A_511 : vector<16xf32>
        %add3A_531 = arith.addf %add3A_530, %unpack3A_517 : vector<16xf32>
        %mul3A_532 = arith.mulf %add3A_529, %unpack3A_522 : vector<16xf32>
        %neg3A_533 = arith.constant 0.000000e+00 : f32
        %neg3A_534 = vector.broadcast %neg3A_533 : f32 to vector<16xf32>
        %neg3A_535 = arith.subf %neg3A_534, %add3A_525 : vector<16xf32>
        %exp3A_536 = math.exp %neg3A_535 : vector<16xf32>
        %add3A_537 = arith.constant 1.000000e+00 : f32
        %add3A_538 = vector.broadcast %add3A_537 : f32 to vector<16xf32>
        %add3A_539 = arith.addf %add3A_538, %exp3A_536 : vector<16xf32>
        %div3A_540 = arith.divf %mul3A_532, %add3A_539 : vector<16xf32>
        %mul3A_541 = arith.mulf %add3A_531, %unpack3A_523 : vector<16xf32>
        %neg3A_542 = arith.constant 0.000000e+00 : f32
        %neg3A_543 = vector.broadcast %neg3A_542 : f32 to vector<16xf32>
        %neg3A_544 = arith.subf %neg3A_543, %add3A_527 : vector<16xf32>
        %exp3A_545 = math.exp %neg3A_544 : vector<16xf32>
        %add3A_546 = arith.constant 1.000000e+00 : f32
        %add3A_547 = vector.broadcast %add3A_546 : f32 to vector<16xf32>
        %add3A_548 = arith.addf %add3A_547, %exp3A_545 : vector<16xf32>
        %div3A_549 = arith.divf %mul3A_541, %add3A_548 : vector<16xf32>
        %add3A_550 = arith.constant 128 : i32
        %add3A_551 = arith.addi %mul3A_179, %add3A_550 : i32
        %add3A_552 = arith.constant 16 : i32
        %add3A_553 = arith.addi %add3A_551, %add3A_552 : i32
        %swap3A_554 = arith.index_cast %add3A_553 : i32 to index
        %swap3A_555 = tpu.vector_load %arg15[%swap3A_554] {strides = array<i32>} : memref<82176xf32, #tpu.memory_space<vmem>>, vector<16xf32>,
        tpu.vector_store %arg15[%swap3A_554], %div3A_540 {add = true, strides = array<i32>} : memref<82176xf32, #tpu.memory_space<vmem>>, vector<16xf32>,
        %add3A_556 = arith.constant 128 : i32
        %add3A_557 = arith.addi %mul3A_179, %add3A_556 : i32
        %add3A_558 = arith.constant 16 : i32
        %add3A_559 = arith.addi %add3A_557, %add3A_558 : i32
        %add3A_560 = arith.constant 64 : i32
        %add3A_561 = arith.addi %add3A_559, %add3A_560 : i32
        %swap3A_562 = arith.index_cast %add3A_561 : i32 to index
        %swap3A_563 = tpu.vector_load %arg15[%swap3A_562] {strides = array<i32>} : memref<82176xf32, #tpu.memory_space<vmem>>, vector<16xf32>,
        tpu.vector_store %arg15[%swap3A_562], %div3A_549 {add = true, strides = array<i32>} : memref<82176xf32, #tpu.memory_space<vmem>>, vector<16xf32>,
        %get3A_564 = arith.index_cast %scan3A_170 : i32 to index
        %get3A_565 = arith.constant 96 : index
        %get3A_566 = tpu.vector_load %arg12[%get3A_564, %get3A_565] {strides = array<i32>} : memref<48x256xi32, #tpu.memory_space<vmem>>, vector<16xi32>,
        %bitcast3A_567 = vector.bitcast %get3A_566 : vector<16xi32> to vector<32xbf16>
        %unpack3A_568 = tpu.unpack_subelements %bitcast3A_567, 0 {pack_format = #tpu.pack_format<interleaved>} : vector<32xbf16> -> vector<16xf32>
        %unpack3A_569 = tpu.unpack_subelements %bitcast3A_567, 1 {pack_format = #tpu.pack_format<interleaved>} : vector<32xbf16> -> vector<16xf32>
        %get3A_570 = arith.index_cast %scan3A_170 : i32 to index
        %get3A_571 = arith.constant 96 : index
        %get3A_572 = tpu.vector_load %arg13[%get3A_570, %get3A_571] {strides = array<i32>} : memref<48x256xi32, #tpu.memory_space<vmem>>, vector<16xi32>,
        %bitcast3A_573 = vector.bitcast %get3A_572 : vector<16xi32> to vector<32xbf16>
        %unpack3A_574 = tpu.unpack_subelements %bitcast3A_573, 0 {pack_format = #tpu.pack_format<interleaved>} : vector<32xbf16> -> vector<16xf32>
        %unpack3A_575 = tpu.unpack_subelements %bitcast3A_573, 1 {pack_format = #tpu.pack_format<interleaved>} : vector<32xbf16> -> vector<16xf32>
        %get3A_576 = arith.index_cast %scan3A_170 : i32 to index
        %get3A_577 = arith.constant 96 : index
        %get3A_578 = tpu.vector_load %arg14[%get3A_576, %get3A_577] {strides = array<i32>} : memref<48x384xi32, #tpu.memory_space<vmem>>, vector<16xi32>,
        %bitcast3A_579 = vector.bitcast %get3A_578 : vector<16xi32> to vector<32xbf16>
        %unpack3A_580 = tpu.unpack_subelements %bitcast3A_579, 0 {pack_format = #tpu.pack_format<interleaved>} : vector<32xbf16> -> vector<16xf32>
        %unpack3A_581 = tpu.unpack_subelements %bitcast3A_579, 1 {pack_format = #tpu.pack_format<interleaved>} : vector<32xbf16> -> vector<16xf32>
        %get3A_582 = arith.index_cast %scan3A_170 : i32 to index
        %get3A_583 = arith.constant 160 : index
        %get3A_584 = tpu.vector_load %arg12[%get3A_582, %get3A_583] {strides = array<i32>} : memref<48x256xi32, #tpu.memory_space<vmem>>, vector<16xi32>,
        %bitcast3A_585 = vector.bitcast %get3A_584 : vector<16xi32> to vector<32xbf16>
        %unpack3A_586 = tpu.unpack_subelements %bitcast3A_585, 0 {pack_format = #tpu.pack_format<interleaved>} : vector<32xbf16> -> vector<16xf32>
        %unpack3A_587 = tpu.unpack_subelements %bitcast3A_585, 1 {pack_format = #tpu.pack_format<interleaved>} : vector<32xbf16> -> vector<16xf32>
        %get3A_588 = arith.index_cast %scan3A_170 : i32 to index
        %get3A_589 = arith.constant 160 : index
        %get3A_590 = tpu.vector_load %arg13[%get3A_588, %get3A_589] {strides = array<i32>} : memref<48x256xi32, #tpu.memory_space<vmem>>, vector<16xi32>,
        %bitcast3A_591 = vector.bitcast %get3A_590 : vector<16xi32> to vector<32xbf16>
        %unpack3A_592 = tpu.unpack_subelements %bitcast3A_591, 0 {pack_format = #tpu.pack_format<interleaved>} : vector<32xbf16> -> vector<16xf32>
        %unpack3A_593 = tpu.unpack_subelements %bitcast3A_591, 1 {pack_format = #tpu.pack_format<interleaved>} : vector<32xbf16> -> vector<16xf32>
        %get3A_594 = arith.index_cast %scan3A_170 : i32 to index
        %get3A_595 = arith.constant 160 : index
        %get3A_596 = tpu.vector_load %arg14[%get3A_594, %get3A_595] {strides = array<i32>} : memref<48x384xi32, #tpu.memory_space<vmem>>, vector<16xi32>,
        %bitcast3A_597 = vector.bitcast %get3A_596 : vector<16xi32> to vector<32xbf16>
        %unpack3A_598 = tpu.unpack_subelements %bitcast3A_597, 0 {pack_format = #tpu.pack_format<interleaved>} : vector<32xbf16> -> vector<16xf32>
        %unpack3A_599 = tpu.unpack_subelements %bitcast3A_597, 1 {pack_format = #tpu.pack_format<interleaved>} : vector<32xbf16> -> vector<16xf32>
        %get3A_600 = arith.index_cast %scan3A_170 : i32 to index
        %get3A_601 = arith.constant 288 : index
        %get3A_602 = tpu.vector_load %arg14[%get3A_600, %get3A_601] {strides = array<i32>} : memref<48x384xi32, #tpu.memory_space<vmem>>, vector<16xi32>,
        %bitcast3A_603 = vector.bitcast %get3A_602 : vector<16xi32> to vector<32xbf16>
        %unpack3A_604 = tpu.unpack_subelements %bitcast3A_603, 0 {pack_format = #tpu.pack_format<interleaved>} : vector<32xbf16> -> vector<16xf32>
        %unpack3A_605 = tpu.unpack_subelements %bitcast3A_603, 1 {pack_format = #tpu.pack_format<interleaved>} : vector<32xbf16> -> vector<16xf32>
        %add3A_606 = arith.addf %unpack3A_568, %unpack3A_574 : vector<16xf32>
        %add3A_607 = arith.addf %add3A_606, %unpack3A_580 : vector<16xf32>
        %add3A_608 = arith.addf %unpack3A_569, %unpack3A_575 : vector<16xf32>
        %add3A_609 = arith.addf %add3A_608, %unpack3A_581 : vector<16xf32>
        %add3A_610 = arith.addf %unpack3A_586, %unpack3A_592 : vector<16xf32>
        %add3A_611 = arith.addf %add3A_610, %unpack3A_598 : vector<16xf32>
        %add3A_612 = arith.addf %unpack3A_587, %unpack3A_593 : vector<16xf32>
        %add3A_613 = arith.addf %add3A_612, %unpack3A_599 : vector<16xf32>
        %mul3A_614 = arith.mulf %add3A_611, %unpack3A_604 : vector<16xf32>
        %neg3A_615 = arith.constant 0.000000e+00 : f32
        %neg3A_616 = vector.broadcast %neg3A_615 : f32 to vector<16xf32>
        %neg3A_617 = arith.subf %neg3A_616, %add3A_607 : vector<16xf32>
        %exp3A_618 = math.exp %neg3A_617 : vector<16xf32>
        %add3A_619 = arith.constant 1.000000e+00 : f32
        %add3A_620 = vector.broadcast %add3A_619 : f32 to vector<16xf32>
        %add3A_621 = arith.addf %add3A_620, %exp3A_618 : vector<16xf32>
        %div3A_622 = arith.divf %mul3A_614, %add3A_621 : vector<16xf32>
        %mul3A_623 = arith.mulf %add3A_613, %unpack3A_605 : vector<16xf32>
        %neg3A_624 = arith.constant 0.000000e+00 : f32
        %neg3A_625 = vector.broadcast %neg3A_624 : f32 to vector<16xf32>
        %neg3A_626 = arith.subf %neg3A_625, %add3A_609 : vector<16xf32>
        %exp3A_627 = math.exp %neg3A_626 : vector<16xf32>
        %add3A_628 = arith.constant 1.000000e+00 : f32
        %add3A_629 = vector.broadcast %add3A_628 : f32 to vector<16xf32>
        %add3A_630 = arith.addf %add3A_629, %exp3A_627 : vector<16xf32>
        %div3A_631 = arith.divf %mul3A_623, %add3A_630 : vector<16xf32>
        %add3A_632 = arith.constant 128 : i32
        %add3A_633 = arith.addi %mul3A_179, %add3A_632 : i32
        %add3A_634 = arith.constant 32 : i32
        %add3A_635 = arith.addi %add3A_633, %add3A_634 : i32
        %swap3A_636 = arith.index_cast %add3A_635 : i32 to index
        %swap3A_637 = tpu.vector_load %arg15[%swap3A_636] {strides = array<i32>} : memref<82176xf32, #tpu.memory_space<vmem>>, vector<16xf32>,
        tpu.vector_store %arg15[%swap3A_636], %div3A_622 {add = true, strides = array<i32>} : memref<82176xf32, #tpu.memory_space<vmem>>, vector<16xf32>,
        %add3A_638 = arith.constant 128 : i32
        %add3A_639 = arith.addi %mul3A_179, %add3A_638 : i32
        %add3A_640 = arith.constant 32 : i32
        %add3A_641 = arith.addi %add3A_639, %add3A_640 : i32
        %add3A_642 = arith.constant 64 : i32
        %add3A_643 = arith.addi %add3A_641, %add3A_642 : i32
        %swap3A_644 = arith.index_cast %add3A_643 : i32 to index
        %swap3A_645 = tpu.vector_load %arg15[%swap3A_644] {strides = array<i32>} : memref<82176xf32, #tpu.memory_space<vmem>>, vector<16xf32>,
        tpu.vector_store %arg15[%swap3A_644], %div3A_631 {add = true, strides = array<i32>} : memref<82176xf32, #tpu.memory_space<vmem>>, vector<16xf32>,
        %get3A_646 = arith.index_cast %scan3A_170 : i32 to index
        %get3A_647 = arith.constant 112 : index
        %get3A_648 = tpu.vector_load %arg12[%get3A_646, %get3A_647] {strides = array<i32>} : memref<48x256xi32, #tpu.memory_space<vmem>>, vector<16xi32>,
        %bitcast3A_649 = vector.bitcast %get3A_648 : vector<16xi32> to vector<32xbf16>
        %unpack3A_650 = tpu.unpack_subelements %bitcast3A_649, 0 {pack_format = #tpu.pack_format<interleaved>} : vector<32xbf16> -> vector<16xf32>
        %unpack3A_651 = tpu.unpack_subelements %bitcast3A_649, 1 {pack_format = #tpu.pack_format<interleaved>} : vector<32xbf16> -> vector<16xf32>
        %get3A_652 = arith.index_cast %scan3A_170 : i32 to index
        %get3A_653 = arith.constant 112 : index
        %get3A_654 = tpu.vector_load %arg13[%get3A_652, %get3A_653] {strides = array<i32>} : memref<48x256xi32, #tpu.memory_space<vmem>>, vector<16xi32>,
        %bitcast3A_655 = vector.bitcast %get3A_654 : vector<16xi32> to vector<32xbf16>
        %unpack3A_656 = tpu.unpack_subelements %bitcast3A_655, 0 {pack_format = #tpu.pack_format<interleaved>} : vector<32xbf16> -> vector<16xf32>
        %unpack3A_657 = tpu.unpack_subelements %bitcast3A_655, 1 {pack_format = #tpu.pack_format<interleaved>} : vector<32xbf16> -> vector<16xf32>
        %get3A_658 = arith.index_cast %scan3A_170 : i32 to index
        %get3A_659 = arith.constant 112 : index
        %get3A_660 = tpu.vector_load %arg14[%get3A_658, %get3A_659] {strides = array<i32>} : memref<48x384xi32, #tpu.memory_space<vmem>>, vector<16xi32>,
        %bitcast3A_661 = vector.bitcast %get3A_660 : vector<16xi32> to vector<32xbf16>
        %unpack3A_662 = tpu.unpack_subelements %bitcast3A_661, 0 {pack_format = #tpu.pack_format<interleaved>} : vector<32xbf16> -> vector<16xf32>
        %unpack3A_663 = tpu.unpack_subelements %bitcast3A_661, 1 {pack_format = #tpu.pack_format<interleaved>} : vector<32xbf16> -> vector<16xf32>
        %get3A_664 = arith.index_cast %scan3A_170 : i32 to index
        %get3A_665 = arith.constant 176 : index
        %get3A_666 = tpu.vector_load %arg12[%get3A_664, %get3A_665] {strides = array<i32>} : memref<48x256xi32, #tpu.memory_space<vmem>>, vector<16xi32>,
        %bitcast3A_667 = vector.bitcast %get3A_666 : vector<16xi32> to vector<32xbf16>
        %unpack3A_668 = tpu.unpack_subelements %bitcast3A_667, 0 {pack_format = #tpu.pack_format<interleaved>} : vector<32xbf16> -> vector<16xf32>
        %unpack3A_669 = tpu.unpack_subelements %bitcast3A_667, 1 {pack_format = #tpu.pack_format<interleaved>} : vector<32xbf16> -> vector<16xf32>
        %get3A_670 = arith.index_cast %scan3A_170 : i32 to index
        %get3A_671 = arith.constant 176 : index
        %get3A_672 = tpu.vector_load %arg13[%get3A_670, %get3A_671] {strides = array<i32>} : memref<48x256xi32, #tpu.memory_space<vmem>>, vector<16xi32>,
        %bitcast3A_673 = vector.bitcast %get3A_672 : vector<16xi32> to vector<32xbf16>
        %unpack3A_674 = tpu.unpack_subelements %bitcast3A_673, 0 {pack_format = #tpu.pack_format<interleaved>} : vector<32xbf16> -> vector<16xf32>
        %unpack3A_675 = tpu.unpack_subelements %bitcast3A_673, 1 {pack_format = #tpu.pack_format<interleaved>} : vector<32xbf16> -> vector<16xf32>
        %get3A_676 = arith.index_cast %scan3A_170 : i32 to index
        %get3A_677 = arith.constant 176 : index
        %get3A_678 = tpu.vector_load %arg14[%get3A_676, %get3A_677] {strides = array<i32>} : memref<48x384xi32, #tpu.memory_space<vmem>>, vector<16xi32>,
        %bitcast3A_679 = vector.bitcast %get3A_678 : vector<16xi32> to vector<32xbf16>
        %unpack3A_680 = tpu.unpack_subelements %bitcast3A_679, 0 {pack_format = #tpu.pack_format<interleaved>} : vector<32xbf16> -> vector<16xf32>
        %unpack3A_681 = tpu.unpack_subelements %bitcast3A_679, 1 {pack_format = #tpu.pack_format<interleaved>} : vector<32xbf16> -> vector<16xf32>
        %get3A_682 = arith.index_cast %scan3A_170 : i32 to index
        %get3A_683 = arith.constant 304 : index
        %get3A_684 = tpu.vector_load %arg14[%get3A_682, %get3A_683] {strides = array<i32>} : memref<48x384xi32, #tpu.memory_space<vmem>>, vector<16xi32>,
        %bitcast3A_685 = vector.bitcast %get3A_684 : vector<16xi32> to vector<32xbf16>
        %unpack3A_686 = tpu.unpack_subelements %bitcast3A_685, 0 {pack_format = #tpu.pack_format<interleaved>} : vector<32xbf16> -> vector<16xf32>
        %unpack3A_687 = tpu.unpack_subelements %bitcast3A_685, 1 {pack_format = #tpu.pack_format<interleaved>} : vector<32xbf16> -> vector<16xf32>
        %add3A_688 = arith.addf %unpack3A_650, %unpack3A_656 : vector<16xf32>
        %add3A_689 = arith.addf %add3A_688, %unpack3A_662 : vector<16xf32>
        %add3A_690 = arith.addf %unpack3A_651, %unpack3A_657 : vector<16xf32>
        %add3A_691 = arith.addf %add3A_690, %unpack3A_663 : vector<16xf32>
        %add3A_692 = arith.addf %unpack3A_668, %unpack3A_674 : vector<16xf32>
        %add3A_693 = arith.addf %add3A_692, %unpack3A_680 : vector<16xf32>
        %add3A_694 = arith.addf %unpack3A_669, %unpack3A_675 : vector<16xf32>
        %add3A_695 = arith.addf %add3A_694, %unpack3A_681 : vector<16xf32>
        %mul3A_696 = arith.mulf %add3A_693, %unpack3A_686 : vector<16xf32>
        %neg3A_697 = arith.constant 0.000000e+00 : f32
        %neg3A_698 = vector.broadcast %neg3A_697 : f32 to vector<16xf32>
        %neg3A_699 = arith.subf %neg3A_698, %add3A_689 : vector<16xf32>
        %exp3A_700 = math.exp %neg3A_699 : vector<16xf32>
        %add3A_701 = arith.constant 1.000000e+00 : f32
        %add3A_702 = vector.broadcast %add3A_701 : f32 to vector<16xf32>
        %add3A_703 = arith.addf %add3A_702, %exp3A_700 : vector<16xf32>
        %div3A_704 = arith.divf %mul3A_696, %add3A_703 : vector<16xf32>
        %mul3A_705 = arith.mulf %add3A_695, %unpack3A_687 : vector<16xf32>
        %neg3A_706 = arith.constant 0.000000e+00 : f32
        %neg3A_707 = vector.broadcast %neg3A_706 : f32 to vector<16xf32>
        %neg3A_708 = arith.subf %neg3A_707, %add3A_691 : vector<16xf32>
        %exp3A_709 = math.exp %neg3A_708 : vector<16xf32>
        %add3A_710 = arith.constant 1.000000e+00 : f32
        %add3A_711 = vector.broadcast %add3A_710 : f32 to vector<16xf32>
        %add3A_712 = arith.addf %add3A_711, %exp3A_709 : vector<16xf32>
        %div3A_713 = arith.divf %mul3A_705, %add3A_712 : vector<16xf32>
        %add3A_714 = arith.constant 128 : i32
        %add3A_715 = arith.addi %mul3A_179, %add3A_714 : i32
        %add3A_716 = arith.constant 48 : i32
        %add3A_717 = arith.addi %add3A_715, %add3A_716 : i32
        %swap3A_718 = arith.index_cast %add3A_717 : i32 to index
        %swap3A_719 = tpu.vector_load %arg15[%swap3A_718] {strides = array<i32>} : memref<82176xf32, #tpu.memory_space<vmem>>, vector<16xf32>,
        tpu.vector_store %arg15[%swap3A_718], %div3A_704 {add = true, strides = array<i32>} : memref<82176xf32, #tpu.memory_space<vmem>>, vector<16xf32>,
        %add3A_720 = arith.constant 128 : i32
        %add3A_721 = arith.addi %mul3A_179, %add3A_720 : i32
        %add3A_722 = arith.constant 48 : i32
        %add3A_723 = arith.addi %add3A_721, %add3A_722 : i32
        %add3A_724 = arith.constant 64 : i32
        %add3A_725 = arith.addi %add3A_723, %add3A_724 : i32
        %swap3A_726 = arith.index_cast %add3A_725 : i32 to index
        %swap3A_727 = tpu.vector_load %arg15[%swap3A_726] {strides = array<i32>} : memref<82176xf32, #tpu.memory_space<vmem>>, vector<16xf32>,
        tpu.vector_store %arg15[%swap3A_726], %div3A_713 {add = true, strides = array<i32>} : memref<82176xf32, #tpu.memory_space<vmem>>, vector<16xf32>,
        %scan3A_728 = arith.constant 0 : i32
        scf.yield %scan3A_728 : i32
      }
      %scan3A_168 = arith.constant 48 : i32
      %while3A_169 = arith.constant 0 : i32
      scf.yield %while3A_169 : i32
    }
    %while3A_100 = arith.constant 1 : i32
    %while3A_101 = scf.for %while3A_104 = %while3A_97 to %while3A_93 step %while3A_100 iter_args(%while3A_105 = %while3A_99) -> (i32)  : i32 {
      %mul3A_106 = arith.constant 48 : i32
      %mul3A_107 = arith.muli %while3A_104, %mul3A_106 : i32
      %add3A_108 = arith.constant 0 : i32
      %add3A_109 = arith.addi %mul3A_107, %add3A_108 : i32
      %get3A = arith.index_cast %add3A_109 : i32 to index
      %get3A_110 = tpu.vector_load %arg9[%get3A] {strides = array<i32>} : memref<736xi32, #tpu.memory_space<vmem>>, vector<16xi32>,
      %min3A = arith.constant 10239 : i32
      %min3A_111 = vector.broadcast %min3A : i32 to vector<16xi32>
      %min3A_112 = arith.minsi %get3A_110, %min3A_111 : vector<16xi32>
      %swap3A_113 = arith.constant 0 : index
      %swap3A_114 = tpu.vector_load %arg11[%swap3A_113] {strides = array<i32>} : memref<48xi32, #tpu.memory_space<vmem>>, vector<16xi32>,
      tpu.vector_store %arg11[%swap3A_113], %min3A_112 {strides = array<i32>} : memref<48xi32, #tpu.memory_space<vmem>>, vector<16xi32>,
      %mul3A_115 = arith.constant 48 : i32
      %mul3A_116 = arith.muli %while3A_104, %mul3A_115 : i32
      %add3A_117 = arith.constant 16 : i32
      %add3A_118 = arith.addi %mul3A_116, %add3A_117 : i32
      %get3A_119 = arith.index_cast %add3A_118 : i32 to index
      %get3A_120 = tpu.vector_load %arg9[%get3A_119] {strides = array<i32>} : memref<736xi32, #tpu.memory_space<vmem>>, vector<16xi32>,
      %min3A_121 = arith.constant 10239 : i32
      %min3A_122 = vector.broadcast %min3A_121 : i32 to vector<16xi32>
      %min3A_123 = arith.minsi %get3A_120, %min3A_122 : vector<16xi32>
      %swap3A_124 = arith.constant 16 : index
      %swap3A_125 = tpu.vector_load %arg11[%swap3A_124] {strides = array<i32>} : memref<48xi32, #tpu.memory_space<vmem>>, vector<16xi32>,
      tpu.vector_store %arg11[%swap3A_124], %min3A_123 {strides = array<i32>} : memref<48xi32, #tpu.memory_space<vmem>>, vector<16xi32>,
      %mul3A_126 = arith.constant 48 : i32
      %mul3A_127 = arith.muli %while3A_104, %mul3A_126 : i32
      %add3A_128 = arith.constant 32 : i32
      %add3A_129 = arith.addi %mul3A_127, %add3A_128 : i32
      %get3A_130 = arith.index_cast %add3A_129 : i32 to index
      %get3A_131 = tpu.vector_load %arg9[%get3A_130] {strides = array<i32>} : memref<736xi32, #tpu.memory_space<vmem>>, vector<16xi32>,
      %min3A_132 = arith.constant 10239 : i32
      %min3A_133 = vector.broadcast %min3A_132 : i32 to vector<16xi32>
      %min3A_134 = arith.minsi %get3A_131, %min3A_133 : vector<16xi32>
      %swap3A_135 = arith.constant 32 : index
      %swap3A_136 = tpu.vector_load %arg11[%swap3A_135] {strides = array<i32>} : memref<48xi32, #tpu.memory_space<vmem>>, vector<16xi32>,
      tpu.vector_store %arg11[%swap3A_135], %min3A_134 {strides = array<i32>} : memref<48xi32, #tpu.memory_space<vmem>>, vector<16xi32>,
      %dma_start3A_137 = arith.constant 0 : i32
      %dma_start3A_138 = arith.constant 0 : i32
      %dma_start3A_139 = tpu.memref_slice %arg3[%dma_start3A_137, %dma_start3A_138] : memref<10240x256xi32, #tpu.memory_space<hbm>> -> memref<10240x256xi32, #tpu.memory_space<hbm>>
      tpu.enqueue_indirect_dma source(%dma_start3A_139 : memref<10240x256xi32, #tpu.memory_space<hbm>>) target(%arg12 : memref<48x256xi32, #tpu.memory_space<vmem>>) offsets(%arg11 : memref<48xi32, #tpu.memory_space<vmem>>) semaphore(%arg16 : memref<!tpu.dma_semaphore, #tpu.memory_space<semaphore_mem>>)
      %mul3A_140 = arith.constant 48 : i32
      %mul3A_141 = arith.muli %while3A_104, %mul3A_140 : i32
      %dma_start3A_142 = tpu.memref_slice %arg10[%mul3A_141] : memref<736xi32, #tpu.memory_space<vmem>> -> memref<48xi32, #tpu.memory_space<vmem>>
      %dma_start3A_143 = arith.constant 0 : i32
      %dma_start3A_144 = arith.constant 0 : i32
      %dma_start3A_145 = tpu.memref_slice %arg4[%dma_start3A_143, %dma_start3A_144] : memref<10240x256xi32, #tpu.memory_space<hbm>> -> memref<10240x256xi32, #tpu.memory_space<hbm>>
      tpu.enqueue_indirect_dma source(%dma_start3A_145 : memref<10240x256xi32, #tpu.memory_space<hbm>>) target(%arg13 : memref<48x256xi32, #tpu.memory_space<vmem>>) offsets(%dma_start3A_142 : memref<48xi32, #tpu.memory_space<vmem>>) semaphore(%arg16 : memref<!tpu.dma_semaphore, #tpu.memory_space<semaphore_mem>>)
      %mul3A_146 = arith.constant 48 : i32
      %mul3A_147 = arith.muli %while3A_104, %mul3A_146 : i32
      %dma_start3A_148 = tpu.memref_slice %arg8[%mul3A_147] : memref<736xi32, #tpu.memory_space<vmem>> -> memref<48xi32, #tpu.memory_space<vmem>>
      %dma_start3A_149 = arith.constant 0 : i32
      %dma_start3A_150 = arith.constant 0 : i32
      %dma_start3A_151 = tpu.memref_slice %arg5[%dma_start3A_149, %dma_start3A_150] : memref<160000x384xi32, #tpu.memory_space<hbm>> -> memref<160000x384xi32, #tpu.memory_space<hbm>>
      tpu.enqueue_indirect_dma source(%dma_start3A_151 : memref<160000x384xi32, #tpu.memory_space<hbm>>) target(%arg14 : memref<48x384xi32, #tpu.memory_space<vmem>>) offsets(%dma_start3A_148 : memref<48xi32, #tpu.memory_space<vmem>>) semaphore(%arg16 : memref<!tpu.dma_semaphore, #tpu.memory_space<semaphore_mem>>)
      %dma_wait3A = arith.constant 0 : i32
      %dma_wait3A_152 = arith.constant 0 : i32
      %dma_wait3A_153 = tpu.memref_slice %arg3[%dma_wait3A, %dma_wait3A_152] : memref<10240x256xi32, #tpu.memory_space<hbm>> -> memref<10240x256xi32, #tpu.memory_space<hbm>>
      tpu.wait_indirect_dma semaphore(%arg16 : memref<!tpu.dma_semaphore, #tpu.memory_space<semaphore_mem>>) src(%dma_wait3A_153 : memref<10240x256xi32, #tpu.memory_space<hbm>>) dst(%arg12 : memref<48x256xi32, #tpu.memory_space<vmem>>)
      %dma_wait3A_154 = tpu.memref_slice %arg10[%mul3A_141] : memref<736xi32, #tpu.memory_space<vmem>> -> memref<48xi32, #tpu.memory_space<vmem>>
      %dma_wait3A_155 = arith.constant 0 : i32
      %dma_wait3A_156 = arith.constant 0 : i32
      %dma_wait3A_157 = tpu.memref_slice %arg4[%dma_wait3A_155, %dma_wait3A_156] : memref<10240x256xi32, #tpu.memory_space<hbm>> -> memref<10240x256xi32, #tpu.memory_space<hbm>>
      tpu.wait_indirect_dma semaphore(%arg16 : memref<!tpu.dma_semaphore, #tpu.memory_space<semaphore_mem>>) src(%dma_wait3A_157 : memref<10240x256xi32, #tpu.memory_space<hbm>>) dst(%arg13 : memref<48x256xi32, #tpu.memory_space<vmem>>)
      %dma_wait3A_158 = tpu.memref_slice %arg8[%mul3A_147] : memref<736xi32, #tpu.memory_space<vmem>> -> memref<48xi32, #tpu.memory_space<vmem>>
      %dma_wait3A_159 = arith.constant 0 : i32
      %dma_wait3A_160 = arith.constant 0 : i32
      %dma_wait3A_161 = tpu.memref_slice %arg5[%dma_wait3A_159, %dma_wait3A_160] : memref<160000x384xi32, #tpu.memory_space<hbm>> -> memref<160000x384xi32, #tpu.memory_space<hbm>>
      tpu.wait_indirect_dma semaphore(%arg16 : memref<!tpu.dma_semaphore, #tpu.memory_space<semaphore_mem>>) src(%dma_wait3A_161 : memref<160000x384xi32, #tpu.memory_space<hbm>>) dst(%arg14 : memref<48x384xi32, #tpu.memory_space<vmem>>)
      %scan3A_162 = arith.constant 0 : i32
      %scan3A_163 = arith.constant 0 : i32
      %scan3A_164 = arith.constant 48 : i32
      %scan3A_165 = arith.addi %scan3A_163, %scan3A_164 : i32
      %scan3A_166 = arith.constant 1 : i32
      %scan3A_167 = scf.for %scan3A_170 = %scan3A_163 to %scan3A_165 step %scan3A_166 iter_args(%scan3A_171 = %scan3A_162) -> (i32)  : i32 {
        %mul3A_172 = arith.constant 48 : i32
        %mul3A_173 = arith.muli %while3A_104, %mul3A_172 : i32
        %add3A_174 = arith.addi %mul3A_173, %scan3A_170 : i32
        %get3A_175 = arith.index_cast %add3A_174 : i32 to index
        %get3A_176 = tpu.vector_load %arg9[%get3A_175] {strides = array<i32>} : memref<736xi32, #tpu.memory_space<vmem>>, vector<16xi32>,
        %slice3A = vector.extract_strided_slice %get3A_176 {offsets = [0], sizes = [1], strides = [1]} : vector<16xi32> to vector<1xi32>
        %squeeze3A = vector.extract %slice3A[0] : i32 from vector<1xi32>
        %sub3A_177 = arith.subi %squeeze3A, %mul3A_2 : i32
        %mul3A_178 = arith.constant 256 : i32
        %mul3A_179 = arith.muli %sub3A_177, %mul3A_178 : i32
        %get3A_180 = arith.index_cast %scan3A_170 : i32 to index
        %get3A_181 = arith.constant 0 : index
        %get3A_182 = tpu.vector_load %arg12[%get3A_180, %get3A_181] {strides = array<i32>} : memref<48x256xi32, #tpu.memory_space<vmem>>, vector<16xi32>,
        %bitcast3A = vector.bitcast %get3A_182 : vector<16xi32> to vector<32xbf16>
        %unpack3A = tpu.unpack_subelements %bitcast3A, 0 {pack_format = #tpu.pack_format<interleaved>} : vector<32xbf16> -> vector<16xf32>
        %unpack3A_183 = tpu.unpack_subelements %bitcast3A, 1 {pack_format = #tpu.pack_format<interleaved>} : vector<32xbf16> -> vector<16xf32>
        %get3A_184 = arith.index_cast %scan3A_170 : i32 to index
        %get3A_185 = arith.constant 0 : index
        %get3A_186 = tpu.vector_load %arg13[%get3A_184, %get3A_185] {strides = array<i32>} : memref<48x256xi32, #tpu.memory_space<vmem>>, vector<16xi32>,
        %bitcast3A_187 = vector.bitcast %get3A_186 : vector<16xi32> to vector<32xbf16>
        %unpack3A_188 = tpu.unpack_subelements %bitcast3A_187, 0 {pack_format = #tpu.pack_format<interleaved>} : vector<32xbf16> -> vector<16xf32>
        %unpack3A_189 = tpu.unpack_subelements %bitcast3A_187, 1 {pack_format = #tpu.pack_format<interleaved>} : vector<32xbf16> -> vector<16xf32>
        %get3A_190 = arith.index_cast %scan3A_170 : i32 to index
        %get3A_191 = arith.constant 0 : index
        %get3A_192 = tpu.vector_load %arg14[%get3A_190, %get3A_191] {strides = array<i32>} : memref<48x384xi32, #tpu.memory_space<vmem>>, vector<16xi32>,
        %bitcast3A_193 = vector.bitcast %get3A_192 : vector<16xi32> to vector<32xbf16>
        %unpack3A_194 = tpu.unpack_subelements %bitcast3A_193, 0 {pack_format = #tpu.pack_format<interleaved>} : vector<32xbf16> -> vector<16xf32>
        %unpack3A_195 = tpu.unpack_subelements %bitcast3A_193, 1 {pack_format = #tpu.pack_format<interleaved>} : vector<32xbf16> -> vector<16xf32>
        %get3A_196 = arith.index_cast %scan3A_170 : i32 to index
        %get3A_197 = arith.constant 192 : index
        %get3A_198 = tpu.vector_load %arg14[%get3A_196, %get3A_197] {strides = array<i32>} : memref<48x384xi32, #tpu.memory_space<vmem>>, vector<16xi32>,
        %bitcast3A_199 = vector.bitcast %get3A_198 : vector<16xi32> to vector<32xbf16>
        %unpack3A_200 = tpu.unpack_subelements %bitcast3A_199, 0 {pack_format = #tpu.pack_format<interleaved>} : vector<32xbf16> -> vector<16xf32>
        %unpack3A_201 = tpu.unpack_subelements %bitcast3A_199, 1 {pack_format = #tpu.pack_format<interleaved>} : vector<32xbf16> -> vector<16xf32>
        %add3A_202 = arith.addf %unpack3A, %unpack3A_188 : vector<16xf32>
        %add3A_203 = arith.addf %add3A_202, %unpack3A_194 : vector<16xf32>
        %add3A_204 = arith.addf %unpack3A_183, %unpack3A_189 : vector<16xf32>
        %add3A_205 = arith.addf %add3A_204, %unpack3A_195 : vector<16xf32>
        %neg3A = arith.constant 0.000000e+00 : f32
        %neg3A_206 = vector.broadcast %neg3A : f32 to vector<16xf32>
        %neg3A_207 = arith.subf %neg3A_206, %add3A_203 : vector<16xf32>
        %exp3A = math.exp %neg3A_207 : vector<16xf32>
        %add3A_208 = arith.constant 1.000000e+00 : f32
        %add3A_209 = vector.broadcast %add3A_208 : f32 to vector<16xf32>
        %add3A_210 = arith.addf %add3A_209, %exp3A : vector<16xf32>
        %div3A_211 = arith.divf %add3A_203, %add3A_210 : vector<16xf32>
        %mul3A_212 = arith.mulf %div3A_211, %unpack3A_200 : vector<16xf32>
        %neg3A_213 = arith.constant 0.000000e+00 : f32
        %neg3A_214 = vector.broadcast %neg3A_213 : f32 to vector<16xf32>
        %neg3A_215 = arith.subf %neg3A_214, %add3A_205 : vector<16xf32>
        %exp3A_216 = math.exp %neg3A_215 : vector<16xf32>
        %add3A_217 = arith.constant 1.000000e+00 : f32
        %add3A_218 = vector.broadcast %add3A_217 : f32 to vector<16xf32>
        %add3A_219 = arith.addf %add3A_218, %exp3A_216 : vector<16xf32>
        %div3A_220 = arith.divf %add3A_205, %add3A_219 : vector<16xf32>
        %mul3A_221 = arith.mulf %div3A_220, %unpack3A_201 : vector<16xf32>
        %add3A_222 = arith.constant 0 : i32
        %add3A_223 = arith.addi %mul3A_179, %add3A_222 : i32
        %swap3A_224 = arith.index_cast %add3A_223 : i32 to index
        %swap3A_225 = tpu.vector_load %arg15[%swap3A_224] {strides = array<i32>} : memref<82176xf32, #tpu.memory_space<vmem>>, vector<16xf32>,
        tpu.vector_store %arg15[%swap3A_224], %mul3A_212 {add = true, strides = array<i32>} : memref<82176xf32, #tpu.memory_space<vmem>>, vector<16xf32>,
        %add3A_226 = arith.constant 0 : i32
        %add3A_227 = arith.addi %mul3A_179, %add3A_226 : i32
        %add3A_228 = arith.constant 64 : i32
        %add3A_229 = arith.addi %add3A_227, %add3A_228 : i32
        %swap3A_230 = arith.index_cast %add3A_229 : i32 to index
        %swap3A_231 = tpu.vector_load %arg15[%swap3A_230] {strides = array<i32>} : memref<82176xf32, #tpu.memory_space<vmem>>, vector<16xf32>,
        tpu.vector_store %arg15[%swap3A_230], %mul3A_221 {add = true, strides = array<i32>} : memref<82176xf32, #tpu.memory_space<vmem>>, vector<16xf32>,
        %get3A_232 = arith.index_cast %scan3A_170 : i32 to index
        %get3A_233 = arith.constant 16 : index
        %get3A_234 = tpu.vector_load %arg12[%get3A_232, %get3A_233] {strides = array<i32>} : memref<48x256xi32, #tpu.memory_space<vmem>>, vector<16xi32>,
        %bitcast3A_235 = vector.bitcast %get3A_234 : vector<16xi32> to vector<32xbf16>
        %unpack3A_236 = tpu.unpack_subelements %bitcast3A_235, 0 {pack_format = #tpu.pack_format<interleaved>} : vector<32xbf16> -> vector<16xf32>
        %unpack3A_237 = tpu.unpack_subelements %bitcast3A_235, 1 {pack_format = #tpu.pack_format<interleaved>} : vector<32xbf16> -> vector<16xf32>
        %get3A_238 = arith.index_cast %scan3A_170 : i32 to index
        %get3A_239 = arith.constant 16 : index
        %get3A_240 = tpu.vector_load %arg13[%get3A_238, %get3A_239] {strides = array<i32>} : memref<48x256xi32, #tpu.memory_space<vmem>>, vector<16xi32>,
        %bitcast3A_241 = vector.bitcast %get3A_240 : vector<16xi32> to vector<32xbf16>
        %unpack3A_242 = tpu.unpack_subelements %bitcast3A_241, 0 {pack_format = #tpu.pack_format<interleaved>} : vector<32xbf16> -> vector<16xf32>
        %unpack3A_243 = tpu.unpack_subelements %bitcast3A_241, 1 {pack_format = #tpu.pack_format<interleaved>} : vector<32xbf16> -> vector<16xf32>
        %get3A_244 = arith.index_cast %scan3A_170 : i32 to index
        %get3A_245 = arith.constant 16 : index
        %get3A_246 = tpu.vector_load %arg14[%get3A_244, %get3A_245] {strides = array<i32>} : memref<48x384xi32, #tpu.memory_space<vmem>>, vector<16xi32>,
        %bitcast3A_247 = vector.bitcast %get3A_246 : vector<16xi32> to vector<32xbf16>
        %unpack3A_248 = tpu.unpack_subelements %bitcast3A_247, 0 {pack_format = #tpu.pack_format<interleaved>} : vector<32xbf16> -> vector<16xf32>
        %unpack3A_249 = tpu.unpack_subelements %bitcast3A_247, 1 {pack_format = #tpu.pack_format<interleaved>} : vector<32xbf16> -> vector<16xf32>
        %get3A_250 = arith.index_cast %scan3A_170 : i32 to index
        %get3A_251 = arith.constant 208 : index
        %get3A_252 = tpu.vector_load %arg14[%get3A_250, %get3A_251] {strides = array<i32>} : memref<48x384xi32, #tpu.memory_space<vmem>>, vector<16xi32>,
        %bitcast3A_253 = vector.bitcast %get3A_252 : vector<16xi32> to vector<32xbf16>
        %unpack3A_254 = tpu.unpack_subelements %bitcast3A_253, 0 {pack_format = #tpu.pack_format<interleaved>} : vector<32xbf16> -> vector<16xf32>
        %unpack3A_255 = tpu.unpack_subelements %bitcast3A_253, 1 {pack_format = #tpu.pack_format<interleaved>} : vector<32xbf16> -> vector<16xf32>
        %add3A_256 = arith.addf %unpack3A_236, %unpack3A_242 : vector<16xf32>
        %add3A_257 = arith.addf %add3A_256, %unpack3A_248 : vector<16xf32>
        %add3A_258 = arith.addf %unpack3A_237, %unpack3A_243 : vector<16xf32>
        %add3A_259 = arith.addf %add3A_258, %unpack3A_249 : vector<16xf32>
        %neg3A_260 = arith.constant 0.000000e+00 : f32
        %neg3A_261 = vector.broadcast %neg3A_260 : f32 to vector<16xf32>
        %neg3A_262 = arith.subf %neg3A_261, %add3A_257 : vector<16xf32>
        %exp3A_263 = math.exp %neg3A_262 : vector<16xf32>
        %add3A_264 = arith.constant 1.000000e+00 : f32
        %add3A_265 = vector.broadcast %add3A_264 : f32 to vector<16xf32>
        %add3A_266 = arith.addf %add3A_265, %exp3A_263 : vector<16xf32>
        %div3A_267 = arith.divf %add3A_257, %add3A_266 : vector<16xf32>
        %mul3A_268 = arith.mulf %div3A_267, %unpack3A_254 : vector<16xf32>
        %neg3A_269 = arith.constant 0.000000e+00 : f32
        %neg3A_270 = vector.broadcast %neg3A_269 : f32 to vector<16xf32>
        %neg3A_271 = arith.subf %neg3A_270, %add3A_259 : vector<16xf32>
        %exp3A_272 = math.exp %neg3A_271 : vector<16xf32>
        %add3A_273 = arith.constant 1.000000e+00 : f32
        %add3A_274 = vector.broadcast %add3A_273 : f32 to vector<16xf32>
        %add3A_275 = arith.addf %add3A_274, %exp3A_272 : vector<16xf32>
        %div3A_276 = arith.divf %add3A_259, %add3A_275 : vector<16xf32>
        %mul3A_277 = arith.mulf %div3A_276, %unpack3A_255 : vector<16xf32>
        %add3A_278 = arith.constant 16 : i32
        %add3A_279 = arith.addi %mul3A_179, %add3A_278 : i32
        %swap3A_280 = arith.index_cast %add3A_279 : i32 to index
        %swap3A_281 = tpu.vector_load %arg15[%swap3A_280] {strides = array<i32>} : memref<82176xf32, #tpu.memory_space<vmem>>, vector<16xf32>,
        tpu.vector_store %arg15[%swap3A_280], %mul3A_268 {add = true, strides = array<i32>} : memref<82176xf32, #tpu.memory_space<vmem>>, vector<16xf32>,
        %add3A_282 = arith.constant 16 : i32
        %add3A_283 = arith.addi %mul3A_179, %add3A_282 : i32
        %add3A_284 = arith.constant 64 : i32
        %add3A_285 = arith.addi %add3A_283, %add3A_284 : i32
        %swap3A_286 = arith.index_cast %add3A_285 : i32 to index
        %swap3A_287 = tpu.vector_load %arg15[%swap3A_286] {strides = array<i32>} : memref<82176xf32, #tpu.memory_space<vmem>>, vector<16xf32>,
        tpu.vector_store %arg15[%swap3A_286], %mul3A_277 {add = true, strides = array<i32>} : memref<82176xf32, #tpu.memory_space<vmem>>, vector<16xf32>,
        %get3A_288 = arith.index_cast %scan3A_170 : i32 to index
        %get3A_289 = arith.constant 32 : index
        %get3A_290 = tpu.vector_load %arg12[%get3A_288, %get3A_289] {strides = array<i32>} : memref<48x256xi32, #tpu.memory_space<vmem>>, vector<16xi32>,
        %bitcast3A_291 = vector.bitcast %get3A_290 : vector<16xi32> to vector<32xbf16>
        %unpack3A_292 = tpu.unpack_subelements %bitcast3A_291, 0 {pack_format = #tpu.pack_format<interleaved>} : vector<32xbf16> -> vector<16xf32>
        %unpack3A_293 = tpu.unpack_subelements %bitcast3A_291, 1 {pack_format = #tpu.pack_format<interleaved>} : vector<32xbf16> -> vector<16xf32>
        %get3A_294 = arith.index_cast %scan3A_170 : i32 to index
        %get3A_295 = arith.constant 32 : index
        %get3A_296 = tpu.vector_load %arg13[%get3A_294, %get3A_295] {strides = array<i32>} : memref<48x256xi32, #tpu.memory_space<vmem>>, vector<16xi32>,
        %bitcast3A_297 = vector.bitcast %get3A_296 : vector<16xi32> to vector<32xbf16>
        %unpack3A_298 = tpu.unpack_subelements %bitcast3A_297, 0 {pack_format = #tpu.pack_format<interleaved>} : vector<32xbf16> -> vector<16xf32>
        %unpack3A_299 = tpu.unpack_subelements %bitcast3A_297, 1 {pack_format = #tpu.pack_format<interleaved>} : vector<32xbf16> -> vector<16xf32>
        %get3A_300 = arith.index_cast %scan3A_170 : i32 to index
        %get3A_301 = arith.constant 32 : index
        %get3A_302 = tpu.vector_load %arg14[%get3A_300, %get3A_301] {strides = array<i32>} : memref<48x384xi32, #tpu.memory_space<vmem>>, vector<16xi32>,
        %bitcast3A_303 = vector.bitcast %get3A_302 : vector<16xi32> to vector<32xbf16>
        %unpack3A_304 = tpu.unpack_subelements %bitcast3A_303, 0 {pack_format = #tpu.pack_format<interleaved>} : vector<32xbf16> -> vector<16xf32>
        %unpack3A_305 = tpu.unpack_subelements %bitcast3A_303, 1 {pack_format = #tpu.pack_format<interleaved>} : vector<32xbf16> -> vector<16xf32>
        %get3A_306 = arith.index_cast %scan3A_170 : i32 to index
        %get3A_307 = arith.constant 224 : index
        %get3A_308 = tpu.vector_load %arg14[%get3A_306, %get3A_307] {strides = array<i32>} : memref<48x384xi32, #tpu.memory_space<vmem>>, vector<16xi32>,
        %bitcast3A_309 = vector.bitcast %get3A_308 : vector<16xi32> to vector<32xbf16>
        %unpack3A_310 = tpu.unpack_subelements %bitcast3A_309, 0 {pack_format = #tpu.pack_format<interleaved>} : vector<32xbf16> -> vector<16xf32>
        %unpack3A_311 = tpu.unpack_subelements %bitcast3A_309, 1 {pack_format = #tpu.pack_format<interleaved>} : vector<32xbf16> -> vector<16xf32>
        %add3A_312 = arith.addf %unpack3A_292, %unpack3A_298 : vector<16xf32>
        %add3A_313 = arith.addf %add3A_312, %unpack3A_304 : vector<16xf32>
        %add3A_314 = arith.addf %unpack3A_293, %unpack3A_299 : vector<16xf32>
        %add3A_315 = arith.addf %add3A_314, %unpack3A_305 : vector<16xf32>
        %neg3A_316 = arith.constant 0.000000e+00 : f32
        %neg3A_317 = vector.broadcast %neg3A_316 : f32 to vector<16xf32>
        %neg3A_318 = arith.subf %neg3A_317, %add3A_313 : vector<16xf32>
        %exp3A_319 = math.exp %neg3A_318 : vector<16xf32>
        %add3A_320 = arith.constant 1.000000e+00 : f32
        %add3A_321 = vector.broadcast %add3A_320 : f32 to vector<16xf32>
        %add3A_322 = arith.addf %add3A_321, %exp3A_319 : vector<16xf32>
        %div3A_323 = arith.divf %add3A_313, %add3A_322 : vector<16xf32>
        %mul3A_324 = arith.mulf %div3A_323, %unpack3A_310 : vector<16xf32>
        %neg3A_325 = arith.constant 0.000000e+00 : f32
        %neg3A_326 = vector.broadcast %neg3A_325 : f32 to vector<16xf32>
        %neg3A_327 = arith.subf %neg3A_326, %add3A_315 : vector<16xf32>
        %exp3A_328 = math.exp %neg3A_327 : vector<16xf32>
        %add3A_329 = arith.constant 1.000000e+00 : f32
        %add3A_330 = vector.broadcast %add3A_329 : f32 to vector<16xf32>
        %add3A_331 = arith.addf %add3A_330, %exp3A_328 : vector<16xf32>
        %div3A_332 = arith.divf %add3A_315, %add3A_331 : vector<16xf32>
        %mul3A_333 = arith.mulf %div3A_332, %unpack3A_311 : vector<16xf32>
        %add3A_334 = arith.constant 32 : i32
        %add3A_335 = arith.addi %mul3A_179, %add3A_334 : i32
        %swap3A_336 = arith.index_cast %add3A_335 : i32 to index
        %swap3A_337 = tpu.vector_load %arg15[%swap3A_336] {strides = array<i32>} : memref<82176xf32, #tpu.memory_space<vmem>>, vector<16xf32>,
        tpu.vector_store %arg15[%swap3A_336], %mul3A_324 {add = true, strides = array<i32>} : memref<82176xf32, #tpu.memory_space<vmem>>, vector<16xf32>,
        %add3A_338 = arith.constant 32 : i32
        %add3A_339 = arith.addi %mul3A_179, %add3A_338 : i32
        %add3A_340 = arith.constant 64 : i32
        %add3A_341 = arith.addi %add3A_339, %add3A_340 : i32
        %swap3A_342 = arith.index_cast %add3A_341 : i32 to index
        %swap3A_343 = tpu.vector_load %arg15[%swap3A_342] {strides = array<i32>} : memref<82176xf32, #tpu.memory_space<vmem>>, vector<16xf32>,
        tpu.vector_store %arg15[%swap3A_342], %mul3A_333 {add = true, strides = array<i32>} : memref<82176xf32, #tpu.memory_space<vmem>>, vector<16xf32>,
        %get3A_344 = arith.index_cast %scan3A_170 : i32 to index
        %get3A_345 = arith.constant 48 : index
        %get3A_346 = tpu.vector_load %arg12[%get3A_344, %get3A_345] {strides = array<i32>} : memref<48x256xi32, #tpu.memory_space<vmem>>, vector<16xi32>,
        %bitcast3A_347 = vector.bitcast %get3A_346 : vector<16xi32> to vector<32xbf16>
        %unpack3A_348 = tpu.unpack_subelements %bitcast3A_347, 0 {pack_format = #tpu.pack_format<interleaved>} : vector<32xbf16> -> vector<16xf32>
        %unpack3A_349 = tpu.unpack_subelements %bitcast3A_347, 1 {pack_format = #tpu.pack_format<interleaved>} : vector<32xbf16> -> vector<16xf32>
        %get3A_350 = arith.index_cast %scan3A_170 : i32 to index
        %get3A_351 = arith.constant 48 : index
        %get3A_352 = tpu.vector_load %arg13[%get3A_350, %get3A_351] {strides = array<i32>} : memref<48x256xi32, #tpu.memory_space<vmem>>, vector<16xi32>,
        %bitcast3A_353 = vector.bitcast %get3A_352 : vector<16xi32> to vector<32xbf16>
        %unpack3A_354 = tpu.unpack_subelements %bitcast3A_353, 0 {pack_format = #tpu.pack_format<interleaved>} : vector<32xbf16> -> vector<16xf32>
        %unpack3A_355 = tpu.unpack_subelements %bitcast3A_353, 1 {pack_format = #tpu.pack_format<interleaved>} : vector<32xbf16> -> vector<16xf32>
        %get3A_356 = arith.index_cast %scan3A_170 : i32 to index
        %get3A_357 = arith.constant 48 : index
        %get3A_358 = tpu.vector_load %arg14[%get3A_356, %get3A_357] {strides = array<i32>} : memref<48x384xi32, #tpu.memory_space<vmem>>, vector<16xi32>,
        %bitcast3A_359 = vector.bitcast %get3A_358 : vector<16xi32> to vector<32xbf16>
        %unpack3A_360 = tpu.unpack_subelements %bitcast3A_359, 0 {pack_format = #tpu.pack_format<interleaved>} : vector<32xbf16> -> vector<16xf32>
        %unpack3A_361 = tpu.unpack_subelements %bitcast3A_359, 1 {pack_format = #tpu.pack_format<interleaved>} : vector<32xbf16> -> vector<16xf32>
        %get3A_362 = arith.index_cast %scan3A_170 : i32 to index
        %get3A_363 = arith.constant 240 : index
        %get3A_364 = tpu.vector_load %arg14[%get3A_362, %get3A_363] {strides = array<i32>} : memref<48x384xi32, #tpu.memory_space<vmem>>, vector<16xi32>,
        %bitcast3A_365 = vector.bitcast %get3A_364 : vector<16xi32> to vector<32xbf16>
        %unpack3A_366 = tpu.unpack_subelements %bitcast3A_365, 0 {pack_format = #tpu.pack_format<interleaved>} : vector<32xbf16> -> vector<16xf32>
        %unpack3A_367 = tpu.unpack_subelements %bitcast3A_365, 1 {pack_format = #tpu.pack_format<interleaved>} : vector<32xbf16> -> vector<16xf32>
        %add3A_368 = arith.addf %unpack3A_348, %unpack3A_354 : vector<16xf32>
        %add3A_369 = arith.addf %add3A_368, %unpack3A_360 : vector<16xf32>
        %add3A_370 = arith.addf %unpack3A_349, %unpack3A_355 : vector<16xf32>
        %add3A_371 = arith.addf %add3A_370, %unpack3A_361 : vector<16xf32>
        %neg3A_372 = arith.constant 0.000000e+00 : f32
        %neg3A_373 = vector.broadcast %neg3A_372 : f32 to vector<16xf32>
        %neg3A_374 = arith.subf %neg3A_373, %add3A_369 : vector<16xf32>
        %exp3A_375 = math.exp %neg3A_374 : vector<16xf32>
        %add3A_376 = arith.constant 1.000000e+00 : f32
        %add3A_377 = vector.broadcast %add3A_376 : f32 to vector<16xf32>
        %add3A_378 = arith.addf %add3A_377, %exp3A_375 : vector<16xf32>
        %div3A_379 = arith.divf %add3A_369, %add3A_378 : vector<16xf32>
        %mul3A_380 = arith.mulf %div3A_379, %unpack3A_366 : vector<16xf32>
        %neg3A_381 = arith.constant 0.000000e+00 : f32
        %neg3A_382 = vector.broadcast %neg3A_381 : f32 to vector<16xf32>
        %neg3A_383 = arith.subf %neg3A_382, %add3A_371 : vector<16xf32>
        %exp3A_384 = math.exp %neg3A_383 : vector<16xf32>
        %add3A_385 = arith.constant 1.000000e+00 : f32
        %add3A_386 = vector.broadcast %add3A_385 : f32 to vector<16xf32>
        %add3A_387 = arith.addf %add3A_386, %exp3A_384 : vector<16xf32>
        %div3A_388 = arith.divf %add3A_371, %add3A_387 : vector<16xf32>
        %mul3A_389 = arith.mulf %div3A_388, %unpack3A_367 : vector<16xf32>
        %add3A_390 = arith.constant 48 : i32
        %add3A_391 = arith.addi %mul3A_179, %add3A_390 : i32
        %swap3A_392 = arith.index_cast %add3A_391 : i32 to index
        %swap3A_393 = tpu.vector_load %arg15[%swap3A_392] {strides = array<i32>} : memref<82176xf32, #tpu.memory_space<vmem>>, vector<16xf32>,
        tpu.vector_store %arg15[%swap3A_392], %mul3A_380 {add = true, strides = array<i32>} : memref<82176xf32, #tpu.memory_space<vmem>>, vector<16xf32>,
        %add3A_394 = arith.constant 48 : i32
        %add3A_395 = arith.addi %mul3A_179, %add3A_394 : i32
        %add3A_396 = arith.constant 64 : i32
        %add3A_397 = arith.addi %add3A_395, %add3A_396 : i32
        %swap3A_398 = arith.index_cast %add3A_397 : i32 to index
        %swap3A_399 = tpu.vector_load %arg15[%swap3A_398] {strides = array<i32>} : memref<82176xf32, #tpu.memory_space<vmem>>, vector<16xf32>,
        tpu.vector_store %arg15[%swap3A_398], %mul3A_389 {add = true, strides = array<i32>} : memref<82176xf32, #tpu.memory_space<vmem>>, vector<16xf32>,
        %get3A_400 = arith.index_cast %scan3A_170 : i32 to index
        %get3A_401 = arith.constant 64 : index
        %get3A_402 = tpu.vector_load %arg12[%get3A_400, %get3A_401] {strides = array<i32>} : memref<48x256xi32, #tpu.memory_space<vmem>>, vector<16xi32>,
        %bitcast3A_403 = vector.bitcast %get3A_402 : vector<16xi32> to vector<32xbf16>
        %unpack3A_404 = tpu.unpack_subelements %bitcast3A_403, 0 {pack_format = #tpu.pack_format<interleaved>} : vector<32xbf16> -> vector<16xf32>
        %unpack3A_405 = tpu.unpack_subelements %bitcast3A_403, 1 {pack_format = #tpu.pack_format<interleaved>} : vector<32xbf16> -> vector<16xf32>
        %get3A_406 = arith.index_cast %scan3A_170 : i32 to index
        %get3A_407 = arith.constant 64 : index
        %get3A_408 = tpu.vector_load %arg13[%get3A_406, %get3A_407] {strides = array<i32>} : memref<48x256xi32, #tpu.memory_space<vmem>>, vector<16xi32>,
        %bitcast3A_409 = vector.bitcast %get3A_408 : vector<16xi32> to vector<32xbf16>
        %unpack3A_410 = tpu.unpack_subelements %bitcast3A_409, 0 {pack_format = #tpu.pack_format<interleaved>} : vector<32xbf16> -> vector<16xf32>
        %unpack3A_411 = tpu.unpack_subelements %bitcast3A_409, 1 {pack_format = #tpu.pack_format<interleaved>} : vector<32xbf16> -> vector<16xf32>
        %get3A_412 = arith.index_cast %scan3A_170 : i32 to index
        %get3A_413 = arith.constant 64 : index
        %get3A_414 = tpu.vector_load %arg14[%get3A_412, %get3A_413] {strides = array<i32>} : memref<48x384xi32, #tpu.memory_space<vmem>>, vector<16xi32>,
        %bitcast3A_415 = vector.bitcast %get3A_414 : vector<16xi32> to vector<32xbf16>
        %unpack3A_416 = tpu.unpack_subelements %bitcast3A_415, 0 {pack_format = #tpu.pack_format<interleaved>} : vector<32xbf16> -> vector<16xf32>
        %unpack3A_417 = tpu.unpack_subelements %bitcast3A_415, 1 {pack_format = #tpu.pack_format<interleaved>} : vector<32xbf16> -> vector<16xf32>
        %get3A_418 = arith.index_cast %scan3A_170 : i32 to index
        %get3A_419 = arith.constant 128 : index
        %get3A_420 = tpu.vector_load %arg12[%get3A_418, %get3A_419] {strides = array<i32>} : memref<48x256xi32, #tpu.memory_space<vmem>>, vector<16xi32>,
        %bitcast3A_421 = vector.bitcast %get3A_420 : vector<16xi32> to vector<32xbf16>
        %unpack3A_422 = tpu.unpack_subelements %bitcast3A_421, 0 {pack_format = #tpu.pack_format<interleaved>} : vector<32xbf16> -> vector<16xf32>
        %unpack3A_423 = tpu.unpack_subelements %bitcast3A_421, 1 {pack_format = #tpu.pack_format<interleaved>} : vector<32xbf16> -> vector<16xf32>
        %get3A_424 = arith.index_cast %scan3A_170 : i32 to index
        %get3A_425 = arith.constant 128 : index
        %get3A_426 = tpu.vector_load %arg13[%get3A_424, %get3A_425] {strides = array<i32>} : memref<48x256xi32, #tpu.memory_space<vmem>>, vector<16xi32>,
        %bitcast3A_427 = vector.bitcast %get3A_426 : vector<16xi32> to vector<32xbf16>
        %unpack3A_428 = tpu.unpack_subelements %bitcast3A_427, 0 {pack_format = #tpu.pack_format<interleaved>} : vector<32xbf16> -> vector<16xf32>
        %unpack3A_429 = tpu.unpack_subelements %bitcast3A_427, 1 {pack_format = #tpu.pack_format<interleaved>} : vector<32xbf16> -> vector<16xf32>
        %get3A_430 = arith.index_cast %scan3A_170 : i32 to index
        %get3A_431 = arith.constant 128 : index
        %get3A_432 = tpu.vector_load %arg14[%get3A_430, %get3A_431] {strides = array<i32>} : memref<48x384xi32, #tpu.memory_space<vmem>>, vector<16xi32>,
        %bitcast3A_433 = vector.bitcast %get3A_432 : vector<16xi32> to vector<32xbf16>
        %unpack3A_434 = tpu.unpack_subelements %bitcast3A_433, 0 {pack_format = #tpu.pack_format<interleaved>} : vector<32xbf16> -> vector<16xf32>
        %unpack3A_435 = tpu.unpack_subelements %bitcast3A_433, 1 {pack_format = #tpu.pack_format<interleaved>} : vector<32xbf16> -> vector<16xf32>
        %get3A_436 = arith.index_cast %scan3A_170 : i32 to index
        %get3A_437 = arith.constant 256 : index
        %get3A_438 = tpu.vector_load %arg14[%get3A_436, %get3A_437] {strides = array<i32>} : memref<48x384xi32, #tpu.memory_space<vmem>>, vector<16xi32>,
        %bitcast3A_439 = vector.bitcast %get3A_438 : vector<16xi32> to vector<32xbf16>
        %unpack3A_440 = tpu.unpack_subelements %bitcast3A_439, 0 {pack_format = #tpu.pack_format<interleaved>} : vector<32xbf16> -> vector<16xf32>
        %unpack3A_441 = tpu.unpack_subelements %bitcast3A_439, 1 {pack_format = #tpu.pack_format<interleaved>} : vector<32xbf16> -> vector<16xf32>
        %add3A_442 = arith.addf %unpack3A_404, %unpack3A_410 : vector<16xf32>
        %add3A_443 = arith.addf %add3A_442, %unpack3A_416 : vector<16xf32>
        %add3A_444 = arith.addf %unpack3A_405, %unpack3A_411 : vector<16xf32>
        %add3A_445 = arith.addf %add3A_444, %unpack3A_417 : vector<16xf32>
        %add3A_446 = arith.addf %unpack3A_422, %unpack3A_428 : vector<16xf32>
        %add3A_447 = arith.addf %add3A_446, %unpack3A_434 : vector<16xf32>
        %add3A_448 = arith.addf %unpack3A_423, %unpack3A_429 : vector<16xf32>
        %add3A_449 = arith.addf %add3A_448, %unpack3A_435 : vector<16xf32>
        %mul3A_450 = arith.mulf %add3A_447, %unpack3A_440 : vector<16xf32>
        %neg3A_451 = arith.constant 0.000000e+00 : f32
        %neg3A_452 = vector.broadcast %neg3A_451 : f32 to vector<16xf32>
        %neg3A_453 = arith.subf %neg3A_452, %add3A_443 : vector<16xf32>
        %exp3A_454 = math.exp %neg3A_453 : vector<16xf32>
        %add3A_455 = arith.constant 1.000000e+00 : f32
        %add3A_456 = vector.broadcast %add3A_455 : f32 to vector<16xf32>
        %add3A_457 = arith.addf %add3A_456, %exp3A_454 : vector<16xf32>
        %div3A_458 = arith.divf %mul3A_450, %add3A_457 : vector<16xf32>
        %mul3A_459 = arith.mulf %add3A_449, %unpack3A_441 : vector<16xf32>
        %neg3A_460 = arith.constant 0.000000e+00 : f32
        %neg3A_461 = vector.broadcast %neg3A_460 : f32 to vector<16xf32>
        %neg3A_462 = arith.subf %neg3A_461, %add3A_445 : vector<16xf32>
        %exp3A_463 = math.exp %neg3A_462 : vector<16xf32>
        %add3A_464 = arith.constant 1.000000e+00 : f32
        %add3A_465 = vector.broadcast %add3A_464 : f32 to vector<16xf32>
        %add3A_466 = arith.addf %add3A_465, %exp3A_463 : vector<16xf32>
        %div3A_467 = arith.divf %mul3A_459, %add3A_466 : vector<16xf32>
        %add3A_468 = arith.constant 128 : i32
        %add3A_469 = arith.addi %mul3A_179, %add3A_468 : i32
        %add3A_470 = arith.constant 0 : i32
        %add3A_471 = arith.addi %add3A_469, %add3A_470 : i32
        %swap3A_472 = arith.index_cast %add3A_471 : i32 to index
        %swap3A_473 = tpu.vector_load %arg15[%swap3A_472] {strides = array<i32>} : memref<82176xf32, #tpu.memory_space<vmem>>, vector<16xf32>,
        tpu.vector_store %arg15[%swap3A_472], %div3A_458 {add = true, strides = array<i32>} : memref<82176xf32, #tpu.memory_space<vmem>>, vector<16xf32>,
        %add3A_474 = arith.constant 128 : i32
        %add3A_475 = arith.addi %mul3A_179, %add3A_474 : i32
        %add3A_476 = arith.constant 0 : i32
        %add3A_477 = arith.addi %add3A_475, %add3A_476 : i32
        %add3A_478 = arith.constant 64 : i32
        %add3A_479 = arith.addi %add3A_477, %add3A_478 : i32
        %swap3A_480 = arith.index_cast %add3A_479 : i32 to index
        %swap3A_481 = tpu.vector_load %arg15[%swap3A_480] {strides = array<i32>} : memref<82176xf32, #tpu.memory_space<vmem>>, vector<16xf32>,
        tpu.vector_store %arg15[%swap3A_480], %div3A_467 {add = true, strides = array<i32>} : memref<82176xf32, #tpu.memory_space<vmem>>, vector<16xf32>,
        %get3A_482 = arith.index_cast %scan3A_170 : i32 to index
        %get3A_483 = arith.constant 80 : index
        %get3A_484 = tpu.vector_load %arg12[%get3A_482, %get3A_483] {strides = array<i32>} : memref<48x256xi32, #tpu.memory_space<vmem>>, vector<16xi32>,
        %bitcast3A_485 = vector.bitcast %get3A_484 : vector<16xi32> to vector<32xbf16>
        %unpack3A_486 = tpu.unpack_subelements %bitcast3A_485, 0 {pack_format = #tpu.pack_format<interleaved>} : vector<32xbf16> -> vector<16xf32>
        %unpack3A_487 = tpu.unpack_subelements %bitcast3A_485, 1 {pack_format = #tpu.pack_format<interleaved>} : vector<32xbf16> -> vector<16xf32>
        %get3A_488 = arith.index_cast %scan3A_170 : i32 to index
        %get3A_489 = arith.constant 80 : index
        %get3A_490 = tpu.vector_load %arg13[%get3A_488, %get3A_489] {strides = array<i32>} : memref<48x256xi32, #tpu.memory_space<vmem>>, vector<16xi32>,
        %bitcast3A_491 = vector.bitcast %get3A_490 : vector<16xi32> to vector<32xbf16>
        %unpack3A_492 = tpu.unpack_subelements %bitcast3A_491, 0 {pack_format = #tpu.pack_format<interleaved>} : vector<32xbf16> -> vector<16xf32>
        %unpack3A_493 = tpu.unpack_subelements %bitcast3A_491, 1 {pack_format = #tpu.pack_format<interleaved>} : vector<32xbf16> -> vector<16xf32>
        %get3A_494 = arith.index_cast %scan3A_170 : i32 to index
        %get3A_495 = arith.constant 80 : index
        %get3A_496 = tpu.vector_load %arg14[%get3A_494, %get3A_495] {strides = array<i32>} : memref<48x384xi32, #tpu.memory_space<vmem>>, vector<16xi32>,
        %bitcast3A_497 = vector.bitcast %get3A_496 : vector<16xi32> to vector<32xbf16>
        %unpack3A_498 = tpu.unpack_subelements %bitcast3A_497, 0 {pack_format = #tpu.pack_format<interleaved>} : vector<32xbf16> -> vector<16xf32>
        %unpack3A_499 = tpu.unpack_subelements %bitcast3A_497, 1 {pack_format = #tpu.pack_format<interleaved>} : vector<32xbf16> -> vector<16xf32>
        %get3A_500 = arith.index_cast %scan3A_170 : i32 to index
        %get3A_501 = arith.constant 144 : index
        %get3A_502 = tpu.vector_load %arg12[%get3A_500, %get3A_501] {strides = array<i32>} : memref<48x256xi32, #tpu.memory_space<vmem>>, vector<16xi32>,
        %bitcast3A_503 = vector.bitcast %get3A_502 : vector<16xi32> to vector<32xbf16>
        %unpack3A_504 = tpu.unpack_subelements %bitcast3A_503, 0 {pack_format = #tpu.pack_format<interleaved>} : vector<32xbf16> -> vector<16xf32>
        %unpack3A_505 = tpu.unpack_subelements %bitcast3A_503, 1 {pack_format = #tpu.pack_format<interleaved>} : vector<32xbf16> -> vector<16xf32>
        %get3A_506 = arith.index_cast %scan3A_170 : i32 to index
        %get3A_507 = arith.constant 144 : index
        %get3A_508 = tpu.vector_load %arg13[%get3A_506, %get3A_507] {strides = array<i32>} : memref<48x256xi32, #tpu.memory_space<vmem>>, vector<16xi32>,
        %bitcast3A_509 = vector.bitcast %get3A_508 : vector<16xi32> to vector<32xbf16>
        %unpack3A_510 = tpu.unpack_subelements %bitcast3A_509, 0 {pack_format = #tpu.pack_format<interleaved>} : vector<32xbf16> -> vector<16xf32>
        %unpack3A_511 = tpu.unpack_subelements %bitcast3A_509, 1 {pack_format = #tpu.pack_format<interleaved>} : vector<32xbf16> -> vector<16xf32>
        %get3A_512 = arith.index_cast %scan3A_170 : i32 to index
        %get3A_513 = arith.constant 144 : index
        %get3A_514 = tpu.vector_load %arg14[%get3A_512, %get3A_513] {strides = array<i32>} : memref<48x384xi32, #tpu.memory_space<vmem>>, vector<16xi32>,
        %bitcast3A_515 = vector.bitcast %get3A_514 : vector<16xi32> to vector<32xbf16>
        %unpack3A_516 = tpu.unpack_subelements %bitcast3A_515, 0 {pack_format = #tpu.pack_format<interleaved>} : vector<32xbf16> -> vector<16xf32>
        %unpack3A_517 = tpu.unpack_subelements %bitcast3A_515, 1 {pack_format = #tpu.pack_format<interleaved>} : vector<32xbf16> -> vector<16xf32>
        %get3A_518 = arith.index_cast %scan3A_170 : i32 to index
        %get3A_519 = arith.constant 272 : index
        %get3A_520 = tpu.vector_load %arg14[%get3A_518, %get3A_519] {strides = array<i32>} : memref<48x384xi32, #tpu.memory_space<vmem>>, vector<16xi32>,
        %bitcast3A_521 = vector.bitcast %get3A_520 : vector<16xi32> to vector<32xbf16>
        %unpack3A_522 = tpu.unpack_subelements %bitcast3A_521, 0 {pack_format = #tpu.pack_format<interleaved>} : vector<32xbf16> -> vector<16xf32>
        %unpack3A_523 = tpu.unpack_subelements %bitcast3A_521, 1 {pack_format = #tpu.pack_format<interleaved>} : vector<32xbf16> -> vector<16xf32>
        %add3A_524 = arith.addf %unpack3A_486, %unpack3A_492 : vector<16xf32>
        %add3A_525 = arith.addf %add3A_524, %unpack3A_498 : vector<16xf32>
        %add3A_526 = arith.addf %unpack3A_487, %unpack3A_493 : vector<16xf32>
        %add3A_527 = arith.addf %add3A_526, %unpack3A_499 : vector<16xf32>
        %add3A_528 = arith.addf %unpack3A_504, %unpack3A_510 : vector<16xf32>
        %add3A_529 = arith.addf %add3A_528, %unpack3A_516 : vector<16xf32>
        %add3A_530 = arith.addf %unpack3A_505, %unpack3A_511 : vector<16xf32>
        %add3A_531 = arith.addf %add3A_530, %unpack3A_517 : vector<16xf32>
        %mul3A_532 = arith.mulf %add3A_529, %unpack3A_522 : vector<16xf32>
        %neg3A_533 = arith.constant 0.000000e+00 : f32
        %neg3A_534 = vector.broadcast %neg3A_533 : f32 to vector<16xf32>
        %neg3A_535 = arith.subf %neg3A_534, %add3A_525 : vector<16xf32>
        %exp3A_536 = math.exp %neg3A_535 : vector<16xf32>
        %add3A_537 = arith.constant 1.000000e+00 : f32
        %add3A_538 = vector.broadcast %add3A_537 : f32 to vector<16xf32>
        %add3A_539 = arith.addf %add3A_538, %exp3A_536 : vector<16xf32>
        %div3A_540 = arith.divf %mul3A_532, %add3A_539 : vector<16xf32>
        %mul3A_541 = arith.mulf %add3A_531, %unpack3A_523 : vector<16xf32>
        %neg3A_542 = arith.constant 0.000000e+00 : f32
        %neg3A_543 = vector.broadcast %neg3A_542 : f32 to vector<16xf32>
        %neg3A_544 = arith.subf %neg3A_543, %add3A_527 : vector<16xf32>
        %exp3A_545 = math.exp %neg3A_544 : vector<16xf32>
        %add3A_546 = arith.constant 1.000000e+00 : f32
        %add3A_547 = vector.broadcast %add3A_546 : f32 to vector<16xf32>
        %add3A_548 = arith.addf %add3A_547, %exp3A_545 : vector<16xf32>
        %div3A_549 = arith.divf %mul3A_541, %add3A_548 : vector<16xf32>
        %add3A_550 = arith.constant 128 : i32
        %add3A_551 = arith.addi %mul3A_179, %add3A_550 : i32
        %add3A_552 = arith.constant 16 : i32
        %add3A_553 = arith.addi %add3A_551, %add3A_552 : i32
        %swap3A_554 = arith.index_cast %add3A_553 : i32 to index
        %swap3A_555 = tpu.vector_load %arg15[%swap3A_554] {strides = array<i32>} : memref<82176xf32, #tpu.memory_space<vmem>>, vector<16xf32>,
        tpu.vector_store %arg15[%swap3A_554], %div3A_540 {add = true, strides = array<i32>} : memref<82176xf32, #tpu.memory_space<vmem>>, vector<16xf32>,
        %add3A_556 = arith.constant 128 : i32
        %add3A_557 = arith.addi %mul3A_179, %add3A_556 : i32
        %add3A_558 = arith.constant 16 : i32
        %add3A_559 = arith.addi %add3A_557, %add3A_558 : i32
        %add3A_560 = arith.constant 64 : i32
        %add3A_561 = arith.addi %add3A_559, %add3A_560 : i32
        %swap3A_562 = arith.index_cast %add3A_561 : i32 to index
        %swap3A_563 = tpu.vector_load %arg15[%swap3A_562] {strides = array<i32>} : memref<82176xf32, #tpu.memory_space<vmem>>, vector<16xf32>,
        tpu.vector_store %arg15[%swap3A_562], %div3A_549 {add = true, strides = array<i32>} : memref<82176xf32, #tpu.memory_space<vmem>>, vector<16xf32>,
        %get3A_564 = arith.index_cast %scan3A_170 : i32 to index
        %get3A_565 = arith.constant 96 : index
        %get3A_566 = tpu.vector_load %arg12[%get3A_564, %get3A_565] {strides = array<i32>} : memref<48x256xi32, #tpu.memory_space<vmem>>, vector<16xi32>,
        %bitcast3A_567 = vector.bitcast %get3A_566 : vector<16xi32> to vector<32xbf16>
        %unpack3A_568 = tpu.unpack_subelements %bitcast3A_567, 0 {pack_format = #tpu.pack_format<interleaved>} : vector<32xbf16> -> vector<16xf32>
        %unpack3A_569 = tpu.unpack_subelements %bitcast3A_567, 1 {pack_format = #tpu.pack_format<interleaved>} : vector<32xbf16> -> vector<16xf32>
        %get3A_570 = arith.index_cast %scan3A_170 : i32 to index
        %get3A_571 = arith.constant 96 : index
        %get3A_572 = tpu.vector_load %arg13[%get3A_570, %get3A_571] {strides = array<i32>} : memref<48x256xi32, #tpu.memory_space<vmem>>, vector<16xi32>,
        %bitcast3A_573 = vector.bitcast %get3A_572 : vector<16xi32> to vector<32xbf16>
        %unpack3A_574 = tpu.unpack_subelements %bitcast3A_573, 0 {pack_format = #tpu.pack_format<interleaved>} : vector<32xbf16> -> vector<16xf32>
        %unpack3A_575 = tpu.unpack_subelements %bitcast3A_573, 1 {pack_format = #tpu.pack_format<interleaved>} : vector<32xbf16> -> vector<16xf32>
        %get3A_576 = arith.index_cast %scan3A_170 : i32 to index
        %get3A_577 = arith.constant 96 : index
        %get3A_578 = tpu.vector_load %arg14[%get3A_576, %get3A_577] {strides = array<i32>} : memref<48x384xi32, #tpu.memory_space<vmem>>, vector<16xi32>,
        %bitcast3A_579 = vector.bitcast %get3A_578 : vector<16xi32> to vector<32xbf16>
        %unpack3A_580 = tpu.unpack_subelements %bitcast3A_579, 0 {pack_format = #tpu.pack_format<interleaved>} : vector<32xbf16> -> vector<16xf32>
        %unpack3A_581 = tpu.unpack_subelements %bitcast3A_579, 1 {pack_format = #tpu.pack_format<interleaved>} : vector<32xbf16> -> vector<16xf32>
        %get3A_582 = arith.index_cast %scan3A_170 : i32 to index
        %get3A_583 = arith.constant 160 : index
        %get3A_584 = tpu.vector_load %arg12[%get3A_582, %get3A_583] {strides = array<i32>} : memref<48x256xi32, #tpu.memory_space<vmem>>, vector<16xi32>,
        %bitcast3A_585 = vector.bitcast %get3A_584 : vector<16xi32> to vector<32xbf16>
        %unpack3A_586 = tpu.unpack_subelements %bitcast3A_585, 0 {pack_format = #tpu.pack_format<interleaved>} : vector<32xbf16> -> vector<16xf32>
        %unpack3A_587 = tpu.unpack_subelements %bitcast3A_585, 1 {pack_format = #tpu.pack_format<interleaved>} : vector<32xbf16> -> vector<16xf32>
        %get3A_588 = arith.index_cast %scan3A_170 : i32 to index
        %get3A_589 = arith.constant 160 : index
        %get3A_590 = tpu.vector_load %arg13[%get3A_588, %get3A_589] {strides = array<i32>} : memref<48x256xi32, #tpu.memory_space<vmem>>, vector<16xi32>,
        %bitcast3A_591 = vector.bitcast %get3A_590 : vector<16xi32> to vector<32xbf16>
        %unpack3A_592 = tpu.unpack_subelements %bitcast3A_591, 0 {pack_format = #tpu.pack_format<interleaved>} : vector<32xbf16> -> vector<16xf32>
        %unpack3A_593 = tpu.unpack_subelements %bitcast3A_591, 1 {pack_format = #tpu.pack_format<interleaved>} : vector<32xbf16> -> vector<16xf32>
        %get3A_594 = arith.index_cast %scan3A_170 : i32 to index
        %get3A_595 = arith.constant 160 : index
        %get3A_596 = tpu.vector_load %arg14[%get3A_594, %get3A_595] {strides = array<i32>} : memref<48x384xi32, #tpu.memory_space<vmem>>, vector<16xi32>,
        %bitcast3A_597 = vector.bitcast %get3A_596 : vector<16xi32> to vector<32xbf16>
        %unpack3A_598 = tpu.unpack_subelements %bitcast3A_597, 0 {pack_format = #tpu.pack_format<interleaved>} : vector<32xbf16> -> vector<16xf32>
        %unpack3A_599 = tpu.unpack_subelements %bitcast3A_597, 1 {pack_format = #tpu.pack_format<interleaved>} : vector<32xbf16> -> vector<16xf32>
        %get3A_600 = arith.index_cast %scan3A_170 : i32 to index
        %get3A_601 = arith.constant 288 : index
        %get3A_602 = tpu.vector_load %arg14[%get3A_600, %get3A_601] {strides = array<i32>} : memref<48x384xi32, #tpu.memory_space<vmem>>, vector<16xi32>,
        %bitcast3A_603 = vector.bitcast %get3A_602 : vector<16xi32> to vector<32xbf16>
        %unpack3A_604 = tpu.unpack_subelements %bitcast3A_603, 0 {pack_format = #tpu.pack_format<interleaved>} : vector<32xbf16> -> vector<16xf32>
        %unpack3A_605 = tpu.unpack_subelements %bitcast3A_603, 1 {pack_format = #tpu.pack_format<interleaved>} : vector<32xbf16> -> vector<16xf32>
        %add3A_606 = arith.addf %unpack3A_568, %unpack3A_574 : vector<16xf32>
        %add3A_607 = arith.addf %add3A_606, %unpack3A_580 : vector<16xf32>
        %add3A_608 = arith.addf %unpack3A_569, %unpack3A_575 : vector<16xf32>
        %add3A_609 = arith.addf %add3A_608, %unpack3A_581 : vector<16xf32>
        %add3A_610 = arith.addf %unpack3A_586, %unpack3A_592 : vector<16xf32>
        %add3A_611 = arith.addf %add3A_610, %unpack3A_598 : vector<16xf32>
        %add3A_612 = arith.addf %unpack3A_587, %unpack3A_593 : vector<16xf32>
        %add3A_613 = arith.addf %add3A_612, %unpack3A_599 : vector<16xf32>
        %mul3A_614 = arith.mulf %add3A_611, %unpack3A_604 : vector<16xf32>
        %neg3A_615 = arith.constant 0.000000e+00 : f32
        %neg3A_616 = vector.broadcast %neg3A_615 : f32 to vector<16xf32>
        %neg3A_617 = arith.subf %neg3A_616, %add3A_607 : vector<16xf32>
        %exp3A_618 = math.exp %neg3A_617 : vector<16xf32>
        %add3A_619 = arith.constant 1.000000e+00 : f32
        %add3A_620 = vector.broadcast %add3A_619 : f32 to vector<16xf32>
        %add3A_621 = arith.addf %add3A_620, %exp3A_618 : vector<16xf32>
        %div3A_622 = arith.divf %mul3A_614, %add3A_621 : vector<16xf32>
        %mul3A_623 = arith.mulf %add3A_613, %unpack3A_605 : vector<16xf32>
        %neg3A_624 = arith.constant 0.000000e+00 : f32
        %neg3A_625 = vector.broadcast %neg3A_624 : f32 to vector<16xf32>
        %neg3A_626 = arith.subf %neg3A_625, %add3A_609 : vector<16xf32>
        %exp3A_627 = math.exp %neg3A_626 : vector<16xf32>
        %add3A_628 = arith.constant 1.000000e+00 : f32
        %add3A_629 = vector.broadcast %add3A_628 : f32 to vector<16xf32>
        %add3A_630 = arith.addf %add3A_629, %exp3A_627 : vector<16xf32>
        %div3A_631 = arith.divf %mul3A_623, %add3A_630 : vector<16xf32>
        %add3A_632 = arith.constant 128 : i32
        %add3A_633 = arith.addi %mul3A_179, %add3A_632 : i32
        %add3A_634 = arith.constant 32 : i32
        %add3A_635 = arith.addi %add3A_633, %add3A_634 : i32
        %swap3A_636 = arith.index_cast %add3A_635 : i32 to index
        %swap3A_637 = tpu.vector_load %arg15[%swap3A_636] {strides = array<i32>} : memref<82176xf32, #tpu.memory_space<vmem>>, vector<16xf32>,
        tpu.vector_store %arg15[%swap3A_636], %div3A_622 {add = true, strides = array<i32>} : memref<82176xf32, #tpu.memory_space<vmem>>, vector<16xf32>,
        %add3A_638 = arith.constant 128 : i32
        %add3A_639 = arith.addi %mul3A_179, %add3A_638 : i32
        %add3A_640 = arith.constant 32 : i32
        %add3A_641 = arith.addi %add3A_639, %add3A_640 : i32
        %add3A_642 = arith.constant 64 : i32
        %add3A_643 = arith.addi %add3A_641, %add3A_642 : i32
        %swap3A_644 = arith.index_cast %add3A_643 : i32 to index
        %swap3A_645 = tpu.vector_load %arg15[%swap3A_644] {strides = array<i32>} : memref<82176xf32, #tpu.memory_space<vmem>>, vector<16xf32>,
        tpu.vector_store %arg15[%swap3A_644], %div3A_631 {add = true, strides = array<i32>} : memref<82176xf32, #tpu.memory_space<vmem>>, vector<16xf32>,
        %get3A_646 = arith.index_cast %scan3A_170 : i32 to index
        %get3A_647 = arith.constant 112 : index
        %get3A_648 = tpu.vector_load %arg12[%get3A_646, %get3A_647] {strides = array<i32>} : memref<48x256xi32, #tpu.memory_space<vmem>>, vector<16xi32>,
        %bitcast3A_649 = vector.bitcast %get3A_648 : vector<16xi32> to vector<32xbf16>
        %unpack3A_650 = tpu.unpack_subelements %bitcast3A_649, 0 {pack_format = #tpu.pack_format<interleaved>} : vector<32xbf16> -> vector<16xf32>
        %unpack3A_651 = tpu.unpack_subelements %bitcast3A_649, 1 {pack_format = #tpu.pack_format<interleaved>} : vector<32xbf16> -> vector<16xf32>
        %get3A_652 = arith.index_cast %scan3A_170 : i32 to index
        %get3A_653 = arith.constant 112 : index
        %get3A_654 = tpu.vector_load %arg13[%get3A_652, %get3A_653] {strides = array<i32>} : memref<48x256xi32, #tpu.memory_space<vmem>>, vector<16xi32>,
        %bitcast3A_655 = vector.bitcast %get3A_654 : vector<16xi32> to vector<32xbf16>
        %unpack3A_656 = tpu.unpack_subelements %bitcast3A_655, 0 {pack_format = #tpu.pack_format<interleaved>} : vector<32xbf16> -> vector<16xf32>
        %unpack3A_657 = tpu.unpack_subelements %bitcast3A_655, 1 {pack_format = #tpu.pack_format<interleaved>} : vector<32xbf16> -> vector<16xf32>
        %get3A_658 = arith.index_cast %scan3A_170 : i32 to index
        %get3A_659 = arith.constant 112 : index
        %get3A_660 = tpu.vector_load %arg14[%get3A_658, %get3A_659] {strides = array<i32>} : memref<48x384xi32, #tpu.memory_space<vmem>>, vector<16xi32>,
        %bitcast3A_661 = vector.bitcast %get3A_660 : vector<16xi32> to vector<32xbf16>
        %unpack3A_662 = tpu.unpack_subelements %bitcast3A_661, 0 {pack_format = #tpu.pack_format<interleaved>} : vector<32xbf16> -> vector<16xf32>
        %unpack3A_663 = tpu.unpack_subelements %bitcast3A_661, 1 {pack_format = #tpu.pack_format<interleaved>} : vector<32xbf16> -> vector<16xf32>
        %get3A_664 = arith.index_cast %scan3A_170 : i32 to index
        %get3A_665 = arith.constant 176 : index
        %get3A_666 = tpu.vector_load %arg12[%get3A_664, %get3A_665] {strides = array<i32>} : memref<48x256xi32, #tpu.memory_space<vmem>>, vector<16xi32>,
        %bitcast3A_667 = vector.bitcast %get3A_666 : vector<16xi32> to vector<32xbf16>
        %unpack3A_668 = tpu.unpack_subelements %bitcast3A_667, 0 {pack_format = #tpu.pack_format<interleaved>} : vector<32xbf16> -> vector<16xf32>
        %unpack3A_669 = tpu.unpack_subelements %bitcast3A_667, 1 {pack_format = #tpu.pack_format<interleaved>} : vector<32xbf16> -> vector<16xf32>
        %get3A_670 = arith.index_cast %scan3A_170 : i32 to index
        %get3A_671 = arith.constant 176 : index
        %get3A_672 = tpu.vector_load %arg13[%get3A_670, %get3A_671] {strides = array<i32>} : memref<48x256xi32, #tpu.memory_space<vmem>>, vector<16xi32>,
        %bitcast3A_673 = vector.bitcast %get3A_672 : vector<16xi32> to vector<32xbf16>
        %unpack3A_674 = tpu.unpack_subelements %bitcast3A_673, 0 {pack_format = #tpu.pack_format<interleaved>} : vector<32xbf16> -> vector<16xf32>
        %unpack3A_675 = tpu.unpack_subelements %bitcast3A_673, 1 {pack_format = #tpu.pack_format<interleaved>} : vector<32xbf16> -> vector<16xf32>
        %get3A_676 = arith.index_cast %scan3A_170 : i32 to index
        %get3A_677 = arith.constant 176 : index
        %get3A_678 = tpu.vector_load %arg14[%get3A_676, %get3A_677] {strides = array<i32>} : memref<48x384xi32, #tpu.memory_space<vmem>>, vector<16xi32>,
        %bitcast3A_679 = vector.bitcast %get3A_678 : vector<16xi32> to vector<32xbf16>
        %unpack3A_680 = tpu.unpack_subelements %bitcast3A_679, 0 {pack_format = #tpu.pack_format<interleaved>} : vector<32xbf16> -> vector<16xf32>
        %unpack3A_681 = tpu.unpack_subelements %bitcast3A_679, 1 {pack_format = #tpu.pack_format<interleaved>} : vector<32xbf16> -> vector<16xf32>
        %get3A_682 = arith.index_cast %scan3A_170 : i32 to index
        %get3A_683 = arith.constant 304 : index
        %get3A_684 = tpu.vector_load %arg14[%get3A_682, %get3A_683] {strides = array<i32>} : memref<48x384xi32, #tpu.memory_space<vmem>>, vector<16xi32>,
        %bitcast3A_685 = vector.bitcast %get3A_684 : vector<16xi32> to vector<32xbf16>
        %unpack3A_686 = tpu.unpack_subelements %bitcast3A_685, 0 {pack_format = #tpu.pack_format<interleaved>} : vector<32xbf16> -> vector<16xf32>
        %unpack3A_687 = tpu.unpack_subelements %bitcast3A_685, 1 {pack_format = #tpu.pack_format<interleaved>} : vector<32xbf16> -> vector<16xf32>
        %add3A_688 = arith.addf %unpack3A_650, %unpack3A_656 : vector<16xf32>
        %add3A_689 = arith.addf %add3A_688, %unpack3A_662 : vector<16xf32>
        %add3A_690 = arith.addf %unpack3A_651, %unpack3A_657 : vector<16xf32>
        %add3A_691 = arith.addf %add3A_690, %unpack3A_663 : vector<16xf32>
        %add3A_692 = arith.addf %unpack3A_668, %unpack3A_674 : vector<16xf32>
        %add3A_693 = arith.addf %add3A_692, %unpack3A_680 : vector<16xf32>
        %add3A_694 = arith.addf %unpack3A_669, %unpack3A_675 : vector<16xf32>
        %add3A_695 = arith.addf %add3A_694, %unpack3A_681 : vector<16xf32>
        %mul3A_696 = arith.mulf %add3A_693, %unpack3A_686 : vector<16xf32>
        %neg3A_697 = arith.constant 0.000000e+00 : f32
        %neg3A_698 = vector.broadcast %neg3A_697 : f32 to vector<16xf32>
        %neg3A_699 = arith.subf %neg3A_698, %add3A_689 : vector<16xf32>
        %exp3A_700 = math.exp %neg3A_699 : vector<16xf32>
        %add3A_701 = arith.constant 1.000000e+00 : f32
        %add3A_702 = vector.broadcast %add3A_701 : f32 to vector<16xf32>
        %add3A_703 = arith.addf %add3A_702, %exp3A_700 : vector<16xf32>
        %div3A_704 = arith.divf %mul3A_696, %add3A_703 : vector<16xf32>
        %mul3A_705 = arith.mulf %add3A_695, %unpack3A_687 : vector<16xf32>
        %neg3A_706 = arith.constant 0.000000e+00 : f32
        %neg3A_707 = vector.broadcast %neg3A_706 : f32 to vector<16xf32>
        %neg3A_708 = arith.subf %neg3A_707, %add3A_691 : vector<16xf32>
        %exp3A_709 = math.exp %neg3A_708 : vector<16xf32>
        %add3A_710 = arith.constant 1.000000e+00 : f32
        %add3A_711 = vector.broadcast %add3A_710 : f32 to vector<16xf32>
        %add3A_712 = arith.addf %add3A_711, %exp3A_709 : vector<16xf32>
        %div3A_713 = arith.divf %mul3A_705, %add3A_712 : vector<16xf32>
        %add3A_714 = arith.constant 128 : i32
        %add3A_715 = arith.addi %mul3A_179, %add3A_714 : i32
        %add3A_716 = arith.constant 48 : i32
        %add3A_717 = arith.addi %add3A_715, %add3A_716 : i32
        %swap3A_718 = arith.index_cast %add3A_717 : i32 to index
        %swap3A_719 = tpu.vector_load %arg15[%swap3A_718] {strides = array<i32>} : memref<82176xf32, #tpu.memory_space<vmem>>, vector<16xf32>,
        tpu.vector_store %arg15[%swap3A_718], %div3A_704 {add = true, strides = array<i32>} : memref<82176xf32, #tpu.memory_space<vmem>>, vector<16xf32>,
        %add3A_720 = arith.constant 128 : i32
        %add3A_721 = arith.addi %mul3A_179, %add3A_720 : i32
        %add3A_722 = arith.constant 48 : i32
        %add3A_723 = arith.addi %add3A_721, %add3A_722 : i32
        %add3A_724 = arith.constant 64 : i32
        %add3A_725 = arith.addi %add3A_723, %add3A_724 : i32
        %swap3A_726 = arith.index_cast %add3A_725 : i32 to index
        %swap3A_727 = tpu.vector_load %arg15[%swap3A_726] {strides = array<i32>} : memref<82176xf32, #tpu.memory_space<vmem>>, vector<16xf32>,
        tpu.vector_store %arg15[%swap3A_726], %div3A_713 {add = true, strides = array<i32>} : memref<82176xf32, #tpu.memory_space<vmem>>, vector<16xf32>,
        %scan3A_728 = arith.constant 0 : i32
        scf.yield %scan3A_728 : i32
      }
      %scan3A_168 = arith.constant 48 : i32
      %while3A_169 = arith.constant 0 : i32
      scf.yield %while3A_169 : i32
    }
    %mul3A_102 = arith.constant 81920 : i32
    %mul3A_103 = arith.muli %add3A, %mul3A_102 : i32
    "tpu.region"() ({
      %run_scoped3A = tpu.sem_alloc : memref<!tpu.dma_semaphore, #tpu.memory_space<semaphore_mem>>
      %dma_start3A_104 = arith.constant 0 : i32
      %dma_start3A_105 = tpu.memref_slice %arg15[%dma_start3A_104] : memref<82176xf32, #tpu.memory_space<vmem>> -> memref<81920xf32, #tpu.memory_space<vmem>>
      %dma_start3A_106 = tpu.memref_slice %arg6[%mul3A_103] : memref<2621440xf32, #tpu.memory_space<hbm>> -> memref<81920xf32, #tpu.memory_space<hbm>>
      %dma_start3A_107 = tpu.memref_slice %arg6[%mul3A_103] : memref<2621440xf32, #tpu.memory_space<hbm>> -> memref<81920xf32, #tpu.memory_space<hbm>>
      %dma_start3A_108 = arith.constant 0 : i32
      %dma_start3A_109 = tpu.memref_slice %arg15[%dma_start3A_108] : memref<82176xf32, #tpu.memory_space<vmem>> -> memref<81920xf32, #tpu.memory_space<vmem>>
      tpu.enqueue_dma source(%dma_start3A_109 : memref<81920xf32, #tpu.memory_space<vmem>>) target(%dma_start3A_107 : memref<81920xf32, #tpu.memory_space<hbm>>) target_semaphore(%run_scoped3A : memref<!tpu.dma_semaphore, #tpu.memory_space<semaphore_mem>>)
      %dma_wait3A = arith.constant 0 : i32
      %dma_wait3A_110 = tpu.memref_slice %arg15[%dma_wait3A] : memref<82176xf32, #tpu.memory_space<vmem>> -> memref<81920xf32, #tpu.memory_space<vmem>>
      %dma_wait3A_111 = tpu.memref_slice %arg6[%mul3A_103] : memref<2621440xf32, #tpu.memory_space<hbm>> -> memref<81920xf32, #tpu.memory_space<hbm>>
      %dma_wait3A_112 = tpu.memref_slice %arg6[%mul3A_103] : memref<2621440xf32, #tpu.memory_space<hbm>> -> memref<81920xf32, #tpu.memory_space<hbm>>
      %dma_wait3A_113 = arith.constant 0 : i32
      %dma_wait3A_114 = tpu.memref_slice %arg15[%dma_wait3A_113] : memref<82176xf32, #tpu.memory_space<vmem>> -> memref<81920xf32, #tpu.memory_space<vmem>>
      tpu.wait_dma2 semaphore(%run_scoped3A : memref<!tpu.dma_semaphore, #tpu.memory_space<semaphore_mem>>) src(%dma_wait3A_114 : memref<81920xf32, #tpu.memory_space<vmem>>) dst(%dma_wait3A_112 : memref<81920xf32, #tpu.memory_space<hbm>>)
      tpu.yield
    }) : () -> ()
    return
  }
}

module attributes {stable_mosaic.version = 14 : i64} {
  func.func @_pq_body(%arg0: i32, %arg1: memref<512x256xf32, #tpu.memory_space<vmem>>, %arg2: memref<256x768xf32, #tpu.memory_space<vmem>>, %arg3: memref<512x256xi32, #tpu.memory_space<vmem>>, %arg4: memref<512x256xi32, #tpu.memory_space<vmem>>) attributes {dimension_semantics = [#tpu.dimension_semantics<arbitrary>], iteration_bounds = array<i64: 20>, scalar_prefetch = 0 : i64, scratch_operands = 0 : i64, tpu.core_type = #tpu.core_type<tc>, window_params = [{transform_indices = @transform_0, window_bounds = array<i64: 512, 256>}, {pipeline_mode = #tpu.pipeline_mode<synchronous>, transform_indices = @transform_1, window_bounds = array<i64: 256, 768>}, {transform_indices = @transform_2, window_bounds = array<i64: 512, 256>}, {transform_indices = @transform_3, window_bounds = array<i64: 512, 256>}]} {
    %get3A = arith.constant 0 : index
    %get3A_0 = arith.constant 0 : index
    %get3A_1 = vector.load %arg1[%get3A, %get3A_0] : memref<512x256xf32, #tpu.memory_space<vmem>>, vector<512x256xf32>
    %get3A_2 = arith.constant 0 : index
    %get3A_3 = arith.constant 0 : index
    %get3A_4 = vector.load %arg2[%get3A_2, %get3A_3] : memref<256x768xf32, #tpu.memory_space<vmem>>, vector<256x768xf32>
    %dot_general3A = arith.constant dense<0.000000e+00> : vector<512x768xf32>
    %dot_general3A_5 = tpu.matmul %get3A_1, %get3A_4, %dot_general3A {dimension_numbers = #tpu.dot_dimension_numbers<[1], [0], [0], [1], [0, 0, 1, 1], [], []>, transpose_lhs_hint = false} : vector<512x256xf32>, vector<256x768xf32>, vector<512x768xf32> -> vector<512x768xf32>
    %broadcast_in_dim3A = arith.constant 0 : i32
    %broadcast_in_dim3A_6 = vector.broadcast %broadcast_in_dim3A : i32 to vector<512x64xi32>
    %slice3A = vector.extract_strided_slice %dot_general3A_5 {offsets = [0, 0], sizes = [512, 384], strides = [1, 1]} : vector<512x768xf32> to vector<512x384xf32>
    %convert_element_type3A = arith.truncf %slice3A : vector<512x384xf32> to vector<512x384xbf16>
    %convert_element_type3A_7 = arith.extf %convert_element_type3A : vector<512x384xbf16> to vector<512x384xf32>
    %bitcast_convert_type3A = tpu.bitcast %convert_element_type3A_7 : vector<512x384xf32> -> vector<512x384xi32>
    %slice3A_8 = vector.extract_strided_slice %bitcast_convert_type3A {offsets = [0, 0], sizes = [512, 64], strides = [1, 1]} : vector<512x384xi32> to vector<512x64xi32>
    %slice3A_9 = vector.extract_strided_slice %bitcast_convert_type3A {offsets = [0, 64], sizes = [512, 64], strides = [1, 1]} : vector<512x384xi32> to vector<512x64xi32>
    %shift_right_logical3A = arith.constant 16 : i32
    %shift_right_logical3A_10 = vector.broadcast %shift_right_logical3A : i32 to vector<512x64xi32>
    %shift_right_logical3A_11 = arith.shrui %slice3A_8, %shift_right_logical3A_10 : vector<512x64xi32>
    %and3A = arith.constant -65536 : i32
    %and3A_12 = vector.broadcast %and3A : i32 to vector<512x64xi32>
    %and3A_13 = arith.andi %slice3A_9, %and3A_12 : vector<512x64xi32>
    %or3A = arith.ori %shift_right_logical3A_11, %and3A_13 : vector<512x64xi32>
    %slice3A_14 = vector.extract_strided_slice %bitcast_convert_type3A {offsets = [0, 128], sizes = [512, 64], strides = [1, 1]} : vector<512x384xi32> to vector<512x64xi32>
    %slice3A_15 = vector.extract_strided_slice %bitcast_convert_type3A {offsets = [0, 192], sizes = [512, 64], strides = [1, 1]} : vector<512x384xi32> to vector<512x64xi32>
    %shift_right_logical3A_16 = arith.constant 16 : i32
    %shift_right_logical3A_17 = vector.broadcast %shift_right_logical3A_16 : i32 to vector<512x64xi32>
    %shift_right_logical3A_18 = arith.shrui %slice3A_14, %shift_right_logical3A_17 : vector<512x64xi32>
    %and3A_19 = arith.constant -65536 : i32
    %and3A_20 = vector.broadcast %and3A_19 : i32 to vector<512x64xi32>
    %and3A_21 = arith.andi %slice3A_15, %and3A_20 : vector<512x64xi32>
    %or3A_22 = arith.ori %shift_right_logical3A_18, %and3A_21 : vector<512x64xi32>
    %slice3A_23 = vector.extract_strided_slice %bitcast_convert_type3A {offsets = [0, 256], sizes = [512, 64], strides = [1, 1]} : vector<512x384xi32> to vector<512x64xi32>
    %slice3A_24 = vector.extract_strided_slice %bitcast_convert_type3A {offsets = [0, 320], sizes = [512, 64], strides = [1, 1]} : vector<512x384xi32> to vector<512x64xi32>
    %shift_right_logical3A_25 = arith.constant 16 : i32
    %shift_right_logical3A_26 = vector.broadcast %shift_right_logical3A_25 : i32 to vector<512x64xi32>
    %shift_right_logical3A_27 = arith.shrui %slice3A_23, %shift_right_logical3A_26 : vector<512x64xi32>
    %and3A_28 = arith.constant -65536 : i32
    %and3A_29 = vector.broadcast %and3A_28 : i32 to vector<512x64xi32>
    %and3A_30 = arith.andi %slice3A_24, %and3A_29 : vector<512x64xi32>
    %or3A_31 = arith.ori %shift_right_logical3A_27, %and3A_30 : vector<512x64xi32>
    %concatenate3A = tpu.concatenate %or3A, %or3A_22, %or3A_31 in 1 : vector<512x64xi32>, vector<512x64xi32>, vector<512x64xi32> -> vector<512x192xi32>
    %bitcast_convert_type3A_32 = tpu.bitcast %concatenate3A : vector<512x192xi32> -> vector<512x192xi32>
    %concatenate3A_33 = tpu.concatenate %bitcast_convert_type3A_32, %broadcast_in_dim3A_6 in 1 : vector<512x192xi32>, vector<512x64xi32> -> vector<512x256xi32>
    %swap3A = arith.constant 0 : index
    %swap3A_34 = arith.constant 0 : index
    %swap3A_35 = vector.load %arg3[%swap3A, %swap3A_34] : memref<512x256xi32, #tpu.memory_space<vmem>>, vector<512x256xi32>
    tpu.vector_store %arg3[%swap3A, %swap3A_34], %concatenate3A_33 {strides = array<i32>} : memref<512x256xi32, #tpu.memory_space<vmem>>, vector<512x256xi32>,
    %slice3A_36 = vector.extract_strided_slice %dot_general3A_5 {offsets = [0, 384], sizes = [512, 384], strides = [1, 1]} : vector<512x768xf32> to vector<512x384xf32>
    %convert_element_type3A_37 = arith.truncf %slice3A_36 : vector<512x384xf32> to vector<512x384xbf16>
    %convert_element_type3A_38 = arith.extf %convert_element_type3A_37 : vector<512x384xbf16> to vector<512x384xf32>
    %bitcast_convert_type3A_39 = tpu.bitcast %convert_element_type3A_38 : vector<512x384xf32> -> vector<512x384xi32>
    %slice3A_40 = vector.extract_strided_slice %bitcast_convert_type3A_39 {offsets = [0, 0], sizes = [512, 64], strides = [1, 1]} : vector<512x384xi32> to vector<512x64xi32>
    %slice3A_41 = vector.extract_strided_slice %bitcast_convert_type3A_39 {offsets = [0, 64], sizes = [512, 64], strides = [1, 1]} : vector<512x384xi32> to vector<512x64xi32>
    %shift_right_logical3A_42 = arith.constant 16 : i32
    %shift_right_logical3A_43 = vector.broadcast %shift_right_logical3A_42 : i32 to vector<512x64xi32>
    %shift_right_logical3A_44 = arith.shrui %slice3A_40, %shift_right_logical3A_43 : vector<512x64xi32>
    %and3A_45 = arith.constant -65536 : i32
    %and3A_46 = vector.broadcast %and3A_45 : i32 to vector<512x64xi32>
    %and3A_47 = arith.andi %slice3A_41, %and3A_46 : vector<512x64xi32>
    %or3A_48 = arith.ori %shift_right_logical3A_44, %and3A_47 : vector<512x64xi32>
    %slice3A_49 = vector.extract_strided_slice %bitcast_convert_type3A_39 {offsets = [0, 128], sizes = [512, 64], strides = [1, 1]} : vector<512x384xi32> to vector<512x64xi32>
    %slice3A_50 = vector.extract_strided_slice %bitcast_convert_type3A_39 {offsets = [0, 192], sizes = [512, 64], strides = [1, 1]} : vector<512x384xi32> to vector<512x64xi32>
    %shift_right_logical3A_51 = arith.constant 16 : i32
    %shift_right_logical3A_52 = vector.broadcast %shift_right_logical3A_51 : i32 to vector<512x64xi32>
    %shift_right_logical3A_53 = arith.shrui %slice3A_49, %shift_right_logical3A_52 : vector<512x64xi32>
    %and3A_54 = arith.constant -65536 : i32
    %and3A_55 = vector.broadcast %and3A_54 : i32 to vector<512x64xi32>
    %and3A_56 = arith.andi %slice3A_50, %and3A_55 : vector<512x64xi32>
    %or3A_57 = arith.ori %shift_right_logical3A_53, %and3A_56 : vector<512x64xi32>
    %slice3A_58 = vector.extract_strided_slice %bitcast_convert_type3A_39 {offsets = [0, 256], sizes = [512, 64], strides = [1, 1]} : vector<512x384xi32> to vector<512x64xi32>
    %slice3A_59 = vector.extract_strided_slice %bitcast_convert_type3A_39 {offsets = [0, 320], sizes = [512, 64], strides = [1, 1]} : vector<512x384xi32> to vector<512x64xi32>
    %shift_right_logical3A_60 = arith.constant 16 : i32
    %shift_right_logical3A_61 = vector.broadcast %shift_right_logical3A_60 : i32 to vector<512x64xi32>
    %shift_right_logical3A_62 = arith.shrui %slice3A_58, %shift_right_logical3A_61 : vector<512x64xi32>
    %and3A_63 = arith.constant -65536 : i32
    %and3A_64 = vector.broadcast %and3A_63 : i32 to vector<512x64xi32>
    %and3A_65 = arith.andi %slice3A_59, %and3A_64 : vector<512x64xi32>
    %or3A_66 = arith.ori %shift_right_logical3A_62, %and3A_65 : vector<512x64xi32>
    %concatenate3A_67 = tpu.concatenate %or3A_48, %or3A_57, %or3A_66 in 1 : vector<512x64xi32>, vector<512x64xi32>, vector<512x64xi32> -> vector<512x192xi32>
    %bitcast_convert_type3A_68 = tpu.bitcast %concatenate3A_67 : vector<512x192xi32> -> vector<512x192xi32>
    %concatenate3A_69 = tpu.concatenate %bitcast_convert_type3A_68, %broadcast_in_dim3A_6 in 1 : vector<512x192xi32>, vector<512x64xi32> -> vector<512x256xi32>
    %swap3A_70 = arith.constant 0 : index
    %swap3A_71 = arith.constant 0 : index
    %swap3A_72 = vector.load %arg4[%swap3A_70, %swap3A_71] : memref<512x256xi32, #tpu.memory_space<vmem>>, vector<512x256xi32>
    tpu.vector_store %arg4[%swap3A_70, %swap3A_71], %concatenate3A_69 {strides = array<i32>} : memref<512x256xi32, #tpu.memory_space<vmem>>, vector<512x256xi32>,
    return
  }
  func.func @transform_0(%arg0: i32) -> (i32, i32) {
    %c0_i32 = arith.constant 0 : i32
    %c0_i32_0 = arith.constant 0 : i32
    return %arg0, %c0_i32 : i32, i32
  }
  func.func @transform_1(%arg0: i32) -> (i32, i32) {
    %c0_i32 = arith.constant 0 : i32
    %c0_i32_0 = arith.constant 0 : i32
    %c0_i32_1 = arith.constant 0 : i32
    return %c0_i32, %c0_i32_0 : i32, i32
  }
  func.func @transform_2(%arg0: i32) -> (i32, i32) {
    %c0_i32 = arith.constant 0 : i32
    %c0_i32_0 = arith.constant 0 : i32
    return %arg0, %c0_i32 : i32, i32
  }
  func.func @transform_3(%arg0: i32) -> (i32, i32) {
    %c0_i32 = arith.constant 0 : i32
    %c0_i32_0 = arith.constant 0 : i32
    return %arg0, %c0_i32 : i32, i32
  }
}

module attributes {stable_mosaic.version = 14 : i64} {
  func.func @_edge_body(%arg0: i32, %arg1: memref<2000x16xf32, #tpu.memory_space<vmem>>, %arg2: memref<16x384xf32, #tpu.memory_space<vmem>>, %arg3: memref<16x64xf32, #tpu.memory_space<vmem>>, %arg4: memref<1x64xf32, #tpu.memory_space<vmem>>, %arg5: memref<64x64xf32, #tpu.memory_space<vmem>>, %arg6: memref<1x64xf32, #tpu.memory_space<vmem>>, %arg7: memref<64x256xf32, #tpu.memory_space<vmem>>, %arg8: memref<1x256xf32, #tpu.memory_space<vmem>>, %arg9: memref<2000x384xi32, #tpu.memory_space<vmem>>) attributes {dimension_semantics = [#tpu.dimension_semantics<arbitrary>], iteration_bounds = array<i64: 80>, scalar_prefetch = 0 : i64, scratch_operands = 0 : i64, tpu.core_type = #tpu.core_type<tc>, window_params = [{transform_indices = @transform_0, window_bounds = array<i64: 2000, 16>}, {pipeline_mode = #tpu.pipeline_mode<synchronous>, transform_indices = @transform_1, window_bounds = array<i64: 16, 384>}, {pipeline_mode = #tpu.pipeline_mode<synchronous>, transform_indices = @transform_2, window_bounds = array<i64: 16, 64>}, {pipeline_mode = #tpu.pipeline_mode<synchronous>, transform_indices = @transform_3, window_bounds = array<i64: 1, 64>}, {pipeline_mode = #tpu.pipeline_mode<synchronous>, transform_indices = @transform_4, window_bounds = array<i64: 64, 64>}, {pipeline_mode = #tpu.pipeline_mode<synchronous>, transform_indices = @transform_5, window_bounds = array<i64: 1, 64>}, {pipeline_mode = #tpu.pipeline_mode<synchronous>, transform_indices = @transform_6, window_bounds = array<i64: 64, 256>}, {pipeline_mode = #tpu.pipeline_mode<synchronous>, transform_indices = @transform_7, window_bounds = array<i64: 1, 256>}, {transform_indices = @transform_8, window_bounds = array<i64: 2000, 384>}]} {
    %get3A = arith.constant 0 : index
    %get3A_0 = arith.constant 0 : index
    %get3A_1 = vector.load %arg1[%get3A, %get3A_0] : memref<2000x16xf32, #tpu.memory_space<vmem>>, vector<2000x16xf32>
    %get3A_2 = arith.constant 0 : index
    %get3A_3 = arith.constant 0 : index
    %get3A_4 = vector.load %arg2[%get3A_2, %get3A_3] : memref<16x384xf32, #tpu.memory_space<vmem>>, vector<16x384xf32>
    %dot_general3A = arith.constant dense<0.000000e+00> : vector<2000x384xf32>
    %dot_general3A_5 = tpu.matmul %get3A_1, %get3A_4, %dot_general3A {dimension_numbers = #tpu.dot_dimension_numbers<[1], [0], [0], [1], [0, 0, 1, 1], [], []>, transpose_lhs_hint = false} : vector<2000x16xf32>, vector<16x384xf32>, vector<2000x384xf32> -> vector<2000x384xf32>
    %get3A_6 = arith.constant 0 : index
    %get3A_7 = arith.constant 0 : index
    %get3A_8 = vector.load %arg3[%get3A_6, %get3A_7] : memref<16x64xf32, #tpu.memory_space<vmem>>, vector<16x64xf32>
    %dot_general3A_9 = arith.constant dense<0.000000e+00> : vector<2000x64xf32>
    %dot_general3A_10 = tpu.matmul %get3A_1, %get3A_8, %dot_general3A_9 {dimension_numbers = #tpu.dot_dimension_numbers<[1], [0], [0], [1], [0, 0, 1, 1], [], []>, transpose_lhs_hint = false} : vector<2000x16xf32>, vector<16x64xf32>, vector<2000x64xf32> -> vector<2000x64xf32>
    %get3A_11 = arith.constant 0 : index
    %get3A_12 = arith.constant 0 : index
    %get3A_13 = vector.load %arg4[%get3A_11, %get3A_12] : memref<1x64xf32, #tpu.memory_space<vmem>>, vector<1x64xf32>
    %add3A = vector.broadcast %get3A_13 : vector<1x64xf32> to vector<2000x64xf32>
    %add3A_14 = arith.addf %dot_general3A_10, %add3A : vector<2000x64xf32>
    %logistic3A = arith.negf %add3A_14 : vector<2000x64xf32>
    %logistic3A_15 = math.exp %logistic3A : vector<2000x64xf32>
    %logistic3A_16 = arith.constant 1.000000e+00 : f32
    %logistic3A_17 = vector.broadcast %logistic3A_16 : f32 to vector<2000x64xf32>
    %logistic3A_18 = arith.addf %logistic3A_17, %logistic3A_15 : vector<2000x64xf32>
    %logistic3A_19 = arith.divf %logistic3A_17, %logistic3A_18 : vector<2000x64xf32>
    %mul3A = arith.mulf %add3A_14, %logistic3A_19 : vector<2000x64xf32>
    %get3A_20 = arith.constant 0 : index
    %get3A_21 = arith.constant 0 : index
    %get3A_22 = vector.load %arg5[%get3A_20, %get3A_21] : memref<64x64xf32, #tpu.memory_space<vmem>>, vector<64x64xf32>
    %dot_general3A_23 = arith.constant dense<0.000000e+00> : vector<2000x64xf32>
    %dot_general3A_24 = tpu.matmul %mul3A, %get3A_22, %dot_general3A_23 {dimension_numbers = #tpu.dot_dimension_numbers<[1], [0], [0], [1], [0, 0, 1, 1], [], []>, transpose_lhs_hint = false} : vector<2000x64xf32>, vector<64x64xf32>, vector<2000x64xf32> -> vector<2000x64xf32>
    %get3A_25 = arith.constant 0 : index
    %get3A_26 = arith.constant 0 : index
    %get3A_27 = vector.load %arg6[%get3A_25, %get3A_26] : memref<1x64xf32, #tpu.memory_space<vmem>>, vector<1x64xf32>
    %add3A_28 = vector.broadcast %get3A_27 : vector<1x64xf32> to vector<2000x64xf32>
    %add3A_29 = arith.addf %dot_general3A_24, %add3A_28 : vector<2000x64xf32>
    %logistic3A_30 = arith.negf %add3A_29 : vector<2000x64xf32>
    %logistic3A_31 = math.exp %logistic3A_30 : vector<2000x64xf32>
    %logistic3A_32 = arith.constant 1.000000e+00 : f32
    %logistic3A_33 = vector.broadcast %logistic3A_32 : f32 to vector<2000x64xf32>
    %logistic3A_34 = arith.addf %logistic3A_33, %logistic3A_31 : vector<2000x64xf32>
    %logistic3A_35 = arith.divf %logistic3A_33, %logistic3A_34 : vector<2000x64xf32>
    %mul3A_36 = arith.mulf %add3A_29, %logistic3A_35 : vector<2000x64xf32>
    %get3A_37 = arith.constant 0 : index
    %get3A_38 = arith.constant 0 : index
    %get3A_39 = vector.load %arg7[%get3A_37, %get3A_38] : memref<64x256xf32, #tpu.memory_space<vmem>>, vector<64x256xf32>
    %dot_general3A_40 = arith.constant dense<0.000000e+00> : vector<2000x256xf32>
    %dot_general3A_41 = tpu.matmul %mul3A_36, %get3A_39, %dot_general3A_40 {dimension_numbers = #tpu.dot_dimension_numbers<[1], [0], [0], [1], [0, 0, 1, 1], [], []>, transpose_lhs_hint = false} : vector<2000x64xf32>, vector<64x256xf32>, vector<2000x256xf32> -> vector<2000x256xf32>
    %get3A_42 = arith.constant 0 : index
    %get3A_43 = arith.constant 0 : index
    %get3A_44 = vector.load %arg8[%get3A_42, %get3A_43] : memref<1x256xf32, #tpu.memory_space<vmem>>, vector<1x256xf32>
    %add3A_45 = vector.broadcast %get3A_44 : vector<1x256xf32> to vector<2000x256xf32>
    %add3A_46 = arith.addf %dot_general3A_41, %add3A_45 : vector<2000x256xf32>
    %broadcast_in_dim3A = arith.constant 0 : i32
    %broadcast_in_dim3A_47 = vector.broadcast %broadcast_in_dim3A : i32 to vector<2000x64xi32>
    %convert_element_type3A = arith.truncf %dot_general3A_5 : vector<2000x384xf32> to vector<2000x384xbf16>
    %convert_element_type3A_48 = arith.extf %convert_element_type3A : vector<2000x384xbf16> to vector<2000x384xf32>
    %bitcast_convert_type3A = tpu.bitcast %convert_element_type3A_48 : vector<2000x384xf32> -> vector<2000x384xi32>
    %slice3A = vector.extract_strided_slice %bitcast_convert_type3A {offsets = [0, 0], sizes = [2000, 64], strides = [1, 1]} : vector<2000x384xi32> to vector<2000x64xi32>
    %slice3A_49 = vector.extract_strided_slice %bitcast_convert_type3A {offsets = [0, 64], sizes = [2000, 64], strides = [1, 1]} : vector<2000x384xi32> to vector<2000x64xi32>
    %shift_right_logical3A = arith.constant 16 : i32
    %shift_right_logical3A_50 = vector.broadcast %shift_right_logical3A : i32 to vector<2000x64xi32>
    %shift_right_logical3A_51 = arith.shrui %slice3A, %shift_right_logical3A_50 : vector<2000x64xi32>
    %and3A = arith.constant -65536 : i32
    %and3A_52 = vector.broadcast %and3A : i32 to vector<2000x64xi32>
    %and3A_53 = arith.andi %slice3A_49, %and3A_52 : vector<2000x64xi32>
    %or3A = arith.ori %shift_right_logical3A_51, %and3A_53 : vector<2000x64xi32>
    %slice3A_54 = vector.extract_strided_slice %bitcast_convert_type3A {offsets = [0, 128], sizes = [2000, 64], strides = [1, 1]} : vector<2000x384xi32> to vector<2000x64xi32>
    %slice3A_55 = vector.extract_strided_slice %bitcast_convert_type3A {offsets = [0, 192], sizes = [2000, 64], strides = [1, 1]} : vector<2000x384xi32> to vector<2000x64xi32>
    %shift_right_logical3A_56 = arith.constant 16 : i32
    %shift_right_logical3A_57 = vector.broadcast %shift_right_logical3A_56 : i32 to vector<2000x64xi32>
    %shift_right_logical3A_58 = arith.shrui %slice3A_54, %shift_right_logical3A_57 : vector<2000x64xi32>
    %and3A_59 = arith.constant -65536 : i32
    %and3A_60 = vector.broadcast %and3A_59 : i32 to vector<2000x64xi32>
    %and3A_61 = arith.andi %slice3A_55, %and3A_60 : vector<2000x64xi32>
    %or3A_62 = arith.ori %shift_right_logical3A_58, %and3A_61 : vector<2000x64xi32>
    %slice3A_63 = vector.extract_strided_slice %bitcast_convert_type3A {offsets = [0, 256], sizes = [2000, 64], strides = [1, 1]} : vector<2000x384xi32> to vector<2000x64xi32>
    %slice3A_64 = vector.extract_strided_slice %bitcast_convert_type3A {offsets = [0, 320], sizes = [2000, 64], strides = [1, 1]} : vector<2000x384xi32> to vector<2000x64xi32>
    %shift_right_logical3A_65 = arith.constant 16 : i32
    %shift_right_logical3A_66 = vector.broadcast %shift_right_logical3A_65 : i32 to vector<2000x64xi32>
    %shift_right_logical3A_67 = arith.shrui %slice3A_63, %shift_right_logical3A_66 : vector<2000x64xi32>
    %and3A_68 = arith.constant -65536 : i32
    %and3A_69 = vector.broadcast %and3A_68 : i32 to vector<2000x64xi32>
    %and3A_70 = arith.andi %slice3A_64, %and3A_69 : vector<2000x64xi32>
    %or3A_71 = arith.ori %shift_right_logical3A_67, %and3A_70 : vector<2000x64xi32>
    %concatenate3A = tpu.concatenate %or3A, %or3A_62, %or3A_71 in 1 : vector<2000x64xi32>, vector<2000x64xi32>, vector<2000x64xi32> -> vector<2000x192xi32>
    %bitcast_convert_type3A_72 = tpu.bitcast %concatenate3A : vector<2000x192xi32> -> vector<2000x192xi32>
    %convert_element_type3A_73 = arith.truncf %add3A_46 : vector<2000x256xf32> to vector<2000x256xbf16>
    %convert_element_type3A_74 = arith.extf %convert_element_type3A_73 : vector<2000x256xbf16> to vector<2000x256xf32>
    %bitcast_convert_type3A_75 = tpu.bitcast %convert_element_type3A_74 : vector<2000x256xf32> -> vector<2000x256xi32>
    %slice3A_76 = vector.extract_strided_slice %bitcast_convert_type3A_75 {offsets = [0, 0], sizes = [2000, 64], strides = [1, 1]} : vector<2000x256xi32> to vector<2000x64xi32>
    %slice3A_77 = vector.extract_strided_slice %bitcast_convert_type3A_75 {offsets = [0, 64], sizes = [2000, 64], strides = [1, 1]} : vector<2000x256xi32> to vector<2000x64xi32>
    %shift_right_logical3A_78 = arith.constant 16 : i32
    %shift_right_logical3A_79 = vector.broadcast %shift_right_logical3A_78 : i32 to vector<2000x64xi32>
    %shift_right_logical3A_80 = arith.shrui %slice3A_76, %shift_right_logical3A_79 : vector<2000x64xi32>
    %and3A_81 = arith.constant -65536 : i32
    %and3A_82 = vector.broadcast %and3A_81 : i32 to vector<2000x64xi32>
    %and3A_83 = arith.andi %slice3A_77, %and3A_82 : vector<2000x64xi32>
    %or3A_84 = arith.ori %shift_right_logical3A_80, %and3A_83 : vector<2000x64xi32>
    %slice3A_85 = vector.extract_strided_slice %bitcast_convert_type3A_75 {offsets = [0, 128], sizes = [2000, 64], strides = [1, 1]} : vector<2000x256xi32> to vector<2000x64xi32>
    %slice3A_86 = vector.extract_strided_slice %bitcast_convert_type3A_75 {offsets = [0, 192], sizes = [2000, 64], strides = [1, 1]} : vector<2000x256xi32> to vector<2000x64xi32>
    %shift_right_logical3A_87 = arith.constant 16 : i32
    %shift_right_logical3A_88 = vector.broadcast %shift_right_logical3A_87 : i32 to vector<2000x64xi32>
    %shift_right_logical3A_89 = arith.shrui %slice3A_85, %shift_right_logical3A_88 : vector<2000x64xi32>
    %and3A_90 = arith.constant -65536 : i32
    %and3A_91 = vector.broadcast %and3A_90 : i32 to vector<2000x64xi32>
    %and3A_92 = arith.andi %slice3A_86, %and3A_91 : vector<2000x64xi32>
    %or3A_93 = arith.ori %shift_right_logical3A_89, %and3A_92 : vector<2000x64xi32>
    %concatenate3A_94 = tpu.concatenate %or3A_84, %or3A_93 in 1 : vector<2000x64xi32>, vector<2000x64xi32> -> vector<2000x128xi32>
    %bitcast_convert_type3A_95 = tpu.bitcast %concatenate3A_94 : vector<2000x128xi32> -> vector<2000x128xi32>
    %concatenate3A_96 = tpu.concatenate %bitcast_convert_type3A_72, %bitcast_convert_type3A_95, %broadcast_in_dim3A_47 in 1 : vector<2000x192xi32>, vector<2000x128xi32>, vector<2000x64xi32> -> vector<2000x384xi32>
    %swap3A = arith.constant 0 : index
    %swap3A_97 = arith.constant 0 : index
    %swap3A_98 = vector.load %arg9[%swap3A, %swap3A_97] : memref<2000x384xi32, #tpu.memory_space<vmem>>, vector<2000x384xi32>
    tpu.vector_store %arg9[%swap3A, %swap3A_97], %concatenate3A_96 {strides = array<i32>} : memref<2000x384xi32, #tpu.memory_space<vmem>>, vector<2000x384xi32>,
    return
  }
  func.func @transform_0(%arg0: i32) -> (i32, i32) {
    %c0_i32 = arith.constant 0 : i32
    %c0_i32_0 = arith.constant 0 : i32
    return %arg0, %c0_i32 : i32, i32
  }
  func.func @transform_1(%arg0: i32) -> (i32, i32) {
    %c0_i32 = arith.constant 0 : i32
    %c0_i32_0 = arith.constant 0 : i32
    %c0_i32_1 = arith.constant 0 : i32
    return %c0_i32, %c0_i32_0 : i32, i32
  }
  func.func @transform_2(%arg0: i32) -> (i32, i32) {
    %c0_i32 = arith.constant 0 : i32
    %c0_i32_0 = arith.constant 0 : i32
    %c0_i32_1 = arith.constant 0 : i32
    return %c0_i32, %c0_i32_0 : i32, i32
  }
  func.func @transform_3(%arg0: i32) -> (i32, i32) {
    %c0_i32 = arith.constant 0 : i32
    %c0_i32_0 = arith.constant 0 : i32
    %c0_i32_1 = arith.constant 0 : i32
    return %c0_i32, %c0_i32_0 : i32, i32
  }
  func.func @transform_4(%arg0: i32) -> (i32, i32) {
    %c0_i32 = arith.constant 0 : i32
    %c0_i32_0 = arith.constant 0 : i32
    %c0_i32_1 = arith.constant 0 : i32
    return %c0_i32, %c0_i32_0 : i32, i32
  }
  func.func @transform_5(%arg0: i32) -> (i32, i32) {
    %c0_i32 = arith.constant 0 : i32
    %c0_i32_0 = arith.constant 0 : i32
    %c0_i32_1 = arith.constant 0 : i32
    return %c0_i32, %c0_i32_0 : i32, i32
  }
  func.func @transform_6(%arg0: i32) -> (i32, i32) {
    %c0_i32 = arith.constant 0 : i32
    %c0_i32_0 = arith.constant 0 : i32
    %c0_i32_1 = arith.constant 0 : i32
    return %c0_i32, %c0_i32_0 : i32, i32
  }
  func.func @transform_7(%arg0: i32) -> (i32, i32) {
    %c0_i32 = arith.constant 0 : i32
    %c0_i32_0 = arith.constant 0 : i32
    %c0_i32_1 = arith.constant 0 : i32
    return %c0_i32, %c0_i32_0 : i32, i32
  }
  func.func @transform_8(%arg0: i32) -> (i32, i32) {
    %c0_i32 = arith.constant 0 : i32
    %c0_i32_0 = arith.constant 0 : i32
    return %arg0, %c0_i32 : i32, i32
  }
}

module attributes {stable_mosaic.version = 14 : i64} {
  func.func @_post_body(%arg0: i32, %arg1: memref<512x256xf32, #tpu.memory_space<vmem>>, %arg2: memref<256x256xf32, #tpu.memory_space<vmem>>, %arg3: memref<1x256xf32, #tpu.memory_space<vmem>>, %arg4: memref<512x256xf32, #tpu.memory_space<vmem>>) attributes {dimension_semantics = [#tpu.dimension_semantics<arbitrary>], iteration_bounds = array<i64: 20>, scalar_prefetch = 0 : i64, scratch_operands = 0 : i64, tpu.core_type = #tpu.core_type<tc>, window_params = [{transform_indices = @transform_0, window_bounds = array<i64: 512, 256>}, {pipeline_mode = #tpu.pipeline_mode<synchronous>, transform_indices = @transform_1, window_bounds = array<i64: 256, 256>}, {pipeline_mode = #tpu.pipeline_mode<synchronous>, transform_indices = @transform_2, window_bounds = array<i64: 1, 256>}, {transform_indices = @transform_3, window_bounds = array<i64: 512, 256>}]} {
    %get3A = arith.constant 0 : index
    %get3A_0 = arith.constant 0 : index
    %get3A_1 = vector.load %arg1[%get3A, %get3A_0] : memref<512x256xf32, #tpu.memory_space<vmem>>, vector<512x256xf32>
    %get3A_2 = arith.constant 0 : index
    %get3A_3 = arith.constant 0 : index
    %get3A_4 = vector.load %arg2[%get3A_2, %get3A_3] : memref<256x256xf32, #tpu.memory_space<vmem>>, vector<256x256xf32>
    %dot_general3A = arith.constant dense<0.000000e+00> : vector<512x256xf32>
    %dot_general3A_5 = tpu.matmul %get3A_1, %get3A_4, %dot_general3A {dimension_numbers = #tpu.dot_dimension_numbers<[1], [0], [0], [1], [0, 0, 1, 1], [], []>, transpose_lhs_hint = false} : vector<512x256xf32>, vector<256x256xf32>, vector<512x256xf32> -> vector<512x256xf32>
    %get3A_6 = arith.constant 0 : index
    %get3A_7 = arith.constant 0 : index
    %get3A_8 = vector.load %arg3[%get3A_6, %get3A_7] : memref<1x256xf32, #tpu.memory_space<vmem>>, vector<1x256xf32>
    %add3A = vector.broadcast %get3A_8 : vector<1x256xf32> to vector<512x256xf32>
    %add3A_9 = arith.addf %dot_general3A_5, %add3A : vector<512x256xf32>
    %swap3A = arith.constant 0 : index
    %swap3A_10 = arith.constant 0 : index
    %swap3A_11 = vector.load %arg4[%swap3A, %swap3A_10] : memref<512x256xf32, #tpu.memory_space<vmem>>, vector<512x256xf32>
    tpu.vector_store %arg4[%swap3A, %swap3A_10], %add3A_9 {strides = array<i32>} : memref<512x256xf32, #tpu.memory_space<vmem>>, vector<512x256xf32>,
    return
  }
  func.func @transform_0(%arg0: i32) -> (i32, i32) {
    %c0_i32 = arith.constant 0 : i32
    %c0_i32_0 = arith.constant 0 : i32
    return %arg0, %c0_i32 : i32, i32
  }
  func.func @transform_1(%arg0: i32) -> (i32, i32) {
    %c0_i32 = arith.constant 0 : i32
    %c0_i32_0 = arith.constant 0 : i32
    %c0_i32_1 = arith.constant 0 : i32
    return %c0_i32, %c0_i32_0 : i32, i32
  }
  func.func @transform_2(%arg0: i32) -> (i32, i32) {
    %c0_i32 = arith.constant 0 : i32
    %c0_i32_0 = arith.constant 0 : i32
    %c0_i32_1 = arith.constant 0 : i32
    return %c0_i32, %c0_i32_0 : i32, i32
  }
  func.func @transform_3(%arg0: i32) -> (i32, i32) {
    %c0_i32 = arith.constant 0 : i32
    %c0_i32_0 = arith.constant 0 : i32
    return %arg0, %c0_i32 : i32, i32
  }
}

</mosaic_0001>

<sc_bundles>
// kernel: kernel.6.cloned.1.call-start
scs
__scs_entry_jumppad:
0x0: {  	(pc) =	sbr.rel $0x88, $3  }
0x1: {  	(tag) =	ssettag $0x0;
	lr =	simm.s32 $0x1  }
0x2: {  	[smem:$0x3F95] =	sst lr;
	_ =	strace $0xD0000000  }
0x3: {  	_ = 	snop  }
0x4: {  	_ = 	snop  }
0x5: {  	_ = 	snop  }
0x6: {  	_ = 	snop  }
0x7: {  	_ = 	snop  }
__scs_overlays_trampoline_lowered:
0x8: {  	[smem:$0x3FA4] =	sst s0  }
0x9: {  	[smem:$0x3FA5] =	sst s1  }
0xa: {  	[smem:$0x3FA6] =	sst s2  }
0xb: {  	[smem:$0x3FA7] =	sst s3  }
0xc: {  	[smem:$0x3FA8] =	sst s4  }
0xd: {  	[smem:$0x3FA9] =	sst s5  }
0xe: {  	[smem:$0x3FAA] =	sst s6  }
0xf: {  	[smem:$0x3FAB] =	sst s7  }
0x10: {  	[smem:$0x3FAC] =	sst s8  }
0x11: {  	[smem:$0x3FAD] =	sst s9;
	s0 =	simm.s32 @!p0 $0x0  }
0x12: {  	s1 =	sld [smem:$0x3F93];
	s0 =	simm.s32 @p0 $0x1  }
0x13: {  	[smem:$0x3FAE] =	sst s0;
	s0 =	simm.s32 @!p1 $0x0  }
0x14: {  	s2 =	sld [smem:$0x3F92];
	s0 =	simm.s32 @p1 $0x1  }
0x15: {  	[smem:$0x3FAF] =	sst s0;
	s0 =	simm.s32 @!p2 $0x0  }
0x16: {  	s3 =	sld [smem:$0x3FDB];
	s0 =	simm.s32 @p2 $0x1  }
0x17: {  	s4 =	simm.s32 $0x1BF5;
	[smem:$0x3FB1] =	sst s0  }
0x18: {  	s0 =	sld [smem:$0x3F94];
	_ =	swait.ge [sflag:s4], $0x0  }
0x19: {  	s7 =	sld [smem:$0x3F95]  }
0x1a: {  	s8 =	sadd.s32 $0xFFFFE003, lr  }
0x1b: {  	s9 =	sadd.s32 $0xFFFFFEF7, lr;
	s5 =	simm.s32 $0xFFFFFFFF;
	p2 =	slt.u32 s8, $0xFFFFF086  }
0x1c: {  	p1 =	slt.u32 s9, $0xF7A;
	s5 =	simm.s32 @!p2 $0x0  }
0x1d: {  	s5 =	simm.s32 @p1 $0x1;
	p0 =	seq.s32 s7, s2  }
0x1e: {  	s7 =	smul.u32 @!p0 $0xF7A, s2;
	p2 =	seq.s32 @!p0 s5, $0x0  }
0x1f: {  	s9 =	smul.u32 $0xF7A, s1;
	s8 =	simm.s32 @!p0 $0x1BF5;
	p2 =	por !p2, p0  }
0x20: {  	[sflag:s8] =	ssyncset.s32 @!p0 $0xFFFFF086;
	s6 =	sadd.s32 @!p0 s3, s7;
	s7 =	simm.s32 @!p0 $0x108  }
0x21: {  	s3 =	sadd.s32 s3, s9;
	s6 =	sadd.s32 @!p0 $0x88, s6;
	s7 =	simm.s32 @p2 $0x1082  }
0x22: {  	[simem:s7], [sflag:s8] =	dma.local @!p0 [hbm:s6], $0xF7A  }
0x23: {  	s9 =	sor.u32 $0xD0000000, s2;
	s6 =	simm.s32 $0x108;
	_ =	swait.ge @!p0 [sflag:s8], $0x0  }
0x24: {  	s3 =	sadd.s32 $0x88, s3;
	s6 =	simm.s32 @!p1 $0x1082;
	[sflag:s4] =	ssyncset.s32 $0xFFFFF086  }
0x25: {  	[simem:s6], [sflag:s4] =	dma.local [hbm:s3], $0xF7A  }
0x26: {  	[smem:$0x3F95] =	sst s1;
	(tag) =	ssettag s2;
	_ =	strace s9  }
0x27: {  	s1 =	sld [smem:$0x3FA5]  }
0x28: {  	s2 =	sld [smem:$0x3FA6]  }
0x29: {  	s4 =	sld [smem:$0x3FA8]  }
0x2a: {  	p0 =	seq.s32 s5, $0x0;
	s5 =	sld [smem:$0x3FA9]  }
0x2b: {  	s6 =	sld [smem:$0x3FAA]  }
0x2c: {  	s7 =	sld [smem:$0x3FAB]  }
0x2d: {  	s3 =	simm.s32 $0x108;
	s8 =	sld [smem:$0x3FAC]  }
0x2e: {  	s3 =	simm.s32 @!p0 $0x1082;
	s9 =	sld [smem:$0x3FAD]  }
0x2f: {  	lr =	sadd.s32 s0, s3;
	s0 =	sld [smem:$0x3FA4]  }
0x30: {  	s3 =	sld [smem:$0x3FA7]  }
0x31: {  	[smem:$0x3FB0] =	sst s10  }
0x32: {  	s10 =	sld [smem:$0x3FAE];
	_ =	sdelay $0x3  }
0x33: {  	p0 =	seq.s32 s10, $0x1;
	s10 =	sld [smem:$0x3FB0];
	_ =	sdelay $0x3  }
0x34: {  	[smem:$0x3FB0] =	sst s10  }
0x35: {  	s10 =	sld [smem:$0x3FAF];
	_ =	sdelay $0x3  }
0x36: {  	p1 =	seq.s32 s10, $0x1;
	s10 =	sld [smem:$0x3FB0];
	_ =	sdelay $0x3  }
0x37: {  	[smem:$0x3FB0] =	sst s10  }
0x38: {  	s10 =	sld [smem:$0x3FB1]  }
0x39: {  	_ = 	snop;
	(pc) =	sbr.ind lr, $3  }
0x3a: {  	_ = 	snop  }
0x3b: {  	_ = 	snop  }
0x3c: {  	p2 =	seq.s32 s10, $0x1;
	s10 =	sld [smem:$0x3FB0]  }
0x3d: {  	_ =	shalt  }
0x3e: {  	_ =	shalt  }
0x3f: {  	_ =	shalt  }
0x40: {  	_ =	shalt  }
0x41: {  	_ =	shalt  }
0x42: {  	_ =	shalt  }
0x43: {  	_ =	shalt  }
0x44: {  	_ =	shalt  }
0x45: {  	_ =	shalt  }
0x46: {  	_ =	shalt  }
0x47: {  	_ =	shalt  }
0x48: {  	_ =	shalt  }
0x49: {  	_ =	shalt  }
0x4a: {  	_ =	shalt  }
0x4b: {  	_ =	shalt  }
0x4c: {  	_ =	shalt  }
0x4d: {  	_ =	shalt  }
0x4e: {  	_ =	shalt  }
0x4f: {  	_ =	shalt  }
0x50: {  	_ =	shalt  }
0x51: {  	_ =	shalt  }
0x52: {  	_ =	shalt  }
0x53: {  	_ =	shalt  }
0x54: {  	_ =	shalt  }
0x55: {  	_ =	shalt  }
0x56: {  	_ =	shalt  }
0x57: {  	_ =	shalt  }
0x58: {  	_ =	shalt  }
0x59: {  	_ =	shalt  }
0x5a: {  	_ =	shalt  }
0x5b: {  	_ =	shalt  }
0x5c: {  	_ =	shalt  }
0x5d: {  	_ =	shalt  }
0x5e: {  	_ =	shalt  }
0x5f: {  	_ =	shalt  }
0x60: {  	_ =	shalt  }
0x61: {  	_ =	shalt  }
0x62: {  	_ =	shalt  }
0x63: {  	_ =	shalt  }
0x64: {  	_ =	shalt  }
0x65: {  	_ =	shalt  }
0x66: {  	_ =	shalt  }
0x67: {  	_ =	shalt  }
0x68: {  	_ =	shalt  }
0x69: {  	_ =	shalt  }
0x6a: {  	_ =	shalt  }
0x6b: {  	_ =	shalt  }
0x6c: {  	_ =	shalt  }
0x6d: {  	_ =	shalt  }
0x6e: {  	_ =	shalt  }
0x6f: {  	_ =	shalt  }
0x70: {  	_ =	shalt  }
0x71: {  	_ =	shalt  }
0x72: {  	_ =	shalt  }
0x73: {  	_ =	shalt  }
0x74: {  	_ =	shalt  }
0x75: {  	_ =	shalt  }
0x76: {  	_ =	shalt  }
0x77: {  	_ =	shalt  }
0x78: {  	_ =	shalt  }
0x79: {  	_ =	shalt  }
0x7a: {  	_ =	shalt  }
0x7b: {  	_ =	shalt  }
0x7c: {  	_ =	shalt  }
0x7d: {  	_ =	shalt  }
0x7e: {  	_ =	shalt  }
0x7f: {  	_ =	shalt  }
0x80: {  	_ =	shalt  }
0x81: {  	_ =	shalt  }
0x82: {  	_ =	shalt  }
0x83: {  	_ =	shalt  }
0x84: {  	_ =	shalt  }
0x85: {  	_ =	shalt  }
0x86: {  	_ =	shalt  }
0x87: {  	_ =	shalt  }
.Lfunc_end0:
.L_simem_size_0:
called_computation_lowered:
.L_overlay_start_0:
0x88: {  	s2 =	sld [smem:$0x3FD9]  }
0x89: {  	s3 =	sld [smem:$0x3FFE];
	_ =	sdelay $0x1  }
0x8a: {  	s1 =	srdreg.scid  }
0x8b: {  	s0 =	sand.u32 $0x1, s1  }
0x8c: {  	s17 =	sshll.u32 s0, $0xA;
	s2 =	sadd.s32 s3, s2  }
0x8d: {  	s2 =	sadd.s32 s2, s17  }
0x8e: {  	[smem:$0x3FBC] =	sst s2  }
0x8f: {  	_ = 	snop  }
0x90: {  	s2 =	sld [smem:$0x3FBE];
	(tm) =	ssettm $0x1  }
0x91: {  	s18 =	sld [smem:$0x3FFB];
	_ =	sdelay $0x3  }
0x92: {  	_ =	strace s18  }
0x93: {  	s3 =	sld [smem:$0x3FFC];
	_ =	sdelay $0x3  }
0x94: {  	_ =	strace s3  }
0x95: {  	s3 =	sld [smem:$0x3FFD];
	_ =	sdelay $0x3  }
0x96: {  	_ =	strace s3  }
0x97: {  	_ =	strace $0x8FFFFFFF  }
0x98: {  	s19 =	sld [smem:$0x3FDB];
	_ =	sdelay $0x1  }
0x99: {  	s4 =	simm.s32 $_scs_section_size  }
0x9a: {  	s5 =	simm.s32 $_size__tile_overlayer_lowered;
	s6 =	simm.s32 $_tile_overlayer_lowered  }
0x9b: {  	s22 =	simm.s32 $0x1BFF;
	s21 =	sshll.u32 s6, $0x1;
	s3 =	sadd.s32 s4, s19  }
0x9c: {  	s7 =	simm.s32 $0x0;
	s20 =	sshll.u32 s5, $0x1;
	s5 =	sadd.s32 s21, s3  }
0x9d: {  	[timem:s7], [sflag:s22] =	dma.local [hbm:s5], s20  }
0x9e: {  	_ =	swait.ge [sflag:s22], s20  }
0x9f: {  	s4 =	ssub.s32 $0x0, s20;
	[sflag:s22] =	ssyncset.done $0x0  }
0xa0: {  	[sflag:s22] =	ssyncadd.s32 s4;
	_ =	sdelay $0x1  }
0xa1: {  	s23 =	simm.s32 $0x1B8B  }
0xa2: {  	_ =	swait.ge [sflag:s23], $0x1  }
0xa3: {  	[sflag:s23] =	ssyncset.done $0x0  }
0xa4: {  	s25 =	simm.s32 $0x1B8E;
	s24 =	sld [smem:$0x3FFE];
	[sflag:s23] =	ssyncadd.s32 $0xFFFFFFFF  }
0xa5: {  	s26 =	simm.s32 $execute0_lowered;
	[smem:$0x3FD2] =	sst s25  }
0xa6: {  	s5 =	sshll.u32 s26, $0x1;
	_ =	strace $0x80000046;
	[dreg:$0x1] =	wrdreg $0xFFFFFFFF  }
0xa7: {  	s28 =	simm.s32 $_size_execute0_lowered;
	s3 =	sadd.s32 s3, s5;
	[dreg:$0x0] =	wrdreg $0x0  }
0xa8: {  	s5 =	sshll.u32 s28, $0x1;
	[dreg:$0x2] =	wrdreg s3  }
0xa9: {  	[dreg:$0x3] =	wrdreg s5  }
0xaa: {  	[dreg:$0x4] =	wrdreg $0xC0  }
0xab: {  	_ =	task [dreg:s7], $0x5FFFF  }
0xac: {  	[dreg:$0x1] =	wrdreg $0xFFFFFFFF  }
0xad: {  	[dreg:$0x0] =	wrdreg $0x60  }
0xae: {  	[dreg:$0x2] =	wrdreg s2  }
0xaf: {  	[dreg:$0x3] =	wrdreg s24  }
0xb0: {  	[dreg:$0x4] =	wrdreg $0x9  }
0xb1: {  	_ =	task.clear_ibuf [dreg:s7], $0x5FFFF;
	_ =	strace $0x90000046  }
0xb2: {  	s29 =	simm.s32 $0x9;
	_ =	strace $0x80000048  }
0xb3: {  	_ =	swait.ge [sflag:s29], $0x1  }
0xb4: {  	[sflag:s29] =	ssyncadd.s32 $0xFFFFFFFF  }
0xb5: {  	_ =	strace $0x90000048  }
0xb6: {  	_ =	sfence  }
0xb7: {  	s30 =	sld [smem:$0x0];
	_ =	sdelay $0x2  }
0xb8: {  	s31 =	sshll.u32 s1, $0xD;
	s1 =	sshrl.u32 s1, $0x2  }
0xb9: {  	s3 =	sand.u32 $0x4000, s31;
	s1 =	sadd.s32 s1, s30  }
0xba: {  	s0 =	sor.u32 s3, s0;
	s1 =	sshll.u32 s1, $0x11  }
0xbb: {  	s0 =	sor.u32 s1, s0  }
0xbc: {  	s0 =	sadd.s32 $0x8F2B, s0  }
0xbd: {  	[sflag:s0] =	ssyncadd.remote.s32 $0x1  }
0xbe: {  	_ =	sfence.sel $0xFFFF  }
0xbf: {  	[dreg:$0x0] =	wrdreg $0xFFFFFFFF;
	(pc) =	sbr.abs _section_cstart, $3  }
0xc0: {  	[dreg:$0x1] =	wrdreg $0xFFFFFFFF  }
0xc1: {  	_ =	task.clear_ibuf [dreg:s7], $0x2FFFF;
	_ =	strace $0x9FFFFFFF  }
0xc2: {  	(tm) =	ssettm $0x7FFFFFFF  }
0xc3: {  	_ =	shalt  }
tec
execute0_lowered:
.L_overlay_start_1:
0x0: {  	(tag) =	ssettag $0x1  }
0x1: {  	s0 =	rddreg [dreg:$0x1];
	s1 =	srdreg.scid  }
0x2: {  	s13 =	simm.s32 $0x0;
	s3 =	stileid.u32;
	s12 =	simm.s32 $0x1  }
0x3: {  	s30 =	simm.s32 $0x8B80;
	s31 =	simm.s32 $0x9380;
	s1 =	sand.u32 $0x1, s1  }
0x4: {  	s9 =	simm.s32 $0xAB80;
	s10 =	simm.s32 $0xAF80;
	s2 =	sshll.u32 s1, $0x4  }
0x5: {  	s15 =	simm.s32 $0x0;
	s4 =	sadd.s32 $0x273800, s0;
	s2 =	sor.u32 s3, s2  }
0x6: {  	[smem:$0x7FF] =	sst s13;
	s5 =	sadd.s32 $0x2C3800, s0;
	s3 =	smul.u32 $0x2800, s2  }
0x7: {  	s7 =	sadd.s32 $0x313800, s0;
	s1 =	ssub.s32 $0x2, s1;
	s6 =	smul.u32 $0x140, s2  }
.Ltmp0:
0x8: {  	_ =	strace $0x80000047;
	s8 =	sshrl.u32 s1, $0x1;
	(pc) =	sbr.rel .LBB2_1-.Ltmp0, $4  }
0x9: {  	v6 =	vlaneseq.u32;
	v2 =	vimm.f32 $0.0e+00;
	s1 =	ssub.s32 s1, s8;
	s8 =	sadd.s32 $0x313900, s0;
	s2 =	simm.s32 $0x9F80  }
0xa: {  	v3 =	vimm.s32 $0x0;
	vm0 =	vmmov $0xffff;
	vm1 =	vmmov $0xff;
	s29 =	smax.u32 s1, $0x1;
	s1 =	simm.s32 $0xB780;
	s25 =	sadd.s32 s3, s0  }
0xb: {  	v5 =	vshrl.u32 v6, $0x3;
	v4 =	vand.u32 $0x7, v6;
	v6 =	vor.u32 $0x8, v6;
	s26 =	sadd.s32 $0x140, s6;
	[dreg:$0x5] =	wrdreg s29;
	s28 =	sadd.s32 $0x2800, s25  }
0xc: {  	v5 =	vmul.u32 $0x8, v5;
	v1 =	vmov s6;
	s0 =	simm.s32 $0x9780;
	s3 =	simm.s32 $0xA380;
	v0 =	vmov s26;
	[dreg:$0x4] =	wrdreg s28  }
.LBB2_17:
0xd: {  	s13 =	simm.s32 $0x0  }
0xe: {  	s11 =	rddreg [dreg:$0x4];
	s14 =	simm.s32 $0xBB80;
	s28 =	simm.s32 $0x3  }
0xf: {  	[hbm4b:s11+s13] =	stream.linear.scatter [tilespmem:s14], [sflag:$0x3], $0x14000, $0x38;
	[tilespmem:$0x1FC80] =	vst v63  }
0x10: {  	_ =	swait.ge [sflag:s28], $0x14000  }
0x11: {  	s15 =	rddreg [dreg:$0x6]  }
0x12: {  	s29 =	rddreg [dreg:$0x5];
	s15 =	sadd.s32 $0x1, s15  }
0x13: {  	p0 =	sne.s32 s15, s29  }
.Ltmp1:
0x14: {  	_ = 	snop;
	(pc) =	sbr.rel @!p0 .LBB2_18-.Ltmp1, $3  }
0x15: {  	_ =	sdelay $0x1  }
0x16: {  	[sflag:s28] =	ssyncset.done $0x0  }
0x17: {  	[sflag:s28] =	ssyncadd.s32 $0xFFFEC000  }
.LBB2_1:
0x18: {  	s11 =	rddreg [dreg:$0x0]  }
0x19: {  	[tilespmem:s13], [sflag:$0x2] =	stream.linear.gather [hbm4b:s11+s13], $0x500, $0x38;
	[tilespmem:$0x1FC80] =	vst v63  }
0x1a: {  	s11 =	simm.s32 $0x40;
	s13 =	simm.s32 $0x0  }
.LBB2_2:
0x1b: {  	p0 =	sne.s32 s11, $0x503C0;
	[tilespmem:s13+$0xBB80] =	vst v2;
	s13 =	smov.u32 s11;
	s11 =	sadd.s32 $0x40, s11  }
.Ltmp2:
0x1c: {  	(pc) =	sbr.rel @p0 .LBB2_2-.Ltmp2, $2  }
0x1d: {  	_ =	sdelay $0x2  }
0x1e: {  	s13 =	sshra.s32 s13, $0x2  }
.Ltmp3:
0x1f: {  	(pc) =	sbr.rel .LBB2_4-.Ltmp3, $3  }
0x20: {  	_ =	sdelay $0x1  }
0x21: {  	[dreg:$0x6] =	wrdreg s15  }
0x22: {  	[tilespmem:s13+$0xBB80] =	vst v2;
	s11 =	simm.s32 $0x0;
	s13 =	simm.s32 $0x0;
	s14 =	simm.s32 $0x0  }
.LBB2_7:
0x23: {  	s14 =	smul.u32 $0xFFFFFFD0, s14;
	_ =	sdelay $0x1  }
0x24: {  	s13 =	sadd.s32 s13, s14  }
.LBB2_12:
0x25: {  	s14 =	rddreg [dreg:$0x7]  }
0x26: {  	p0 =	sne.s32 s14, $0xFA  }
.Ltmp4:
0x27: {  	_ = 	snop;
	(pc) =	sbr.rel @!p0 .LBB2_13-.Ltmp4, $2  }
0x28: {  	_ =	sdelay $0x2  }
0x29: {  	s11 =	sadd.s32 $0x280, s11  }
.LBB2_4:
0x2a: {  	s17 =	simm.s32 $0x2;
	p0 =	seq.s32 s14, $0xF9;
	s16 =	sadd.s32 $0x1, s14  }
0x2b: {  	s19 =	sand.u32 $0x1, s14;
	s21 =	simm.s32 $0x0;
	_ =	swait.ge [sflag:s17], $0x500  }
0x2c: {  	s15 =	smul.u32 @!p0 $0x500, s14;
	[dreg:$0x7] =	wrdreg s16;
	s16 =	sand.u32 @!p0 $0x1, s16  }
0x2d: {  	p1 =	seq.s32 s19, $0x1;
	s14 =	simm.s32 $0x500;
	[sflag:s17] =	ssyncset.done $0x0  }
0x2e: {  	s14 =	simm.s32 @!p1 $0x0;
	p1 =	seq.s32 @!p0 s16, $0x1;
	[sflag:s17] =	ssyncadd.s32 $0xFFFFFB00  }
0x2f: {  	s16 =	simm.s32 @!p0 $0x500;
	s15 =	sshrl.u32 @!p0 s15, $0x3;
	s17 =	rddreg [dreg:$0x0]  }
0x30: {  	p1 =	por !p1, p0;
	[dreg:$0x3] =	wrdreg s14;
	s15 =	sadd.s32 @!p0 s17, s15  }
0x31: {  	s16 =	simm.s32 @p1 $0x0;
	s14 =	sadd.s32 @!p0 $0xA0, s15;
	s15 =	simm.s32 @!p0 $0x0  }
0x32: {  	[tilespmem:s16], [sflag:$0x2] =	stream.linear.gather @!p0 [hbm4b:s14+s15], $0x500, $0x38;
	[tilespmem:$0x1FC80] =	vst v63  }
0x33: {  	s22 =	simm.s32 $0x10;
	s20 =	rddreg [dreg:$0x3];
	s14 =	sand.u32 $0x700, s21  }
0x34: {  	s23 =	simm.s32 $0x0;
	s24 =	sand.u32 $0x50, s22;
	s17 =	sadd.s32 s14, s20  }
0x35: {  	s28 =	simm.s32 $0x30;
	s18 =	sand.u32 $0x40, s23;
	s16 =	sadd.s32 s24, s17  }
0x36: {  	s25 =	simm.s32 $0x20;
	s15 =	sand.u32 $0x70, s28;
	s18 =	sadd.s32 s18, s17;
	v7 =	vld [tilespmem:s16+$0x0]  }
0x37: {  	s26 =	sand.u32 $0x60, s25;
	s15 =	sadd.s32 s15, s17;
	v8 =	vld [tilespmem:s18+$0x0]  }
0x38: {  	s14 =	sadd.s32 s26, s17;
	v10 =	vld [tilespmem:s15+$0x0]  }
0x39: {  	v9 =	vld [tilespmem:s14+$0x0];
	_ =	sdelay $0x1  }
0x3a: {  	vm2 =	vge.s32 v7, v1  }
0x3b: {  	vm3 =	vlt.s32 v7, v0;
	vm5 =	vge.s32 v8, v1;
	vm6 =	vlt.s32 v8, v0  }
0x3c: {  	vm15 =	vlt.s32 v10, v0;
	vm4 =	vmand vm2, vm3;
	vm5 =	vmand vm5, vm6  }
0x3d: {  	vm2 =	vlt.s32 v9, v0;
	vm3 =	vge.s32 v9, v1;
	v11 =	vsel vm4, $0x1, v3  }
0x3e: {  	v12 =	vsel vm5, $0x1, v3;
	vm3 =	vmand vm3, vm2;
	vm2 =	vge.s32 v10, v1;
	(xrf0) =	vadd.scan.msk.s32 $0xffff, v11  }
0x3f: {  	vm2 =	vmand vm2, vm15;
	v11 =	vsel vm3, $0x1, v3;
	(xrf0) =	vadd.scan.msk.s32 $0xffff, v12  }
0x40: {  	v63 =	vsel vm2, $0x1, v3;
	(xrf0) =	vadd.scan.msk.s32 $0xffff, v11  }
0x41: {  	(xrf0) =	vadd.scan.msk.s32 $0xffff, v63;
	_ =	sdelay $0x2  }
0x42: {  	v11, _, _ =	vpop (xrf0)  }
0x43: {  	v12, _, _ =	vpop (xrf0);
	(v2sf) =	vpush v11, $0xF  }
0x44: {  	(v2sf) =	vpush v12, $0xF;
	v13, _, _ =	vpop (xrf0)  }
0x45: {  	(v2sf) =	vpush v13, $0xF;
	v14, _, _ =	vpop (xrf0)  }
0x46: {  	(v2sf) =	vpush v14, $0xF;
	_ =	sdelay $0xb  }
0x47: {  	s17 =	spop (v2sf)  }
0x48: {  	s19 =	spop (v2sf)  }
0x49: {  	s20 =	sadd.s32 s19, s17;
	s21 =	spop (v2sf)  }
0x4a: {  	s20 =	sadd.s32 s21, s20;
	s22 =	spop (v2sf)  }
0x4b: {  	s20 =	sadd.s32 s22, s20  }
0x4c: {  	p0 =	slt.s32 s20, $0x1  }
0x4d: {  	v15 =	vmov @!p0 s13  }
0x4e: {  	v15 =	vadd.s32 @!p0 $0xFFFFFFFF, v15  }
0x4f: {  	v15 =	vbroadcast @!p0 v15, $0x0;
	_ =	sdelay $0x1  }
0x50: {  	v12 =	vadd.s32 @!p0 v12, v15  }
0x51: {  	s19 =	sadd.s32 @!p0 s13, s19  }
0x52: {  	s22 =	sadd.s32 @!p0 $0x30, s11;
	v16 =	vld @!p0 [tilespmem:s18+$0x80];
	v15 =	vmov @!p0 s19  }
0x53: {  	v17 =	vlaneseq.u32 @!p0;
	s18 =	sadd.s32 @!p0 $0xFFFFFFD0, s22;
	v15 =	vadd.s32 @!p0 $0xFFFFFFFF, v15  }
0x54: {  	s23 =	simm.s32 @!p0 $0xA00;
	v18 =	vor.u32 @!p0 s18, v17;
	v15 =	vbroadcast @!p0 v15, $0x0  }
0x55: {  	s25 =	simm.s32 @!p0 $0xD00;
	[tilespmem:v12+s23+$0x0] =	vst.idx.msk @!p0 vm5, v18  }
0x56: {  	s24 =	simm.s32 @!p0 $0x1000;
	v11 =	vadd.s32 @!p0 v11, v15;
	[tilespmem:v12+s25+$0x0] =	vst.idx.msk @!p0 vm5, v8  }
0x57: {  	s17 =	sadd.s32 @!p0 s17, s19;
	[tilespmem:v12+s24+$0x0] =	vst.idx.msk @!p0 vm5, v16  }
0x58: {  	v8 =	vmov @!p0 s17;
	v12 =	vld @!p0 [tilespmem:s16+$0x80]  }
0x59: {  	v8 =	vadd.s32 @!p0 $0xFFFFFFFF, v8;
	s16 =	sadd.s32 @!p0 $0xFFFFFFE0, s22  }
0x5a: {  	v8 =	vbroadcast @!p0 v8, $0x0;
	v15 =	vor.u32 @!p0 s16, v17;
	s16 =	sadd.s32 @!p0 s21, s17  }
0x5b: {  	[tilespmem:v11+s23+$0x0] =	vst.idx.msk @!p0 vm4, v15;
	v15 =	vmov @!p0 s16  }
0x5c: {  	[tilespmem:v11+s25+$0x0] =	vst.idx.msk @!p0 vm4, v7;
	v7 =	vadd.s32 @!p0 v13, v8;
	v8 =	vadd.s32 @!p0 $0xFFFFFFFF, v15  }
0x5d: {  	v8 =	vbroadcast @!p0 v8, $0x0;
	[tilespmem:v11+s24+$0x0] =	vst.idx.msk @!p0 vm4, v12  }
0x5e: {  	v11 =	vld @!p0 [tilespmem:s14+$0x80]  }
0x5f: {  	s14 =	sadd.s32 @!p0 $0xFFFFFFF0, s22;
	v8 =	vadd.s32 @!p0 v14, v8  }
0x60: {  	v12 =	vor.u32 @!p0 s14, v17  }
0x61: {  	[tilespmem:v7+s23+$0x0] =	vst.idx.msk @!p0 vm3, v12  }
0x62: {  	[tilespmem:v7+s25+$0x0] =	vst.idx.msk @!p0 vm3, v9  }
0x63: {  	s29 =	simm.s32 $0x80;
	s13 =	sadd.s32 s13, s20;
	s20 =	rddreg [dreg:$0x3];
	[tilespmem:v7+s24+$0x0] =	vst.idx.msk @!p0 vm3, v11;
	v7 =	vor.u32 @!p0 s22, v17  }
0x64: {  	s18 =	sand.u32 $0x700, s29;
	s19 =	simm.s32 $0x60;
	s17 =	simm.s32 $0x100;
	v9 =	vld @!p0 [tilespmem:s15+$0x80];
	[tilespmem:v8+s23+$0x0] =	vst.idx.msk @!p0 vm2, v7  }
0x65: {  	s16 =	simm.s32 $0xB0;
	s14 =	simm.s32 $0x70;
	s15 =	smov.u32 s13;
	[tilespmem:v8+s25+$0x0] =	vst.idx.msk @!p0 vm2, v10  }
.LBB2_5:
0x66: {  	_ = 	snop  }
0x67: {  	s21 =	sadd.s32 $0xFFFFFFD0, s14;
	s22 =	sadd.s32 $0xFFFFFFE0, s14  }
0x68: {  	s26 =	sadd.s32 s18, s20;
	s21 =	sand.u32 $0x40, s21;
	s29 =	sand.u32 $0x50, s22  }
0x69: {  	s22 =	sadd.s32 s21, s26;
	s21 =	sadd.s32 s29, s26;
	[tilespmem:v8+s24+$0x0] =	vst.idx.msk @!p0 vm2, v9  }
0x6a: {  	s28 =	sand.u32 $0x70, s14;
	v9 =	vld [tilespmem:s21+$0x0]  }
0x6b: {  	s20 =	sand.u32 $0x60, s19;
	s19 =	sadd.s32 s28, s26;
	v10 =	vld [tilespmem:s22+$0x0]  }
0x6c: {  	s20 =	sadd.s32 s20, s26;
	v7 =	vld [tilespmem:s19+$0x0]  }
0x6d: {  	v8 =	vld [tilespmem:s20+$0x0];
	_ =	sdelay $0x1  }
0x6e: {  	vm2 =	vge.s32 v9, v1  }
0x6f: {  	vm3 =	vlt.s32 v9, v0;
	vm5 =	vge.s32 v10, v1;
	vm6 =	vlt.s32 v10, v0  }
0x70: {  	vm15 =	vlt.s32 v7, v0;
	vm4 =	vmand vm2, vm3;
	vm5 =	vmand vm5, vm6  }
0x71: {  	vm2 =	vlt.s32 v8, v0;
	vm3 =	vge.s32 v8, v1;
	v11 =	vsel vm4, $0x1, v3  }
0x72: {  	v12 =	vsel vm5, $0x1, v3;
	vm3 =	vmand vm3, vm2;
	vm2 =	vge.s32 v7, v1;
	(xrf0) =	vadd.scan.msk.s32 $0xffff, v11  }
0x73: {  	vm2 =	vmand vm2, vm15;
	v11 =	vsel vm3, $0x1, v3;
	(xrf0) =	vadd.scan.msk.s32 $0xffff, v12  }
0x74: {  	v63 =	vsel vm2, $0x1, v3;
	(xrf0) =	vadd.scan.msk.s32 $0xffff, v11  }
0x75: {  	(xrf0) =	vadd.scan.msk.s32 $0xffff, v63;
	_ =	sdelay $0x2  }
0x76: {  	v11, _, _ =	vpop (xrf0)  }
0x77: {  	v12, _, _ =	vpop (xrf0);
	(v2sf) =	vpush v11, $0xF  }
0x78: {  	(v2sf) =	vpush v12, $0xF;
	v13, _, _ =	vpop (xrf0)  }
0x79: {  	(v2sf) =	vpush v13, $0xF;
	v14, _, _ =	vpop (xrf0)  }
0x7a: {  	(v2sf) =	vpush v14, $0xF;
	_ =	sdelay $0xb  }
0x7b: {  	s25 =	sand.u32 $0x700, s17;
	s24 =	spop (v2sf)  }
0x7c: {  	s18 =	smov.u32 s25;
	s25 =	spop (v2sf)  }
0x7d: {  	s29 =	sadd.s32 s25, s24;
	s28 =	spop (v2sf)  }
0x7e: {  	s26 =	sadd.s32 s28, s29;
	s29 =	spop (v2sf)  }
0x7f: {  	s26 =	sadd.s32 s29, s26  }
0x80: {  	p0 =	slt.s32 s26, $0x1  }
0x81: {  	v15 =	vmov @!p0 s15  }
0x82: {  	v15 =	vadd.s32 @!p0 $0xFFFFFFFF, v15  }
0x83: {  	s15 =	sadd.s32 @!p0 s15, s25;
	v15 =	vbroadcast @!p0 v15, $0x0  }
0x84: {  	v17 =	vmov @!p0 s15  }
0x85: {  	v17 =	vadd.s32 @!p0 $0xFFFFFFFF, v17;
	v12 =	vadd.s32 @!p0 v12, v15  }
0x86: {  	v17 =	vbroadcast @!p0 v17, $0x0  }
0x87: {  	s23 =	smov.u32 s16;
	s13 =	sadd.s32 s13, s26;
	s26 =	sadd.s32 @!p0 s14, s11;
	v22 =	vld @!p0 [tilespmem:s22+$0x80]  }
0x88: {  	s14 =	smov.u32 s23;
	v16 =	vlaneseq.u32 @!p0;
	s23 =	sadd.s32 @!p0 $0xFFFFFFD0, s26;
	v11 =	vadd.s32 @!p0 v11, v17  }
0x89: {  	s22 =	simm.s32 @!p0 $0xA00;
	s24 =	sadd.s32 @!p0 s24, s15;
	v18 =	vor.u32 @!p0 s23, v16;
	s23 =	sadd.s32 @!p0 $0xFFFFFFF0, s26  }
0x8a: {  	v20 =	vmov @!p0 s24;
	v21 =	vor.u32 @!p0 s23, v16;
	s23 =	simm.s32 @!p0 $0xD00;
	[tilespmem:v12+s22+$0x0] =	vst.idx.msk @!p0 vm5, v18  }
0x8b: {  	s25 =	sadd.s32 @!p0 $0xFFFFFFE0, s26;
	s28 =	sadd.s32 @!p0 s28, s24;
	s24 =	simm.s32 @!p0 $0x1000;
	v15 =	vadd.s32 @!p0 $0xFFFFFFFF, v20;
	[tilespmem:v12+s23+$0x0] =	vst.idx.msk @!p0 vm5, v10  }
0x8c: {  	v19 =	vor.u32 @!p0 s25, v16;
	[tilespmem:v12+s24+$0x0] =	vst.idx.msk @!p0 vm5, v22;
	v12 =	vbroadcast @!p0 v15, $0x0  }
0x8d: {  	v10 =	vld @!p0 [tilespmem:s21+$0x80];
	[tilespmem:v11+s22+$0x0] =	vst.idx.msk @!p0 vm4, v19  }
0x8e: {  	[tilespmem:v11+s23+$0x0] =	vst.idx.msk @!p0 vm4, v9;
	v9 =	vadd.s32 @!p0 v13, v12;
	_ =	sdelay $0x1  }
0x8f: {  	v20 =	vmov @!p0 s28  }
0x90: {  	v20 =	vadd.s32 @!p0 $0xFFFFFFFF, v20  }
0x91: {  	v20 =	vbroadcast @!p0 v20, $0x0;
	[tilespmem:v11+s24+$0x0] =	vst.idx.msk @!p0 vm4, v10  }
0x92: {  	v10 =	vld @!p0 [tilespmem:s20+$0x80];
	[tilespmem:v9+s22+$0x0] =	vst.idx.msk @!p0 vm3, v21  }
0x93: {  	s16 =	sadd.s32 $0x40, s16;
	[tilespmem:v9+s23+$0x0] =	vst.idx.msk @!p0 vm3, v8;
	v8 =	vadd.s32 @!p0 v14, v20  }
0x94: {  	p1 =	sne.s32 s16, $0x2B0  }
.Ltmp5:
0x95: {  	_ = 	snop;
	(pc) =	sbr.rel @p1 .LBB2_5-.Ltmp5, $4  }
0x96: {  	_ = 	snop  }
0x97: {  	v16 =	vor.u32 @!p0 s26, v16;
	[tilespmem:v9+s24+$0x0] =	vst.idx.msk @!p0 vm3, v10  }
0x98: {  	s17 =	sadd.s32 $0x80, s17;
	v9 =	vld @!p0 [tilespmem:s19+$0x80];
	[tilespmem:v8+s22+$0x0] =	vst.idx.msk @!p0 vm2, v16  }
0x99: {  	s15 =	smov.u32 s13;
	s20 =	rddreg [dreg:$0x3];
	s19 =	sadd.s32 $0xFFFFFFF0, s14;
	[tilespmem:v8+s23+$0x0] =	vst.idx.msk @!p0 vm2, v7  }
0x9a: {  	_ =	sdelay $0x2  }
0x9b: {  	s16 =	sadd.s32 $0xFFFFFFE0, s14  }
0x9c: {  	s17 =	sadd.s32 $0xFFFFFFD0, s14;
	s20 =	sadd.s32 s18, s20;
	s16 =	sand.u32 $0x50, s16  }
0x9d: {  	s17 =	sand.u32 $0x40, s17;
	s18 =	sadd.s32 s16, s20;
	[tilespmem:v8+s24+$0x0] =	vst.idx.msk @!p0 vm2, v9  }
0x9e: {  	s23 =	sand.u32 $0x60, s19;
	s21 =	sadd.s32 s17, s20;
	v7 =	vld [tilespmem:s18+$0x0]  }
0x9f: {  	s17 =	sadd.s32 s23, s20;
	s24 =	sand.u32 $0x70, s14;
	v8 =	vld [tilespmem:s21+$0x0]  }
0xa0: {  	v9 =	vld [tilespmem:s17+$0x0];
	s16 =	sadd.s32 s24, s20  }
0xa1: {  	v10 =	vld [tilespmem:s16+$0x0];
	_ =	sdelay $0x1  }
0xa2: {  	vm2 =	vge.s32 v7, v1  }
0xa3: {  	vm3 =	vlt.s32 v7, v0;
	vm5 =	vge.s32 v8, v1;
	vm6 =	vlt.s32 v8, v0  }
0xa4: {  	vm4 =	vmand vm2, vm3;
	vm5 =	vmand vm5, vm6;
	vm2 =	vlt.s32 v9, v0  }
0xa5: {  	vm3 =	vge.s32 v9, v1;
	vm15 =	vlt.s32 v10, v0;
	v11 =	vsel vm4, $0x1, v3  }
0xa6: {  	v12 =	vsel vm5, $0x1, v3;
	vm3 =	vmand vm3, vm2;
	vm2 =	vge.s32 v10, v1;
	(xrf0) =	vadd.scan.msk.s32 $0xffff, v11  }
0xa7: {  	vm2 =	vmand vm2, vm15;
	v62 =	vsel vm3, $0x1, v3;
	(xrf0) =	vadd.scan.msk.s32 $0xffff, v12  }
0xa8: {  	v63 =	vsel vm2, $0x1, v3;
	(xrf0) =	vadd.scan.msk.s32 $0xffff, v62  }
0xa9: {  	(xrf0) =	vadd.scan.msk.s32 $0xffff, v63;
	_ =	sdelay $0x2  }
0xaa: {  	v11, _, _ =	vpop (xrf0)  }
0xab: {  	v12, _, _ =	vpop (xrf0);
	(v2sf) =	vpush v11, $0xF  }
0xac: {  	(v2sf) =	vpush v12, $0xF;
	v13, _, _ =	vpop (xrf0)  }
0xad: {  	(v2sf) =	vpush v13, $0xF;
	v14, _, _ =	vpop (xrf0)  }
0xae: {  	(v2sf) =	vpush v14, $0xF;
	_ =	sdelay $0xb  }
0xaf: {  	s19 =	spop (v2sf)  }
0xb0: {  	s20 =	spop (v2sf)  }
0xb1: {  	s22 =	sadd.s32 s20, s19;
	s23 =	spop (v2sf)  }
0xb2: {  	s22 =	sadd.s32 s23, s22;
	s25 =	spop (v2sf)  }
0xb3: {  	s22 =	sadd.s32 s25, s22  }
0xb4: {  	p0 =	slt.s32 s22, $0x1  }
0xb5: {  	v15 =	vmov @!p0 s15  }
0xb6: {  	v15 =	vadd.s32 @!p0 $0xFFFFFFFF, v15  }
0xb7: {  	v15 =	vbroadcast @!p0 v15, $0x0;
	_ =	sdelay $0x1  }
0xb8: {  	v12 =	vadd.s32 @!p0 v12, v15  }
0xb9: {  	s15 =	sadd.s32 @!p0 s15, s20  }
0xba: {  	s14 =	sadd.s32 @!p0 s14, s11;
	v16 =	vld @!p0 [tilespmem:s21+$0x80];
	v15 =	vmov @!p0 s15  }
0xbb: {  	v17 =	vlaneseq.u32 @!p0;
	s20 =	sadd.s32 @!p0 $0xFFFFFFD0, s14;
	v15 =	vadd.s32 @!p0 $0xFFFFFFFF, v15  }
0xbc: {  	v18 =	vor.u32 @!p0 s20, v17;
	s20 =	simm.s32 @!p0 $0xA00;
	v15 =	vbroadcast @!p0 v15, $0x0  }
0xbd: {  	s21 =	simm.s32 @!p0 $0xD00;
	[tilespmem:v12+s20+$0x0] =	vst.idx.msk @!p0 vm5, v18  }
0xbe: {  	s24 =	simm.s32 @!p0 $0x1000;
	v11 =	vadd.s32 @!p0 v11, v15;
	[tilespmem:v12+s21+$0x0] =	vst.idx.msk @!p0 vm5, v8  }
0xbf: {  	s15 =	sadd.s32 @!p0 s19, s15;
	[tilespmem:v12+s24+$0x0] =	vst.idx.msk @!p0 vm5, v16  }
0xc0: {  	v8 =	vmov @!p0 s15;
	v12 =	vld @!p0 [tilespmem:s18+$0x80]  }
0xc1: {  	s13 =	sadd.s32 s13, s22;
	v8 =	vadd.s32 @!p0 $0xFFFFFFFF, v8;
	s18 =	sadd.s32 @!p0 $0xFFFFFFE0, s14  }
0xc2: {  	s26 =	smulhi.u32 $0x2AAAAAAB, s13;
	s22 =	sshra.s32 s13, $0x1F;
	v8 =	vbroadcast @!p0 v8, $0x0;
	v15 =	vor.u32 @!p0 s18, v17  }
0xc3: {  	s19 =	smul.u32 $0x2AAAAAAB, s22;
	[tilespmem:v11+s20+$0x0] =	vst.idx.msk @!p0 vm4, v15  }
0xc4: {  	[tilespmem:v11+s21+$0x0] =	vst.idx.msk @!p0 vm4, v7;
	v7 =	vadd.s32 @!p0 v13, v8  }
0xc5: {  	s15 =	sadd.s32 @!p0 s23, s15;
	s23 =	sadd.s32 s19, s26;
	[tilespmem:v11+s24+$0x0] =	vst.idx.msk @!p0 vm4, v12  }
0xc6: {  	s18 =	sshrl.u32 s23, $0x1F;
	v8 =	vmov @!p0 s15;
	s15 =	sshra.s32 s23, $0x3;
	v11 =	vld @!p0 [tilespmem:s17+$0x80]  }
0xc7: {  	s15 =	sadd.s32 s18, s15;
	s17 =	sadd.s32 @!p0 $0xFFFFFFF0, s14  }
0xc8: {  	s25 =	smul.u32 $0xFFFFFFD0, s15;
	v12 =	vor.u32 @!p0 s17, v17  }
0xc9: {  	s26 =	ssub.s32 $0x0, s13;
	[tilespmem:v7+s20+$0x0] =	vst.idx.msk @!p0 vm3, v12  }
0xca: {  	p1 =	slt.s32 s13, $0x1;
	v8 =	vadd.s32 @!p0 $0xFFFFFFFF, v8;
	p2 =	sne.s32 s25, s26;
	[tilespmem:v7+s21+$0x0] =	vst.idx.msk @!p0 vm3, v9  }
0xcb: {  	v8 =	vbroadcast @!p0 v8, $0x0;
	p1 =	por !p1, !p2;
	[tilespmem:v7+s24+$0x0] =	vst.idx.msk @!p0 vm3, v11  }
0xcc: {  	p1 =	por !p1, !p1;
	v7 =	vld @!p0 [tilespmem:s16+$0x80];
	s16 =	simm.s32 $0x1  }
0xcd: {  	v8 =	vadd.s32 @!p0 v14, v8;
	s16 =	simm.s32 @!p1 $0x0  }
0xce: {  	v9 =	vor.u32 @!p0 s14, v17;
	s14 =	ssub.s32 s15, s16  }
0xcf: {  	p1 =	sgt.s32 s14, $0x0  }
.Ltmp6:
0xd0: {  	_ = 	snop;
	(pc) =	sbr.rel @!p1 .LBB2_7-.Ltmp6, $4  }
0xd1: {  	_ = 	snop  }
0xd2: {  	s28 =	simm.s32 $0x2380;
	[tilespmem:v8+s20+$0x0] =	vst.idx.msk @!p0 vm2, v9  }
0xd3: {  	s29 =	simm.s32 $0x2B80;
	s17 =	simm.s32 $0x0;
	s25 =	simm.s32 $0x1380;
	[tilespmem:v8+s21+$0x0] =	vst.idx.msk @!p0 vm2, v10  }
0xd4: {  	s26 =	simm.s32 $0x1B80;
	s21 =	simm.s32 $0xD00;
	s15 =	simm.s32 $0x0;
	[tilespmem:v8+s24+$0x0] =	vst.idx.msk @!p0 vm2, v7  }
.LBB2_8:
0xd5: {  	s16 =	smul.u32 $0x30, s17;
	_ =	sdelay $0x1  }
0xd6: {  	v7 =	vld [tilespmem:s16+$0xD00];
	_ =	sdelay $0x4  }
0xd7: {  	vm2 =	vlt.s32 v7, $0x27FF  }
0xd8: {  	v7 =	vnsel vm2, $0x27FF, v7  }
0xd9: {  	[tilespmem:$0x1300] =	vst v7  }
0xda: {  	v8 =	vld [tilespmem:s16+$0xD10];
	_ =	sdelay $0x4  }
0xdb: {  	vm2 =	vlt.s32 v8, $0x27FF  }
0xdc: {  	v9 =	vshll.u32 v7, $0x1;
	v8 =	vnsel vm2, $0x27FF, v8  }
0xdd: {  	v7 =	vand.u32 $0x7, v7;
	[tilespmem:$0x1310] =	vst v8;
	v8 =	vand.u32 $0xFFFFFFF0, v9  }
0xde: {  	v9 =	vld [tilespmem:s16+$0xD20];
	v7 =	vor.u32 v7, v8  }
0xdf: {  	v8 =	vperm.xlane v7, v4;
	_ =	sdelay $0x1  }
0xe0: {  	v7 =	vperm.xlane v7, v6;
	v8 =	vadd.s32 v5, v8;
	_ =	sdelay $0x1  }
0xe1: {  	v7 =	vadd.s32 v5, v7;
	vm2 =	vlt.s32 v9, $0x27FF  }
0xe2: {  	v9 =	vnsel vm2, $0x27FF, v9  }
0xe3: {  	[tilespmem:$0x1320] =	vst v9  }
0xe4: {  	[tilespmem:s25], [sflag:$0x1] =	stream.indirect_vreg.gather [hbm4b:s4+s15], $0x80, v8, vm0, $0xb8;
	[tilespmem:$0x1FC80] =	vst v63  }
0xe5: {  	_ = 	snop  }
0xe6: {  	[tilespmem:s26], [sflag:$0x1] =	stream.indirect_vreg.gather [hbm4b:s4+s15], $0x80, v7, vm0, $0xb8;
	[tilespmem:$0x1FC80] =	vst v63  }
0xe7: {  	v7 =	vld [tilespmem:$0x1310];
	_ =	sdelay $0x4  }
0xe8: {  	v8 =	vshll.u32 v7, $0x1  }
0xe9: {  	v7 =	vand.u32 $0x7, v7;
	v8 =	vand.u32 $0xFFFFFFF0, v8  }
0xea: {  	v7 =	vor.u32 v7, v8  }
0xeb: {  	v8 =	vperm.xlane v7, v4;
	_ =	sdelay $0x1  }
0xec: {  	v7 =	vperm.xlane v7, v6;
	v8 =	vadd.s32 v5, v8;
	_ =	sdelay $0x1  }
0xed: {  	v7 =	vadd.s32 v5, v7;
	_ =	sdelay $0x2  }
0xee: {  	[tilespmem:s28], [sflag:$0x1] =	stream.indirect_vreg.gather [hbm4b:s4+s15], $0x80, v8, vm0, $0xb8;
	[tilespmem:$0x1FC80] =	vst v63  }
0xef: {  	_ = 	snop  }
0xf0: {  	[tilespmem:s29], [sflag:$0x1] =	stream.indirect_vreg.gather [hbm4b:s4+s15], $0x80, v7, vm0, $0xb8;
	[tilespmem:$0x1FC80] =	vst v63  }
0xf1: {  	v7 =	vld [tilespmem:$0x1320];
	_ =	sdelay $0x4  }
0xf2: {  	v8 =	vshll.u32 v7, $0x1  }
0xf3: {  	v7 =	vand.u32 $0x7, v7;
	v8 =	vand.u32 $0xFFFFFFF0, v8  }
0xf4: {  	v7 =	vor.u32 v7, v8  }
0xf5: {  	v8 =	vperm.xlane v7, v4;
	_ =	sdelay $0x1  }
0xf6: {  	v7 =	vperm.xlane v7, v6;
	v8 =	vadd.s32 v5, v8;
	_ =	sdelay $0x1  }
0xf7: {  	v7 =	vadd.s32 v5, v7;
	_ =	sdelay $0x1  }
0xf8: {  	s18 =	simm.s32 $0x3380  }
0xf9: {  	[tilespmem:s18], [sflag:$0x1] =	stream.indirect_vreg.gather [hbm4b:s4+s15], $0x80, v8, vm0, $0xb8;
	[tilespmem:$0x1FC80] =	vst v63  }
0xfa: {  	s20 =	simm.s32 $0x3B80  }
0xfb: {  	[tilespmem:s20], [sflag:$0x1] =	stream.indirect_vreg.gather [hbm4b:s4+s15], $0x80, v7, vm0, $0xb8;
	[tilespmem:$0x1FC80] =	vst v63  }
0xfc: {  	v7 =	vld [tilespmem:s16+$0x1000];
	_ =	sdelay $0x4  }
0xfd: {  	v8 =	vshll.u32 v7, $0x1  }
0xfe: {  	v7 =	vand.u32 $0x7, v7;
	v8 =	vand.u32 $0xFFFFFFF0, v8  }
0xff: {  	v7 =	vor.u32 v7, v8  }
0x100: {  	v8 =	vperm.xlane v7, v4;
	_ =	sdelay $0x1  }
0x101: {  	v7 =	vperm.xlane v7, v6;
	v8 =	vadd.s32 v5, v8;
	_ =	sdelay $0x1  }
0x102: {  	v7 =	vadd.s32 v5, v7;
	_ =	sdelay $0x1  }
0x103: {  	s22 =	simm.s32 $0x4380  }
0x104: {  	[tilespmem:s22], [sflag:$0x1] =	stream.indirect_vreg.gather [hbm4b:s5+s15], $0x80, v8, vm0, $0xb8;
	[tilespmem:$0x1FC80] =	vst v63  }
0x105: {  	s23 =	simm.s32 $0x4B80  }
0x106: {  	[tilespmem:s23], [sflag:$0x1] =	stream.indirect_vreg.gather [hbm4b:s5+s15], $0x80, v7, vm0, $0xb8;
	[tilespmem:$0x1FC80] =	vst v63  }
0x107: {  	v7 =	vld [tilespmem:s16+$0x1010];
	_ =	sdelay $0x4  }
0x108: {  	v8 =	vshll.u32 v7, $0x1  }
0x109: {  	v7 =	vand.u32 $0x7, v7;
	v8 =	vand.u32 $0xFFFFFFF0, v8  }
0x10a: {  	v7 =	vor.u32 v7, v8  }
0x10b: {  	v8 =	vperm.xlane v7, v4;
	_ =	sdelay $0x1  }
0x10c: {  	v7 =	vperm.xlane v7, v6;
	v8 =	vadd.s32 v5, v8;
	_ =	sdelay $0x1  }
0x10d: {  	v7 =	vadd.s32 v5, v7;
	_ =	sdelay $0x1  }
0x10e: {  	s24 =	simm.s32 $0x5380  }
0x10f: {  	[tilespmem:s24], [sflag:$0x1] =	stream.indirect_vreg.gather [hbm4b:s5+s15], $0x80, v8, vm0, $0xb8;
	[tilespmem:$0x1FC80] =	vst v63  }
0x110: {  	s19 =	simm.s32 $0x5B80  }
0x111: {  	[tilespmem:s19], [sflag:$0x1] =	stream.indirect_vreg.gather [hbm4b:s5+s15], $0x80, v7, vm0, $0xb8;
	[tilespmem:$0x1FC80] =	vst v63  }
0x112: {  	v7 =	vld [tilespmem:s16+$0x1020];
	_ =	sdelay $0x4  }
0x113: {  	v8 =	vshll.u32 v7, $0x1  }
0x114: {  	v7 =	vand.u32 $0x7, v7;
	v8 =	vand.u32 $0xFFFFFFF0, v8  }
0x115: {  	v7 =	vor.u32 v7, v8  }
0x116: {  	v8 =	vperm.xlane v7, v4;
	_ =	sdelay $0x1  }
0x117: {  	v7 =	vperm.xlane v7, v6;
	v8 =	vadd.s32 v5, v8;
	_ =	sdelay $0x1  }
0x118: {  	v7 =	vadd.s32 v5, v7;
	_ =	sdelay $0x1  }
0x119: {  	s20 =	simm.s32 $0x6380  }
0x11a: {  	[tilespmem:s20], [sflag:$0x1] =	stream.indirect_vreg.gather [hbm4b:s5+s15], $0x80, v8, vm0, $0xb8;
	[tilespmem:$0x1FC80] =	vst v63  }
0x11b: {  	s22 =	simm.s32 $0x6B80  }
0x11c: {  	[tilespmem:s22], [sflag:$0x1] =	stream.indirect_vreg.gather [hbm4b:s5+s15], $0x80, v7, vm0, $0xb8;
	[tilespmem:$0x1FC80] =	vst v63  }
0x11d: {  	v7 =	vld [tilespmem:s16+$0xA00];
	_ =	sdelay $0x4  }
0x11e: {  	v8 =	vshrl.u32 v7, $0x3  }
0x11f: {  	v8 =	vmul.u32 $0x18, v8  }
0x120: {  	v7 =	vand.u32 $0x7, v7  }
0x121: {  	v7 =	vor.u32 v7, v8  }
0x122: {  	v8 =	vperm.xlane v7, v4;
	_ =	sdelay $0x1  }
0x123: {  	v8 =	vadd.s32 v5, v8;
	_ =	sdelay $0x1  }
0x124: {  	v7 =	vperm.xlane v7, v6;
	_ =	sdelay $0x1  }
0x125: {  	s23 =	simm.s32 $0x7380;
	v7 =	vadd.s32 v5, v7  }
0x126: {  	[tilespmem:s23], [sflag:$0x1] =	stream.indirect_vreg.gather [hbm4b:s7+s15], $0x80, v8, vm0, $0xb8;
	[tilespmem:$0x1FC80] =	vst v63  }
0x127: {  	s24 =	simm.s32 $0x7B80  }
0x128: {  	[tilespmem:s24], [sflag:$0x1] =	stream.indirect_vreg.gather [hbm4b:s8+s15], $0x80, v8, vm1, $0xb8;
	[tilespmem:$0x1FC80] =	vst v63  }
0x129: {  	s19 =	simm.s32 $0x7F80  }
0x12a: {  	[tilespmem:s19], [sflag:$0x1] =	stream.indirect_vreg.gather [hbm4b:s7+s15], $0x80, v7, vm0, $0xb8;
	[tilespmem:$0x1FC80] =	vst v63  }
0x12b: {  	s20 =	simm.s32 $0x8780  }
0x12c: {  	[tilespmem:s20], [sflag:$0x1] =	stream.indirect_vreg.gather [hbm4b:s8+s15], $0x80, v7, vm1, $0xb8;
	[tilespmem:$0x1FC80] =	vst v63  }
0x12d: {  	v7 =	vld [tilespmem:s16+$0xA10];
	_ =	sdelay $0x4  }
0x12e: {  	v8 =	vshrl.u32 v7, $0x3  }
0x12f: {  	v8 =	vmul.u32 $0x18, v8  }
0x130: {  	v7 =	vand.u32 $0x7, v7  }
0x131: {  	v7 =	vor.u32 v7, v8  }
0x132: {  	v8 =	vperm.xlane v7, v4;
	_ =	sdelay $0x1  }
0x133: {  	v8 =	vadd.s32 v5, v8;
	_ =	sdelay $0x1  }
0x134: {  	v7 =	vperm.xlane v7, v6;
	_ =	sdelay $0x1  }
0x135: {  	v7 =	vadd.s32 v5, v7  }
0x136: {  	[tilespmem:s30], [sflag:$0x1] =	stream.indirect_vreg.gather [hbm4b:s7+s15], $0x80, v8, vm0, $0xb8;
	[tilespmem:$0x1FC80] =	vst v63  }
0x137: {  	_ = 	snop  }
0x138: {  	[tilespmem:s31], [sflag:$0x1] =	stream.indirect_vreg.gather [hbm4b:s8+s15], $0x80, v8, vm1, $0xb8;
	[tilespmem:$0x1FC80] =	vst v63  }
0x139: {  	_ = 	snop  }
0x13a: {  	[tilespmem:s0], [sflag:$0x1] =	stream.indirect_vreg.gather [hbm4b:s7+s15], $0x80, v7, vm0, $0xb8;
	[tilespmem:$0x1FC80] =	vst v63  }
0x13b: {  	_ = 	snop  }
0x13c: {  	[tilespmem:s2], [sflag:$0x1] =	stream.indirect_vreg.gather [hbm4b:s8+s15], $0x80, v7, vm1, $0xb8;
	[tilespmem:$0x1FC80] =	vst v63  }
0x13d: {  	v7 =	vld [tilespmem:s16+$0xA20];
	_ =	sdelay $0x4  }
0x13e: {  	v8 =	vshrl.u32 v7, $0x3  }
0x13f: {  	v8 =	vmul.u32 $0x18, v8  }
0x140: {  	v7 =	vand.u32 $0x7, v7  }
0x141: {  	v7 =	vor.u32 v7, v8  }
0x142: {  	v8 =	vperm.xlane v7, v4;
	_ =	sdelay $0x1  }
0x143: {  	v8 =	vadd.s32 v5, v8;
	_ =	sdelay $0x1  }
0x144: {  	v7 =	vperm.xlane v7, v6;
	_ =	sdelay $0x1  }
0x145: {  	v7 =	vadd.s32 v5, v7  }
0x146: {  	[tilespmem:s3], [sflag:$0x1] =	stream.indirect_vreg.gather [hbm4b:s7+s15], $0x80, v8, vm0, $0xb8;
	[tilespmem:$0x1FC80] =	vst v63  }
0x147: {  	_ = 	snop  }
0x148: {  	[tilespmem:s9], [sflag:$0x1] =	stream.indirect_vreg.gather [hbm4b:s8+s15], $0x80, v8, vm1, $0xb8;
	[tilespmem:$0x1FC80] =	vst v63  }
0x149: {  	_ = 	snop  }
0x14a: {  	[tilespmem:s10], [sflag:$0x1] =	stream.indirect_vreg.gather [hbm4b:s7+s15], $0x80, v7, vm0, $0xb8;
	[tilespmem:$0x1FC80] =	vst v63  }
0x14b: {  	_ = 	snop  }
0x14c: {  	[tilespmem:s1], [sflag:$0x1] =	stream.indirect_vreg.gather [hbm4b:s8+s15], $0x80, v7, vm1, $0xb8;
	[tilespmem:$0x1FC80] =	vst v63  }
0x14d: {  	_ =	swait.ge [sflag:s12], $0x3000  }
0x14e: {  	[sflag:s12] =	ssyncset.done $0x0  }
0x14f: {  	[sflag:s12] =	ssyncadd.s32 $0xFFFFD000  }
0x150: {  	_ =	swait.ge [sflag:s12], $0x3000  }
0x151: {  	[sflag:s12] =	ssyncset.done $0x0  }
0x152: {  	[sflag:s12] =	ssyncadd.s32 $0xFFFFD000  }
0x153: {  	s22 =	simm.s32 $0x0;
	_ =	swait.ge [sflag:s12], $0x4800  }
0x154: {  	s23 =	simm.s32 $0x0;
	s20 =	sand.u32 $0x380, s15;
	[sflag:s12] =	ssyncset.done $0x0  }
0x155: {  	s19 =	sor.u32 s20, s23;
	s16 =	smul.u32 $0x3000, s22;
	[sflag:s12] =	ssyncadd.s32 $0xFFFFB800  }
0x156: {  	v7 =	vld [tilespmem:s19+$0x1380]  }
0x157: {  	s16 =	sshra.s32 s16, $0x2;
	v8 =	vld [tilespmem:s19+$0x4380]  }
0x158: {  	s16 =	sor.u32 s20, s16  }
0x159: {  	v9 =	vld [tilespmem:s16+$0x7380];
	_ =	sdelay $0x2  }
0x15a: {  	v10 =	vunpack.i.l.bf16.f32 v7;
	v11 =	vunpack.i.l.bf16.f32 v8  }
0x15b: {  	v7 =	vunpack.i.u.bf16.f32 v7;
	v8 =	vunpack.i.u.bf16.f32 v8;
	v10 =	vadd.f32 v11, v10  }
0x15c: {  	v11 =	vunpack.i.l.bf16.f32 v9;
	v7 =	vadd.f32 v8, v7  }
0x15d: {  	v8 =	vunpack.i.u.bf16.f32 v9;
	v9 =	vadd.f32 v11, v10  }
0x15e: {  	v7 =	vadd.f32 v8, v7  }
0x15f: {  	v8 =	vsub.f32 $0.0e+00, v9  }
0x160: {  	v10 =	vsub.f32 $0.0e+00, v7  }
0x161: {  	v8 =	vmul.f32 $1.442695020e+00, v8  }
0x162: {  	v10 =	vmul.f32 $1.442695020e+00, v10  }
0x163: {  	(erf) = vpow2.f32 v8  }
0x164: {  	(erf) = vpow2.f32 v10  }
0x165: {  	v8 =	vld [tilespmem:s21+$0x0];
	_ =	sdelay $0x4  }
0x166: {  	(v2sf) =	vpush v8, $0x0;
	_ =	sdelay $0x1  }
0x167: {  	v8 =	vpop (erf)  }
0x168: {  	v8 =	vadd.f32 $1.000000000e+00, v8;
	v10 =	vpop (erf)  }
0x169: {  	v10 =	vadd.f32 $1.000000000e+00, v10  }
0x16a: {  	(erf) = vrcp.f32 v8  }
0x16b: {  	(erf) = vrcp.f32 v10;
	_ =	sdelay $0x4  }
0x16c: {  	v8 =	vld [tilespmem:s16+$0x77C0];
	_ =	sdelay $0x2  }
0x16d: {  	v10 =	vpop (erf)  }
0x16e: {  	s24 =	spop (v2sf);
	v9 =	vmul.f32 v10, v9;
	v10 =	vpop (erf)  }
0x16f: {  	v11 =	vunpack.i.l.bf16.f32 v8;
	s18 =	ssub.s32 s24, s6;
	v7 =	vmul.f32 v10, v7  }
0x170: {  	v8 =	vunpack.i.u.bf16.f32 v8;
	s18 =	sshll.u32 s18, $0xA;
	v9 =	vmul.f32 v9, v11  }
0x171: {  	s18 =	sshra.s32 s18, $0x2;
	v7 =	vmul.f32 v7, v8  }
0x172: {  	[tilespmem:s18+$0xBB80] =	vst.add.f32.msk $0xffff, v9  }
0x173: {  	[tilespmem:s18+$0xBBC0] =	vst.add.f32.msk $0xffff, v7  }
0x174: {  	v7 =	vld [tilespmem:s19+$0x1390]  }
0x175: {  	v8 =	vld [tilespmem:s19+$0x4390];
	_ =	sdelay $0x1  }
0x176: {  	v9 =	vld [tilespmem:s16+$0x7390];
	_ =	sdelay $0x2  }
0x177: {  	v10 =	vunpack.i.l.bf16.f32 v7;
	v11 =	vunpack.i.l.bf16.f32 v8  }
0x178: {  	v7 =	vunpack.i.u.bf16.f32 v7;
	v8 =	vunpack.i.u.bf16.f32 v8;
	v10 =	vadd.f32 v11, v10  }
0x179: {  	v11 =	vunpack.i.l.bf16.f32 v9;
	v7 =	vadd.f32 v8, v7  }
0x17a: {  	v8 =	vunpack.i.u.bf16.f32 v9;
	v9 =	vadd.f32 v11, v10  }
0x17b: {  	v7 =	vadd.f32 v8, v7  }
0x17c: {  	v8 =	vsub.f32 $0.0e+00, v9  }
0x17d: {  	v10 =	vsub.f32 $0.0e+00, v7  }
0x17e: {  	v8 =	vmul.f32 $1.442695020e+00, v8  }
0x17f: {  	v10 =	vmul.f32 $1.442695020e+00, v10  }
0x180: {  	(erf) = vpow2.f32 v8  }
0x181: {  	(erf) = vpow2.f32 v10;
	_ =	sdelay $0x7  }
0x182: {  	v8 =	vpop (erf)  }
0x183: {  	v8 =	vadd.f32 $1.000000000e+00, v8;
	v10 =	vpop (erf)  }
0x184: {  	v10 =	vadd.f32 $1.000000000e+00, v10  }
0x185: {  	(erf) = vrcp.f32 v8  }
0x186: {  	(erf) = vrcp.f32 v10;
	_ =	sdelay $0x4  }
0x187: {  	v8 =	vld [tilespmem:s16+$0x77D0];
	_ =	sdelay $0x2  }
0x188: {  	v10 =	vpop (erf)  }
0x189: {  	v9 =	vmul.f32 v10, v9;
	v10 =	vpop (erf)  }
0x18a: {  	v11 =	vunpack.i.l.bf16.f32 v8;
	v7 =	vmul.f32 v10, v7  }
0x18b: {  	v8 =	vunpack.i.u.bf16.f32 v8;
	v9 =	vmul.f32 v9, v11  }
0x18c: {  	v7 =	vmul.f32 v7, v8  }
0x18d: {  	[tilespmem:s18+$0xBB90] =	vst.add.f32.msk $0xffff, v9  }
0x18e: {  	[tilespmem:s18+$0xBBD0] =	vst.add.f32.msk $0xffff, v7  }
0x18f: {  	v7 =	vld [tilespmem:s19+$0x13A0]  }
0x190: {  	v8 =	vld [tilespmem:s19+$0x43A0];
	_ =	sdelay $0x1  }
0x191: {  	v9 =	vld [tilespmem:s16+$0x73A0];
	_ =	sdelay $0x2  }
0x192: {  	v10 =	vunpack.i.l.bf16.f32 v7;
	v11 =	vunpack.i.l.bf16.f32 v8  }
0x193: {  	v7 =	vunpack.i.u.bf16.f32 v7;
	v8 =	vunpack.i.u.bf16.f32 v8;
	v10 =	vadd.f32 v11, v10  }
0x194: {  	v7 =	vadd.f32 v8, v7;
	v8 =	vunpack.i.l.bf16.f32 v9  }
0x195: {  	v9 =	vunpack.i.u.bf16.f32 v9;
	v8 =	vadd.f32 v8, v10  }
0x196: {  	v7 =	vadd.f32 v9, v7  }
0x197: {  	v9 =	vsub.f32 $0.0e+00, v8  }
0x198: {  	v10 =	vsub.f32 $0.0e+00, v7  }
0x199: {  	v9 =	vmul.f32 $1.442695020e+00, v9  }
0x19a: {  	v10 =	vmul.f32 $1.442695020e+00, v10  }
0x19b: {  	(erf) = vpow2.f32 v9  }
0x19c: {  	(erf) = vpow2.f32 v10;
	_ =	sdelay $0x7  }
0x19d: {  	v9 =	vpop (erf)  }
0x19e: {  	v9 =	vadd.f32 $1.000000000e+00, v9;
	v10 =	vpop (erf)  }
0x19f: {  	v10 =	vadd.f32 $1.000000000e+00, v10  }
0x1a0: {  	(erf) = vrcp.f32 v9  }
0x1a1: {  	(erf) = vrcp.f32 v10;
	_ =	sdelay $0x4  }
0x1a2: {  	v9 =	vld [tilespmem:s16+$0x77E0];
	_ =	sdelay $0x2  }
0x1a3: {  	v10 =	vpop (erf)  }
0x1a4: {  	v8 =	vmul.f32 v10, v8;
	v10 =	vpop (erf)  }
0x1a5: {  	v11 =	vunpack.i.l.bf16.f32 v9;
	v7 =	vmul.f32 v10, v7  }
0x1a6: {  	v9 =	vunpack.i.u.bf16.f32 v9;
	v8 =	vmul.f32 v8, v11  }
0x1a7: {  	v7 =	vmul.f32 v7, v9  }
0x1a8: {  	[tilespmem:s18+$0xBBA0] =	vst.add.f32.msk $0xffff, v8  }
0x1a9: {  	[tilespmem:s18+$0xBBE0] =	vst.add.f32.msk $0xffff, v7  }
0x1aa: {  	v7 =	vld [tilespmem:s19+$0x13B0]  }
0x1ab: {  	v8 =	vld [tilespmem:s19+$0x43B0];
	_ =	sdelay $0x1  }
0x1ac: {  	v9 =	vld [tilespmem:s16+$0x73B0];
	_ =	sdelay $0x2  }
0x1ad: {  	v10 =	vunpack.i.l.bf16.f32 v7;
	v11 =	vunpack.i.l.bf16.f32 v8  }
0x1ae: {  	v7 =	vunpack.i.u.bf16.f32 v7;
	v8 =	vunpack.i.u.bf16.f32 v8;
	v10 =	vadd.f32 v11, v10  }
0x1af: {  	v7 =	vadd.f32 v8, v7;
	v8 =	vunpack.i.l.bf16.f32 v9  }
0x1b0: {  	v9 =	vunpack.i.u.bf16.f32 v9;
	v8 =	vadd.f32 v8, v10  }
0x1b1: {  	v7 =	vadd.f32 v9, v7  }
0x1b2: {  	v9 =	vsub.f32 $0.0e+00, v8  }
0x1b3: {  	v10 =	vsub.f32 $0.0e+00, v7  }
0x1b4: {  	v9 =	vmul.f32 $1.442695020e+00, v9  }
0x1b5: {  	v10 =	vmul.f32 $1.442695020e+00, v10  }
0x1b6: {  	(erf) = vpow2.f32 v9  }
0x1b7: {  	(erf) = vpow2.f32 v10;
	_ =	sdelay $0x7  }
0x1b8: {  	v9 =	vpop (erf)  }
0x1b9: {  	v9 =	vadd.f32 $1.000000000e+00, v9;
	v10 =	vpop (erf)  }
0x1ba: {  	v10 =	vadd.f32 $1.000000000e+00, v10  }
0x1bb: {  	(erf) = vrcp.f32 v9  }
0x1bc: {  	(erf) = vrcp.f32 v10;
	_ =	sdelay $0x4  }
0x1bd: {  	v9 =	vld [tilespmem:s16+$0x77F0];
	_ =	sdelay $0x2  }
0x1be: {  	v10 =	vpop (erf)  }
0x1bf: {  	v8 =	vmul.f32 v10, v8;
	v10 =	vpop (erf)  }
0x1c0: {  	v11 =	vunpack.i.l.bf16.f32 v9;
	v7 =	vmul.f32 v10, v7  }
0x1c1: {  	v9 =	vunpack.i.u.bf16.f32 v9;
	v8 =	vmul.f32 v8, v11  }
0x1c2: {  	v7 =	vmul.f32 v7, v9  }
0x1c3: {  	[tilespmem:s18+$0xBBB0] =	vst.add.f32.msk $0xffff, v8  }
0x1c4: {  	[tilespmem:s18+$0xBBF0] =	vst.add.f32.msk $0xffff, v7  }
0x1c5: {  	v7 =	vld [tilespmem:s19+$0x13C0]  }
0x1c6: {  	v8 =	vld [tilespmem:s19+$0x43C0];
	_ =	sdelay $0x1  }
0x1c7: {  	v9 =	vld [tilespmem:s16+$0x73C0];
	_ =	sdelay $0x2  }
0x1c8: {  	v10 =	vunpack.i.l.bf16.f32 v7;
	v11 =	vunpack.i.l.bf16.f32 v8  }
0x1c9: {  	v7 =	vunpack.i.u.bf16.f32 v7;
	v8 =	vunpack.i.u.bf16.f32 v8;
	v10 =	vadd.f32 v11, v10  }
0x1ca: {  	v7 =	vadd.f32 v8, v7;
	v8 =	vunpack.i.l.bf16.f32 v9  }
0x1cb: {  	v9 =	vunpack.i.u.bf16.f32 v9;
	v8 =	vadd.f32 v8, v10  }
0x1cc: {  	v7 =	vadd.f32 v9, v7  }
0x1cd: {  	v8 =	vsub.f32 $0.0e+00, v8  }
0x1ce: {  	v7 =	vsub.f32 $0.0e+00, v7  }
0x1cf: {  	v8 =	vmul.f32 $1.442695020e+00, v8  }
0x1d0: {  	v7 =	vmul.f32 $1.442695020e+00, v7  }
0x1d1: {  	(erf) = vpow2.f32 v8  }
0x1d2: {  	(erf) = vpow2.f32 v7;
	_ =	sdelay $0x5  }
0x1d3: {  	v9 =	vld [tilespmem:s19+$0x4780]  }
0x1d4: {  	v7 =	vld [tilespmem:s19+$0x1780]  }
0x1d5: {  	v8 =	vpop (erf)  }
0x1d6: {  	v11 =	vld [tilespmem:s16+$0x7780];
	v8 =	vadd.f32 $1.000000000e+00, v8;
	v10 =	vpop (erf)  }
0x1d7: {  	v10 =	vadd.f32 $1.000000000e+00, v10  }
0x1d8: {  	(erf) = vrcp.f32 v8;
	v8 =	vld [tilespmem:s16+$0x7B80]  }
0x1d9: {  	v12 =	vunpack.i.l.bf16.f32 v9;
	(erf) = vrcp.f32 v10;
	v10 =	vunpack.i.l.bf16.f32 v7  }
0x1da: {  	v9 =	vunpack.i.u.bf16.f32 v9;
	v7 =	vunpack.i.u.bf16.f32 v7;
	v10 =	vadd.f32 v12, v10  }
0x1db: {  	v57 =	vunpack.i.l.bf16.f32 v11;
	v7 =	vadd.f32 v9, v7  }
0x1dc: {  	v9 =	vadd.f32 v57, v10;
	v10 =	vunpack.i.u.bf16.f32 v11  }
0x1dd: {  	v7 =	vadd.f32 v10, v7;
	v10 =	vunpack.i.l.bf16.f32 v8  }
0x1de: {  	v8 =	vunpack.i.u.bf16.f32 v8;
	v9 =	vmul.f32 v10, v9;
	_ =	sdelay $0x2  }
0x1df: {  	v7 =	vmul.f32 v8, v7;
	v8 =	vpop (erf)  }
0x1e0: {  	v8 =	vmul.f32 v9, v8;
	v9 =	vpop (erf)  }
0x1e1: {  	v7 =	vmul.f32 v7, v9  }
0x1e2: {  	[tilespmem:s18+$0xBC00] =	vst.add.f32.msk $0xffff, v8  }
0x1e3: {  	[tilespmem:s18+$0xBC40] =	vst.add.f32.msk $0xffff, v7  }
0x1e4: {  	v7 =	vld [tilespmem:s19+$0x43D0]  }
0x1e5: {  	v8 =	vld [tilespmem:s19+$0x13D0];
	_ =	sdelay $0x1  }
0x1e6: {  	v9 =	vld [tilespmem:s16+$0x73D0];
	_ =	sdelay $0x2  }
0x1e7: {  	v10 =	vunpack.i.l.bf16.f32 v8;
	v11 =	vunpack.i.l.bf16.f32 v7  }
0x1e8: {  	v7 =	vunpack.i.u.bf16.f32 v7;
	v8 =	vunpack.i.u.bf16.f32 v8;
	v10 =	vadd.f32 v11, v10  }
0x1e9: {  	v7 =	vadd.f32 v7, v8;
	v8 =	vunpack.i.l.bf16.f32 v9  }
0x1ea: {  	v9 =	vunpack.i.u.bf16.f32 v9;
	v8 =	vadd.f32 v8, v10  }
0x1eb: {  	v7 =	vadd.f32 v9, v7  }
0x1ec: {  	v8 =	vsub.f32 $0.0e+00, v8  }
0x1ed: {  	v7 =	vsub.f32 $0.0e+00, v7  }
0x1ee: {  	v8 =	vmul.f32 $1.442695020e+00, v8  }
0x1ef: {  	v7 =	vmul.f32 $1.442695020e+00, v7  }
0x1f0: {  	(erf) = vpow2.f32 v8  }
0x1f1: {  	(erf) = vpow2.f32 v7;
	_ =	sdelay $0x5  }
0x1f2: {  	v9 =	vld [tilespmem:s19+$0x4790]  }
0x1f3: {  	v7 =	vld [tilespmem:s19+$0x1790]  }
0x1f4: {  	v8 =	vpop (erf)  }
0x1f5: {  	v11 =	vld [tilespmem:s16+$0x7790];
	v8 =	vadd.f32 $1.000000000e+00, v8;
	v10 =	vpop (erf)  }
0x1f6: {  	v10 =	vadd.f32 $1.000000000e+00, v10  }
0x1f7: {  	(erf) = vrcp.f32 v8;
	v8 =	vld [tilespmem:s16+$0x7B90]  }
0x1f8: {  	v58 =	vunpack.i.l.bf16.f32 v9;
	(erf) = vrcp.f32 v10;
	v10 =	vunpack.i.l.bf16.f32 v7  }
0x1f9: {  	v9 =	vunpack.i.u.bf16.f32 v9;
	v7 =	vunpack.i.u.bf16.f32 v7;
	v10 =	vadd.f32 v58, v10  }
0x1fa: {  	v59 =	vunpack.i.l.bf16.f32 v11;
	v7 =	vadd.f32 v9, v7  }
0x1fb: {  	v9 =	vadd.f32 v59, v10;
	v10 =	vunpack.i.u.bf16.f32 v11  }
0x1fc: {  	v7 =	vadd.f32 v10, v7;
	v10 =	vunpack.i.l.bf16.f32 v8  }
0x1fd: {  	v8 =	vunpack.i.u.bf16.f32 v8;
	v9 =	vmul.f32 v10, v9;
	_ =	sdelay $0x2  }
0x1fe: {  	v7 =	vmul.f32 v8, v7;
	v8 =	vpop (erf)  }
0x1ff: {  	v8 =	vmul.f32 v9, v8;
	v9 =	vpop (erf)  }
0x200: {  	v7 =	vmul.f32 v7, v9  }
0x201: {  	[tilespmem:s18+$0xBC10] =	vst.add.f32.msk $0xffff, v8  }
0x202: {  	[tilespmem:s18+$0xBC50] =	vst.add.f32.msk $0xffff, v7  }
0x203: {  	v7 =	vld [tilespmem:s19+$0x13E0]  }
0x204: {  	v8 =	vld [tilespmem:s19+$0x43E0];
	_ =	sdelay $0x1  }
0x205: {  	v9 =	vld [tilespmem:s16+$0x73E0];
	_ =	sdelay $0x2  }
0x206: {  	v10 =	vunpack.i.l.bf16.f32 v7;
	v11 =	vunpack.i.l.bf16.f32 v8  }
0x207: {  	v7 =	vunpack.i.u.bf16.f32 v7;
	v8 =	vunpack.i.u.bf16.f32 v8;
	v10 =	vadd.f32 v11, v10  }
0x208: {  	v7 =	vadd.f32 v8, v7;
	v8 =	vunpack.i.l.bf16.f32 v9  }
0x209: {  	v9 =	vunpack.i.u.bf16.f32 v9;
	v8 =	vadd.f32 v8, v10  }
0x20a: {  	v7 =	vadd.f32 v9, v7  }
0x20b: {  	v8 =	vsub.f32 $0.0e+00, v8  }
0x20c: {  	v7 =	vsub.f32 $0.0e+00, v7  }
0x20d: {  	v8 =	vmul.f32 $1.442695020e+00, v8  }
0x20e: {  	v7 =	vmul.f32 $1.442695020e+00, v7  }
0x20f: {  	(erf) = vpow2.f32 v8  }
0x210: {  	(erf) = vpow2.f32 v7;
	_ =	sdelay $0x5  }
0x211: {  	v9 =	vld [tilespmem:s19+$0x47A0]  }
0x212: {  	v7 =	vld [tilespmem:s19+$0x17A0]  }
0x213: {  	v8 =	vpop (erf)  }
0x214: {  	v11 =	vld [tilespmem:s16+$0x77A0];
	v8 =	vadd.f32 $1.000000000e+00, v8;
	v10 =	vpop (erf)  }
0x215: {  	v10 =	vadd.f32 $1.000000000e+00, v10  }
0x216: {  	(erf) = vrcp.f32 v8;
	v8 =	vld [tilespmem:s16+$0x7BA0]  }
0x217: {  	v60 =	vunpack.i.l.bf16.f32 v9;
	(erf) = vrcp.f32 v10;
	v10 =	vunpack.i.l.bf16.f32 v7  }
0x218: {  	v10 =	vadd.f32 v60, v10  }
0x219: {  	v61 =	vunpack.i.l.bf16.f32 v11;
	v9 =	vunpack.i.u.bf16.f32 v9;
	v7 =	vunpack.i.u.bf16.f32 v7  }
0x21a: {  	v7 =	vadd.f32 v9, v7;
	v9 =	vadd.f32 v61, v10  }
0x21b: {  	v10 =	vunpack.i.u.bf16.f32 v11;
	v11 =	vunpack.i.l.bf16.f32 v8  }
0x21c: {  	v8 =	vunpack.i.u.bf16.f32 v8;
	v9 =	vmul.f32 v11, v9  }
0x21d: {  	v7 =	vadd.f32 v10, v7;
	_ =	sdelay $0x1  }
0x21e: {  	v7 =	vmul.f32 v8, v7;
	v8 =	vpop (erf)  }
0x21f: {  	v8 =	vmul.f32 v9, v8;
	v9 =	vpop (erf)  }
0x220: {  	v7 =	vmul.f32 v7, v9  }
0x221: {  	[tilespmem:s18+$0xBC20] =	vst.add.f32.msk $0xffff, v8  }
0x222: {  	[tilespmem:s18+$0xBC60] =	vst.add.f32.msk $0xffff, v7  }
0x223: {  	v7 =	vld [tilespmem:s19+$0x43F0]  }
0x224: {  	v8 =	vld [tilespmem:s19+$0x13F0];
	_ =	sdelay $0x1  }
0x225: {  	v9 =	vld [tilespmem:s16+$0x73F0];
	_ =	sdelay $0x2  }
0x226: {  	v10 =	vunpack.i.l.bf16.f32 v8;
	v11 =	vunpack.i.l.bf16.f32 v7  }
0x227: {  	v62 =	vld [tilespmem:s19+$0x17B0];
	v7 =	vunpack.i.u.bf16.f32 v7;
	v8 =	vunpack.i.u.bf16.f32 v8;
	v10 =	vadd.f32 v11, v10  }
0x228: {  	v11 =	vld [tilespmem:s19+$0x47B0];
	v8 =	vadd.f32 v7, v8;
	v7 =	vunpack.i.l.bf16.f32 v9  }
0x229: {  	v9 =	vunpack.i.u.bf16.f32 v9;
	v10 =	vadd.f32 v7, v10  }
0x22a: {  	v7 =	vld [tilespmem:s16+$0x77B0];
	v8 =	vadd.f32 v9, v8  }
0x22b: {  	v9 =	vsub.f32 $0.0e+00, v10  }
0x22c: {  	v8 =	vsub.f32 $0.0e+00, v8  }
0x22d: {  	v13 =	vunpack.i.u.bf16.f32 v62;
	v10 =	vunpack.i.u.bf16.f32 v11;
	v9 =	vmul.f32 $1.442695020e+00, v9  }
0x22e: {  	v12 =	vunpack.i.l.bf16.f32 v62;
	v10 =	vadd.f32 v10, v13;
	v63 =	vmul.f32 $1.442695020e+00, v8  }
0x22f: {  	v11 =	vunpack.i.l.bf16.f32 v11;
	v14 =	vunpack.i.u.bf16.f32 v7;
	(erf) = vpow2.f32 v9  }
0x230: {  	s20 =	simm.s32 $0x0;
	s19 =	simm.s32 $0x1;
	v8 =	vld [tilespmem:s16+$0x7BB0];
	s16 =	smov.u32 s21;
	v9 =	vadd.f32 v11, v12;
	v10 =	vadd.f32 v14, v10;
	(erf) = vpow2.f32 v63  }
.LBB2_9:
0x231: {  	_ =	sdelay $0x5  }
0x232: {  	p0 =	sne.s32 s19, $0x2F;
	s20 =	sadd.s32 $0x80, s20;
	s16 =	sadd.s32 $0x1, s16  }
0x233: {  	s22 =	smov.u32 s19;
	s19 =	sadd.s32 $0x1, s19;
	v11 =	vpop (erf)  }
0x234: {  	v11 =	vadd.f32 $1.000000000e+00, v11;
	v12 =	vpop (erf)  }
0x235: {  	v12 =	vadd.f32 $1.000000000e+00, v12  }
0x236: {  	(erf) = vrcp.f32 v11  }
0x237: {  	(erf) = vrcp.f32 v12;
	_ =	sdelay $0x3  }
0x238: {  	v7 =	vunpack.i.l.bf16.f32 v7  }
0x239: {  	v7 =	vadd.f32 v7, v9  }
0x23a: {  	v11 =	vunpack.i.u.bf16.f32 v8;
	v8 =	vunpack.i.l.bf16.f32 v8  }
0x23b: {  	v7 =	vmul.f32 v8, v7;
	v8 =	vmul.f32 v11, v10  }
0x23c: {  	v9 =	vpop (erf)  }
0x23d: {  	v7 =	vmul.f32 v7, v9;
	v9 =	vpop (erf)  }
0x23e: {  	s22 =	sshrl.u32 s22, $0x3;
	v8 =	vmul.f32 v8, v9  }
0x23f: {  	s24 =	sand.u32 $0x380, s20;
	s23 =	sshll.u32 s22, $0xB;
	s22 =	smul.u32 $0x3000, s22;
	[tilespmem:s18+$0xBC30] =	vst.add.f32.msk $0xffff, v7  }
0x240: {  	s23 =	sor.u32 s24, s23;
	[tilespmem:s18+$0xBC70] =	vst.add.f32.msk $0xffff, v8  }
0x241: {  	s18 =	sshra.s32 s22, $0x2;
	v7 =	vld [tilespmem:s23+$0x1380]  }
0x242: {  	s22 =	sor.u32 s24, s18;
	v8 =	vld [tilespmem:s23+$0x4380]  }
0x243: {  	v9 =	vld [tilespmem:s22+$0x7380];
	_ =	sdelay $0x2  }
0x244: {  	v10 =	vunpack.i.u.bf16.f32 v7;
	v7 =	vunpack.i.l.bf16.f32 v7  }
0x245: {  	v11 =	vunpack.i.u.bf16.f32 v8;
	v8 =	vunpack.i.l.bf16.f32 v8  }
0x246: {  	v12 =	vunpack.i.u.bf16.f32 v9;
	v9 =	vunpack.i.l.bf16.f32 v9;
	v7 =	vadd.f32 v8, v7  }
0x247: {  	v8 =	vadd.f32 v11, v10  }
0x248: {  	v7 =	vadd.f32 v9, v7  }
0x249: {  	v8 =	vadd.f32 v12, v8  }
0x24a: {  	v9 =	vsub.f32 $0.0e+00, v7  }
0x24b: {  	v10 =	vsub.f32 $0.0e+00, v8  }
0x24c: {  	v9 =	vmul.f32 $1.442695020e+00, v9  }
0x24d: {  	v10 =	vmul.f32 $1.442695020e+00, v10  }
0x24e: {  	(erf) = vpow2.f32 v9  }
0x24f: {  	(erf) = vpow2.f32 v10  }
0x250: {  	v9 =	vld [tilespmem:s16+$0x0];
	_ =	sdelay $0x4  }
0x251: {  	(v2sf) =	vpush v9, $0x0;
	_ =	sdelay $0x1  }
0x252: {  	v9 =	vpop (erf)  }
0x253: {  	v9 =	vadd.f32 $1.000000000e+00, v9;
	v10 =	vpop (erf)  }
0x254: {  	v10 =	vadd.f32 $1.000000000e+00, v10  }
0x255: {  	(erf) = vrcp.f32 v9  }
0x256: {  	(erf) = vrcp.f32 v10;
	_ =	sdelay $0x3  }
0x257: {  	v9 =	vld [tilespmem:s22+$0x77C0];
	_ =	sdelay $0x3  }
0x258: {  	v10 =	vpop (erf)  }
0x259: {  	v11 =	vunpack.i.u.bf16.f32 v9;
	v9 =	vunpack.i.l.bf16.f32 v9;
	v7 =	vmul.f32 v10, v7;
	s18 =	spop (v2sf);
	v10 =	vpop (erf)  }
0x25a: {  	s18 =	ssub.s32 s18, s6;
	v8 =	vmul.f32 v10, v8  }
0x25b: {  	v7 =	vmul.f32 v7, v9;
	s18 =	sshll.u32 s18, $0xA  }
0x25c: {  	v8 =	vmul.f32 v8, v11;
	s18 =	sshra.s32 s18, $0x2  }
0x25d: {  	[tilespmem:s18+$0xBB80] =	vst.add.f32.msk $0xffff, v7  }
0x25e: {  	[tilespmem:s18+$0xBBC0] =	vst.add.f32.msk $0xffff, v8  }
0x25f: {  	v7 =	vld [tilespmem:s22+$0x7390]  }
0x260: {  	v8 =	vld [tilespmem:s23+$0x1390]  }
0x261: {  	v9 =	vld [tilespmem:s23+$0x4390];
	_ =	sdelay $0x2  }
0x262: {  	v10 =	vunpack.i.l.bf16.f32 v7  }
0x263: {  	v11 =	vunpack.i.u.bf16.f32 v8;
	v8 =	vunpack.i.l.bf16.f32 v8  }
0x264: {  	v12 =	vunpack.i.u.bf16.f32 v9;
	v9 =	vunpack.i.l.bf16.f32 v9  }
0x265: {  	v8 =	vadd.f32 v9, v8;
	v9 =	vadd.f32 v12, v11  }
0x266: {  	v7 =	vunpack.i.u.bf16.f32 v7  }
0x267: {  	v8 =	vadd.f32 v10, v8;
	v7 =	vadd.f32 v7, v9;
	_ =	sdelay $0x1  }
0x268: {  	v9 =	vsub.f32 $0.0e+00, v8;
	v10 =	vsub.f32 $0.0e+00, v7;
	_ =	sdelay $0x1  }
0x269: {  	v9 =	vmul.f32 $1.442695020e+00, v9;
	v10 =	vmul.f32 $1.442695020e+00, v10;
	_ =	sdelay $0x1  }
0x26a: {  	(erf) = vpow2.f32 v9  }
0x26b: {  	(erf) = vpow2.f32 v10;
	_ =	sdelay $0x7  }
0x26c: {  	v9 =	vpop (erf)  }
0x26d: {  	v9 =	vadd.f32 $1.000000000e+00, v9;
	v10 =	vpop (erf)  }
0x26e: {  	v10 =	vadd.f32 $1.000000000e+00, v10  }
0x26f: {  	(erf) = vrcp.f32 v9  }
0x270: {  	(erf) = vrcp.f32 v10;
	_ =	sdelay $0x4  }
0x271: {  	v9 =	vld [tilespmem:s22+$0x77D0];
	_ =	sdelay $0x2  }
0x272: {  	v10 =	vpop (erf)  }
0x273: {  	v8 =	vmul.f32 v10, v8;
	v10 =	vpop (erf)  }
0x274: {  	v11 =	vunpack.i.l.bf16.f32 v9;
	v7 =	vmul.f32 v10, v7  }
0x275: {  	v9 =	vunpack.i.u.bf16.f32 v9;
	v8 =	vmul.f32 v8, v11  }
0x276: {  	v7 =	vmul.f32 v7, v9  }
0x277: {  	[tilespmem:s18+$0xBB90] =	vst.add.f32.msk $0xffff, v8  }
0x278: {  	[tilespmem:s18+$0xBBD0] =	vst.add.f32.msk $0xffff, v7  }
0x279: {  	v7 =	vld [tilespmem:s23+$0x13A0]  }
0x27a: {  	v8 =	vld [tilespmem:s23+$0x43A0]  }
0x27b: {  	v9 =	vld [tilespmem:s22+$0x73A0];
	_ =	sdelay $0x2  }
0x27c: {  	v10 =	vunpack.i.l.bf16.f32 v7  }
0x27d: {  	v7 =	vunpack.i.u.bf16.f32 v7;
	v11 =	vunpack.i.u.bf16.f32 v8;
	v8 =	vunpack.i.l.bf16.f32 v8  }
0x27e: {  	v8 =	vadd.f32 v8, v10;
	v7 =	vadd.f32 v11, v7  }
0x27f: {  	v10 =	vunpack.i.u.bf16.f32 v9;
	v9 =	vunpack.i.l.bf16.f32 v9  }
0x280: {  	v8 =	vadd.f32 v9, v8;
	v7 =	vadd.f32 v10, v7;
	_ =	sdelay $0x1  }
0x281: {  	v9 =	vsub.f32 $0.0e+00, v8;
	v10 =	vsub.f32 $0.0e+00, v7;
	_ =	sdelay $0x1  }
0x282: {  	v9 =	vmul.f32 $1.442695020e+00, v9;
	v10 =	vmul.f32 $1.442695020e+00, v10;
	_ =	sdelay $0x1  }
0x283: {  	(erf) = vpow2.f32 v9  }
0x284: {  	(erf) = vpow2.f32 v10;
	_ =	sdelay $0x7  }
0x285: {  	v9 =	vpop (erf)  }
0x286: {  	v9 =	vadd.f32 $1.000000000e+00, v9;
	v10 =	vpop (erf)  }
0x287: {  	v10 =	vadd.f32 $1.000000000e+00, v10  }
0x288: {  	(erf) = vrcp.f32 v9  }
0x289: {  	(erf) = vrcp.f32 v10;
	_ =	sdelay $0x4  }
0x28a: {  	v9 =	vld [tilespmem:s22+$0x77E0];
	_ =	sdelay $0x2  }
0x28b: {  	v10 =	vpop (erf)  }
0x28c: {  	v8 =	vmul.f32 v10, v8;
	v10 =	vpop (erf)  }
0x28d: {  	v11 =	vunpack.i.l.bf16.f32 v9;
	v7 =	vmul.f32 v10, v7  }
0x28e: {  	v9 =	vunpack.i.u.bf16.f32 v9;
	v8 =	vmul.f32 v8, v11  }
0x28f: {  	v7 =	vmul.f32 v7, v9  }
0x290: {  	[tilespmem:s18+$0xBBA0] =	vst.add.f32.msk $0xffff, v8  }
0x291: {  	[tilespmem:s18+$0xBBE0] =	vst.add.f32.msk $0xffff, v7  }
0x292: {  	v7 =	vld [tilespmem:s23+$0x13B0]  }
0x293: {  	v8 =	vld [tilespmem:s23+$0x43B0]  }
0x294: {  	v9 =	vld [tilespmem:s22+$0x73B0];
	_ =	sdelay $0x2  }
0x295: {  	v10 =	vunpack.i.u.bf16.f32 v7  }
0x296: {  	v7 =	vunpack.i.l.bf16.f32 v7;
	v11 =	vunpack.i.u.bf16.f32 v8;
	v8 =	vunpack.i.l.bf16.f32 v8  }
0x297: {  	v7 =	vadd.f32 v8, v7;
	v8 =	vadd.f32 v11, v10  }
0x298: {  	v10 =	vunpack.i.u.bf16.f32 v9;
	v9 =	vunpack.i.l.bf16.f32 v9  }
0x299: {  	v7 =	vadd.f32 v9, v7;
	v8 =	vadd.f32 v10, v8;
	_ =	sdelay $0x1  }
0x29a: {  	v9 =	vsub.f32 $0.0e+00, v7;
	v10 =	vsub.f32 $0.0e+00, v8;
	_ =	sdelay $0x1  }
0x29b: {  	v9 =	vmul.f32 $1.442695020e+00, v9;
	v10 =	vmul.f32 $1.442695020e+00, v10;
	_ =	sdelay $0x1  }
0x29c: {  	(erf) = vpow2.f32 v9  }
0x29d: {  	(erf) = vpow2.f32 v10;
	_ =	sdelay $0x7  }
0x29e: {  	v9 =	vpop (erf)  }
0x29f: {  	v9 =	vadd.f32 $1.000000000e+00, v9;
	v10 =	vpop (erf)  }
0x2a0: {  	v10 =	vadd.f32 $1.000000000e+00, v10  }
0x2a1: {  	(erf) = vrcp.f32 v9  }
0x2a2: {  	(erf) = vrcp.f32 v10;
	_ =	sdelay $0x4  }
0x2a3: {  	v9 =	vld [tilespmem:s22+$0x77F0];
	_ =	sdelay $0x2  }
0x2a4: {  	v10 =	vpop (erf)  }
0x2a5: {  	v7 =	vmul.f32 v10, v7;
	v10 =	vpop (erf)  }
0x2a6: {  	v11 =	vunpack.i.l.bf16.f32 v9;
	v8 =	vmul.f32 v10, v8  }
0x2a7: {  	v9 =	vunpack.i.u.bf16.f32 v9;
	v7 =	vmul.f32 v7, v11  }
0x2a8: {  	v8 =	vmul.f32 v8, v9  }
0x2a9: {  	[tilespmem:s18+$0xBBB0] =	vst.add.f32.msk $0xffff, v7  }
0x2aa: {  	[tilespmem:s18+$0xBBF0] =	vst.add.f32.msk $0xffff, v8  }
0x2ab: {  	v7 =	vld [tilespmem:s23+$0x13C0]  }
0x2ac: {  	v8 =	vld [tilespmem:s23+$0x43C0]  }
0x2ad: {  	v9 =	vld [tilespmem:s22+$0x73C0]  }
0x2ae: {  	v10 =	vld [tilespmem:s23+$0x1780]  }
0x2af: {  	v11 =	vld [tilespmem:s23+$0x4780]  }
0x2b0: {  	v12 =	vunpack.i.l.bf16.f32 v7;
	v13 =	vld [tilespmem:s22+$0x7780]  }
0x2b1: {  	v7 =	vunpack.i.u.bf16.f32 v7;
	v14 =	vunpack.i.u.bf16.f32 v8;
	v8 =	vunpack.i.l.bf16.f32 v8;
	v15 =	vld [tilespmem:s22+$0x7B80]  }
0x2b2: {  	v8 =	vadd.f32 v8, v12;
	v7 =	vadd.f32 v14, v7  }
0x2b3: {  	v12 =	vunpack.i.u.bf16.f32 v9;
	v9 =	vunpack.i.l.bf16.f32 v9;
	v14 =	vunpack.i.l.bf16.f32 v10  }
0x2b4: {  	v16 =	vunpack.i.l.bf16.f32 v11;
	v8 =	vadd.f32 v9, v8;
	v7 =	vadd.f32 v12, v7  }
0x2b5: {  	v9 =	vunpack.i.u.bf16.f32 v10;
	v10 =	vunpack.i.u.bf16.f32 v11;
	v11 =	vadd.f32 v16, v14  }
0x2b6: {  	v12 =	vunpack.i.l.bf16.f32 v13;
	v8 =	vsub.f32 $0.0e+00, v8;
	v7 =	vsub.f32 $0.0e+00, v7  }
0x2b7: {  	v9 =	vadd.f32 v10, v9;
	v11 =	vadd.f32 v12, v11  }
0x2b8: {  	v10 =	vunpack.i.u.bf16.f32 v13;
	v8 =	vmul.f32 $1.442695020e+00, v8;
	v7 =	vmul.f32 $1.442695020e+00, v7  }
0x2b9: {  	v9 =	vadd.f32 v10, v9  }
0x2ba: {  	(erf) = vpow2.f32 v8  }
0x2bb: {  	(erf) = vpow2.f32 v7;
	_ =	sdelay $0x7  }
0x2bc: {  	v7 =	vpop (erf)  }
0x2bd: {  	v7 =	vadd.f32 $1.000000000e+00, v7;
	v8 =	vpop (erf)  }
0x2be: {  	v8 =	vadd.f32 $1.000000000e+00, v8  }
0x2bf: {  	(erf) = vrcp.f32 v7  }
0x2c0: {  	(erf) = vrcp.f32 v8;
	_ =	sdelay $0x5  }
0x2c1: {  	v7 =	vunpack.i.l.bf16.f32 v15  }
0x2c2: {  	v8 =	vunpack.i.u.bf16.f32 v15;
	v7 =	vmul.f32 v7, v11  }
0x2c3: {  	v8 =	vmul.f32 v8, v9;
	v9 =	vpop (erf)  }
0x2c4: {  	v7 =	vmul.f32 v7, v9;
	v9 =	vpop (erf)  }
0x2c5: {  	v8 =	vmul.f32 v8, v9  }
0x2c6: {  	[tilespmem:s18+$0xBC00] =	vst.add.f32.msk $0xffff, v7  }
0x2c7: {  	[tilespmem:s18+$0xBC40] =	vst.add.f32.msk $0xffff, v8  }
0x2c8: {  	v7 =	vld [tilespmem:s23+$0x43D0]  }
0x2c9: {  	v8 =	vld [tilespmem:s23+$0x13D0]  }
0x2ca: {  	v9 =	vld [tilespmem:s22+$0x73D0]  }
0x2cb: {  	v10 =	vld [tilespmem:s23+$0x1790]  }
0x2cc: {  	v11 =	vld [tilespmem:s23+$0x4790]  }
0x2cd: {  	v12 =	vunpack.i.u.bf16.f32 v7;
	v13 =	vld [tilespmem:s22+$0x7790]  }
0x2ce: {  	v7 =	vunpack.i.l.bf16.f32 v7;
	v14 =	vunpack.i.u.bf16.f32 v8;
	v8 =	vunpack.i.l.bf16.f32 v8;
	v15 =	vld [tilespmem:s22+$0x7B90]  }
0x2cf: {  	v7 =	vadd.f32 v7, v8;
	v8 =	vadd.f32 v12, v14  }
0x2d0: {  	v12 =	vunpack.i.u.bf16.f32 v9;
	v9 =	vunpack.i.l.bf16.f32 v9;
	v14 =	vunpack.i.l.bf16.f32 v10  }
0x2d1: {  	v16 =	vunpack.i.l.bf16.f32 v11;
	v7 =	vadd.f32 v9, v7;
	v8 =	vadd.f32 v12, v8  }
0x2d2: {  	v9 =	vunpack.i.u.bf16.f32 v10;
	v10 =	vunpack.i.u.bf16.f32 v11;
	v11 =	vadd.f32 v16, v14  }
0x2d3: {  	v12 =	vunpack.i.l.bf16.f32 v13;
	v7 =	vsub.f32 $0.0e+00, v7;
	v8 =	vsub.f32 $0.0e+00, v8  }
0x2d4: {  	v9 =	vadd.f32 v10, v9;
	v11 =	vadd.f32 v12, v11  }
0x2d5: {  	v10 =	vunpack.i.u.bf16.f32 v13;
	v7 =	vmul.f32 $1.442695020e+00, v7;
	v8 =	vmul.f32 $1.442695020e+00, v8  }
0x2d6: {  	v9 =	vadd.f32 v10, v9  }
0x2d7: {  	(erf) = vpow2.f32 v7  }
0x2d8: {  	(erf) = vpow2.f32 v8;
	_ =	sdelay $0x7  }
0x2d9: {  	v7 =	vpop (erf)  }
0x2da: {  	v7 =	vadd.f32 $1.000000000e+00, v7;
	v8 =	vpop (erf)  }
0x2db: {  	v8 =	vadd.f32 $1.000000000e+00, v8  }
0x2dc: {  	(erf) = vrcp.f32 v7  }
0x2dd: {  	(erf) = vrcp.f32 v8;
	_ =	sdelay $0x5  }
0x2de: {  	v7 =	vunpack.i.l.bf16.f32 v15  }
0x2df: {  	v8 =	vunpack.i.u.bf16.f32 v15;
	v7 =	vmul.f32 v7, v11  }
0x2e0: {  	v8 =	vmul.f32 v8, v9;
	v9 =	vpop (erf)  }
0x2e1: {  	v7 =	vmul.f32 v7, v9;
	v9 =	vpop (erf)  }
0x2e2: {  	v8 =	vmul.f32 v8, v9  }
0x2e3: {  	[tilespmem:s18+$0xBC10] =	vst.add.f32.msk $0xffff, v7  }
0x2e4: {  	[tilespmem:s18+$0xBC50] =	vst.add.f32.msk $0xffff, v8  }
0x2e5: {  	v7 =	vld [tilespmem:s23+$0x13E0]  }
0x2e6: {  	v8 =	vld [tilespmem:s23+$0x43E0]  }
0x2e7: {  	v9 =	vld [tilespmem:s22+$0x73E0]  }
0x2e8: {  	v10 =	vld [tilespmem:s23+$0x17A0]  }
0x2e9: {  	v11 =	vld [tilespmem:s23+$0x47A0]  }
0x2ea: {  	v12 =	vunpack.i.l.bf16.f32 v7;
	v13 =	vld [tilespmem:s22+$0x77A0]  }
0x2eb: {  	v7 =	vunpack.i.u.bf16.f32 v7;
	v14 =	vunpack.i.u.bf16.f32 v8;
	v8 =	vunpack.i.l.bf16.f32 v8;
	v15 =	vld [tilespmem:s22+$0x7BA0]  }
0x2ec: {  	v8 =	vadd.f32 v8, v12;
	v7 =	vadd.f32 v14, v7  }
0x2ed: {  	v12 =	vunpack.i.u.bf16.f32 v9;
	v9 =	vunpack.i.l.bf16.f32 v9;
	v14 =	vunpack.i.l.bf16.f32 v10  }
0x2ee: {  	v16 =	vunpack.i.l.bf16.f32 v11;
	v8 =	vadd.f32 v9, v8;
	v7 =	vadd.f32 v12, v7  }
0x2ef: {  	v9 =	vunpack.i.u.bf16.f32 v10;
	v10 =	vunpack.i.u.bf16.f32 v11;
	v11 =	vadd.f32 v16, v14  }
0x2f0: {  	v12 =	vunpack.i.l.bf16.f32 v13;
	v8 =	vsub.f32 $0.0e+00, v8;
	v7 =	vsub.f32 $0.0e+00, v7  }
0x2f1: {  	v9 =	vadd.f32 v10, v9;
	v11 =	vadd.f32 v12, v11  }
0x2f2: {  	v8 =	vmul.f32 $1.442695020e+00, v8;
	v7 =	vmul.f32 $1.442695020e+00, v7;
	_ =	sdelay $0x1  }
0x2f3: {  	(erf) = vpow2.f32 v8  }
0x2f4: {  	(erf) = vpow2.f32 v7;
	_ =	sdelay $0x7  }
0x2f5: {  	v7 =	vpop (erf)  }
0x2f6: {  	v7 =	vadd.f32 $1.000000000e+00, v7;
	v8 =	vpop (erf)  }
0x2f7: {  	v8 =	vadd.f32 $1.000000000e+00, v8  }
0x2f8: {  	(erf) = vrcp.f32 v7  }
0x2f9: {  	(erf) = vrcp.f32 v8;
	_ =	sdelay $0x4  }
0x2fa: {  	v7 =	vunpack.i.u.bf16.f32 v13  }
0x2fb: {  	v8 =	vunpack.i.l.bf16.f32 v15;
	v7 =	vadd.f32 v7, v9  }
0x2fc: {  	v10 =	vunpack.i.u.bf16.f32 v15;
	v8 =	vmul.f32 v8, v11  }
0x2fd: {  	v7 =	vmul.f32 v10, v7;
	v9 =	vpop (erf)  }
0x2fe: {  	v8 =	vmul.f32 v8, v9;
	v9 =	vpop (erf)  }
0x2ff: {  	v7 =	vmul.f32 v7, v9  }
0x300: {  	[tilespmem:s18+$0xBC20] =	vst.add.f32.msk $0xffff, v8  }
0x301: {  	[tilespmem:s18+$0xBC60] =	vst.add.f32.msk $0xffff, v7  }
0x302: {  	v8 =	vld [tilespmem:s23+$0x43F0]  }
0x303: {  	v9 =	vld [tilespmem:s23+$0x13F0]  }
0x304: {  	v10 =	vld [tilespmem:s22+$0x73F0]  }
0x305: {  	v11 =	vld [tilespmem:s23+$0x17B0]  }
0x306: {  	v12 =	vld [tilespmem:s23+$0x47B0]  }
0x307: {  	v13 =	vunpack.i.u.bf16.f32 v8;
	v7 =	vld [tilespmem:s22+$0x77B0]  }
0x308: {  	v15 =	vunpack.i.l.bf16.f32 v8;
	v14 =	vunpack.i.u.bf16.f32 v9;
	v9 =	vunpack.i.l.bf16.f32 v9;
	v8 =	vld [tilespmem:s22+$0x7BB0]  }
0x309: {  	v9 =	vadd.f32 v15, v9;
	v13 =	vadd.f32 v13, v14  }
0x30a: {  	v14 =	vunpack.i.u.bf16.f32 v10;
	v10 =	vunpack.i.l.bf16.f32 v10;
	v15 =	vunpack.i.l.bf16.f32 v11  }
0x30b: {  	v16 =	vunpack.i.l.bf16.f32 v12;
	v10 =	vadd.f32 v10, v9;
	v13 =	vadd.f32 v14, v13  }
0x30c: {  	v12 =	vunpack.i.u.bf16.f32 v12;
	v9 =	vadd.f32 v16, v15  }
0x30d: {  	v11 =	vunpack.i.u.bf16.f32 v11;
	v10 =	vsub.f32 $0.0e+00, v10;
	v13 =	vsub.f32 $0.0e+00, v13  }
.Ltmp7:
0x30e: {  	v11 =	vadd.f32 v12, v11;
	(pc) =	sbr.rel @p0 .LBB2_9-.Ltmp7, $4  }
0x30f: {  	v12 =	vunpack.i.u.bf16.f32 v7;
	v14 =	vmul.f32 $1.442695020e+00, v10;
	v13 =	vmul.f32 $1.442695020e+00, v13  }
0x310: {  	v10 =	vadd.f32 v12, v11  }
0x311: {  	(erf) = vpow2.f32 v14  }
0x312: {  	(erf) = vpow2.f32 v13  }
0x313: {  	_ =	sdelay $0x6  }
0x314: {  	v11 =	vpop (erf)  }
0x315: {  	v11 =	vadd.f32 $1.000000000e+00, v11;
	v12 =	vpop (erf)  }
0x316: {  	v12 =	vadd.f32 $1.000000000e+00, v12  }
0x317: {  	(erf) = vrcp.f32 v11  }
0x318: {  	(erf) = vrcp.f32 v12;
	_ =	sdelay $0x3  }
0x319: {  	v7 =	vunpack.i.l.bf16.f32 v7  }
0x31a: {  	v7 =	vadd.f32 v7, v9  }
0x31b: {  	v61 =	vunpack.i.l.bf16.f32 v8;
	s17 =	sadd.s32 $0x1, s17  }
0x31c: {  	v8 =	vunpack.i.u.bf16.f32 v8;
	p0 =	sne.s32 s17, s14;
	v7 =	vmul.f32 v61, v7  }
.Ltmp8:
0x31d: {  	v8 =	vmul.f32 v8, v10;
	v62 =	vpop (erf);
	(pc) =	sbr.rel @p0 .LBB2_8-.Ltmp8, $4  }
0x31e: {  	v7 =	vmul.f32 v7, v62;
	v63 =	vpop (erf)  }
0x31f: {  	v8 =	vmul.f32 v8, v63  }
0x320: {  	[tilespmem:s18+$0xBC30] =	vst.add.f32.msk $0xffff, v7  }
0x321: {  	s21 =	sadd.s32 $0x30, s21;
	[tilespmem:s18+$0xBC70] =	vst.add.f32.msk $0xffff, v8  }
0x322: {  	s14 =	smul.u32 $0x30, s14;
	_ =	sdelay $0x1  }
0x323: {  	v7 =	vld [tilespmem:s14+$0xA00]  }
0x324: {  	v8 =	vld [tilespmem:s14+$0xD00]  }
0x325: {  	v9 =	vld [tilespmem:s14+$0x1000];
	_ =	sdelay $0x2  }
0x326: {  	[tilespmem:$0xA00] =	vst v7  }
0x327: {  	[tilespmem:$0xD00] =	vst v8  }
0x328: {  	[tilespmem:$0x1000] =	vst v9  }
0x329: {  	v7 =	vld [tilespmem:s14+$0xA10]  }
0x32a: {  	v8 =	vld [tilespmem:s14+$0xD10]  }
0x32b: {  	v9 =	vld [tilespmem:s14+$0x1010];
	_ =	sdelay $0x2  }
0x32c: {  	[tilespmem:$0xA10] =	vst v7  }
0x32d: {  	[tilespmem:$0xD10] =	vst v8  }
0x32e: {  	[tilespmem:$0x1010] =	vst v9  }
0x32f: {  	v7 =	vld [tilespmem:s14+$0xA20]  }
0x330: {  	v8 =	vld [tilespmem:s14+$0xD20]  }
0x331: {  	v9 =	vld [tilespmem:s14+$0x1020]  }
.Ltmp9:
0x332: {  	_ = 	snop;
	(pc) =	sbr.rel .LBB2_12-.Ltmp9, $4  }
0x333: {  	_ = 	snop  }
0x334: {  	[tilespmem:$0xA20] =	vst v7  }
0x335: {  	[tilespmem:$0xD20] =	vst v8  }
0x336: {  	s13 =	ssub.s32 s13, s14;
	[tilespmem:$0x1020] =	vst v9  }
.LBB2_13:
0x337: {  	s11 =	sadd.s32 $0x2F, s13  }
0x338: {  	s14 =	smulhi.u32 $0x2AAAAAAB, s11;
	s15 =	sshra.s32 s11, $0x1F  }
0x339: {  	s15 =	smul.u32 $0x2AAAAAAB, s15;
	_ =	sdelay $0x1  }
0x33a: {  	s14 =	sadd.s32 s15, s14  }
0x33b: {  	s15 =	sshrl.u32 s14, $0x1F;
	s14 =	sshra.s32 s14, $0x3  }
0x33c: {  	s14 =	sadd.s32 s15, s14  }
0x33d: {  	s15 =	smul.u32 $0xFFFFFFD0, s14  }
0x33e: {  	s16 =	ssub.s32 $0xFFFFFFD1, s13  }
0x33f: {  	p0 =	slt.s32 s11, $0x1;
	p1 =	sne.s32 s15, s16  }
0x340: {  	p0 =	por !p0, !p1  }
0x341: {  	[tilespmem:s13+$0xA00] =	vst v3;
	s11 =	simm.s32 $0x1;
	p0 =	por !p0, !p0  }
0x342: {  	[tilespmem:s13+$0xD00] =	vst v0;
	s11 =	simm.s32 @!p0 $0x0  }
0x343: {  	[tilespmem:s13+$0x1000] =	vst v3;
	s11 =	ssub.s32 s14, s11  }
0x344: {  	[tilespmem:s13+$0xA10] =	vst v3;
	p0 =	slt.s32 s11, $0x1  }
.Ltmp10:
0x345: {  	[tilespmem:s13+$0xD10] =	vst v0;
	(pc) =	sbr.rel @p0 .LBB2_17-.Ltmp10, $4  }
0x346: {  	[tilespmem:s13+$0x1010] =	vst v3  }
0x347: {  	[tilespmem:s13+$0xA20] =	vst v3  }
0x348: {  	[tilespmem:s13+$0xD20] =	vst v0  }
0x349: {  	[tilespmem:s13+$0x1020] =	vst v3;
	s13 =	simm.s32 $0x0;
	s15 =	simm.s32 $0x0;
	s14 =	simm.s32 $0xD00  }
.LBB2_14:
0x34a: {  	s16 =	smul.u32 $0x30, s15;
	_ =	sdelay $0x1  }
0x34b: {  	v7 =	vld [tilespmem:s16+$0xD00];
	_ =	sdelay $0x4  }
0x34c: {  	vm2 =	vlt.s32 v7, $0x27FF  }
0x34d: {  	v7 =	vnsel vm2, $0x27FF, v7  }
0x34e: {  	[tilespmem:$0x1300] =	vst v7  }
0x34f: {  	v8 =	vld [tilespmem:s16+$0xD10];
	_ =	sdelay $0x4  }
0x350: {  	vm2 =	vlt.s32 v8, $0x27FF  }
0x351: {  	v9 =	vshll.u32 v7, $0x1;
	v8 =	vnsel vm2, $0x27FF, v8  }
0x352: {  	v7 =	vand.u32 $0x7, v7;
	[tilespmem:$0x1310] =	vst v8;
	v8 =	vand.u32 $0xFFFFFFF0, v9  }
0x353: {  	v9 =	vld [tilespmem:s16+$0xD20];
	v7 =	vor.u32 v7, v8  }
0x354: {  	v8 =	vperm.xlane v7, v4;
	_ =	sdelay $0x1  }
0x355: {  	v7 =	vperm.xlane v7, v6;
	v8 =	vadd.s32 v5, v8;
	_ =	sdelay $0x1  }
0x356: {  	v7 =	vadd.s32 v5, v7;
	vm2 =	vlt.s32 v9, $0x27FF  }
0x357: {  	v9 =	vnsel vm2, $0x27FF, v9  }
0x358: {  	[tilespmem:$0x1320] =	vst v9  }
0x359: {  	[tilespmem:s25], [sflag:$0x1] =	stream.indirect_vreg.gather [hbm4b:s4+s13], $0x80, v8, vm0, $0xb8;
	[tilespmem:$0x1FC80] =	vst v63  }
0x35a: {  	_ = 	snop  }
0x35b: {  	[tilespmem:s26], [sflag:$0x1] =	stream.indirect_vreg.gather [hbm4b:s4+s13], $0x80, v7, vm0, $0xb8;
	[tilespmem:$0x1FC80] =	vst v63  }
0x35c: {  	v7 =	vld [tilespmem:$0x1310];
	_ =	sdelay $0x4  }
0x35d: {  	v8 =	vshll.u32 v7, $0x1  }
0x35e: {  	v7 =	vand.u32 $0x7, v7;
	v8 =	vand.u32 $0xFFFFFFF0, v8  }
0x35f: {  	v7 =	vor.u32 v7, v8  }
0x360: {  	v8 =	vperm.xlane v7, v4;
	_ =	sdelay $0x1  }
0x361: {  	v7 =	vperm.xlane v7, v6;
	v8 =	vadd.s32 v5, v8;
	_ =	sdelay $0x1  }
0x362: {  	v7 =	vadd.s32 v5, v7;
	_ =	sdelay $0x2  }
0x363: {  	[tilespmem:s28], [sflag:$0x1] =	stream.indirect_vreg.gather [hbm4b:s4+s13], $0x80, v8, vm0, $0xb8;
	[tilespmem:$0x1FC80] =	vst v63  }
0x364: {  	_ = 	snop  }
0x365: {  	[tilespmem:s29], [sflag:$0x1] =	stream.indirect_vreg.gather [hbm4b:s4+s13], $0x80, v7, vm0, $0xb8;
	[tilespmem:$0x1FC80] =	vst v63  }
0x366: {  	v7 =	vld [tilespmem:$0x1320];
	_ =	sdelay $0x4  }
0x367: {  	v8 =	vshll.u32 v7, $0x1  }
0x368: {  	v7 =	vand.u32 $0x7, v7;
	v8 =	vand.u32 $0xFFFFFFF0, v8  }
0x369: {  	v7 =	vor.u32 v7, v8  }
0x36a: {  	v8 =	vperm.xlane v7, v4;
	_ =	sdelay $0x1  }
0x36b: {  	v7 =	vperm.xlane v7, v6;
	v8 =	vadd.s32 v5, v8;
	_ =	sdelay $0x1  }
0x36c: {  	v7 =	vadd.s32 v5, v7;
	_ =	sdelay $0x1  }
0x36d: {  	s17 =	simm.s32 $0x3380  }
0x36e: {  	[tilespmem:s17], [sflag:$0x1] =	stream.indirect_vreg.gather [hbm4b:s4+s13], $0x80, v8, vm0, $0xb8;
	[tilespmem:$0x1FC80] =	vst v63  }
0x36f: {  	s18 =	simm.s32 $0x3B80  }
0x370: {  	[tilespmem:s18], [sflag:$0x1] =	stream.indirect_vreg.gather [hbm4b:s4+s13], $0x80, v7, vm0, $0xb8;
	[tilespmem:$0x1FC80] =	vst v63  }
0x371: {  	v7 =	vld [tilespmem:s16+$0x1000];
	_ =	sdelay $0x4  }
0x372: {  	v8 =	vshll.u32 v7, $0x1  }
0x373: {  	v7 =	vand.u32 $0x7, v7;
	v8 =	vand.u32 $0xFFFFFFF0, v8  }
0x374: {  	v7 =	vor.u32 v7, v8  }
0x375: {  	v8 =	vperm.xlane v7, v4;
	_ =	sdelay $0x1  }
0x376: {  	v7 =	vperm.xlane v7, v6;
	v8 =	vadd.s32 v5, v8;
	_ =	sdelay $0x1  }
0x377: {  	v7 =	vadd.s32 v5, v7;
	_ =	sdelay $0x1  }
0x378: {  	s19 =	simm.s32 $0x4380  }
0x379: {  	[tilespmem:s19], [sflag:$0x1] =	stream.indirect_vreg.gather [hbm4b:s5+s13], $0x80, v8, vm0, $0xb8;
	[tilespmem:$0x1FC80] =	vst v63  }
0x37a: {  	s20 =	simm.s32 $0x4B80  }
0x37b: {  	[tilespmem:s20], [sflag:$0x1] =	stream.indirect_vreg.gather [hbm4b:s5+s13], $0x80, v7, vm0, $0xb8;
	[tilespmem:$0x1FC80] =	vst v63  }
0x37c: {  	v7 =	vld [tilespmem:s16+$0x1010];
	_ =	sdelay $0x4  }
0x37d: {  	v8 =	vshll.u32 v7, $0x1  }
0x37e: {  	v7 =	vand.u32 $0x7, v7;
	v8 =	vand.u32 $0xFFFFFFF0, v8  }
0x37f: {  	v7 =	vor.u32 v7, v8  }
0x380: {  	v8 =	vperm.xlane v7, v4;
	_ =	sdelay $0x1  }
0x381: {  	v7 =	vperm.xlane v7, v6;
	v8 =	vadd.s32 v5, v8;
	_ =	sdelay $0x1  }
0x382: {  	v7 =	vadd.s32 v5, v7;
	_ =	sdelay $0x1  }
0x383: {  	s21 =	simm.s32 $0x5380  }
0x384: {  	[tilespmem:s21], [sflag:$0x1] =	stream.indirect_vreg.gather [hbm4b:s5+s13], $0x80, v8, vm0, $0xb8;
	[tilespmem:$0x1FC80] =	vst v63  }
0x385: {  	s22 =	simm.s32 $0x5B80  }
0x386: {  	[tilespmem:s22], [sflag:$0x1] =	stream.indirect_vreg.gather [hbm4b:s5+s13], $0x80, v7, vm0, $0xb8;
	[tilespmem:$0x1FC80] =	vst v63  }
0x387: {  	v7 =	vld [tilespmem:s16+$0x1020];
	_ =	sdelay $0x4  }
0x388: {  	v8 =	vshll.u32 v7, $0x1  }
0x389: {  	v7 =	vand.u32 $0x7, v7;
	v8 =	vand.u32 $0xFFFFFFF0, v8  }
0x38a: {  	v7 =	vor.u32 v7, v8  }
0x38b: {  	v8 =	vperm.xlane v7, v4;
	_ =	sdelay $0x1  }
0x38c: {  	v7 =	vperm.xlane v7, v6;
	v8 =	vadd.s32 v5, v8;
	_ =	sdelay $0x1  }
0x38d: {  	v7 =	vadd.s32 v5, v7;
	_ =	sdelay $0x1  }
0x38e: {  	s23 =	simm.s32 $0x6380  }
0x38f: {  	[tilespmem:s23], [sflag:$0x1] =	stream.indirect_vreg.gather [hbm4b:s5+s13], $0x80, v8, vm0, $0xb8;
	[tilespmem:$0x1FC80] =	vst v63  }
0x390: {  	s24 =	simm.s32 $0x6B80  }
0x391: {  	[tilespmem:s24], [sflag:$0x1] =	stream.indirect_vreg.gather [hbm4b:s5+s13], $0x80, v7, vm0, $0xb8;
	[tilespmem:$0x1FC80] =	vst v63  }
0x392: {  	v7 =	vld [tilespmem:s16+$0xA00];
	_ =	sdelay $0x4  }
0x393: {  	v8 =	vshrl.u32 v7, $0x3  }
0x394: {  	v8 =	vmul.u32 $0x18, v8  }
0x395: {  	v7 =	vand.u32 $0x7, v7  }
0x396: {  	v7 =	vor.u32 v7, v8  }
0x397: {  	v8 =	vperm.xlane v7, v4;
	_ =	sdelay $0x1  }
0x398: {  	v8 =	vadd.s32 v5, v8;
	_ =	sdelay $0x1  }
0x399: {  	v7 =	vperm.xlane v7, v6;
	_ =	sdelay $0x1  }
0x39a: {  	s18 =	simm.s32 $0x7380;
	v7 =	vadd.s32 v5, v7  }
0x39b: {  	[tilespmem:s18], [sflag:$0x1] =	stream.indirect_vreg.gather [hbm4b:s7+s13], $0x80, v8, vm0, $0xb8;
	[tilespmem:$0x1FC80] =	vst v63  }
0x39c: {  	s19 =	simm.s32 $0x7B80  }
0x39d: {  	[tilespmem:s19], [sflag:$0x1] =	stream.indirect_vreg.gather [hbm4b:s8+s13], $0x80, v8, vm1, $0xb8;
	[tilespmem:$0x1FC80] =	vst v63  }
0x39e: {  	s20 =	simm.s32 $0x7F80  }
0x39f: {  	[tilespmem:s20], [sflag:$0x1] =	stream.indirect_vreg.gather [hbm4b:s7+s13], $0x80, v7, vm0, $0xb8;
	[tilespmem:$0x1FC80] =	vst v63  }
0x3a0: {  	s21 =	simm.s32 $0x8780  }
0x3a1: {  	[tilespmem:s21], [sflag:$0x1] =	stream.indirect_vreg.gather [hbm4b:s8+s13], $0x80, v7, vm1, $0xb8;
	[tilespmem:$0x1FC80] =	vst v63  }
0x3a2: {  	v7 =	vld [tilespmem:s16+$0xA10];
	_ =	sdelay $0x4  }
0x3a3: {  	v8 =	vshrl.u32 v7, $0x3  }
0x3a4: {  	v8 =	vmul.u32 $0x18, v8  }
0x3a5: {  	v7 =	vand.u32 $0x7, v7  }
0x3a6: {  	v7 =	vor.u32 v7, v8  }
0x3a7: {  	v8 =	vperm.xlane v7, v4;
	_ =	sdelay $0x1  }
0x3a8: {  	v8 =	vadd.s32 v5, v8;
	_ =	sdelay $0x1  }
0x3a9: {  	v7 =	vperm.xlane v7, v6;
	_ =	sdelay $0x1  }
0x3aa: {  	v7 =	vadd.s32 v5, v7  }
0x3ab: {  	[tilespmem:s30], [sflag:$0x1] =	stream.indirect_vreg.gather [hbm4b:s7+s13], $0x80, v8, vm0, $0xb8;
	[tilespmem:$0x1FC80] =	vst v63  }
0x3ac: {  	_ = 	snop  }
0x3ad: {  	[tilespmem:s31], [sflag:$0x1] =	stream.indirect_vreg.gather [hbm4b:s8+s13], $0x80, v8, vm1, $0xb8;
	[tilespmem:$0x1FC80] =	vst v63  }
0x3ae: {  	_ = 	snop  }
0x3af: {  	[tilespmem:s0], [sflag:$0x1] =	stream.indirect_vreg.gather [hbm4b:s7+s13], $0x80, v7, vm0, $0xb8;
	[tilespmem:$0x1FC80] =	vst v63  }
0x3b0: {  	_ = 	snop  }
0x3b1: {  	[tilespmem:s2], [sflag:$0x1] =	stream.indirect_vreg.gather [hbm4b:s8+s13], $0x80, v7, vm1, $0xb8;
	[tilespmem:$0x1FC80] =	vst v63  }
0x3b2: {  	v7 =	vld [tilespmem:s16+$0xA20];
	_ =	sdelay $0x4  }
0x3b3: {  	v8 =	vshrl.u32 v7, $0x3  }
0x3b4: {  	v8 =	vmul.u32 $0x18, v8  }
0x3b5: {  	v7 =	vand.u32 $0x7, v7  }
0x3b6: {  	v7 =	vor.u32 v7, v8  }
0x3b7: {  	v8 =	vperm.xlane v7, v4;
	_ =	sdelay $0x1  }
0x3b8: {  	v8 =	vadd.s32 v5, v8;
	_ =	sdelay $0x1  }
0x3b9: {  	v7 =	vperm.xlane v7, v6;
	_ =	sdelay $0x1  }
0x3ba: {  	v7 =	vadd.s32 v5, v7  }
0x3bb: {  	[tilespmem:s3], [sflag:$0x1] =	stream.indirect_vreg.gather [hbm4b:s7+s13], $0x80, v8, vm0, $0xb8;
	[tilespmem:$0x1FC80] =	vst v63  }
0x3bc: {  	_ = 	snop  }
0x3bd: {  	[tilespmem:s9], [sflag:$0x1] =	stream.indirect_vreg.gather [hbm4b:s8+s13], $0x80, v8, vm1, $0xb8;
	[tilespmem:$0x1FC80] =	vst v63  }
0x3be: {  	_ = 	snop  }
0x3bf: {  	[tilespmem:s10], [sflag:$0x1] =	stream.indirect_vreg.gather [hbm4b:s7+s13], $0x80, v7, vm0, $0xb8;
	[tilespmem:$0x1FC80] =	vst v63  }
0x3c0: {  	_ = 	snop  }
0x3c1: {  	[tilespmem:s1], [sflag:$0x1] =	stream.indirect_vreg.gather [hbm4b:s8+s13], $0x80, v7, vm1, $0xb8;
	[tilespmem:$0x1FC80] =	vst v63  }
0x3c2: {  	_ =	swait.ge [sflag:s12], $0x3000  }
0x3c3: {  	[sflag:s12] =	ssyncset.done $0x0  }
0x3c4: {  	[sflag:s12] =	ssyncadd.s32 $0xFFFFD000  }
0x3c5: {  	_ =	swait.ge [sflag:s12], $0x3000  }
0x3c6: {  	[sflag:s12] =	ssyncset.done $0x0  }
0x3c7: {  	[sflag:s12] =	ssyncadd.s32 $0xFFFFD000  }
0x3c8: {  	s22 =	simm.s32 $0x0;
	_ =	swait.ge [sflag:s12], $0x4800  }
0x3c9: {  	s23 =	simm.s32 $0x0;
	s18 =	sand.u32 $0x380, s13;
	[sflag:s12] =	ssyncset.done $0x0  }
0x3ca: {  	s17 =	sor.u32 s18, s23;
	s16 =	smul.u32 $0x3000, s22;
	[sflag:s12] =	ssyncadd.s32 $0xFFFFB800  }
0x3cb: {  	v7 =	vld [tilespmem:s17+$0x1380]  }
0x3cc: {  	s16 =	sshra.s32 s16, $0x2;
	v8 =	vld [tilespmem:s17+$0x4380]  }
0x3cd: {  	s18 =	sor.u32 s18, s16  }
0x3ce: {  	v9 =	vld [tilespmem:s18+$0x7380];
	_ =	sdelay $0x2  }
0x3cf: {  	v10 =	vunpack.i.l.bf16.f32 v7;
	v11 =	vunpack.i.l.bf16.f32 v8  }
0x3d0: {  	v7 =	vunpack.i.u.bf16.f32 v7;
	v8 =	vunpack.i.u.bf16.f32 v8;
	v10 =	vadd.f32 v11, v10  }
0x3d1: {  	v11 =	vunpack.i.l.bf16.f32 v9;
	v7 =	vadd.f32 v8, v7  }
0x3d2: {  	v8 =	vunpack.i.u.bf16.f32 v9;
	v9 =	vadd.f32 v11, v10  }
0x3d3: {  	v7 =	vadd.f32 v8, v7  }
0x3d4: {  	v8 =	vsub.f32 $0.0e+00, v9  }
0x3d5: {  	v10 =	vsub.f32 $0.0e+00, v7  }
0x3d6: {  	v8 =	vmul.f32 $1.442695020e+00, v8  }
0x3d7: {  	v10 =	vmul.f32 $1.442695020e+00, v10  }
0x3d8: {  	(erf) = vpow2.f32 v8  }
0x3d9: {  	(erf) = vpow2.f32 v10  }
0x3da: {  	v8 =	vld [tilespmem:s14+$0x0];
	_ =	sdelay $0x4  }
0x3db: {  	(v2sf) =	vpush v8, $0x0;
	_ =	sdelay $0x1  }
0x3dc: {  	v8 =	vpop (erf)  }
0x3dd: {  	v8 =	vadd.f32 $1.000000000e+00, v8;
	v10 =	vpop (erf)  }
0x3de: {  	v10 =	vadd.f32 $1.000000000e+00, v10  }
0x3df: {  	(erf) = vrcp.f32 v8  }
0x3e0: {  	(erf) = vrcp.f32 v10;
	_ =	sdelay $0x4  }
0x3e1: {  	v8 =	vld [tilespmem:s18+$0x77C0];
	_ =	sdelay $0x2  }
0x3e2: {  	v10 =	vpop (erf)  }
0x3e3: {  	s24 =	spop (v2sf);
	v9 =	vmul.f32 v10, v9;
	v10 =	vpop (erf)  }
0x3e4: {  	v11 =	vunpack.i.l.bf16.f32 v8;
	s16 =	ssub.s32 s24, s6;
	v7 =	vmul.f32 v10, v7  }
0x3e5: {  	v8 =	vunpack.i.u.bf16.f32 v8;
	s16 =	sshll.u32 s16, $0xA;
	v9 =	vmul.f32 v9, v11  }
0x3e6: {  	s16 =	sshra.s32 s16, $0x2;
	v7 =	vmul.f32 v7, v8  }
0x3e7: {  	[tilespmem:s16+$0xBB80] =	vst.add.f32.msk $0xffff, v9  }
0x3e8: {  	[tilespmem:s16+$0xBBC0] =	vst.add.f32.msk $0xffff, v7  }
0x3e9: {  	v7 =	vld [tilespmem:s17+$0x1390]  }
0x3ea: {  	v8 =	vld [tilespmem:s17+$0x4390];
	_ =	sdelay $0x1  }
0x3eb: {  	v9 =	vld [tilespmem:s18+$0x7390];
	_ =	sdelay $0x2  }
0x3ec: {  	v10 =	vunpack.i.l.bf16.f32 v7;
	v11 =	vunpack.i.l.bf16.f32 v8  }
0x3ed: {  	v7 =	vunpack.i.u.bf16.f32 v7;
	v8 =	vunpack.i.u.bf16.f32 v8;
	v10 =	vadd.f32 v11, v10  }
0x3ee: {  	v11 =	vunpack.i.l.bf16.f32 v9;
	v7 =	vadd.f32 v8, v7  }
0x3ef: {  	v8 =	vunpack.i.u.bf16.f32 v9;
	v9 =	vadd.f32 v11, v10  }
0x3f0: {  	v7 =	vadd.f32 v8, v7  }
0x3f1: {  	v8 =	vsub.f32 $0.0e+00, v9  }
0x3f2: {  	v10 =	vsub.f32 $0.0e+00, v7  }
0x3f3: {  	v8 =	vmul.f32 $1.442695020e+00, v8  }
0x3f4: {  	v10 =	vmul.f32 $1.442695020e+00, v10  }
0x3f5: {  	(erf) = vpow2.f32 v8  }
0x3f6: {  	(erf) = vpow2.f32 v10;
	_ =	sdelay $0x7  }
0x3f7: {  	v8 =	vpop (erf)  }
0x3f8: {  	v8 =	vadd.f32 $1.000000000e+00, v8;
	v10 =	vpop (erf)  }
0x3f9: {  	v10 =	vadd.f32 $1.000000000e+00, v10  }
0x3fa: {  	(erf) = vrcp.f32 v8  }
0x3fb: {  	(erf) = vrcp.f32 v10;
	_ =	sdelay $0x4  }
0x3fc: {  	v8 =	vld [tilespmem:s18+$0x77D0];
	_ =	sdelay $0x2  }
0x3fd: {  	v10 =	vpop (erf)  }
0x3fe: {  	v9 =	vmul.f32 v10, v9;
	v10 =	vpop (erf)  }
0x3ff: {  	v11 =	vunpack.i.l.bf16.f32 v8;
	v7 =	vmul.f32 v10, v7  }
0x400: {  	v8 =	vunpack.i.u.bf16.f32 v8;
	v9 =	vmul.f32 v9, v11  }
0x401: {  	v7 =	vmul.f32 v7, v8  }
0x402: {  	[tilespmem:s16+$0xBB90] =	vst.add.f32.msk $0xffff, v9  }
0x403: {  	[tilespmem:s16+$0xBBD0] =	vst.add.f32.msk $0xffff, v7  }
0x404: {  	v7 =	vld [tilespmem:s17+$0x13A0]  }
0x405: {  	v8 =	vld [tilespmem:s17+$0x43A0];
	_ =	sdelay $0x1  }
0x406: {  	v9 =	vld [tilespmem:s18+$0x73A0];
	_ =	sdelay $0x2  }
0x407: {  	v10 =	vunpack.i.l.bf16.f32 v7;
	v11 =	vunpack.i.l.bf16.f32 v8  }
0x408: {  	v7 =	vunpack.i.u.bf16.f32 v7;
	v8 =	vunpack.i.u.bf16.f32 v8;
	v10 =	vadd.f32 v11, v10  }
0x409: {  	v7 =	vadd.f32 v8, v7;
	v8 =	vunpack.i.l.bf16.f32 v9  }
0x40a: {  	v9 =	vunpack.i.u.bf16.f32 v9;
	v8 =	vadd.f32 v8, v10  }
0x40b: {  	v7 =	vadd.f32 v9, v7  }
0x40c: {  	v9 =	vsub.f32 $0.0e+00, v8  }
0x40d: {  	v10 =	vsub.f32 $0.0e+00, v7  }
0x40e: {  	v9 =	vmul.f32 $1.442695020e+00, v9  }
0x40f: {  	v10 =	vmul.f32 $1.442695020e+00, v10  }
0x410: {  	(erf) = vpow2.f32 v9  }
0x411: {  	(erf) = vpow2.f32 v10;
	_ =	sdelay $0x7  }
0x412: {  	v9 =	vpop (erf)  }
0x413: {  	v9 =	vadd.f32 $1.000000000e+00, v9;
	v10 =	vpop (erf)  }
0x414: {  	v10 =	vadd.f32 $1.000000000e+00, v10  }
0x415: {  	(erf) = vrcp.f32 v9  }
0x416: {  	(erf) = vrcp.f32 v10;
	_ =	sdelay $0x4  }
0x417: {  	v9 =	vld [tilespmem:s18+$0x77E0];
	_ =	sdelay $0x2  }
0x418: {  	v10 =	vpop (erf)  }
0x419: {  	v8 =	vmul.f32 v10, v8;
	v10 =	vpop (erf)  }
0x41a: {  	v11 =	vunpack.i.l.bf16.f32 v9;
	v7 =	vmul.f32 v10, v7  }
0x41b: {  	v9 =	vunpack.i.u.bf16.f32 v9;
	v8 =	vmul.f32 v8, v11  }
0x41c: {  	v7 =	vmul.f32 v7, v9  }
0x41d: {  	[tilespmem:s16+$0xBBA0] =	vst.add.f32.msk $0xffff, v8  }
0x41e: {  	[tilespmem:s16+$0xBBE0] =	vst.add.f32.msk $0xffff, v7  }
0x41f: {  	v7 =	vld [tilespmem:s17+$0x13B0]  }
0x420: {  	v8 =	vld [tilespmem:s17+$0x43B0];
	_ =	sdelay $0x1  }
0x421: {  	v9 =	vld [tilespmem:s18+$0x73B0];
	_ =	sdelay $0x2  }
0x422: {  	v10 =	vunpack.i.l.bf16.f32 v7;
	v11 =	vunpack.i.l.bf16.f32 v8  }
0x423: {  	v7 =	vunpack.i.u.bf16.f32 v7;
	v8 =	vunpack.i.u.bf16.f32 v8;
	v10 =	vadd.f32 v11, v10  }
0x424: {  	v7 =	vadd.f32 v8, v7;
	v8 =	vunpack.i.l.bf16.f32 v9  }
0x425: {  	v9 =	vunpack.i.u.bf16.f32 v9;
	v8 =	vadd.f32 v8, v10  }
0x426: {  	v7 =	vadd.f32 v9, v7  }
0x427: {  	v9 =	vsub.f32 $0.0e+00, v8  }
0x428: {  	v10 =	vsub.f32 $0.0e+00, v7  }
0x429: {  	v9 =	vmul.f32 $1.442695020e+00, v9  }
0x42a: {  	v10 =	vmul.f32 $1.442695020e+00, v10  }
0x42b: {  	(erf) = vpow2.f32 v9  }
0x42c: {  	(erf) = vpow2.f32 v10;
	_ =	sdelay $0x7  }
0x42d: {  	v9 =	vpop (erf)  }
0x42e: {  	v9 =	vadd.f32 $1.000000000e+00, v9;
	v10 =	vpop (erf)  }
0x42f: {  	v10 =	vadd.f32 $1.000000000e+00, v10  }
0x430: {  	(erf) = vrcp.f32 v9  }
0x431: {  	(erf) = vrcp.f32 v10;
	_ =	sdelay $0x4  }
0x432: {  	v9 =	vld [tilespmem:s18+$0x77F0];
	_ =	sdelay $0x2  }
0x433: {  	v10 =	vpop (erf)  }
0x434: {  	v8 =	vmul.f32 v10, v8;
	v10 =	vpop (erf)  }
0x435: {  	v11 =	vunpack.i.l.bf16.f32 v9;
	v7 =	vmul.f32 v10, v7  }
0x436: {  	v9 =	vunpack.i.u.bf16.f32 v9;
	v8 =	vmul.f32 v8, v11  }
0x437: {  	v7 =	vmul.f32 v7, v9  }
0x438: {  	[tilespmem:s16+$0xBBB0] =	vst.add.f32.msk $0xffff, v8  }
0x439: {  	[tilespmem:s16+$0xBBF0] =	vst.add.f32.msk $0xffff, v7  }
0x43a: {  	v7 =	vld [tilespmem:s17+$0x13C0]  }
0x43b: {  	v8 =	vld [tilespmem:s17+$0x43C0];
	_ =	sdelay $0x1  }
0x43c: {  	v9 =	vld [tilespmem:s18+$0x73C0];
	_ =	sdelay $0x2  }
0x43d: {  	v10 =	vunpack.i.l.bf16.f32 v7;
	v11 =	vunpack.i.l.bf16.f32 v8  }
0x43e: {  	v7 =	vunpack.i.u.bf16.f32 v7;
	v8 =	vunpack.i.u.bf16.f32 v8;
	v10 =	vadd.f32 v11, v10  }
0x43f: {  	v7 =	vadd.f32 v8, v7;
	v8 =	vunpack.i.l.bf16.f32 v9  }
0x440: {  	v9 =	vunpack.i.u.bf16.f32 v9;
	v8 =	vadd.f32 v8, v10  }
0x441: {  	v7 =	vadd.f32 v9, v7  }
0x442: {  	v8 =	vsub.f32 $0.0e+00, v8  }
0x443: {  	v7 =	vsub.f32 $0.0e+00, v7  }
0x444: {  	v8 =	vmul.f32 $1.442695020e+00, v8  }
0x445: {  	v7 =	vmul.f32 $1.442695020e+00, v7  }
0x446: {  	(erf) = vpow2.f32 v8  }
0x447: {  	(erf) = vpow2.f32 v7;
	_ =	sdelay $0x5  }
0x448: {  	v9 =	vld [tilespmem:s17+$0x4780]  }
0x449: {  	v7 =	vld [tilespmem:s17+$0x1780]  }
0x44a: {  	v8 =	vpop (erf)  }
0x44b: {  	v11 =	vld [tilespmem:s18+$0x7780];
	v8 =	vadd.f32 $1.000000000e+00, v8;
	v10 =	vpop (erf)  }
0x44c: {  	v10 =	vadd.f32 $1.000000000e+00, v10  }
0x44d: {  	(erf) = vrcp.f32 v8;
	v8 =	vld [tilespmem:s18+$0x7B80]  }
0x44e: {  	v12 =	vunpack.i.l.bf16.f32 v9;
	(erf) = vrcp.f32 v10;
	v10 =	vunpack.i.l.bf16.f32 v7  }
0x44f: {  	v9 =	vunpack.i.u.bf16.f32 v9;
	v7 =	vunpack.i.u.bf16.f32 v7;
	v10 =	vadd.f32 v12, v10  }
0x450: {  	v57 =	vunpack.i.l.bf16.f32 v11;
	v7 =	vadd.f32 v9, v7  }
0x451: {  	v9 =	vadd.f32 v57, v10;
	v10 =	vunpack.i.u.bf16.f32 v11  }
0x452: {  	v7 =	vadd.f32 v10, v7;
	v10 =	vunpack.i.l.bf16.f32 v8  }
0x453: {  	v8 =	vunpack.i.u.bf16.f32 v8;
	v9 =	vmul.f32 v10, v9;
	_ =	sdelay $0x2  }
0x454: {  	v7 =	vmul.f32 v8, v7;
	v8 =	vpop (erf)  }
0x455: {  	v8 =	vmul.f32 v9, v8;
	v9 =	vpop (erf)  }
0x456: {  	v7 =	vmul.f32 v7, v9  }
0x457: {  	[tilespmem:s16+$0xBC00] =	vst.add.f32.msk $0xffff, v8  }
0x458: {  	[tilespmem:s16+$0xBC40] =	vst.add.f32.msk $0xffff, v7  }
0x459: {  	v7 =	vld [tilespmem:s17+$0x43D0]  }
0x45a: {  	v8 =	vld [tilespmem:s17+$0x13D0];
	_ =	sdelay $0x1  }
0x45b: {  	v9 =	vld [tilespmem:s18+$0x73D0];
	_ =	sdelay $0x2  }
0x45c: {  	v10 =	vunpack.i.l.bf16.f32 v8;
	v11 =	vunpack.i.l.bf16.f32 v7  }
0x45d: {  	v7 =	vunpack.i.u.bf16.f32 v7;
	v8 =	vunpack.i.u.bf16.f32 v8;
	v10 =	vadd.f32 v11, v10  }
0x45e: {  	v7 =	vadd.f32 v7, v8;
	v8 =	vunpack.i.l.bf16.f32 v9  }
0x45f: {  	v9 =	vunpack.i.u.bf16.f32 v9;
	v8 =	vadd.f32 v8, v10  }
0x460: {  	v7 =	vadd.f32 v9, v7  }
0x461: {  	v8 =	vsub.f32 $0.0e+00, v8  }
0x462: {  	v7 =	vsub.f32 $0.0e+00, v7  }
0x463: {  	v8 =	vmul.f32 $1.442695020e+00, v8  }
0x464: {  	v7 =	vmul.f32 $1.442695020e+00, v7  }
0x465: {  	(erf) = vpow2.f32 v8  }
0x466: {  	(erf) = vpow2.f32 v7;
	_ =	sdelay $0x5  }
0x467: {  	v9 =	vld [tilespmem:s17+$0x4790]  }
0x468: {  	v7 =	vld [tilespmem:s17+$0x1790]  }
0x469: {  	v8 =	vpop (erf)  }
0x46a: {  	v11 =	vld [tilespmem:s18+$0x7790];
	v8 =	vadd.f32 $1.000000000e+00, v8;
	v10 =	vpop (erf)  }
0x46b: {  	v10 =	vadd.f32 $1.000000000e+00, v10  }
0x46c: {  	(erf) = vrcp.f32 v8;
	v8 =	vld [tilespmem:s18+$0x7B90]  }
0x46d: {  	v58 =	vunpack.i.l.bf16.f32 v9;
	(erf) = vrcp.f32 v10;
	v10 =	vunpack.i.l.bf16.f32 v7  }
0x46e: {  	v9 =	vunpack.i.u.bf16.f32 v9;
	v7 =	vunpack.i.u.bf16.f32 v7;
	v10 =	vadd.f32 v58, v10  }
0x46f: {  	v59 =	vunpack.i.l.bf16.f32 v11;
	v7 =	vadd.f32 v9, v7  }
0x470: {  	v9 =	vadd.f32 v59, v10;
	v10 =	vunpack.i.u.bf16.f32 v11  }
0x471: {  	v7 =	vadd.f32 v10, v7;
	v10 =	vunpack.i.l.bf16.f32 v8  }
0x472: {  	v8 =	vunpack.i.u.bf16.f32 v8;
	v9 =	vmul.f32 v10, v9;
	_ =	sdelay $0x2  }
0x473: {  	v7 =	vmul.f32 v8, v7;
	v8 =	vpop (erf)  }
0x474: {  	v8 =	vmul.f32 v9, v8;
	v9 =	vpop (erf)  }
0x475: {  	v7 =	vmul.f32 v7, v9  }
0x476: {  	[tilespmem:s16+$0xBC10] =	vst.add.f32.msk $0xffff, v8  }
0x477: {  	[tilespmem:s16+$0xBC50] =	vst.add.f32.msk $0xffff, v7  }
0x478: {  	v7 =	vld [tilespmem:s17+$0x13E0]  }
0x479: {  	v8 =	vld [tilespmem:s17+$0x43E0];
	_ =	sdelay $0x1  }
0x47a: {  	v9 =	vld [tilespmem:s18+$0x73E0];
	_ =	sdelay $0x2  }
0x47b: {  	v10 =	vunpack.i.l.bf16.f32 v7;
	v11 =	vunpack.i.l.bf16.f32 v8  }
0x47c: {  	v7 =	vunpack.i.u.bf16.f32 v7;
	v8 =	vunpack.i.u.bf16.f32 v8;
	v10 =	vadd.f32 v11, v10  }
0x47d: {  	v7 =	vadd.f32 v8, v7;
	v8 =	vunpack.i.l.bf16.f32 v9  }
0x47e: {  	v9 =	vunpack.i.u.bf16.f32 v9;
	v8 =	vadd.f32 v8, v10  }
0x47f: {  	v7 =	vadd.f32 v9, v7  }
0x480: {  	v8 =	vsub.f32 $0.0e+00, v8  }
0x481: {  	v7 =	vsub.f32 $0.0e+00, v7  }
0x482: {  	v8 =	vmul.f32 $1.442695020e+00, v8  }
0x483: {  	v7 =	vmul.f32 $1.442695020e+00, v7  }
0x484: {  	(erf) = vpow2.f32 v8  }
0x485: {  	(erf) = vpow2.f32 v7;
	_ =	sdelay $0x5  }
0x486: {  	v9 =	vld [tilespmem:s17+$0x47A0]  }
0x487: {  	v7 =	vld [tilespmem:s17+$0x17A0]  }
0x488: {  	v8 =	vpop (erf)  }
0x489: {  	v11 =	vld [tilespmem:s18+$0x77A0];
	v8 =	vadd.f32 $1.000000000e+00, v8;
	v10 =	vpop (erf)  }
0x48a: {  	v10 =	vadd.f32 $1.000000000e+00, v10  }
0x48b: {  	(erf) = vrcp.f32 v8;
	v8 =	vld [tilespmem:s18+$0x7BA0]  }
0x48c: {  	v60 =	vunpack.i.l.bf16.f32 v9;
	(erf) = vrcp.f32 v10;
	v10 =	vunpack.i.l.bf16.f32 v7  }
0x48d: {  	v10 =	vadd.f32 v60, v10  }
0x48e: {  	v61 =	vunpack.i.l.bf16.f32 v11;
	v9 =	vunpack.i.u.bf16.f32 v9;
	v7 =	vunpack.i.u.bf16.f32 v7  }
0x48f: {  	v7 =	vadd.f32 v9, v7;
	v9 =	vadd.f32 v61, v10  }
0x490: {  	v10 =	vunpack.i.u.bf16.f32 v11;
	v11 =	vunpack.i.l.bf16.f32 v8  }
0x491: {  	v8 =	vunpack.i.u.bf16.f32 v8;
	v9 =	vmul.f32 v11, v9  }
0x492: {  	v7 =	vadd.f32 v10, v7;
	_ =	sdelay $0x1  }
0x493: {  	v7 =	vmul.f32 v8, v7;
	v8 =	vpop (erf)  }
0x494: {  	v8 =	vmul.f32 v9, v8;
	v9 =	vpop (erf)  }
0x495: {  	v7 =	vmul.f32 v7, v9  }
0x496: {  	[tilespmem:s16+$0xBC20] =	vst.add.f32.msk $0xffff, v8  }
0x497: {  	[tilespmem:s16+$0xBC60] =	vst.add.f32.msk $0xffff, v7  }
0x498: {  	v7 =	vld [tilespmem:s17+$0x43F0]  }
0x499: {  	v8 =	vld [tilespmem:s17+$0x13F0];
	_ =	sdelay $0x1  }
0x49a: {  	v9 =	vld [tilespmem:s18+$0x73F0];
	_ =	sdelay $0x2  }
0x49b: {  	v10 =	vunpack.i.l.bf16.f32 v8;
	v11 =	vunpack.i.l.bf16.f32 v7  }
0x49c: {  	v62 =	vld [tilespmem:s17+$0x17B0];
	v7 =	vunpack.i.u.bf16.f32 v7;
	v8 =	vunpack.i.u.bf16.f32 v8;
	v10 =	vadd.f32 v11, v10  }
0x49d: {  	v11 =	vld [tilespmem:s17+$0x47B0];
	v8 =	vadd.f32 v7, v8;
	v7 =	vunpack.i.l.bf16.f32 v9  }
0x49e: {  	v9 =	vunpack.i.u.bf16.f32 v9;
	v10 =	vadd.f32 v7, v10  }
0x49f: {  	v7 =	vld [tilespmem:s18+$0x77B0];
	v8 =	vadd.f32 v9, v8  }
0x4a0: {  	v9 =	vsub.f32 $0.0e+00, v10  }
0x4a1: {  	v8 =	vsub.f32 $0.0e+00, v8  }
0x4a2: {  	v13 =	vunpack.i.u.bf16.f32 v62;
	v10 =	vunpack.i.u.bf16.f32 v11;
	v9 =	vmul.f32 $1.442695020e+00, v9  }
0x4a3: {  	v12 =	vunpack.i.l.bf16.f32 v62;
	v10 =	vadd.f32 v10, v13;
	v63 =	vmul.f32 $1.442695020e+00, v8  }
0x4a4: {  	v11 =	vunpack.i.l.bf16.f32 v11;
	v14 =	vunpack.i.u.bf16.f32 v7;
	(erf) = vpow2.f32 v9  }
0x4a5: {  	s19 =	smov.u32 s14;
	s17 =	simm.s32 $0x1;
	v8 =	vld [tilespmem:s18+$0x7BB0];
	s18 =	simm.s32 $0x0;
	v9 =	vadd.f32 v11, v12;
	v10 =	vadd.f32 v14, v10;
	(erf) = vpow2.f32 v63  }
.LBB2_15:
0x4a6: {  	_ =	sdelay $0x5  }
0x4a7: {  	p0 =	sne.s32 s17, $0x2F;
	s18 =	sadd.s32 $0x80, s18;
	s19 =	sadd.s32 $0x1, s19  }
0x4a8: {  	s20 =	smov.u32 s17;
	s17 =	sadd.s32 $0x1, s17;
	v11 =	vpop (erf)  }
0x4a9: {  	v11 =	vadd.f32 $1.000000000e+00, v11;
	v12 =	vpop (erf)  }
0x4aa: {  	v12 =	vadd.f32 $1.000000000e+00, v12  }
0x4ab: {  	(erf) = vrcp.f32 v11  }
0x4ac: {  	(erf) = vrcp.f32 v12;
	_ =	sdelay $0x3  }
0x4ad: {  	v7 =	vunpack.i.l.bf16.f32 v7  }
0x4ae: {  	v7 =	vadd.f32 v7, v9  }
0x4af: {  	v11 =	vunpack.i.u.bf16.f32 v8;
	v8 =	vunpack.i.l.bf16.f32 v8  }
0x4b0: {  	v7 =	vmul.f32 v8, v7;
	v8 =	vmul.f32 v11, v10  }
0x4b1: {  	v9 =	vpop (erf)  }
0x4b2: {  	v7 =	vmul.f32 v7, v9;
	v9 =	vpop (erf)  }
0x4b3: {  	s20 =	sshrl.u32 s20, $0x3;
	v8 =	vmul.f32 v8, v9  }
0x4b4: {  	s22 =	sand.u32 $0x380, s18;
	s21 =	sshll.u32 s20, $0xB;
	s20 =	smul.u32 $0x3000, s20;
	[tilespmem:s16+$0xBC30] =	vst.add.f32.msk $0xffff, v7  }
0x4b5: {  	s21 =	sor.u32 s22, s21;
	[tilespmem:s16+$0xBC70] =	vst.add.f32.msk $0xffff, v8  }
0x4b6: {  	s16 =	sshra.s32 s20, $0x2;
	v7 =	vld [tilespmem:s21+$0x1380]  }
0x4b7: {  	s20 =	sor.u32 s22, s16;
	v8 =	vld [tilespmem:s21+$0x4380]  }
0x4b8: {  	v9 =	vld [tilespmem:s20+$0x7380];
	_ =	sdelay $0x2  }
0x4b9: {  	v10 =	vunpack.i.u.bf16.f32 v7;
	v7 =	vunpack.i.l.bf16.f32 v7  }
0x4ba: {  	v11 =	vunpack.i.u.bf16.f32 v8;
	v8 =	vunpack.i.l.bf16.f32 v8  }
0x4bb: {  	v12 =	vunpack.i.u.bf16.f32 v9;
	v9 =	vunpack.i.l.bf16.f32 v9;
	v7 =	vadd.f32 v8, v7  }
0x4bc: {  	v8 =	vadd.f32 v11, v10  }
0x4bd: {  	v7 =	vadd.f32 v9, v7  }
0x4be: {  	v8 =	vadd.f32 v12, v8  }
0x4bf: {  	v9 =	vsub.f32 $0.0e+00, v7  }
0x4c0: {  	v10 =	vsub.f32 $0.0e+00, v8  }
0x4c1: {  	v9 =	vmul.f32 $1.442695020e+00, v9  }
0x4c2: {  	v10 =	vmul.f32 $1.442695020e+00, v10  }
0x4c3: {  	(erf) = vpow2.f32 v9  }
0x4c4: {  	(erf) = vpow2.f32 v10  }
0x4c5: {  	v9 =	vld [tilespmem:s19+$0x0];
	_ =	sdelay $0x4  }
0x4c6: {  	(v2sf) =	vpush v9, $0x0;
	_ =	sdelay $0x1  }
0x4c7: {  	v9 =	vpop (erf)  }
0x4c8: {  	v9 =	vadd.f32 $1.000000000e+00, v9;
	v10 =	vpop (erf)  }
0x4c9: {  	v10 =	vadd.f32 $1.000000000e+00, v10  }
0x4ca: {  	(erf) = vrcp.f32 v9  }
0x4cb: {  	(erf) = vrcp.f32 v10;
	_ =	sdelay $0x3  }
0x4cc: {  	v9 =	vld [tilespmem:s20+$0x77C0];
	_ =	sdelay $0x3  }
0x4cd: {  	v10 =	vpop (erf)  }
0x4ce: {  	v11 =	vunpack.i.u.bf16.f32 v9;
	v9 =	vunpack.i.l.bf16.f32 v9;
	v7 =	vmul.f32 v10, v7;
	s16 =	spop (v2sf);
	v10 =	vpop (erf)  }
0x4cf: {  	s16 =	ssub.s32 s16, s6;
	v8 =	vmul.f32 v10, v8  }
0x4d0: {  	v7 =	vmul.f32 v7, v9;
	s16 =	sshll.u32 s16, $0xA  }
0x4d1: {  	v8 =	vmul.f32 v8, v11;
	s16 =	sshra.s32 s16, $0x2  }
0x4d2: {  	[tilespmem:s16+$0xBB80] =	vst.add.f32.msk $0xffff, v7  }
0x4d3: {  	[tilespmem:s16+$0xBBC0] =	vst.add.f32.msk $0xffff, v8  }
0x4d4: {  	v7 =	vld [tilespmem:s20+$0x7390]  }
0x4d5: {  	v8 =	vld [tilespmem:s21+$0x1390]  }
0x4d6: {  	v9 =	vld [tilespmem:s21+$0x4390];
	_ =	sdelay $0x2  }
0x4d7: {  	v10 =	vunpack.i.l.bf16.f32 v7  }
0x4d8: {  	v11 =	vunpack.i.u.bf16.f32 v8;
	v8 =	vunpack.i.l.bf16.f32 v8  }
0x4d9: {  	v12 =	vunpack.i.u.bf16.f32 v9;
	v9 =	vunpack.i.l.bf16.f32 v9  }
0x4da: {  	v8 =	vadd.f32 v9, v8;
	v9 =	vadd.f32 v12, v11  }
0x4db: {  	v7 =	vunpack.i.u.bf16.f32 v7  }
0x4dc: {  	v8 =	vadd.f32 v10, v8;
	v7 =	vadd.f32 v7, v9;
	_ =	sdelay $0x1  }
0x4dd: {  	v9 =	vsub.f32 $0.0e+00, v8;
	v10 =	vsub.f32 $0.0e+00, v7;
	_ =	sdelay $0x1  }
0x4de: {  	v9 =	vmul.f32 $1.442695020e+00, v9;
	v10 =	vmul.f32 $1.442695020e+00, v10;
	_ =	sdelay $0x1  }
0x4df: {  	(erf) = vpow2.f32 v9  }
0x4e0: {  	(erf) = vpow2.f32 v10;
	_ =	sdelay $0x7  }
0x4e1: {  	v9 =	vpop (erf)  }
0x4e2: {  	v9 =	vadd.f32 $1.000000000e+00, v9;
	v10 =	vpop (erf)  }
0x4e3: {  	v10 =	vadd.f32 $1.000000000e+00, v10  }
0x4e4: {  	(erf) = vrcp.f32 v9  }
0x4e5: {  	(erf) = vrcp.f32 v10;
	_ =	sdelay $0x4  }
0x4e6: {  	v9 =	vld [tilespmem:s20+$0x77D0];
	_ =	sdelay $0x2  }
0x4e7: {  	v10 =	vpop (erf)  }
0x4e8: {  	v8 =	vmul.f32 v10, v8;
	v10 =	vpop (erf)  }
0x4e9: {  	v11 =	vunpack.i.l.bf16.f32 v9;
	v7 =	vmul.f32 v10, v7  }
0x4ea: {  	v9 =	vunpack.i.u.bf16.f32 v9;
	v8 =	vmul.f32 v8, v11  }
0x4eb: {  	v7 =	vmul.f32 v7, v9  }
0x4ec: {  	[tilespmem:s16+$0xBB90] =	vst.add.f32.msk $0xffff, v8  }
0x4ed: {  	[tilespmem:s16+$0xBBD0] =	vst.add.f32.msk $0xffff, v7  }
0x4ee: {  	v7 =	vld [tilespmem:s21+$0x13A0]  }
0x4ef: {  	v8 =	vld [tilespmem:s21+$0x43A0]  }
0x4f0: {  	v9 =	vld [tilespmem:s20+$0x73A0];
	_ =	sdelay $0x2  }
0x4f1: {  	v10 =	vunpack.i.l.bf16.f32 v7  }
0x4f2: {  	v7 =	vunpack.i.u.bf16.f32 v7;
	v11 =	vunpack.i.u.bf16.f32 v8;
	v8 =	vunpack.i.l.bf16.f32 v8  }
0x4f3: {  	v8 =	vadd.f32 v8, v10;
	v7 =	vadd.f32 v11, v7  }
0x4f4: {  	v10 =	vunpack.i.u.bf16.f32 v9;
	v9 =	vunpack.i.l.bf16.f32 v9  }
0x4f5: {  	v8 =	vadd.f32 v9, v8;
	v7 =	vadd.f32 v10, v7;
	_ =	sdelay $0x1  }
0x4f6: {  	v9 =	vsub.f32 $0.0e+00, v8;
	v10 =	vsub.f32 $0.0e+00, v7;
	_ =	sdelay $0x1  }
0x4f7: {  	v9 =	vmul.f32 $1.442695020e+00, v9;
	v10 =	vmul.f32 $1.442695020e+00, v10;
	_ =	sdelay $0x1  }
0x4f8: {  	(erf) = vpow2.f32 v9  }
0x4f9: {  	(erf) = vpow2.f32 v10;
	_ =	sdelay $0x7  }
0x4fa: {  	v9 =	vpop (erf)  }
0x4fb: {  	v9 =	vadd.f32 $1.000000000e+00, v9;
	v10 =	vpop (erf)  }
0x4fc: {  	v10 =	vadd.f32 $1.000000000e+00, v10  }
0x4fd: {  	(erf) = vrcp.f32 v9  }
0x4fe: {  	(erf) = vrcp.f32 v10;
	_ =	sdelay $0x4  }
0x4ff: {  	v9 =	vld [tilespmem:s20+$0x77E0];
	_ =	sdelay $0x2  }
0x500: {  	v10 =	vpop (erf)  }
0x501: {  	v8 =	vmul.f32 v10, v8;
	v10 =	vpop (erf)  }
0x502: {  	v11 =	vunpack.i.l.bf16.f32 v9;
	v7 =	vmul.f32 v10, v7  }
0x503: {  	v9 =	vunpack.i.u.bf16.f32 v9;
	v8 =	vmul.f32 v8, v11  }
0x504: {  	v7 =	vmul.f32 v7, v9  }
0x505: {  	[tilespmem:s16+$0xBBA0] =	vst.add.f32.msk $0xffff, v8  }
0x506: {  	[tilespmem:s16+$0xBBE0] =	vst.add.f32.msk $0xffff, v7  }
0x507: {  	v7 =	vld [tilespmem:s21+$0x13B0]  }
0x508: {  	v8 =	vld [tilespmem:s21+$0x43B0]  }
0x509: {  	v9 =	vld [tilespmem:s20+$0x73B0];
	_ =	sdelay $0x2  }
0x50a: {  	v10 =	vunpack.i.u.bf16.f32 v7  }
0x50b: {  	v7 =	vunpack.i.l.bf16.f32 v7;
	v11 =	vunpack.i.u.bf16.f32 v8;
	v8 =	vunpack.i.l.bf16.f32 v8  }
0x50c: {  	v7 =	vadd.f32 v8, v7;
	v8 =	vadd.f32 v11, v10  }
0x50d: {  	v10 =	vunpack.i.u.bf16.f32 v9;
	v9 =	vunpack.i.l.bf16.f32 v9  }
0x50e: {  	v7 =	vadd.f32 v9, v7;
	v8 =	vadd.f32 v10, v8;
	_ =	sdelay $0x1  }
0x50f: {  	v9 =	vsub.f32 $0.0e+00, v7;
	v10 =	vsub.f32 $0.0e+00, v8;
	_ =	sdelay $0x1  }
0x510: {  	v9 =	vmul.f32 $1.442695020e+00, v9;
	v10 =	vmul.f32 $1.442695020e+00, v10;
	_ =	sdelay $0x1  }
0x511: {  	(erf) = vpow2.f32 v9  }
0x512: {  	(erf) = vpow2.f32 v10;
	_ =	sdelay $0x7  }
0x513: {  	v9 =	vpop (erf)  }
0x514: {  	v9 =	vadd.f32 $1.000000000e+00, v9;
	v10 =	vpop (erf)  }
0x515: {  	v10 =	vadd.f32 $1.000000000e+00, v10  }
0x516: {  	(erf) = vrcp.f32 v9  }
0x517: {  	(erf) = vrcp.f32 v10;
	_ =	sdelay $0x4  }
0x518: {  	v9 =	vld [tilespmem:s20+$0x77F0];
	_ =	sdelay $0x2  }
0x519: {  	v10 =	vpop (erf)  }
0x51a: {  	v7 =	vmul.f32 v10, v7;
	v10 =	vpop (erf)  }
0x51b: {  	v11 =	vunpack.i.l.bf16.f32 v9;
	v8 =	vmul.f32 v10, v8  }
0x51c: {  	v9 =	vunpack.i.u.bf16.f32 v9;
	v7 =	vmul.f32 v7, v11  }
0x51d: {  	v8 =	vmul.f32 v8, v9  }
0x51e: {  	[tilespmem:s16+$0xBBB0] =	vst.add.f32.msk $0xffff, v7  }
0x51f: {  	[tilespmem:s16+$0xBBF0] =	vst.add.f32.msk $0xffff, v8  }
0x520: {  	v7 =	vld [tilespmem:s21+$0x13C0]  }
0x521: {  	v8 =	vld [tilespmem:s21+$0x43C0]  }
0x522: {  	v9 =	vld [tilespmem:s20+$0x73C0]  }
0x523: {  	v10 =	vld [tilespmem:s21+$0x1780]  }
0x524: {  	v11 =	vld [tilespmem:s21+$0x4780]  }
0x525: {  	v12 =	vunpack.i.l.bf16.f32 v7;
	v13 =	vld [tilespmem:s20+$0x7780]  }
0x526: {  	v7 =	vunpack.i.u.bf16.f32 v7;
	v14 =	vunpack.i.u.bf16.f32 v8;
	v8 =	vunpack.i.l.bf16.f32 v8;
	v15 =	vld [tilespmem:s20+$0x7B80]  }
0x527: {  	v8 =	vadd.f32 v8, v12;
	v7 =	vadd.f32 v14, v7  }
0x528: {  	v12 =	vunpack.i.u.bf16.f32 v9;
	v9 =	vunpack.i.l.bf16.f32 v9;
	v14 =	vunpack.i.l.bf16.f32 v10  }
0x529: {  	v16 =	vunpack.i.l.bf16.f32 v11;
	v8 =	vadd.f32 v9, v8;
	v7 =	vadd.f32 v12, v7  }
0x52a: {  	v9 =	vunpack.i.u.bf16.f32 v10;
	v10 =	vunpack.i.u.bf16.f32 v11;
	v11 =	vadd.f32 v16, v14  }
0x52b: {  	v12 =	vunpack.i.l.bf16.f32 v13;
	v8 =	vsub.f32 $0.0e+00, v8;
	v7 =	vsub.f32 $0.0e+00, v7  }
0x52c: {  	v9 =	vadd.f32 v10, v9;
	v11 =	vadd.f32 v12, v11  }
0x52d: {  	v10 =	vunpack.i.u.bf16.f32 v13;
	v8 =	vmul.f32 $1.442695020e+00, v8;
	v7 =	vmul.f32 $1.442695020e+00, v7  }
0x52e: {  	v9 =	vadd.f32 v10, v9  }
0x52f: {  	(erf) = vpow2.f32 v8  }
0x530: {  	(erf) = vpow2.f32 v7;
	_ =	sdelay $0x7  }
0x531: {  	v7 =	vpop (erf)  }
0x532: {  	v7 =	vadd.f32 $1.000000000e+00, v7;
	v8 =	vpop (erf)  }
0x533: {  	v8 =	vadd.f32 $1.000000000e+00, v8  }
0x534: {  	(erf) = vrcp.f32 v7  }
0x535: {  	(erf) = vrcp.f32 v8;
	_ =	sdelay $0x5  }
0x536: {  	v7 =	vunpack.i.l.bf16.f32 v15  }
0x537: {  	v8 =	vunpack.i.u.bf16.f32 v15;
	v7 =	vmul.f32 v7, v11  }
0x538: {  	v8 =	vmul.f32 v8, v9;
	v9 =	vpop (erf)  }
0x539: {  	v7 =	vmul.f32 v7, v9;
	v9 =	vpop (erf)  }
0x53a: {  	v8 =	vmul.f32 v8, v9  }
0x53b: {  	[tilespmem:s16+$0xBC00] =	vst.add.f32.msk $0xffff, v7  }
0x53c: {  	[tilespmem:s16+$0xBC40] =	vst.add.f32.msk $0xffff, v8  }
0x53d: {  	v7 =	vld [tilespmem:s21+$0x43D0]  }
0x53e: {  	v8 =	vld [tilespmem:s21+$0x13D0]  }
0x53f: {  	v9 =	vld [tilespmem:s20+$0x73D0]  }
0x540: {  	v10 =	vld [tilespmem:s21+$0x1790]  }
0x541: {  	v11 =	vld [tilespmem:s21+$0x4790]  }
0x542: {  	v12 =	vunpack.i.u.bf16.f32 v7;
	v13 =	vld [tilespmem:s20+$0x7790]  }
0x543: {  	v7 =	vunpack.i.l.bf16.f32 v7;
	v14 =	vunpack.i.u.bf16.f32 v8;
	v8 =	vunpack.i.l.bf16.f32 v8;
	v15 =	vld [tilespmem:s20+$0x7B90]  }
0x544: {  	v7 =	vadd.f32 v7, v8;
	v8 =	vadd.f32 v12, v14  }
0x545: {  	v12 =	vunpack.i.u.bf16.f32 v9;
	v9 =	vunpack.i.l.bf16.f32 v9;
	v14 =	vunpack.i.l.bf16.f32 v10  }
0x546: {  	v16 =	vunpack.i.l.bf16.f32 v11;
	v7 =	vadd.f32 v9, v7;
	v8 =	vadd.f32 v12, v8  }
0x547: {  	v9 =	vunpack.i.u.bf16.f32 v10;
	v10 =	vunpack.i.u.bf16.f32 v11;
	v11 =	vadd.f32 v16, v14  }
0x548: {  	v12 =	vunpack.i.l.bf16.f32 v13;
	v7 =	vsub.f32 $0.0e+00, v7;
	v8 =	vsub.f32 $0.0e+00, v8  }
0x549: {  	v9 =	vadd.f32 v10, v9;
	v11 =	vadd.f32 v12, v11  }
0x54a: {  	v10 =	vunpack.i.u.bf16.f32 v13;
	v7 =	vmul.f32 $1.442695020e+00, v7;
	v8 =	vmul.f32 $1.442695020e+00, v8  }
0x54b: {  	v9 =	vadd.f32 v10, v9  }
0x54c: {  	(erf) = vpow2.f32 v7  }
0x54d: {  	(erf) = vpow2.f32 v8;
	_ =	sdelay $0x7  }
0x54e: {  	v7 =	vpop (erf)  }
0x54f: {  	v7 =	vadd.f32 $1.000000000e+00, v7;
	v8 =	vpop (erf)  }
0x550: {  	v8 =	vadd.f32 $1.000000000e+00, v8  }
0x551: {  	(erf) = vrcp.f32 v7  }
0x552: {  	(erf) = vrcp.f32 v8;
	_ =	sdelay $0x5  }
0x553: {  	v7 =	vunpack.i.l.bf16.f32 v15  }
0x554: {  	v8 =	vunpack.i.u.bf16.f32 v15;
	v7 =	vmul.f32 v7, v11  }
0x555: {  	v8 =	vmul.f32 v8, v9;
	v9 =	vpop (erf)  }
0x556: {  	v7 =	vmul.f32 v7, v9;
	v9 =	vpop (erf)  }
0x557: {  	v8 =	vmul.f32 v8, v9  }
0x558: {  	[tilespmem:s16+$0xBC10] =	vst.add.f32.msk $0xffff, v7  }
0x559: {  	[tilespmem:s16+$0xBC50] =	vst.add.f32.msk $0xffff, v8  }
0x55a: {  	v7 =	vld [tilespmem:s21+$0x13E0]  }
0x55b: {  	v8 =	vld [tilespmem:s21+$0x43E0]  }
0x55c: {  	v9 =	vld [tilespmem:s20+$0x73E0]  }
0x55d: {  	v10 =	vld [tilespmem:s21+$0x17A0]  }
0x55e: {  	v11 =	vld [tilespmem:s21+$0x47A0]  }
0x55f: {  	v12 =	vunpack.i.l.bf16.f32 v7;
	v13 =	vld [tilespmem:s20+$0x77A0]  }
0x560: {  	v7 =	vunpack.i.u.bf16.f32 v7;
	v14 =	vunpack.i.u.bf16.f32 v8;
	v8 =	vunpack.i.l.bf16.f32 v8;
	v15 =	vld [tilespmem:s20+$0x7BA0]  }
0x561: {  	v8 =	vadd.f32 v8, v12;
	v7 =	vadd.f32 v14, v7  }
0x562: {  	v12 =	vunpack.i.u.bf16.f32 v9;
	v9 =	vunpack.i.l.bf16.f32 v9;
	v14 =	vunpack.i.l.bf16.f32 v10  }
0x563: {  	v16 =	vunpack.i.l.bf16.f32 v11;
	v8 =	vadd.f32 v9, v8;
	v7 =	vadd.f32 v12, v7  }
0x564: {  	v9 =	vunpack.i.u.bf16.f32 v10;
	v10 =	vunpack.i.u.bf16.f32 v11;
	v11 =	vadd.f32 v16, v14  }
0x565: {  	v12 =	vunpack.i.l.bf16.f32 v13;
	v8 =	vsub.f32 $0.0e+00, v8;
	v7 =	vsub.f32 $0.0e+00, v7  }
0x566: {  	v9 =	vadd.f32 v10, v9;
	v11 =	vadd.f32 v12, v11  }
0x567: {  	v8 =	vmul.f32 $1.442695020e+00, v8;
	v7 =	vmul.f32 $1.442695020e+00, v7;
	_ =	sdelay $0x1  }
0x568: {  	(erf) = vpow2.f32 v8  }
0x569: {  	(erf) = vpow2.f32 v7;
	_ =	sdelay $0x7  }
0x56a: {  	v7 =	vpop (erf)  }
0x56b: {  	v7 =	vadd.f32 $1.000000000e+00, v7;
	v8 =	vpop (erf)  }
0x56c: {  	v8 =	vadd.f32 $1.000000000e+00, v8  }
0x56d: {  	(erf) = vrcp.f32 v7  }
0x56e: {  	(erf) = vrcp.f32 v8;
	_ =	sdelay $0x4  }
0x56f: {  	v7 =	vunpack.i.u.bf16.f32 v13  }
0x570: {  	v8 =	vunpack.i.l.bf16.f32 v15;
	v7 =	vadd.f32 v7, v9  }
0x571: {  	v10 =	vunpack.i.u.bf16.f32 v15;
	v8 =	vmul.f32 v8, v11  }
0x572: {  	v7 =	vmul.f32 v10, v7;
	v9 =	vpop (erf)  }
0x573: {  	v8 =	vmul.f32 v8, v9;
	v9 =	vpop (erf)  }
0x574: {  	v7 =	vmul.f32 v7, v9  }
0x575: {  	[tilespmem:s16+$0xBC20] =	vst.add.f32.msk $0xffff, v8  }
0x576: {  	[tilespmem:s16+$0xBC60] =	vst.add.f32.msk $0xffff, v7  }
0x577: {  	v8 =	vld [tilespmem:s21+$0x43F0]  }
0x578: {  	v9 =	vld [tilespmem:s21+$0x13F0]  }
0x579: {  	v10 =	vld [tilespmem:s20+$0x73F0]  }
0x57a: {  	v11 =	vld [tilespmem:s21+$0x17B0]  }
0x57b: {  	v12 =	vld [tilespmem:s21+$0x47B0]  }
0x57c: {  	v13 =	vunpack.i.u.bf16.f32 v8;
	v7 =	vld [tilespmem:s20+$0x77B0]  }
0x57d: {  	v15 =	vunpack.i.l.bf16.f32 v8;
	v14 =	vunpack.i.u.bf16.f32 v9;
	v9 =	vunpack.i.l.bf16.f32 v9;
	v8 =	vld [tilespmem:s20+$0x7BB0]  }
0x57e: {  	v9 =	vadd.f32 v15, v9;
	v13 =	vadd.f32 v13, v14  }
0x57f: {  	v14 =	vunpack.i.u.bf16.f32 v10;
	v10 =	vunpack.i.l.bf16.f32 v10;
	v15 =	vunpack.i.l.bf16.f32 v11  }
0x580: {  	v16 =	vunpack.i.l.bf16.f32 v12;
	v10 =	vadd.f32 v10, v9;
	v13 =	vadd.f32 v14, v13  }
0x581: {  	v12 =	vunpack.i.u.bf16.f32 v12;
	v9 =	vadd.f32 v16, v15  }
0x582: {  	v11 =	vunpack.i.u.bf16.f32 v11;
	v10 =	vsub.f32 $0.0e+00, v10;
	v13 =	vsub.f32 $0.0e+00, v13  }
.Ltmp11:
0x583: {  	v11 =	vadd.f32 v12, v11;
	(pc) =	sbr.rel @p0 .LBB2_15-.Ltmp11, $4  }
0x584: {  	v12 =	vunpack.i.u.bf16.f32 v7;
	v14 =	vmul.f32 $1.442695020e+00, v10;
	v13 =	vmul.f32 $1.442695020e+00, v13  }
0x585: {  	v10 =	vadd.f32 v12, v11  }
0x586: {  	(erf) = vpow2.f32 v14  }
0x587: {  	(erf) = vpow2.f32 v13  }
0x588: {  	_ =	sdelay $0x6  }
0x589: {  	v11 =	vpop (erf)  }
0x58a: {  	v11 =	vadd.f32 $1.000000000e+00, v11;
	v12 =	vpop (erf)  }
0x58b: {  	v12 =	vadd.f32 $1.000000000e+00, v12  }
0x58c: {  	(erf) = vrcp.f32 v11  }
0x58d: {  	(erf) = vrcp.f32 v12;
	_ =	sdelay $0x3  }
0x58e: {  	v7 =	vunpack.i.l.bf16.f32 v7  }
0x58f: {  	v7 =	vadd.f32 v7, v9  }
0x590: {  	v61 =	vunpack.i.l.bf16.f32 v8;
	s15 =	sadd.s32 $0x1, s15  }
0x591: {  	v8 =	vunpack.i.u.bf16.f32 v8;
	p0 =	sne.s32 s15, s11;
	v7 =	vmul.f32 v61, v7  }
.Ltmp12:
0x592: {  	v8 =	vmul.f32 v8, v10;
	v62 =	vpop (erf);
	(pc) =	sbr.rel @p0 .LBB2_14-.Ltmp12, $4  }
.Ltmp13:
0x593: {  	v7 =	vmul.f32 v7, v62;
	v63 =	vpop (erf);
	(pc) =	sbr.rel @!p0 .LBB2_17-.Ltmp13, $4  }
0x594: {  	v8 =	vmul.f32 v8, v63  }
0x595: {  	[tilespmem:s16+$0xBC30] =	vst.add.f32.msk $0xffff, v7  }
0x596: {  	s14 =	sadd.s32 $0x30, s14;
	[tilespmem:s16+$0xBC70] =	vst.add.f32.msk $0xffff, v8  }
0x597: {  	_ = 	snop  }
.LBB2_18:
0x598: {  	_ =	sfence.sel $0x180000  }
0x599: {  	[bflag:$0x0] =	sbarrier.arrive $0xFFFF  }
0x59a: {  	_ =	strace $0x90000047  }
0x59b: {  	s0 =	stileid.u32;
	[bflag:$0x2] =	sbarrier.arrive $0xFFFF  }
0x59c: {  	p0 =	sne.s32 s0, $0x0;
	s0 =	rddreg [dreg:$0x2]  }
0x59d: {  	s0 =	sadd.s32 @!p0 $0x100000, s0  }
0x59e: {  	[sflag:s0] =	ssyncadd.tile.s32 @!p0 $0x1;
	_ =	shalt  }
.Lfunc_end2:
_tile_overlayer_lowered:
.L_overlay_start_2:
0x59f: {  	(tag) =	ssettag $0x2  }
0x5a0: {  	s0 =	rddreg [dreg:$0x0];
	s2 =	stileid.u32  }
0x5a1: {  	s1 =	rddreg [dreg:$0x1];
	p0 =	sne.s32 s2, $0x0  }
0x5a2: {  	s3 =	rddreg [dreg:$0x2];
	[bflag:$0x3] =	sbarrier.arrive $0xFFFF;
	s2 =	simm.s32 @!p0 $0x1C03  }
0x5a3: {  	[timem:s3], [sflag:s2] =	dma.local @!p0 [hbm:s0], s1  }
0x5a4: {  	s0 =	simm.s32 @!p0 $0x3  }
0x5a5: {  	_ =	swait.ge @!p0 [sflag:s0], s1  }
0x5a6: {  	s1 =	ssub.s32 @!p0 $0x0, s1;
	[sflag:s0] =	ssyncset.done @!p0 $0x0  }
0x5a7: {  	[sflag:s0] =	ssyncadd.s32 @!p0 s1  }
0x5a8: {  	[bflag:$0x3] =	sbarrier.arrive $0xFFFF  }
0x5a9: {  	_ =	shalt  }

</sc_bundles>
